<compile_context>
chip_gen: v7x
topology: tpu7x:2x2x1
jax: 0.10.2.dev20260603
libtpu: 0.0.44.dev20260713+nightly
codegen_flags: <defaults>
</compile_context>

<pallas_src>
import functools

import jax
import jax.numpy as jnp
from jax import lax
from jax.experimental import pallas as pl
from jax.experimental.pallas import tpu as pltpu
from jax.experimental.pallas import tpu_sc as plsc

_B = 4096
_DIM = 4096
_QD = 1024
_H = 512
_NK = 1024
_TEMP = 0.07
_K = 4
_NCAND = 16
_BB = 512

_PREC = lax.Precision.DEFAULT


def _norm_rows(x):
    return x / jnp.maximum(jnp.sqrt(jnp.sum(x * x, axis=1, keepdims=True)), 1e-12)


def _top4_indices(s, iota):
    idxs = []
    cur = s
    for _ in range(_K):
        idx = jnp.argmax(cur, axis=1).astype(jnp.int32)[:, None]
        idxs.append(idx)
        cur = jnp.where(iota == idx, -jnp.inf, cur)
    return idxs


def _main_body(rk_ref, ck_ref, wr_ref, wc_ref, emb_ref, wq_ref,
               s1_ref, s2_ref, q1_ref, grid_ref, k1_s, k2_s):
    @pl.when(pl.program_id(0) == 0)
    def _compute_keys():
        pk1 = lax.dot_general(rk_ref[...], wr_ref[...], (((1,), (1,)), ((), ())),
                              precision=_PREC, preferred_element_type=jnp.float32)
        k1_s[...] = _norm_rows(pk1)
        pk2 = lax.dot_general(ck_ref[...], wc_ref[...], (((1,), (1,)), ((), ())),
                              precision=_PREC, preferred_element_type=jnp.float32)
        k2_s[...] = _norm_rows(pk2)

    q = lax.dot_general(emb_ref[...], wq_ref[...], (((1,), (1,)), ((), ())),
                        precision=_PREC, preferred_element_type=jnp.float32)
    q1 = _norm_rows(q[:, :_H])
    q2 = _norm_rows(q[:, _H:])
    s1 = lax.dot_general(q1, k1_s[...], (((1,), (1,)), ((), ())),
                         precision=_PREC, preferred_element_type=jnp.float32) / _TEMP
    s2 = lax.dot_general(q2, k2_s[...], (((1,), (1,)), ((), ())),
                         precision=_PREC, preferred_element_type=jnp.float32) / _TEMP
    s1_ref[...] = s1
    s2_ref[...] = s2
    q1_ref[...] = q1
    iota = lax.broadcasted_iota(jnp.int32, (_BB, _NK), 1)
    rows = _top4_indices(s1, iota)
    cols = _top4_indices(s2, iota)
    parts = []
    for r in range(_K):
        for c in range(_K):
            parts.append(rows[r] * _NK + cols[c])
    grid_ref[...] = jnp.concatenate(parts, axis=1)


def _tc_stage(embedding, Wq, Wrow, Wcol, row_keys, col_keys):
    grid_n = _B // _BB
    s1, s2, q1, grid_idx = pl.pallas_call(
        _main_body,
        grid=(grid_n,),
        in_specs=[
            pl.BlockSpec((_NK, _H), lambda i: (0, 0)),
            pl.BlockSpec((_NK, _H), lambda i: (0, 0)),
            pl.BlockSpec((_H, _H), lambda i: (0, 0)),
            pl.BlockSpec((_H, _H), lambda i: (0, 0)),
            pl.BlockSpec((_BB, _DIM), lambda i: (i, 0)),
            pl.BlockSpec((_QD, _DIM), lambda i: (0, 0)),
        ],
        out_specs=[
            pl.BlockSpec((_BB, _NK), lambda i: (i, 0)),
            pl.BlockSpec((_BB, _NK), lambda i: (i, 0)),
            pl.BlockSpec((_BB, _H), lambda i: (i, 0)),
            pl.BlockSpec((_BB, _NCAND), lambda i: (i, 0)),
        ],
        out_shape=[
            jax.ShapeDtypeStruct((_B, _NK), jnp.float32),
            jax.ShapeDtypeStruct((_B, _NK), jnp.float32),
            jax.ShapeDtypeStruct((_B, _H), jnp.float32),
            jax.ShapeDtypeStruct((_B, _NCAND), jnp.int32),
        ],
        scratch_shapes=[
            pltpu.VMEM((_NK, _H), jnp.float32),
            pltpu.VMEM((_NK, _H), jnp.float32),
        ],
        compiler_params=pltpu.CompilerParams(
            dimension_semantics=("arbitrary",),
            vmem_limit_bytes=100 * 1024 * 1024),
    )(row_keys, col_keys, Wrow, Wcol, embedding, Wq)
    return s1, s2, q1, grid_idx


def _make_sc_gather():
    info = plsc.get_sparse_core_info()
    nw = info.num_cores * info.num_subcores
    total = _B * _NCAND
    per_w = total // nw
    nch = per_w // 128
    mesh = plsc.VectorSubcoreMesh(core_axis_name="c", subcore_axis_name="s")

    @functools.partial(
        pl.kernel, mesh=mesh,
        out_type=jax.ShapeDtypeStruct((total // 128, 128), jnp.int32),
        scratch_types=[
            pltpu.VMEM((nch, 128), jnp.int32),
            pltpu.VMEM((nch, 128), jnp.int32),
            pltpu.VMEM((nch, 128), jnp.int32),
            pltpu.VMEM((nch, 128), jnp.int32),
            pltpu.SemaphoreType.DMA,
        ],
    )
    def gather_kernel(grid_hbm, offs_hbm, cnts_hbm, inv_hbm, out_hbm,
                      idx_v, off_v, cnt_v, val_v, sem):
        wid = lax.axis_index("s") * info.num_cores + lax.axis_index("c")
        base = wid * nch
        pltpu.sync_copy(grid_hbm.at[pl.ds(base, nch)], idx_v)
        off_pend = []
        cnt_pend = []
        for j in range(nch):
            off_pend.append(pltpu.async_copy(offs_hbm.at[idx_v.at[j]], off_v.at[j], sem))
        for j in range(nch):
            cnt_pend.append(pltpu.async_copy(cnts_hbm.at[idx_v.at[j]], cnt_v.at[j], sem))
        val_pend = []
        for j in range(nch):
            off_pend[j].wait()
            val_pend.append(pltpu.async_copy(inv_hbm.at[off_v.at[j]], val_v.at[j], sem))
        for c in cnt_pend:
            c.wait()
        out_pend = []
        for j in range(nch):
            val_pend[j].wait()
            for t in range(128 // 16):
                sl = pl.ds(t * 16, 16)
                val_v[j, sl] = jnp.where(cnt_v[j, sl] > 0, val_v[j, sl], 0)
            out_pend.append(pltpu.async_copy(val_v.at[j], out_hbm.at[base + j], sem))
        for c in out_pend:
            c.wait()

    return gather_kernel


_sc_gather = None


def kernel(embedding, Wq, Wrow, Wcol, row_keys, col_keys,
           cluster_offsets, cluster_counts, inverted_index):
    global _sc_gather
    if _sc_gather is None:
        _sc_gather = _make_sc_gather()
    s1, s2, q1, grid_idx = _tc_stage(embedding, Wq, Wrow, Wcol, row_keys, col_keys)
    grid2 = grid_idx.reshape(_B * _NCAND // 128, 128)
    cand2 = _sc_gather(grid2, cluster_offsets, cluster_counts, inverted_index)
    candidates = cand2.reshape(_B, _NCAND)
    return candidates, s1, s2, q1

# --- scband reference (transcript-rebuilt; emitter-appended) ---
"""Pipeline reference for scband-product-key-memory-83004537962930 (READ-ONLY COPY).

The authoritative reference and input builder live on the scoring server;
editing this copy changes nothing except your own understanding.
"""

import jax, jax.numpy as jnp
import numpy as np

B = 4096
DIM = 4096
QUERY_DIM = 1024
KEY_PROJ_DIM = 512
NUM_KEYS = 1024
KNOWLEDGE_NUM = NUM_KEYS * NUM_KEYS
K_COARSE = 4
TEMPERATURE = 0.07
NUM_CANDIDATES = 16
CAP = 1


def _l2_normalize(x, axis=-1, eps=1e-12):
    n = jnp.linalg.norm(x, ord=2, axis=axis, keepdims=True)
    return x / jnp.maximum(n, eps)


def setup_inputs(seed: int = 0) -> dict:
    key = jax.random.key(seed)
    ks = jax.random.split(key, 6)
    embedding = jax.random.normal(ks[0], (B, DIM), dtype=jnp.float32)
    Wq = jax.random.normal(ks[1], (QUERY_DIM, DIM), dtype=jnp.float32) * (1.0 / np.sqrt(DIM))
    Wrow = jax.random.normal(ks[2], (KEY_PROJ_DIM, KEY_PROJ_DIM), dtype=jnp.float32) * (1.0 / np.sqrt(KEY_PROJ_DIM))
    Wcol = jax.random.normal(ks[3], (KEY_PROJ_DIM, KEY_PROJ_DIM), dtype=jnp.float32) * (1.0 / np.sqrt(KEY_PROJ_DIM))
    row_keys = jax.random.normal(ks[4], (NUM_KEYS, KEY_PROJ_DIM), dtype=jnp.float32)
    col_keys = jax.random.normal(ks[5], (NUM_KEYS, KEY_PROJ_DIM), dtype=jnp.float32)
    cluster_offsets = jnp.arange(KNOWLEDGE_NUM, dtype=jnp.int32)
    cluster_counts = jnp.ones((KNOWLEDGE_NUM,), dtype=jnp.int32)
    inverted_index = jnp.arange(KNOWLEDGE_NUM, dtype=jnp.int32)
    return {
        'embedding': embedding,
        'Wq': Wq,
        'Wrow': Wrow,
        'Wcol': Wcol,
        'row_keys': row_keys,
        'col_keys': col_keys,
        'cluster_offsets': cluster_offsets,
        'cluster_counts': cluster_counts,
        'inverted_index': inverted_index,
    }


def reference(embedding, Wq, Wrow, Wcol, row_keys, col_keys, cluster_offsets, cluster_counts, inverted_index):
    b = embedding.shape[0]
    # query projection + split into row/col sub-queries
    q = embedding @ Wq.T
    q1 = _l2_normalize(q[:, : QUERY_DIM // 2])
    q2 = _l2_normalize(q[:, QUERY_DIM // 2 :])
    # key projections
    k1 = _l2_normalize(row_keys @ Wrow.T)
    k2 = _l2_normalize(col_keys @ Wcol.T)
    scores_1 = (q1 @ k1.T) / TEMPERATURE
    scores_2 = (q2 @ k2.T) / TEMPERATURE
    top_rows = jax.lax.top_k(scores_1, K_COARSE)[1]
    top_cols = jax.lax.top_k(scores_2, K_COARSE)[1]
    grid_indices = (top_rows[:, :, None] * NUM_KEYS + top_cols[:, None, :]).reshape(b, -1)
    # inverted-index lookup with max_candidates_per_cell = 1:
    # each non-empty cell contributes inverted_index[offset] (first entry of its chunk)
    offsets = jnp.take(cluster_offsets, grid_indices)
    counts = jnp.take(cluster_counts, grid_indices)
    per_cell = jnp.where(counts > 0, jnp.take(inverted_index, offsets), 0)
    # K_COARSE^2 == num_candidates == 16, so the combined list exactly fills the output
    candidates = per_cell[:, :NUM_CANDIDATES].astype(jnp.int32)
    return candidates, scores_1, scores_2, q1

if __name__ == "__main__":
    import jax
    _d = setup_inputs()
    print(jax.jit(kernel)(*tuple(_d.values())))

</pallas_src>

<mosaic_0001>
#map = affine_map<(d0, d1) -> (0, 0)>
#map1 = affine_map<(d0, d1) -> (0)>
module attributes {stable_mosaic.version = 14 : i64} {
  func.func @gather_kernel(%arg0: i32, %arg1: i32, %arg2: memref<512x128xi32, #tpu.memory_space<hbm>>, %arg3: memref<1048576xi32, #tpu.memory_space<hbm>>, %arg4: memref<1048576xi32, #tpu.memory_space<hbm>>, %arg5: memref<1048576xi32, #tpu.memory_space<hbm>>, %arg6: memref<512x128xi32, #tpu.memory_space<hbm>>, %arg7: memref<16x128xi32, #tpu.memory_space<vmem>>, %arg8: memref<16x128xi32, #tpu.memory_space<vmem>>, %arg9: memref<16x128xi32, #tpu.memory_space<vmem>>, %arg10: memref<16x128xi32, #tpu.memory_space<vmem>>, %arg11: memref<!tpu.dma_semaphore, #tpu.memory_space<semaphore_mem>>) attributes {dimension_semantics = [#tpu.dimension_semantics<core_parallel>, #tpu.dimension_semantics<subcore_parallel>], iteration_bounds = array<i64: 2, 16>, scalar_prefetch = 0 : i64, scratch_operands = 5 : i64, tpu.core_type = #tpu.core_type<sc_vector_subcore>, window_params = [{transform_indices = #map}, {transform_indices = #map1}, {transform_indices = #map1}, {transform_indices = #map1}, {transform_indices = #map}]} {
    %mul3A = arith.constant 2 : i32
    %mul3A_0 = arith.muli %arg1, %mul3A : i32
    %add3A = arith.addi %mul3A_0, %arg0 : i32
    %mul3A_1 = arith.constant 16 : i32
    %mul3A_2 = arith.muli %add3A, %mul3A_1 : i32
    "tpu.region"() ({
      %run_scoped3A = tpu.sem_alloc : memref<!tpu.dma_semaphore, #tpu.memory_space<semaphore_mem>>
      %dma_start3A_4219 = arith.constant 0 : i32
      %dma_start3A_4220 = tpu.memref_slice %arg2[%mul3A_2, %dma_start3A_4219] : memref<512x128xi32, #tpu.memory_space<hbm>> -> memref<16x128xi32, #tpu.memory_space<hbm>>
      %dma_start3A_4221 = arith.constant 0 : i32
      %dma_start3A_4222 = tpu.memref_slice %arg2[%mul3A_2, %dma_start3A_4221] : memref<512x128xi32, #tpu.memory_space<hbm>> -> memref<16x128xi32, #tpu.memory_space<hbm>>
      tpu.enqueue_dma source(%dma_start3A_4222 : memref<16x128xi32, #tpu.memory_space<hbm>>) target(%arg7 : memref<16x128xi32, #tpu.memory_space<vmem>>) target_semaphore(%run_scoped3A : memref<!tpu.dma_semaphore, #tpu.memory_space<semaphore_mem>>)
      %dma_wait3A_4223 = arith.constant 0 : i32
      %dma_wait3A_4224 = tpu.memref_slice %arg2[%mul3A_2, %dma_wait3A_4223] : memref<512x128xi32, #tpu.memory_space<hbm>> -> memref<16x128xi32, #tpu.memory_space<hbm>>
      %dma_wait3A_4225 = arith.constant 0 : i32
      %dma_wait3A_4226 = tpu.memref_slice %arg2[%mul3A_2, %dma_wait3A_4225] : memref<512x128xi32, #tpu.memory_space<hbm>> -> memref<16x128xi32, #tpu.memory_space<hbm>>
      tpu.wait_dma2 semaphore(%run_scoped3A : memref<!tpu.dma_semaphore, #tpu.memory_space<semaphore_mem>>) src(%dma_wait3A_4226 : memref<16x128xi32, #tpu.memory_space<hbm>>) dst(%arg7 : memref<16x128xi32, #tpu.memory_space<vmem>>)
      tpu.yield
    }) : () -> ()
    %dma_start3A = arith.constant 0 : i32
    %dma_start3A_3 = arith.constant 0 : i32
    %dma_start3A_4 = arith.constant 0 : i32
    %dma_start3A_5 = tpu.memref_slice %arg8[%dma_start3A_3, %dma_start3A_4] : memref<16x128xi32, #tpu.memory_space<vmem>> -> memref<1x128xi32, #tpu.memory_space<vmem>>
    %dma_start3A_6 = tpu.memref_squeeze %dma_start3A_5 : memref<1x128xi32, #tpu.memory_space<vmem>> -> memref<128xi32, #tpu.memory_space<vmem>>
    %dma_start3A_7 = arith.constant 0 : i32
    %dma_start3A_8 = tpu.memref_slice %arg7[%dma_start3A, %dma_start3A_7] : memref<16x128xi32, #tpu.memory_space<vmem>> -> memref<1x128xi32, #tpu.memory_space<vmem>>
    %dma_start3A_9 = tpu.memref_squeeze %dma_start3A_8 : memref<1x128xi32, #tpu.memory_space<vmem>> -> memref<128xi32, #tpu.memory_space<vmem>>
    %dma_start3A_10 = arith.constant 0 : i32
    %dma_start3A_11 = tpu.memref_slice %arg3[%dma_start3A_10] : memref<1048576xi32, #tpu.memory_space<hbm>> -> memref<1048576xi32, #tpu.memory_space<hbm>>
    tpu.enqueue_indirect_dma source(%dma_start3A_11 : memref<1048576xi32, #tpu.memory_space<hbm>>) target(%dma_start3A_6 : memref<128xi32, #tpu.memory_space<vmem>>) offsets(%dma_start3A_9 : memref<128xi32, #tpu.memory_space<vmem>>) semaphore(%arg11 : memref<!tpu.dma_semaphore, #tpu.memory_space<semaphore_mem>>)
    %dma_start3A_12 = arith.constant 1 : i32
    %dma_start3A_13 = arith.constant 1 : i32
    %dma_start3A_14 = arith.constant 0 : i32
    %dma_start3A_15 = tpu.memref_slice %arg8[%dma_start3A_13, %dma_start3A_14] : memref<16x128xi32, #tpu.memory_space<vmem>> -> memref<1x128xi32, #tpu.memory_space<vmem>>
    %dma_start3A_16 = tpu.memref_squeeze %dma_start3A_15 : memref<1x128xi32, #tpu.memory_space<vmem>> -> memref<128xi32, #tpu.memory_space<vmem>>
    %dma_start3A_17 = arith.constant 0 : i32
    %dma_start3A_18 = tpu.memref_slice %arg7[%dma_start3A_12, %dma_start3A_17] : memref<16x128xi32, #tpu.memory_space<vmem>> -> memref<1x128xi32, #tpu.memory_space<vmem>>
    %dma_start3A_19 = tpu.memref_squeeze %dma_start3A_18 : memref<1x128xi32, #tpu.memory_space<vmem>> -> memref<128xi32, #tpu.memory_space<vmem>>
    %dma_start3A_20 = arith.constant 0 : i32
    %dma_start3A_21 = tpu.memref_slice %arg3[%dma_start3A_20] : memref<1048576xi32, #tpu.memory_space<hbm>> -> memref<1048576xi32, #tpu.memory_space<hbm>>
    tpu.enqueue_indirect_dma source(%dma_start3A_21 : memref<1048576xi32, #tpu.memory_space<hbm>>) target(%dma_start3A_16 : memref<128xi32, #tpu.memory_space<vmem>>) offsets(%dma_start3A_19 : memref<128xi32, #tpu.memory_space<vmem>>) semaphore(%arg11 : memref<!tpu.dma_semaphore, #tpu.memory_space<semaphore_mem>>)
    %dma_start3A_22 = arith.constant 2 : i32
    %dma_start3A_23 = arith.constant 2 : i32
    %dma_start3A_24 = arith.constant 0 : i32
    %dma_start3A_25 = tpu.memref_slice %arg8[%dma_start3A_23, %dma_start3A_24] : memref<16x128xi32, #tpu.memory_space<vmem>> -> memref<1x128xi32, #tpu.memory_space<vmem>>
    %dma_start3A_26 = tpu.memref_squeeze %dma_start3A_25 : memref<1x128xi32, #tpu.memory_space<vmem>> -> memref<128xi32, #tpu.memory_space<vmem>>
    %dma_start3A_27 = arith.constant 0 : i32
    %dma_start3A_28 = tpu.memref_slice %arg7[%dma_start3A_22, %dma_start3A_27] : memref<16x128xi32, #tpu.memory_space<vmem>> -> memref<1x128xi32, #tpu.memory_space<vmem>>
    %dma_start3A_29 = tpu.memref_squeeze %dma_start3A_28 : memref<1x128xi32, #tpu.memory_space<vmem>> -> memref<128xi32, #tpu.memory_space<vmem>>
    %dma_start3A_30 = arith.constant 0 : i32
    %dma_start3A_31 = tpu.memref_slice %arg3[%dma_start3A_30] : memref<1048576xi32, #tpu.memory_space<hbm>> -> memref<1048576xi32, #tpu.memory_space<hbm>>
    tpu.enqueue_indirect_dma source(%dma_start3A_31 : memref<1048576xi32, #tpu.memory_space<hbm>>) target(%dma_start3A_26 : memref<128xi32, #tpu.memory_space<vmem>>) offsets(%dma_start3A_29 : memref<128xi32, #tpu.memory_space<vmem>>) semaphore(%arg11 : memref<!tpu.dma_semaphore, #tpu.memory_space<semaphore_mem>>)
    %dma_start3A_32 = arith.constant 3 : i32
    %dma_start3A_33 = arith.constant 3 : i32
    %dma_start3A_34 = arith.constant 0 : i32
    %dma_start3A_35 = tpu.memref_slice %arg8[%dma_start3A_33, %dma_start3A_34] : memref<16x128xi32, #tpu.memory_space<vmem>> -> memref<1x128xi32, #tpu.memory_space<vmem>>
    %dma_start3A_36 = tpu.memref_squeeze %dma_start3A_35 : memref<1x128xi32, #tpu.memory_space<vmem>> -> memref<128xi32, #tpu.memory_space<vmem>>
    %dma_start3A_37 = arith.constant 0 : i32
    %dma_start3A_38 = tpu.memref_slice %arg7[%dma_start3A_32, %dma_start3A_37] : memref<16x128xi32, #tpu.memory_space<vmem>> -> memref<1x128xi32, #tpu.memory_space<vmem>>
    %dma_start3A_39 = tpu.memref_squeeze %dma_start3A_38 : memref<1x128xi32, #tpu.memory_space<vmem>> -> memref<128xi32, #tpu.memory_space<vmem>>
    %dma_start3A_40 = arith.constant 0 : i32
    %dma_start3A_41 = tpu.memref_slice %arg3[%dma_start3A_40] : memref<1048576xi32, #tpu.memory_space<hbm>> -> memref<1048576xi32, #tpu.memory_space<hbm>>
    tpu.enqueue_indirect_dma source(%dma_start3A_41 : memref<1048576xi32, #tpu.memory_space<hbm>>) target(%dma_start3A_36 : memref<128xi32, #tpu.memory_space<vmem>>) offsets(%dma_start3A_39 : memref<128xi32, #tpu.memory_space<vmem>>) semaphore(%arg11 : memref<!tpu.dma_semaphore, #tpu.memory_space<semaphore_mem>>)
    %dma_start3A_42 = arith.constant 4 : i32
    %dma_start3A_43 = arith.constant 4 : i32
    %dma_start3A_44 = arith.constant 0 : i32
    %dma_start3A_45 = tpu.memref_slice %arg8[%dma_start3A_43, %dma_start3A_44] : memref<16x128xi32, #tpu.memory_space<vmem>> -> memref<1x128xi32, #tpu.memory_space<vmem>>
    %dma_start3A_46 = tpu.memref_squeeze %dma_start3A_45 : memref<1x128xi32, #tpu.memory_space<vmem>> -> memref<128xi32, #tpu.memory_space<vmem>>
    %dma_start3A_47 = arith.constant 0 : i32
    %dma_start3A_48 = tpu.memref_slice %arg7[%dma_start3A_42, %dma_start3A_47] : memref<16x128xi32, #tpu.memory_space<vmem>> -> memref<1x128xi32, #tpu.memory_space<vmem>>
    %dma_start3A_49 = tpu.memref_squeeze %dma_start3A_48 : memref<1x128xi32, #tpu.memory_space<vmem>> -> memref<128xi32, #tpu.memory_space<vmem>>
    %dma_start3A_50 = arith.constant 0 : i32
    %dma_start3A_51 = tpu.memref_slice %arg3[%dma_start3A_50] : memref<1048576xi32, #tpu.memory_space<hbm>> -> memref<1048576xi32, #tpu.memory_space<hbm>>
    tpu.enqueue_indirect_dma source(%dma_start3A_51 : memref<1048576xi32, #tpu.memory_space<hbm>>) target(%dma_start3A_46 : memref<128xi32, #tpu.memory_space<vmem>>) offsets(%dma_start3A_49 : memref<128xi32, #tpu.memory_space<vmem>>) semaphore(%arg11 : memref<!tpu.dma_semaphore, #tpu.memory_space<semaphore_mem>>)
    %dma_start3A_52 = arith.constant 5 : i32
    %dma_start3A_53 = arith.constant 5 : i32
    %dma_start3A_54 = arith.constant 0 : i32
    %dma_start3A_55 = tpu.memref_slice %arg8[%dma_start3A_53, %dma_start3A_54] : memref<16x128xi32, #tpu.memory_space<vmem>> -> memref<1x128xi32, #tpu.memory_space<vmem>>
    %dma_start3A_56 = tpu.memref_squeeze %dma_start3A_55 : memref<1x128xi32, #tpu.memory_space<vmem>> -> memref<128xi32, #tpu.memory_space<vmem>>
    %dma_start3A_57 = arith.constant 0 : i32
    %dma_start3A_58 = tpu.memref_slice %arg7[%dma_start3A_52, %dma_start3A_57] : memref<16x128xi32, #tpu.memory_space<vmem>> -> memref<1x128xi32, #tpu.memory_space<vmem>>
    %dma_start3A_59 = tpu.memref_squeeze %dma_start3A_58 : memref<1x128xi32, #tpu.memory_space<vmem>> -> memref<128xi32, #tpu.memory_space<vmem>>
    %dma_start3A_60 = arith.constant 0 : i32
    %dma_start3A_61 = tpu.memref_slice %arg3[%dma_start3A_60] : memref<1048576xi32, #tpu.memory_space<hbm>> -> memref<1048576xi32, #tpu.memory_space<hbm>>
    tpu.enqueue_indirect_dma source(%dma_start3A_61 : memref<1048576xi32, #tpu.memory_space<hbm>>) target(%dma_start3A_56 : memref<128xi32, #tpu.memory_space<vmem>>) offsets(%dma_start3A_59 : memref<128xi32, #tpu.memory_space<vmem>>) semaphore(%arg11 : memref<!tpu.dma_semaphore, #tpu.memory_space<semaphore_mem>>)
    %dma_start3A_62 = arith.constant 6 : i32
    %dma_start3A_63 = arith.constant 6 : i32
    %dma_start3A_64 = arith.constant 0 : i32
    %dma_start3A_65 = tpu.memref_slice %arg8[%dma_start3A_63, %dma_start3A_64] : memref<16x128xi32, #tpu.memory_space<vmem>> -> memref<1x128xi32, #tpu.memory_space<vmem>>
    %dma_start3A_66 = tpu.memref_squeeze %dma_start3A_65 : memref<1x128xi32, #tpu.memory_space<vmem>> -> memref<128xi32, #tpu.memory_space<vmem>>
    %dma_start3A_67 = arith.constant 0 : i32
    %dma_start3A_68 = tpu.memref_slice %arg7[%dma_start3A_62, %dma_start3A_67] : memref<16x128xi32, #tpu.memory_space<vmem>> -> memref<1x128xi32, #tpu.memory_space<vmem>>
    %dma_start3A_69 = tpu.memref_squeeze %dma_start3A_68 : memref<1x128xi32, #tpu.memory_space<vmem>> -> memref<128xi32, #tpu.memory_space<vmem>>
    %dma_start3A_70 = arith.constant 0 : i32
    %dma_start3A_71 = tpu.memref_slice %arg3[%dma_start3A_70] : memref<1048576xi32, #tpu.memory_space<hbm>> -> memref<1048576xi32, #tpu.memory_space<hbm>>
    tpu.enqueue_indirect_dma source(%dma_start3A_71 : memref<1048576xi32, #tpu.memory_space<hbm>>) target(%dma_start3A_66 : memref<128xi32, #tpu.memory_space<vmem>>) offsets(%dma_start3A_69 : memref<128xi32, #tpu.memory_space<vmem>>) semaphore(%arg11 : memref<!tpu.dma_semaphore, #tpu.memory_space<semaphore_mem>>)
    %dma_start3A_72 = arith.constant 7 : i32
    %dma_start3A_73 = arith.constant 7 : i32
    %dma_start3A_74 = arith.constant 0 : i32
    %dma_start3A_75 = tpu.memref_slice %arg8[%dma_start3A_73, %dma_start3A_74] : memref<16x128xi32, #tpu.memory_space<vmem>> -> memref<1x128xi32, #tpu.memory_space<vmem>>
    %dma_start3A_76 = tpu.memref_squeeze %dma_start3A_75 : memref<1x128xi32, #tpu.memory_space<vmem>> -> memref<128xi32, #tpu.memory_space<vmem>>
    %dma_start3A_77 = arith.constant 0 : i32
    %dma_start3A_78 = tpu.memref_slice %arg7[%dma_start3A_72, %dma_start3A_77] : memref<16x128xi32, #tpu.memory_space<vmem>> -> memref<1x128xi32, #tpu.memory_space<vmem>>
    %dma_start3A_79 = tpu.memref_squeeze %dma_start3A_78 : memref<1x128xi32, #tpu.memory_space<vmem>> -> memref<128xi32, #tpu.memory_space<vmem>>
    %dma_start3A_80 = arith.constant 0 : i32
    %dma_start3A_81 = tpu.memref_slice %arg3[%dma_start3A_80] : memref<1048576xi32, #tpu.memory_space<hbm>> -> memref<1048576xi32, #tpu.memory_space<hbm>>
    tpu.enqueue_indirect_dma source(%dma_start3A_81 : memref<1048576xi32, #tpu.memory_space<hbm>>) target(%dma_start3A_76 : memref<128xi32, #tpu.memory_space<vmem>>) offsets(%dma_start3A_79 : memref<128xi32, #tpu.memory_space<vmem>>) semaphore(%arg11 : memref<!tpu.dma_semaphore, #tpu.memory_space<semaphore_mem>>)
    %dma_start3A_82 = arith.constant 8 : i32
    %dma_start3A_83 = arith.constant 8 : i32
    %dma_start3A_84 = arith.constant 0 : i32
    %dma_start3A_85 = tpu.memref_slice %arg8[%dma_start3A_83, %dma_start3A_84] : memref<16x128xi32, #tpu.memory_space<vmem>> -> memref<1x128xi32, #tpu.memory_space<vmem>>
    %dma_start3A_86 = tpu.memref_squeeze %dma_start3A_85 : memref<1x128xi32, #tpu.memory_space<vmem>> -> memref<128xi32, #tpu.memory_space<vmem>>
    %dma_start3A_87 = arith.constant 0 : i32
    %dma_start3A_88 = tpu.memref_slice %arg7[%dma_start3A_82, %dma_start3A_87] : memref<16x128xi32, #tpu.memory_space<vmem>> -> memref<1x128xi32, #tpu.memory_space<vmem>>
    %dma_start3A_89 = tpu.memref_squeeze %dma_start3A_88 : memref<1x128xi32, #tpu.memory_space<vmem>> -> memref<128xi32, #tpu.memory_space<vmem>>
    %dma_start3A_90 = arith.constant 0 : i32
    %dma_start3A_91 = tpu.memref_slice %arg3[%dma_start3A_90] : memref<1048576xi32, #tpu.memory_space<hbm>> -> memref<1048576xi32, #tpu.memory_space<hbm>>
    tpu.enqueue_indirect_dma source(%dma_start3A_91 : memref<1048576xi32, #tpu.memory_space<hbm>>) target(%dma_start3A_86 : memref<128xi32, #tpu.memory_space<vmem>>) offsets(%dma_start3A_89 : memref<128xi32, #tpu.memory_space<vmem>>) semaphore(%arg11 : memref<!tpu.dma_semaphore, #tpu.memory_space<semaphore_mem>>)
    %dma_start3A_92 = arith.constant 9 : i32
    %dma_start3A_93 = arith.constant 9 : i32
    %dma_start3A_94 = arith.constant 0 : i32
    %dma_start3A_95 = tpu.memref_slice %arg8[%dma_start3A_93, %dma_start3A_94] : memref<16x128xi32, #tpu.memory_space<vmem>> -> memref<1x128xi32, #tpu.memory_space<vmem>>
    %dma_start3A_96 = tpu.memref_squeeze %dma_start3A_95 : memref<1x128xi32, #tpu.memory_space<vmem>> -> memref<128xi32, #tpu.memory_space<vmem>>
    %dma_start3A_97 = arith.constant 0 : i32
    %dma_start3A_98 = tpu.memref_slice %arg7[%dma_start3A_92, %dma_start3A_97] : memref<16x128xi32, #tpu.memory_space<vmem>> -> memref<1x128xi32, #tpu.memory_space<vmem>>
    %dma_start3A_99 = tpu.memref_squeeze %dma_start3A_98 : memref<1x128xi32, #tpu.memory_space<vmem>> -> memref<128xi32, #tpu.memory_space<vmem>>
    %dma_start3A_100 = arith.constant 0 : i32
    %dma_start3A_101 = tpu.memref_slice %arg3[%dma_start3A_100] : memref<1048576xi32, #tpu.memory_space<hbm>> -> memref<1048576xi32, #tpu.memory_space<hbm>>
    tpu.enqueue_indirect_dma source(%dma_start3A_101 : memref<1048576xi32, #tpu.memory_space<hbm>>) target(%dma_start3A_96 : memref<128xi32, #tpu.memory_space<vmem>>) offsets(%dma_start3A_99 : memref<128xi32, #tpu.memory_space<vmem>>) semaphore(%arg11 : memref<!tpu.dma_semaphore, #tpu.memory_space<semaphore_mem>>)
    %dma_start3A_102 = arith.constant 10 : i32
    %dma_start3A_103 = arith.constant 10 : i32
    %dma_start3A_104 = arith.constant 0 : i32
    %dma_start3A_105 = tpu.memref_slice %arg8[%dma_start3A_103, %dma_start3A_104] : memref<16x128xi32, #tpu.memory_space<vmem>> -> memref<1x128xi32, #tpu.memory_space<vmem>>
    %dma_start3A_106 = tpu.memref_squeeze %dma_start3A_105 : memref<1x128xi32, #tpu.memory_space<vmem>> -> memref<128xi32, #tpu.memory_space<vmem>>
    %dma_start3A_107 = arith.constant 0 : i32
    %dma_start3A_108 = tpu.memref_slice %arg7[%dma_start3A_102, %dma_start3A_107] : memref<16x128xi32, #tpu.memory_space<vmem>> -> memref<1x128xi32, #tpu.memory_space<vmem>>
    %dma_start3A_109 = tpu.memref_squeeze %dma_start3A_108 : memref<1x128xi32, #tpu.memory_space<vmem>> -> memref<128xi32, #tpu.memory_space<vmem>>
    %dma_start3A_110 = arith.constant 0 : i32
    %dma_start3A_111 = tpu.memref_slice %arg3[%dma_start3A_110] : memref<1048576xi32, #tpu.memory_space<hbm>> -> memref<1048576xi32, #tpu.memory_space<hbm>>
    tpu.enqueue_indirect_dma source(%dma_start3A_111 : memref<1048576xi32, #tpu.memory_space<hbm>>) target(%dma_start3A_106 : memref<128xi32, #tpu.memory_space<vmem>>) offsets(%dma_start3A_109 : memref<128xi32, #tpu.memory_space<vmem>>) semaphore(%arg11 : memref<!tpu.dma_semaphore, #tpu.memory_space<semaphore_mem>>)
    %dma_start3A_112 = arith.constant 11 : i32
    %dma_start3A_113 = arith.constant 11 : i32
    %dma_start3A_114 = arith.constant 0 : i32
    %dma_start3A_115 = tpu.memref_slice %arg8[%dma_start3A_113, %dma_start3A_114] : memref<16x128xi32, #tpu.memory_space<vmem>> -> memref<1x128xi32, #tpu.memory_space<vmem>>
    %dma_start3A_116 = tpu.memref_squeeze %dma_start3A_115 : memref<1x128xi32, #tpu.memory_space<vmem>> -> memref<128xi32, #tpu.memory_space<vmem>>
    %dma_start3A_117 = arith.constant 0 : i32
    %dma_start3A_118 = tpu.memref_slice %arg7[%dma_start3A_112, %dma_start3A_117] : memref<16x128xi32, #tpu.memory_space<vmem>> -> memref<1x128xi32, #tpu.memory_space<vmem>>
    %dma_start3A_119 = tpu.memref_squeeze %dma_start3A_118 : memref<1x128xi32, #tpu.memory_space<vmem>> -> memref<128xi32, #tpu.memory_space<vmem>>
    %dma_start3A_120 = arith.constant 0 : i32
    %dma_start3A_121 = tpu.memref_slice %arg3[%dma_start3A_120] : memref<1048576xi32, #tpu.memory_space<hbm>> -> memref<1048576xi32, #tpu.memory_space<hbm>>
    tpu.enqueue_indirect_dma source(%dma_start3A_121 : memref<1048576xi32, #tpu.memory_space<hbm>>) target(%dma_start3A_116 : memref<128xi32, #tpu.memory_space<vmem>>) offsets(%dma_start3A_119 : memref<128xi32, #tpu.memory_space<vmem>>) semaphore(%arg11 : memref<!tpu.dma_semaphore, #tpu.memory_space<semaphore_mem>>)
    %dma_start3A_122 = arith.constant 12 : i32
    %dma_start3A_123 = arith.constant 12 : i32
    %dma_start3A_124 = arith.constant 0 : i32
    %dma_start3A_125 = tpu.memref_slice %arg8[%dma_start3A_123, %dma_start3A_124] : memref<16x128xi32, #tpu.memory_space<vmem>> -> memref<1x128xi32, #tpu.memory_space<vmem>>
    %dma_start3A_126 = tpu.memref_squeeze %dma_start3A_125 : memref<1x128xi32, #tpu.memory_space<vmem>> -> memref<128xi32, #tpu.memory_space<vmem>>
    %dma_start3A_127 = arith.constant 0 : i32
    %dma_start3A_128 = tpu.memref_slice %arg7[%dma_start3A_122, %dma_start3A_127] : memref<16x128xi32, #tpu.memory_space<vmem>> -> memref<1x128xi32, #tpu.memory_space<vmem>>
    %dma_start3A_129 = tpu.memref_squeeze %dma_start3A_128 : memref<1x128xi32, #tpu.memory_space<vmem>> -> memref<128xi32, #tpu.memory_space<vmem>>
    %dma_start3A_130 = arith.constant 0 : i32
    %dma_start3A_131 = tpu.memref_slice %arg3[%dma_start3A_130] : memref<1048576xi32, #tpu.memory_space<hbm>> -> memref<1048576xi32, #tpu.memory_space<hbm>>
    tpu.enqueue_indirect_dma source(%dma_start3A_131 : memref<1048576xi32, #tpu.memory_space<hbm>>) target(%dma_start3A_126 : memref<128xi32, #tpu.memory_space<vmem>>) offsets(%dma_start3A_129 : memref<128xi32, #tpu.memory_space<vmem>>) semaphore(%arg11 : memref<!tpu.dma_semaphore, #tpu.memory_space<semaphore_mem>>)
    %dma_start3A_132 = arith.constant 13 : i32
    %dma_start3A_133 = arith.constant 13 : i32
    %dma_start3A_134 = arith.constant 0 : i32
    %dma_start3A_135 = tpu.memref_slice %arg8[%dma_start3A_133, %dma_start3A_134] : memref<16x128xi32, #tpu.memory_space<vmem>> -> memref<1x128xi32, #tpu.memory_space<vmem>>
    %dma_start3A_136 = tpu.memref_squeeze %dma_start3A_135 : memref<1x128xi32, #tpu.memory_space<vmem>> -> memref<128xi32, #tpu.memory_space<vmem>>
    %dma_start3A_137 = arith.constant 0 : i32
    %dma_start3A_138 = tpu.memref_slice %arg7[%dma_start3A_132, %dma_start3A_137] : memref<16x128xi32, #tpu.memory_space<vmem>> -> memref<1x128xi32, #tpu.memory_space<vmem>>
    %dma_start3A_139 = tpu.memref_squeeze %dma_start3A_138 : memref<1x128xi32, #tpu.memory_space<vmem>> -> memref<128xi32, #tpu.memory_space<vmem>>
    %dma_start3A_140 = arith.constant 0 : i32
    %dma_start3A_141 = tpu.memref_slice %arg3[%dma_start3A_140] : memref<1048576xi32, #tpu.memory_space<hbm>> -> memref<1048576xi32, #tpu.memory_space<hbm>>
    tpu.enqueue_indirect_dma source(%dma_start3A_141 : memref<1048576xi32, #tpu.memory_space<hbm>>) target(%dma_start3A_136 : memref<128xi32, #tpu.memory_space<vmem>>) offsets(%dma_start3A_139 : memref<128xi32, #tpu.memory_space<vmem>>) semaphore(%arg11 : memref<!tpu.dma_semaphore, #tpu.memory_space<semaphore_mem>>)
    %dma_start3A_142 = arith.constant 14 : i32
    %dma_start3A_143 = arith.constant 14 : i32
    %dma_start3A_144 = arith.constant 0 : i32
    %dma_start3A_145 = tpu.memref_slice %arg8[%dma_start3A_143, %dma_start3A_144] : memref<16x128xi32, #tpu.memory_space<vmem>> -> memref<1x128xi32, #tpu.memory_space<vmem>>
    %dma_start3A_146 = tpu.memref_squeeze %dma_start3A_145 : memref<1x128xi32, #tpu.memory_space<vmem>> -> memref<128xi32, #tpu.memory_space<vmem>>
    %dma_start3A_147 = arith.constant 0 : i32
    %dma_start3A_148 = tpu.memref_slice %arg7[%dma_start3A_142, %dma_start3A_147] : memref<16x128xi32, #tpu.memory_space<vmem>> -> memref<1x128xi32, #tpu.memory_space<vmem>>
    %dma_start3A_149 = tpu.memref_squeeze %dma_start3A_148 : memref<1x128xi32, #tpu.memory_space<vmem>> -> memref<128xi32, #tpu.memory_space<vmem>>
    %dma_start3A_150 = arith.constant 0 : i32
    %dma_start3A_151 = tpu.memref_slice %arg3[%dma_start3A_150] : memref<1048576xi32, #tpu.memory_space<hbm>> -> memref<1048576xi32, #tpu.memory_space<hbm>>
    tpu.enqueue_indirect_dma source(%dma_start3A_151 : memref<1048576xi32, #tpu.memory_space<hbm>>) target(%dma_start3A_146 : memref<128xi32, #tpu.memory_space<vmem>>) offsets(%dma_start3A_149 : memref<128xi32, #tpu.memory_space<vmem>>) semaphore(%arg11 : memref<!tpu.dma_semaphore, #tpu.memory_space<semaphore_mem>>)
    %dma_start3A_152 = arith.constant 15 : i32
    %dma_start3A_153 = arith.constant 15 : i32
    %dma_start3A_154 = arith.constant 0 : i32
    %dma_start3A_155 = tpu.memref_slice %arg8[%dma_start3A_153, %dma_start3A_154] : memref<16x128xi32, #tpu.memory_space<vmem>> -> memref<1x128xi32, #tpu.memory_space<vmem>>
    %dma_start3A_156 = tpu.memref_squeeze %dma_start3A_155 : memref<1x128xi32, #tpu.memory_space<vmem>> -> memref<128xi32, #tpu.memory_space<vmem>>
    %dma_start3A_157 = arith.constant 0 : i32
    %dma_start3A_158 = tpu.memref_slice %arg7[%dma_start3A_152, %dma_start3A_157] : memref<16x128xi32, #tpu.memory_space<vmem>> -> memref<1x128xi32, #tpu.memory_space<vmem>>
    %dma_start3A_159 = tpu.memref_squeeze %dma_start3A_158 : memref<1x128xi32, #tpu.memory_space<vmem>> -> memref<128xi32, #tpu.memory_space<vmem>>
    %dma_start3A_160 = arith.constant 0 : i32
    %dma_start3A_161 = tpu.memref_slice %arg3[%dma_start3A_160] : memref<1048576xi32, #tpu.memory_space<hbm>> -> memref<1048576xi32, #tpu.memory_space<hbm>>
    tpu.enqueue_indirect_dma source(%dma_start3A_161 : memref<1048576xi32, #tpu.memory_space<hbm>>) target(%dma_start3A_156 : memref<128xi32, #tpu.memory_space<vmem>>) offsets(%dma_start3A_159 : memref<128xi32, #tpu.memory_space<vmem>>) semaphore(%arg11 : memref<!tpu.dma_semaphore, #tpu.memory_space<semaphore_mem>>)
    %dma_start3A_162 = arith.constant 0 : i32
    %dma_start3A_163 = arith.constant 0 : i32
    %dma_start3A_164 = arith.constant 0 : i32
    %dma_start3A_165 = tpu.memref_slice %arg9[%dma_start3A_163, %dma_start3A_164] : memref<16x128xi32, #tpu.memory_space<vmem>> -> memref<1x128xi32, #tpu.memory_space<vmem>>
    %dma_start3A_166 = tpu.memref_squeeze %dma_start3A_165 : memref<1x128xi32, #tpu.memory_space<vmem>> -> memref<128xi32, #tpu.memory_space<vmem>>
    %dma_start3A_167 = arith.constant 0 : i32
    %dma_start3A_168 = tpu.memref_slice %arg7[%dma_start3A_162, %dma_start3A_167] : memref<16x128xi32, #tpu.memory_space<vmem>> -> memref<1x128xi32, #tpu.memory_space<vmem>>
    %dma_start3A_169 = tpu.memref_squeeze %dma_start3A_168 : memref<1x128xi32, #tpu.memory_space<vmem>> -> memref<128xi32, #tpu.memory_space<vmem>>
    %dma_start3A_170 = arith.constant 0 : i32
    %dma_start3A_171 = tpu.memref_slice %arg4[%dma_start3A_170] : memref<1048576xi32, #tpu.memory_space<hbm>> -> memref<1048576xi32, #tpu.memory_space<hbm>>
    tpu.enqueue_indirect_dma source(%dma_start3A_171 : memref<1048576xi32, #tpu.memory_space<hbm>>) target(%dma_start3A_166 : memref<128xi32, #tpu.memory_space<vmem>>) offsets(%dma_start3A_169 : memref<128xi32, #tpu.memory_space<vmem>>) semaphore(%arg11 : memref<!tpu.dma_semaphore, #tpu.memory_space<semaphore_mem>>)
    %dma_start3A_172 = arith.constant 1 : i32
    %dma_start3A_173 = arith.constant 1 : i32
    %dma_start3A_174 = arith.constant 0 : i32
    %dma_start3A_175 = tpu.memref_slice %arg9[%dma_start3A_173, %dma_start3A_174] : memref<16x128xi32, #tpu.memory_space<vmem>> -> memref<1x128xi32, #tpu.memory_space<vmem>>
    %dma_start3A_176 = tpu.memref_squeeze %dma_start3A_175 : memref<1x128xi32, #tpu.memory_space<vmem>> -> memref<128xi32, #tpu.memory_space<vmem>>
    %dma_start3A_177 = arith.constant 0 : i32
    %dma_start3A_178 = tpu.memref_slice %arg7[%dma_start3A_172, %dma_start3A_177] : memref<16x128xi32, #tpu.memory_space<vmem>> -> memref<1x128xi32, #tpu.memory_space<vmem>>
    %dma_start3A_179 = tpu.memref_squeeze %dma_start3A_178 : memref<1x128xi32, #tpu.memory_space<vmem>> -> memref<128xi32, #tpu.memory_space<vmem>>
    %dma_start3A_180 = arith.constant 0 : i32
    %dma_start3A_181 = tpu.memref_slice %arg4[%dma_start3A_180] : memref<1048576xi32, #tpu.memory_space<hbm>> -> memref<1048576xi32, #tpu.memory_space<hbm>>
    tpu.enqueue_indirect_dma source(%dma_start3A_181 : memref<1048576xi32, #tpu.memory_space<hbm>>) target(%dma_start3A_176 : memref<128xi32, #tpu.memory_space<vmem>>) offsets(%dma_start3A_179 : memref<128xi32, #tpu.memory_space<vmem>>) semaphore(%arg11 : memref<!tpu.dma_semaphore, #tpu.memory_space<semaphore_mem>>)
    %dma_start3A_182 = arith.constant 2 : i32
    %dma_start3A_183 = arith.constant 2 : i32
    %dma_start3A_184 = arith.constant 0 : i32
    %dma_start3A_185 = tpu.memref_slice %arg9[%dma_start3A_183, %dma_start3A_184] : memref<16x128xi32, #tpu.memory_space<vmem>> -> memref<1x128xi32, #tpu.memory_space<vmem>>
    %dma_start3A_186 = tpu.memref_squeeze %dma_start3A_185 : memref<1x128xi32, #tpu.memory_space<vmem>> -> memref<128xi32, #tpu.memory_space<vmem>>
    %dma_start3A_187 = arith.constant 0 : i32
    %dma_start3A_188 = tpu.memref_slice %arg7[%dma_start3A_182, %dma_start3A_187] : memref<16x128xi32, #tpu.memory_space<vmem>> -> memref<1x128xi32, #tpu.memory_space<vmem>>
    %dma_start3A_189 = tpu.memref_squeeze %dma_start3A_188 : memref<1x128xi32, #tpu.memory_space<vmem>> -> memref<128xi32, #tpu.memory_space<vmem>>
    %dma_start3A_190 = arith.constant 0 : i32
    %dma_start3A_191 = tpu.memref_slice %arg4[%dma_start3A_190] : memref<1048576xi32, #tpu.memory_space<hbm>> -> memref<1048576xi32, #tpu.memory_space<hbm>>
    tpu.enqueue_indirect_dma source(%dma_start3A_191 : memref<1048576xi32, #tpu.memory_space<hbm>>) target(%dma_start3A_186 : memref<128xi32, #tpu.memory_space<vmem>>) offsets(%dma_start3A_189 : memref<128xi32, #tpu.memory_space<vmem>>) semaphore(%arg11 : memref<!tpu.dma_semaphore, #tpu.memory_space<semaphore_mem>>)
    %dma_start3A_192 = arith.constant 3 : i32
    %dma_start3A_193 = arith.constant 3 : i32
    %dma_start3A_194 = arith.constant 0 : i32
    %dma_start3A_195 = tpu.memref_slice %arg9[%dma_start3A_193, %dma_start3A_194] : memref<16x128xi32, #tpu.memory_space<vmem>> -> memref<1x128xi32, #tpu.memory_space<vmem>>
    %dma_start3A_196 = tpu.memref_squeeze %dma_start3A_195 : memref<1x128xi32, #tpu.memory_space<vmem>> -> memref<128xi32, #tpu.memory_space<vmem>>
    %dma_start3A_197 = arith.constant 0 : i32
    %dma_start3A_198 = tpu.memref_slice %arg7[%dma_start3A_192, %dma_start3A_197] : memref<16x128xi32, #tpu.memory_space<vmem>> -> memref<1x128xi32, #tpu.memory_space<vmem>>
    %dma_start3A_199 = tpu.memref_squeeze %dma_start3A_198 : memref<1x128xi32, #tpu.memory_space<vmem>> -> memref<128xi32, #tpu.memory_space<vmem>>
    %dma_start3A_200 = arith.constant 0 : i32
    %dma_start3A_201 = tpu.memref_slice %arg4[%dma_start3A_200] : memref<1048576xi32, #tpu.memory_space<hbm>> -> memref<1048576xi32, #tpu.memory_space<hbm>>
    tpu.enqueue_indirect_dma source(%dma_start3A_201 : memref<1048576xi32, #tpu.memory_space<hbm>>) target(%dma_start3A_196 : memref<128xi32, #tpu.memory_space<vmem>>) offsets(%dma_start3A_199 : memref<128xi32, #tpu.memory_space<vmem>>) semaphore(%arg11 : memref<!tpu.dma_semaphore, #tpu.memory_space<semaphore_mem>>)
    %dma_start3A_202 = arith.constant 4 : i32
    %dma_start3A_203 = arith.constant 4 : i32
    %dma_start3A_204 = arith.constant 0 : i32
    %dma_start3A_205 = tpu.memref_slice %arg9[%dma_start3A_203, %dma_start3A_204] : memref<16x128xi32, #tpu.memory_space<vmem>> -> memref<1x128xi32, #tpu.memory_space<vmem>>
    %dma_start3A_206 = tpu.memref_squeeze %dma_start3A_205 : memref<1x128xi32, #tpu.memory_space<vmem>> -> memref<128xi32, #tpu.memory_space<vmem>>
    %dma_start3A_207 = arith.constant 0 : i32
    %dma_start3A_208 = tpu.memref_slice %arg7[%dma_start3A_202, %dma_start3A_207] : memref<16x128xi32, #tpu.memory_space<vmem>> -> memref<1x128xi32, #tpu.memory_space<vmem>>
    %dma_start3A_209 = tpu.memref_squeeze %dma_start3A_208 : memref<1x128xi32, #tpu.memory_space<vmem>> -> memref<128xi32, #tpu.memory_space<vmem>>
    %dma_start3A_210 = arith.constant 0 : i32
    %dma_start3A_211 = tpu.memref_slice %arg4[%dma_start3A_210] : memref<1048576xi32, #tpu.memory_space<hbm>> -> memref<1048576xi32, #tpu.memory_space<hbm>>
    tpu.enqueue_indirect_dma source(%dma_start3A_211 : memref<1048576xi32, #tpu.memory_space<hbm>>) target(%dma_start3A_206 : memref<128xi32, #tpu.memory_space<vmem>>) offsets(%dma_start3A_209 : memref<128xi32, #tpu.memory_space<vmem>>) semaphore(%arg11 : memref<!tpu.dma_semaphore, #tpu.memory_space<semaphore_mem>>)
    %dma_start3A_212 = arith.constant 5 : i32
    %dma_start3A_213 = arith.constant 5 : i32
    %dma_start3A_214 = arith.constant 0 : i32
    %dma_start3A_215 = tpu.memref_slice %arg9[%dma_start3A_213, %dma_start3A_214] : memref<16x128xi32, #tpu.memory_space<vmem>> -> memref<1x128xi32, #tpu.memory_space<vmem>>
    %dma_start3A_216 = tpu.memref_squeeze %dma_start3A_215 : memref<1x128xi32, #tpu.memory_space<vmem>> -> memref<128xi32, #tpu.memory_space<vmem>>
    %dma_start3A_217 = arith.constant 0 : i32
    %dma_start3A_218 = tpu.memref_slice %arg7[%dma_start3A_212, %dma_start3A_217] : memref<16x128xi32, #tpu.memory_space<vmem>> -> memref<1x128xi32, #tpu.memory_space<vmem>>
    %dma_start3A_219 = tpu.memref_squeeze %dma_start3A_218 : memref<1x128xi32, #tpu.memory_space<vmem>> -> memref<128xi32, #tpu.memory_space<vmem>>
    %dma_start3A_220 = arith.constant 0 : i32
    %dma_start3A_221 = tpu.memref_slice %arg4[%dma_start3A_220] : memref<1048576xi32, #tpu.memory_space<hbm>> -> memref<1048576xi32, #tpu.memory_space<hbm>>
    tpu.enqueue_indirect_dma source(%dma_start3A_221 : memref<1048576xi32, #tpu.memory_space<hbm>>) target(%dma_start3A_216 : memref<128xi32, #tpu.memory_space<vmem>>) offsets(%dma_start3A_219 : memref<128xi32, #tpu.memory_space<vmem>>) semaphore(%arg11 : memref<!tpu.dma_semaphore, #tpu.memory_space<semaphore_mem>>)
    %dma_start3A_222 = arith.constant 6 : i32
    %dma_start3A_223 = arith.constant 6 : i32
    %dma_start3A_224 = arith.constant 0 : i32
    %dma_start3A_225 = tpu.memref_slice %arg9[%dma_start3A_223, %dma_start3A_224] : memref<16x128xi32, #tpu.memory_space<vmem>> -> memref<1x128xi32, #tpu.memory_space<vmem>>
    %dma_start3A_226 = tpu.memref_squeeze %dma_start3A_225 : memref<1x128xi32, #tpu.memory_space<vmem>> -> memref<128xi32, #tpu.memory_space<vmem>>
    %dma_start3A_227 = arith.constant 0 : i32
    %dma_start3A_228 = tpu.memref_slice %arg7[%dma_start3A_222, %dma_start3A_227] : memref<16x128xi32, #tpu.memory_space<vmem>> -> memref<1x128xi32, #tpu.memory_space<vmem>>
    %dma_start3A_229 = tpu.memref_squeeze %dma_start3A_228 : memref<1x128xi32, #tpu.memory_space<vmem>> -> memref<128xi32, #tpu.memory_space<vmem>>
    %dma_start3A_230 = arith.constant 0 : i32
    %dma_start3A_231 = tpu.memref_slice %arg4[%dma_start3A_230] : memref<1048576xi32, #tpu.memory_space<hbm>> -> memref<1048576xi32, #tpu.memory_space<hbm>>
    tpu.enqueue_indirect_dma source(%dma_start3A_231 : memref<1048576xi32, #tpu.memory_space<hbm>>) target(%dma_start3A_226 : memref<128xi32, #tpu.memory_space<vmem>>) offsets(%dma_start3A_229 : memref<128xi32, #tpu.memory_space<vmem>>) semaphore(%arg11 : memref<!tpu.dma_semaphore, #tpu.memory_space<semaphore_mem>>)
    %dma_start3A_232 = arith.constant 7 : i32
    %dma_start3A_233 = arith.constant 7 : i32
    %dma_start3A_234 = arith.constant 0 : i32
    %dma_start3A_235 = tpu.memref_slice %arg9[%dma_start3A_233, %dma_start3A_234] : memref<16x128xi32, #tpu.memory_space<vmem>> -> memref<1x128xi32, #tpu.memory_space<vmem>>
    %dma_start3A_236 = tpu.memref_squeeze %dma_start3A_235 : memref<1x128xi32, #tpu.memory_space<vmem>> -> memref<128xi32, #tpu.memory_space<vmem>>
    %dma_start3A_237 = arith.constant 0 : i32
    %dma_start3A_238 = tpu.memref_slice %arg7[%dma_start3A_232, %dma_start3A_237] : memref<16x128xi32, #tpu.memory_space<vmem>> -> memref<1x128xi32, #tpu.memory_space<vmem>>
    %dma_start3A_239 = tpu.memref_squeeze %dma_start3A_238 : memref<1x128xi32, #tpu.memory_space<vmem>> -> memref<128xi32, #tpu.memory_space<vmem>>
    %dma_start3A_240 = arith.constant 0 : i32
    %dma_start3A_241 = tpu.memref_slice %arg4[%dma_start3A_240] : memref<1048576xi32, #tpu.memory_space<hbm>> -> memref<1048576xi32, #tpu.memory_space<hbm>>
    tpu.enqueue_indirect_dma source(%dma_start3A_241 : memref<1048576xi32, #tpu.memory_space<hbm>>) target(%dma_start3A_236 : memref<128xi32, #tpu.memory_space<vmem>>) offsets(%dma_start3A_239 : memref<128xi32, #tpu.memory_space<vmem>>) semaphore(%arg11 : memref<!tpu.dma_semaphore, #tpu.memory_space<semaphore_mem>>)
    %dma_start3A_242 = arith.constant 8 : i32
    %dma_start3A_243 = arith.constant 8 : i32
    %dma_start3A_244 = arith.constant 0 : i32
    %dma_start3A_245 = tpu.memref_slice %arg9[%dma_start3A_243, %dma_start3A_244] : memref<16x128xi32, #tpu.memory_space<vmem>> -> memref<1x128xi32, #tpu.memory_space<vmem>>
    %dma_start3A_246 = tpu.memref_squeeze %dma_start3A_245 : memref<1x128xi32, #tpu.memory_space<vmem>> -> memref<128xi32, #tpu.memory_space<vmem>>
    %dma_start3A_247 = arith.constant 0 : i32
    %dma_start3A_248 = tpu.memref_slice %arg7[%dma_start3A_242, %dma_start3A_247] : memref<16x128xi32, #tpu.memory_space<vmem>> -> memref<1x128xi32, #tpu.memory_space<vmem>>
    %dma_start3A_249 = tpu.memref_squeeze %dma_start3A_248 : memref<1x128xi32, #tpu.memory_space<vmem>> -> memref<128xi32, #tpu.memory_space<vmem>>
    %dma_start3A_250 = arith.constant 0 : i32
    %dma_start3A_251 = tpu.memref_slice %arg4[%dma_start3A_250] : memref<1048576xi32, #tpu.memory_space<hbm>> -> memref<1048576xi32, #tpu.memory_space<hbm>>
    tpu.enqueue_indirect_dma source(%dma_start3A_251 : memref<1048576xi32, #tpu.memory_space<hbm>>) target(%dma_start3A_246 : memref<128xi32, #tpu.memory_space<vmem>>) offsets(%dma_start3A_249 : memref<128xi32, #tpu.memory_space<vmem>>) semaphore(%arg11 : memref<!tpu.dma_semaphore, #tpu.memory_space<semaphore_mem>>)
    %dma_start3A_252 = arith.constant 9 : i32
    %dma_start3A_253 = arith.constant 9 : i32
    %dma_start3A_254 = arith.constant 0 : i32
    %dma_start3A_255 = tpu.memref_slice %arg9[%dma_start3A_253, %dma_start3A_254] : memref<16x128xi32, #tpu.memory_space<vmem>> -> memref<1x128xi32, #tpu.memory_space<vmem>>
    %dma_start3A_256 = tpu.memref_squeeze %dma_start3A_255 : memref<1x128xi32, #tpu.memory_space<vmem>> -> memref<128xi32, #tpu.memory_space<vmem>>
    %dma_start3A_257 = arith.constant 0 : i32
    %dma_start3A_258 = tpu.memref_slice %arg7[%dma_start3A_252, %dma_start3A_257] : memref<16x128xi32, #tpu.memory_space<vmem>> -> memref<1x128xi32, #tpu.memory_space<vmem>>
    %dma_start3A_259 = tpu.memref_squeeze %dma_start3A_258 : memref<1x128xi32, #tpu.memory_space<vmem>> -> memref<128xi32, #tpu.memory_space<vmem>>
    %dma_start3A_260 = arith.constant 0 : i32
    %dma_start3A_261 = tpu.memref_slice %arg4[%dma_start3A_260] : memref<1048576xi32, #tpu.memory_space<hbm>> -> memref<1048576xi32, #tpu.memory_space<hbm>>
    tpu.enqueue_indirect_dma source(%dma_start3A_261 : memref<1048576xi32, #tpu.memory_space<hbm>>) target(%dma_start3A_256 : memref<128xi32, #tpu.memory_space<vmem>>) offsets(%dma_start3A_259 : memref<128xi32, #tpu.memory_space<vmem>>) semaphore(%arg11 : memref<!tpu.dma_semaphore, #tpu.memory_space<semaphore_mem>>)
    %dma_start3A_262 = arith.constant 10 : i32
    %dma_start3A_263 = arith.constant 10 : i32
    %dma_start3A_264 = arith.constant 0 : i32
    %dma_start3A_265 = tpu.memref_slice %arg9[%dma_start3A_263, %dma_start3A_264] : memref<16x128xi32, #tpu.memory_space<vmem>> -> memref<1x128xi32, #tpu.memory_space<vmem>>
    %dma_start3A_266 = tpu.memref_squeeze %dma_start3A_265 : memref<1x128xi32, #tpu.memory_space<vmem>> -> memref<128xi32, #tpu.memory_space<vmem>>
    %dma_start3A_267 = arith.constant 0 : i32
    %dma_start3A_268 = tpu.memref_slice %arg7[%dma_start3A_262, %dma_start3A_267] : memref<16x128xi32, #tpu.memory_space<vmem>> -> memref<1x128xi32, #tpu.memory_space<vmem>>
    %dma_start3A_269 = tpu.memref_squeeze %dma_start3A_268 : memref<1x128xi32, #tpu.memory_space<vmem>> -> memref<128xi32, #tpu.memory_space<vmem>>
    %dma_start3A_270 = arith.constant 0 : i32
    %dma_start3A_271 = tpu.memref_slice %arg4[%dma_start3A_270] : memref<1048576xi32, #tpu.memory_space<hbm>> -> memref<1048576xi32, #tpu.memory_space<hbm>>
    tpu.enqueue_indirect_dma source(%dma_start3A_271 : memref<1048576xi32, #tpu.memory_space<hbm>>) target(%dma_start3A_266 : memref<128xi32, #tpu.memory_space<vmem>>) offsets(%dma_start3A_269 : memref<128xi32, #tpu.memory_space<vmem>>) semaphore(%arg11 : memref<!tpu.dma_semaphore, #tpu.memory_space<semaphore_mem>>)
    %dma_start3A_272 = arith.constant 11 : i32
    %dma_start3A_273 = arith.constant 11 : i32
    %dma_start3A_274 = arith.constant 0 : i32
    %dma_start3A_275 = tpu.memref_slice %arg9[%dma_start3A_273, %dma_start3A_274] : memref<16x128xi32, #tpu.memory_space<vmem>> -> memref<1x128xi32, #tpu.memory_space<vmem>>
    %dma_start3A_276 = tpu.memref_squeeze %dma_start3A_275 : memref<1x128xi32, #tpu.memory_space<vmem>> -> memref<128xi32, #tpu.memory_space<vmem>>
    %dma_start3A_277 = arith.constant 0 : i32
    %dma_start3A_278 = tpu.memref_slice %arg7[%dma_start3A_272, %dma_start3A_277] : memref<16x128xi32, #tpu.memory_space<vmem>> -> memref<1x128xi32, #tpu.memory_space<vmem>>
    %dma_start3A_279 = tpu.memref_squeeze %dma_start3A_278 : memref<1x128xi32, #tpu.memory_space<vmem>> -> memref<128xi32, #tpu.memory_space<vmem>>
    %dma_start3A_280 = arith.constant 0 : i32
    %dma_start3A_281 = tpu.memref_slice %arg4[%dma_start3A_280] : memref<1048576xi32, #tpu.memory_space<hbm>> -> memref<1048576xi32, #tpu.memory_space<hbm>>
    tpu.enqueue_indirect_dma source(%dma_start3A_281 : memref<1048576xi32, #tpu.memory_space<hbm>>) target(%dma_start3A_276 : memref<128xi32, #tpu.memory_space<vmem>>) offsets(%dma_start3A_279 : memref<128xi32, #tpu.memory_space<vmem>>) semaphore(%arg11 : memref<!tpu.dma_semaphore, #tpu.memory_space<semaphore_mem>>)
    %dma_start3A_282 = arith.constant 12 : i32
    %dma_start3A_283 = arith.constant 12 : i32
    %dma_start3A_284 = arith.constant 0 : i32
    %dma_start3A_285 = tpu.memref_slice %arg9[%dma_start3A_283, %dma_start3A_284] : memref<16x128xi32, #tpu.memory_space<vmem>> -> memref<1x128xi32, #tpu.memory_space<vmem>>
    %dma_start3A_286 = tpu.memref_squeeze %dma_start3A_285 : memref<1x128xi32, #tpu.memory_space<vmem>> -> memref<128xi32, #tpu.memory_space<vmem>>
    %dma_start3A_287 = arith.constant 0 : i32
    %dma_start3A_288 = tpu.memref_slice %arg7[%dma_start3A_282, %dma_start3A_287] : memref<16x128xi32, #tpu.memory_space<vmem>> -> memref<1x128xi32, #tpu.memory_space<vmem>>
    %dma_start3A_289 = tpu.memref_squeeze %dma_start3A_288 : memref<1x128xi32, #tpu.memory_space<vmem>> -> memref<128xi32, #tpu.memory_space<vmem>>
    %dma_start3A_290 = arith.constant 0 : i32
    %dma_start3A_291 = tpu.memref_slice %arg4[%dma_start3A_290] : memref<1048576xi32, #tpu.memory_space<hbm>> -> memref<1048576xi32, #tpu.memory_space<hbm>>
    tpu.enqueue_indirect_dma source(%dma_start3A_291 : memref<1048576xi32, #tpu.memory_space<hbm>>) target(%dma_start3A_286 : memref<128xi32, #tpu.memory_space<vmem>>) offsets(%dma_start3A_289 : memref<128xi32, #tpu.memory_space<vmem>>) semaphore(%arg11 : memref<!tpu.dma_semaphore, #tpu.memory_space<semaphore_mem>>)
    %dma_start3A_292 = arith.constant 13 : i32
    %dma_start3A_293 = arith.constant 13 : i32
    %dma_start3A_294 = arith.constant 0 : i32
    %dma_start3A_295 = tpu.memref_slice %arg9[%dma_start3A_293, %dma_start3A_294] : memref<16x128xi32, #tpu.memory_space<vmem>> -> memref<1x128xi32, #tpu.memory_space<vmem>>
    %dma_start3A_296 = tpu.memref_squeeze %dma_start3A_295 : memref<1x128xi32, #tpu.memory_space<vmem>> -> memref<128xi32, #tpu.memory_space<vmem>>
    %dma_start3A_297 = arith.constant 0 : i32
    %dma_start3A_298 = tpu.memref_slice %arg7[%dma_start3A_292, %dma_start3A_297] : memref<16x128xi32, #tpu.memory_space<vmem>> -> memref<1x128xi32, #tpu.memory_space<vmem>>
    %dma_start3A_299 = tpu.memref_squeeze %dma_start3A_298 : memref<1x128xi32, #tpu.memory_space<vmem>> -> memref<128xi32, #tpu.memory_space<vmem>>
    %dma_start3A_300 = arith.constant 0 : i32
    %dma_start3A_301 = tpu.memref_slice %arg4[%dma_start3A_300] : memref<1048576xi32, #tpu.memory_space<hbm>> -> memref<1048576xi32, #tpu.memory_space<hbm>>
    tpu.enqueue_indirect_dma source(%dma_start3A_301 : memref<1048576xi32, #tpu.memory_space<hbm>>) target(%dma_start3A_296 : memref<128xi32, #tpu.memory_space<vmem>>) offsets(%dma_start3A_299 : memref<128xi32, #tpu.memory_space<vmem>>) semaphore(%arg11 : memref<!tpu.dma_semaphore, #tpu.memory_space<semaphore_mem>>)
    %dma_start3A_302 = arith.constant 14 : i32
    %dma_start3A_303 = arith.constant 14 : i32
    %dma_start3A_304 = arith.constant 0 : i32
    %dma_start3A_305 = tpu.memref_slice %arg9[%dma_start3A_303, %dma_start3A_304] : memref<16x128xi32, #tpu.memory_space<vmem>> -> memref<1x128xi32, #tpu.memory_space<vmem>>
    %dma_start3A_306 = tpu.memref_squeeze %dma_start3A_305 : memref<1x128xi32, #tpu.memory_space<vmem>> -> memref<128xi32, #tpu.memory_space<vmem>>
    %dma_start3A_307 = arith.constant 0 : i32
    %dma_start3A_308 = tpu.memref_slice %arg7[%dma_start3A_302, %dma_start3A_307] : memref<16x128xi32, #tpu.memory_space<vmem>> -> memref<1x128xi32, #tpu.memory_space<vmem>>
    %dma_start3A_309 = tpu.memref_squeeze %dma_start3A_308 : memref<1x128xi32, #tpu.memory_space<vmem>> -> memref<128xi32, #tpu.memory_space<vmem>>
    %dma_start3A_310 = arith.constant 0 : i32
    %dma_start3A_311 = tpu.memref_slice %arg4[%dma_start3A_310] : memref<1048576xi32, #tpu.memory_space<hbm>> -> memref<1048576xi32, #tpu.memory_space<hbm>>
    tpu.enqueue_indirect_dma source(%dma_start3A_311 : memref<1048576xi32, #tpu.memory_space<hbm>>) target(%dma_start3A_306 : memref<128xi32, #tpu.memory_space<vmem>>) offsets(%dma_start3A_309 : memref<128xi32, #tpu.memory_space<vmem>>) semaphore(%arg11 : memref<!tpu.dma_semaphore, #tpu.memory_space<semaphore_mem>>)
    %dma_start3A_312 = arith.constant 15 : i32
    %dma_start3A_313 = arith.constant 15 : i32
    %dma_start3A_314 = arith.constant 0 : i32
    %dma_start3A_315 = tpu.memref_slice %arg9[%dma_start3A_313, %dma_start3A_314] : memref<16x128xi32, #tpu.memory_space<vmem>> -> memref<1x128xi32, #tpu.memory_space<vmem>>
    %dma_start3A_316 = tpu.memref_squeeze %dma_start3A_315 : memref<1x128xi32, #tpu.memory_space<vmem>> -> memref<128xi32, #tpu.memory_space<vmem>>
    %dma_start3A_317 = arith.constant 0 : i32
    %dma_start3A_318 = tpu.memref_slice %arg7[%dma_start3A_312, %dma_start3A_317] : memref<16x128xi32, #tpu.memory_space<vmem>> -> memref<1x128xi32, #tpu.memory_space<vmem>>
    %dma_start3A_319 = tpu.memref_squeeze %dma_start3A_318 : memref<1x128xi32, #tpu.memory_space<vmem>> -> memref<128xi32, #tpu.memory_space<vmem>>
    %dma_start3A_320 = arith.constant 0 : i32
    %dma_start3A_321 = tpu.memref_slice %arg4[%dma_start3A_320] : memref<1048576xi32, #tpu.memory_space<hbm>> -> memref<1048576xi32, #tpu.memory_space<hbm>>
    tpu.enqueue_indirect_dma source(%dma_start3A_321 : memref<1048576xi32, #tpu.memory_space<hbm>>) target(%dma_start3A_316 : memref<128xi32, #tpu.memory_space<vmem>>) offsets(%dma_start3A_319 : memref<128xi32, #tpu.memory_space<vmem>>) semaphore(%arg11 : memref<!tpu.dma_semaphore, #tpu.memory_space<semaphore_mem>>)
    %dma_wait3A = arith.constant 0 : i32
    %dma_wait3A_322 = arith.constant 0 : i32
    %dma_wait3A_323 = arith.constant 0 : i32
    %dma_wait3A_324 = tpu.memref_slice %arg8[%dma_wait3A_322, %dma_wait3A_323] : memref<16x128xi32, #tpu.memory_space<vmem>> -> memref<1x128xi32, #tpu.memory_space<vmem>>
    %dma_wait3A_325 = tpu.memref_squeeze %dma_wait3A_324 : memref<1x128xi32, #tpu.memory_space<vmem>> -> memref<128xi32, #tpu.memory_space<vmem>>
    %dma_wait3A_326 = arith.constant 0 : i32
    %dma_wait3A_327 = tpu.memref_slice %arg7[%dma_wait3A, %dma_wait3A_326] : memref<16x128xi32, #tpu.memory_space<vmem>> -> memref<1x128xi32, #tpu.memory_space<vmem>>
    %dma_wait3A_328 = tpu.memref_squeeze %dma_wait3A_327 : memref<1x128xi32, #tpu.memory_space<vmem>> -> memref<128xi32, #tpu.memory_space<vmem>>
    %dma_wait3A_329 = arith.constant 0 : i32
    %dma_wait3A_330 = tpu.memref_slice %arg3[%dma_wait3A_329] : memref<1048576xi32, #tpu.memory_space<hbm>> -> memref<1048576xi32, #tpu.memory_space<hbm>>
    tpu.wait_indirect_dma semaphore(%arg11 : memref<!tpu.dma_semaphore, #tpu.memory_space<semaphore_mem>>) src(%dma_wait3A_330 : memref<1048576xi32, #tpu.memory_space<hbm>>) dst(%dma_wait3A_325 : memref<128xi32, #tpu.memory_space<vmem>>)
    %dma_start3A_331 = arith.constant 0 : i32
    %dma_start3A_332 = arith.constant 0 : i32
    %dma_start3A_333 = arith.constant 0 : i32
    %dma_start3A_334 = tpu.memref_slice %arg10[%dma_start3A_332, %dma_start3A_333] : memref<16x128xi32, #tpu.memory_space<vmem>> -> memref<1x128xi32, #tpu.memory_space<vmem>>
    %dma_start3A_335 = tpu.memref_squeeze %dma_start3A_334 : memref<1x128xi32, #tpu.memory_space<vmem>> -> memref<128xi32, #tpu.memory_space<vmem>>
    %dma_start3A_336 = arith.constant 0 : i32
    %dma_start3A_337 = tpu.memref_slice %arg8[%dma_start3A_331, %dma_start3A_336] : memref<16x128xi32, #tpu.memory_space<vmem>> -> memref<1x128xi32, #tpu.memory_space<vmem>>
    %dma_start3A_338 = tpu.memref_squeeze %dma_start3A_337 : memref<1x128xi32, #tpu.memory_space<vmem>> -> memref<128xi32, #tpu.memory_space<vmem>>
    %dma_start3A_339 = arith.constant 0 : i32
    %dma_start3A_340 = tpu.memref_slice %arg5[%dma_start3A_339] : memref<1048576xi32, #tpu.memory_space<hbm>> -> memref<1048576xi32, #tpu.memory_space<hbm>>
    tpu.enqueue_indirect_dma source(%dma_start3A_340 : memref<1048576xi32, #tpu.memory_space<hbm>>) target(%dma_start3A_335 : memref<128xi32, #tpu.memory_space<vmem>>) offsets(%dma_start3A_338 : memref<128xi32, #tpu.memory_space<vmem>>) semaphore(%arg11 : memref<!tpu.dma_semaphore, #tpu.memory_space<semaphore_mem>>)
    %dma_wait3A_341 = arith.constant 1 : i32
    %dma_wait3A_342 = arith.constant 1 : i32
    %dma_wait3A_343 = arith.constant 0 : i32
    %dma_wait3A_344 = tpu.memref_slice %arg8[%dma_wait3A_342, %dma_wait3A_343] : memref<16x128xi32, #tpu.memory_space<vmem>> -> memref<1x128xi32, #tpu.memory_space<vmem>>
    %dma_wait3A_345 = tpu.memref_squeeze %dma_wait3A_344 : memref<1x128xi32, #tpu.memory_space<vmem>> -> memref<128xi32, #tpu.memory_space<vmem>>
    %dma_wait3A_346 = arith.constant 0 : i32
    %dma_wait3A_347 = tpu.memref_slice %arg7[%dma_wait3A_341, %dma_wait3A_346] : memref<16x128xi32, #tpu.memory_space<vmem>> -> memref<1x128xi32, #tpu.memory_space<vmem>>
    %dma_wait3A_348 = tpu.memref_squeeze %dma_wait3A_347 : memref<1x128xi32, #tpu.memory_space<vmem>> -> memref<128xi32, #tpu.memory_space<vmem>>
    %dma_wait3A_349 = arith.constant 0 : i32
    %dma_wait3A_350 = tpu.memref_slice %arg3[%dma_wait3A_349] : memref<1048576xi32, #tpu.memory_space<hbm>> -> memref<1048576xi32, #tpu.memory_space<hbm>>
    tpu.wait_indirect_dma semaphore(%arg11 : memref<!tpu.dma_semaphore, #tpu.memory_space<semaphore_mem>>) src(%dma_wait3A_350 : memref<1048576xi32, #tpu.memory_space<hbm>>) dst(%dma_wait3A_345 : memref<128xi32, #tpu.memory_space<vmem>>)
    %dma_start3A_351 = arith.constant 1 : i32
    %dma_start3A_352 = arith.constant 1 : i32
    %dma_start3A_353 = arith.constant 0 : i32
    %dma_start3A_354 = tpu.memref_slice %arg10[%dma_start3A_352, %dma_start3A_353] : memref<16x128xi32, #tpu.memory_space<vmem>> -> memref<1x128xi32, #tpu.memory_space<vmem>>
    %dma_start3A_355 = tpu.memref_squeeze %dma_start3A_354 : memref<1x128xi32, #tpu.memory_space<vmem>> -> memref<128xi32, #tpu.memory_space<vmem>>
    %dma_start3A_356 = arith.constant 0 : i32
    %dma_start3A_357 = tpu.memref_slice %arg8[%dma_start3A_351, %dma_start3A_356] : memref<16x128xi32, #tpu.memory_space<vmem>> -> memref<1x128xi32, #tpu.memory_space<vmem>>
    %dma_start3A_358 = tpu.memref_squeeze %dma_start3A_357 : memref<1x128xi32, #tpu.memory_space<vmem>> -> memref<128xi32, #tpu.memory_space<vmem>>
    %dma_start3A_359 = arith.constant 0 : i32
    %dma_start3A_360 = tpu.memref_slice %arg5[%dma_start3A_359] : memref<1048576xi32, #tpu.memory_space<hbm>> -> memref<1048576xi32, #tpu.memory_space<hbm>>
    tpu.enqueue_indirect_dma source(%dma_start3A_360 : memref<1048576xi32, #tpu.memory_space<hbm>>) target(%dma_start3A_355 : memref<128xi32, #tpu.memory_space<vmem>>) offsets(%dma_start3A_358 : memref<128xi32, #tpu.memory_space<vmem>>) semaphore(%arg11 : memref<!tpu.dma_semaphore, #tpu.memory_space<semaphore_mem>>)
    %dma_wait3A_361 = arith.constant 2 : i32
    %dma_wait3A_362 = arith.constant 2 : i32
    %dma_wait3A_363 = arith.constant 0 : i32
    %dma_wait3A_364 = tpu.memref_slice %arg8[%dma_wait3A_362, %dma_wait3A_363] : memref<16x128xi32, #tpu.memory_space<vmem>> -> memref<1x128xi32, #tpu.memory_space<vmem>>
    %dma_wait3A_365 = tpu.memref_squeeze %dma_wait3A_364 : memref<1x128xi32, #tpu.memory_space<vmem>> -> memref<128xi32, #tpu.memory_space<vmem>>
    %dma_wait3A_366 = arith.constant 0 : i32
    %dma_wait3A_367 = tpu.memref_slice %arg7[%dma_wait3A_361, %dma_wait3A_366] : memref<16x128xi32, #tpu.memory_space<vmem>> -> memref<1x128xi32, #tpu.memory_space<vmem>>
    %dma_wait3A_368 = tpu.memref_squeeze %dma_wait3A_367 : memref<1x128xi32, #tpu.memory_space<vmem>> -> memref<128xi32, #tpu.memory_space<vmem>>
    %dma_wait3A_369 = arith.constant 0 : i32
    %dma_wait3A_370 = tpu.memref_slice %arg3[%dma_wait3A_369] : memref<1048576xi32, #tpu.memory_space<hbm>> -> memref<1048576xi32, #tpu.memory_space<hbm>>
    tpu.wait_indirect_dma semaphore(%arg11 : memref<!tpu.dma_semaphore, #tpu.memory_space<semaphore_mem>>) src(%dma_wait3A_370 : memref<1048576xi32, #tpu.memory_space<hbm>>) dst(%dma_wait3A_365 : memref<128xi32, #tpu.memory_space<vmem>>)
    %dma_start3A_371 = arith.constant 2 : i32
    %dma_start3A_372 = arith.constant 2 : i32
    %dma_start3A_373 = arith.constant 0 : i32
    %dma_start3A_374 = tpu.memref_slice %arg10[%dma_start3A_372, %dma_start3A_373] : memref<16x128xi32, #tpu.memory_space<vmem>> -> memref<1x128xi32, #tpu.memory_space<vmem>>
    %dma_start3A_375 = tpu.memref_squeeze %dma_start3A_374 : memref<1x128xi32, #tpu.memory_space<vmem>> -> memref<128xi32, #tpu.memory_space<vmem>>
    %dma_start3A_376 = arith.constant 0 : i32
    %dma_start3A_377 = tpu.memref_slice %arg8[%dma_start3A_371, %dma_start3A_376] : memref<16x128xi32, #tpu.memory_space<vmem>> -> memref<1x128xi32, #tpu.memory_space<vmem>>
    %dma_start3A_378 = tpu.memref_squeeze %dma_start3A_377 : memref<1x128xi32, #tpu.memory_space<vmem>> -> memref<128xi32, #tpu.memory_space<vmem>>
    %dma_start3A_379 = arith.constant 0 : i32
    %dma_start3A_380 = tpu.memref_slice %arg5[%dma_start3A_379] : memref<1048576xi32, #tpu.memory_space<hbm>> -> memref<1048576xi32, #tpu.memory_space<hbm>>
    tpu.enqueue_indirect_dma source(%dma_start3A_380 : memref<1048576xi32, #tpu.memory_space<hbm>>) target(%dma_start3A_375 : memref<128xi32, #tpu.memory_space<vmem>>) offsets(%dma_start3A_378 : memref<128xi32, #tpu.memory_space<vmem>>) semaphore(%arg11 : memref<!tpu.dma_semaphore, #tpu.memory_space<semaphore_mem>>)
    %dma_wait3A_381 = arith.constant 3 : i32
    %dma_wait3A_382 = arith.constant 3 : i32
    %dma_wait3A_383 = arith.constant 0 : i32
    %dma_wait3A_384 = tpu.memref_slice %arg8[%dma_wait3A_382, %dma_wait3A_383] : memref<16x128xi32, #tpu.memory_space<vmem>> -> memref<1x128xi32, #tpu.memory_space<vmem>>
    %dma_wait3A_385 = tpu.memref_squeeze %dma_wait3A_384 : memref<1x128xi32, #tpu.memory_space<vmem>> -> memref<128xi32, #tpu.memory_space<vmem>>
    %dma_wait3A_386 = arith.constant 0 : i32
    %dma_wait3A_387 = tpu.memref_slice %arg7[%dma_wait3A_381, %dma_wait3A_386] : memref<16x128xi32, #tpu.memory_space<vmem>> -> memref<1x128xi32, #tpu.memory_space<vmem>>
    %dma_wait3A_388 = tpu.memref_squeeze %dma_wait3A_387 : memref<1x128xi32, #tpu.memory_space<vmem>> -> memref<128xi32, #tpu.memory_space<vmem>>
    %dma_wait3A_389 = arith.constant 0 : i32
    %dma_wait3A_390 = tpu.memref_slice %arg3[%dma_wait3A_389] : memref<1048576xi32, #tpu.memory_space<hbm>> -> memref<1048576xi32, #tpu.memory_space<hbm>>
    tpu.wait_indirect_dma semaphore(%arg11 : memref<!tpu.dma_semaphore, #tpu.memory_space<semaphore_mem>>) src(%dma_wait3A_390 : memref<1048576xi32, #tpu.memory_space<hbm>>) dst(%dma_wait3A_385 : memref<128xi32, #tpu.memory_space<vmem>>)
    %dma_start3A_391 = arith.constant 3 : i32
    %dma_start3A_392 = arith.constant 3 : i32
    %dma_start3A_393 = arith.constant 0 : i32
    %dma_start3A_394 = tpu.memref_slice %arg10[%dma_start3A_392, %dma_start3A_393] : memref<16x128xi32, #tpu.memory_space<vmem>> -> memref<1x128xi32, #tpu.memory_space<vmem>>
    %dma_start3A_395 = tpu.memref_squeeze %dma_start3A_394 : memref<1x128xi32, #tpu.memory_space<vmem>> -> memref<128xi32, #tpu.memory_space<vmem>>
    %dma_start3A_396 = arith.constant 0 : i32
    %dma_start3A_397 = tpu.memref_slice %arg8[%dma_start3A_391, %dma_start3A_396] : memref<16x128xi32, #tpu.memory_space<vmem>> -> memref<1x128xi32, #tpu.memory_space<vmem>>
    %dma_start3A_398 = tpu.memref_squeeze %dma_start3A_397 : memref<1x128xi32, #tpu.memory_space<vmem>> -> memref<128xi32, #tpu.memory_space<vmem>>
    %dma_start3A_399 = arith.constant 0 : i32
    %dma_start3A_400 = tpu.memref_slice %arg5[%dma_start3A_399] : memref<1048576xi32, #tpu.memory_space<hbm>> -> memref<1048576xi32, #tpu.memory_space<hbm>>
    tpu.enqueue_indirect_dma source(%dma_start3A_400 : memref<1048576xi32, #tpu.memory_space<hbm>>) target(%dma_start3A_395 : memref<128xi32, #tpu.memory_space<vmem>>) offsets(%dma_start3A_398 : memref<128xi32, #tpu.memory_space<vmem>>) semaphore(%arg11 : memref<!tpu.dma_semaphore, #tpu.memory_space<semaphore_mem>>)
    %dma_wait3A_401 = arith.constant 4 : i32
    %dma_wait3A_402 = arith.constant 4 : i32
    %dma_wait3A_403 = arith.constant 0 : i32
    %dma_wait3A_404 = tpu.memref_slice %arg8[%dma_wait3A_402, %dma_wait3A_403] : memref<16x128xi32, #tpu.memory_space<vmem>> -> memref<1x128xi32, #tpu.memory_space<vmem>>
    %dma_wait3A_405 = tpu.memref_squeeze %dma_wait3A_404 : memref<1x128xi32, #tpu.memory_space<vmem>> -> memref<128xi32, #tpu.memory_space<vmem>>
    %dma_wait3A_406 = arith.constant 0 : i32
    %dma_wait3A_407 = tpu.memref_slice %arg7[%dma_wait3A_401, %dma_wait3A_406] : memref<16x128xi32, #tpu.memory_space<vmem>> -> memref<1x128xi32, #tpu.memory_space<vmem>>
    %dma_wait3A_408 = tpu.memref_squeeze %dma_wait3A_407 : memref<1x128xi32, #tpu.memory_space<vmem>> -> memref<128xi32, #tpu.memory_space<vmem>>
    %dma_wait3A_409 = arith.constant 0 : i32
    %dma_wait3A_410 = tpu.memref_slice %arg3[%dma_wait3A_409] : memref<1048576xi32, #tpu.memory_space<hbm>> -> memref<1048576xi32, #tpu.memory_space<hbm>>
    tpu.wait_indirect_dma semaphore(%arg11 : memref<!tpu.dma_semaphore, #tpu.memory_space<semaphore_mem>>) src(%dma_wait3A_410 : memref<1048576xi32, #tpu.memory_space<hbm>>) dst(%dma_wait3A_405 : memref<128xi32, #tpu.memory_space<vmem>>)
    %dma_start3A_411 = arith.constant 4 : i32
    %dma_start3A_412 = arith.constant 4 : i32
    %dma_start3A_413 = arith.constant 0 : i32
    %dma_start3A_414 = tpu.memref_slice %arg10[%dma_start3A_412, %dma_start3A_413] : memref<16x128xi32, #tpu.memory_space<vmem>> -> memref<1x128xi32, #tpu.memory_space<vmem>>
    %dma_start3A_415 = tpu.memref_squeeze %dma_start3A_414 : memref<1x128xi32, #tpu.memory_space<vmem>> -> memref<128xi32, #tpu.memory_space<vmem>>
    %dma_start3A_416 = arith.constant 0 : i32
    %dma_start3A_417 = tpu.memref_slice %arg8[%dma_start3A_411, %dma_start3A_416] : memref<16x128xi32, #tpu.memory_space<vmem>> -> memref<1x128xi32, #tpu.memory_space<vmem>>
    %dma_start3A_418 = tpu.memref_squeeze %dma_start3A_417 : memref<1x128xi32, #tpu.memory_space<vmem>> -> memref<128xi32, #tpu.memory_space<vmem>>
    %dma_start3A_419 = arith.constant 0 : i32
    %dma_start3A_420 = tpu.memref_slice %arg5[%dma_start3A_419] : memref<1048576xi32, #tpu.memory_space<hbm>> -> memref<1048576xi32, #tpu.memory_space<hbm>>
    tpu.enqueue_indirect_dma source(%dma_start3A_420 : memref<1048576xi32, #tpu.memory_space<hbm>>) target(%dma_start3A_415 : memref<128xi32, #tpu.memory_space<vmem>>) offsets(%dma_start3A_418 : memref<128xi32, #tpu.memory_space<vmem>>) semaphore(%arg11 : memref<!tpu.dma_semaphore, #tpu.memory_space<semaphore_mem>>)
    %dma_wait3A_421 = arith.constant 5 : i32
    %dma_wait3A_422 = arith.constant 5 : i32
    %dma_wait3A_423 = arith.constant 0 : i32
    %dma_wait3A_424 = tpu.memref_slice %arg8[%dma_wait3A_422, %dma_wait3A_423] : memref<16x128xi32, #tpu.memory_space<vmem>> -> memref<1x128xi32, #tpu.memory_space<vmem>>
    %dma_wait3A_425 = tpu.memref_squeeze %dma_wait3A_424 : memref<1x128xi32, #tpu.memory_space<vmem>> -> memref<128xi32, #tpu.memory_space<vmem>>
    %dma_wait3A_426 = arith.constant 0 : i32
    %dma_wait3A_427 = tpu.memref_slice %arg7[%dma_wait3A_421, %dma_wait3A_426] : memref<16x128xi32, #tpu.memory_space<vmem>> -> memref<1x128xi32, #tpu.memory_space<vmem>>
    %dma_wait3A_428 = tpu.memref_squeeze %dma_wait3A_427 : memref<1x128xi32, #tpu.memory_space<vmem>> -> memref<128xi32, #tpu.memory_space<vmem>>
    %dma_wait3A_429 = arith.constant 0 : i32
    %dma_wait3A_430 = tpu.memref_slice %arg3[%dma_wait3A_429] : memref<1048576xi32, #tpu.memory_space<hbm>> -> memref<1048576xi32, #tpu.memory_space<hbm>>
    tpu.wait_indirect_dma semaphore(%arg11 : memref<!tpu.dma_semaphore, #tpu.memory_space<semaphore_mem>>) src(%dma_wait3A_430 : memref<1048576xi32, #tpu.memory_space<hbm>>) dst(%dma_wait3A_425 : memref<128xi32, #tpu.memory_space<vmem>>)
    %dma_start3A_431 = arith.constant 5 : i32
    %dma_start3A_432 = arith.constant 5 : i32
    %dma_start3A_433 = arith.constant 0 : i32
    %dma_start3A_434 = tpu.memref_slice %arg10[%dma_start3A_432, %dma_start3A_433] : memref<16x128xi32, #tpu.memory_space<vmem>> -> memref<1x128xi32, #tpu.memory_space<vmem>>
    %dma_start3A_435 = tpu.memref_squeeze %dma_start3A_434 : memref<1x128xi32, #tpu.memory_space<vmem>> -> memref<128xi32, #tpu.memory_space<vmem>>
    %dma_start3A_436 = arith.constant 0 : i32
    %dma_start3A_437 = tpu.memref_slice %arg8[%dma_start3A_431, %dma_start3A_436] : memref<16x128xi32, #tpu.memory_space<vmem>> -> memref<1x128xi32, #tpu.memory_space<vmem>>
    %dma_start3A_438 = tpu.memref_squeeze %dma_start3A_437 : memref<1x128xi32, #tpu.memory_space<vmem>> -> memref<128xi32, #tpu.memory_space<vmem>>
    %dma_start3A_439 = arith.constant 0 : i32
    %dma_start3A_440 = tpu.memref_slice %arg5[%dma_start3A_439] : memref<1048576xi32, #tpu.memory_space<hbm>> -> memref<1048576xi32, #tpu.memory_space<hbm>>
    tpu.enqueue_indirect_dma source(%dma_start3A_440 : memref<1048576xi32, #tpu.memory_space<hbm>>) target(%dma_start3A_435 : memref<128xi32, #tpu.memory_space<vmem>>) offsets(%dma_start3A_438 : memref<128xi32, #tpu.memory_space<vmem>>) semaphore(%arg11 : memref<!tpu.dma_semaphore, #tpu.memory_space<semaphore_mem>>)
    %dma_wait3A_441 = arith.constant 6 : i32
    %dma_wait3A_442 = arith.constant 6 : i32
    %dma_wait3A_443 = arith.constant 0 : i32
    %dma_wait3A_444 = tpu.memref_slice %arg8[%dma_wait3A_442, %dma_wait3A_443] : memref<16x128xi32, #tpu.memory_space<vmem>> -> memref<1x128xi32, #tpu.memory_space<vmem>>
    %dma_wait3A_445 = tpu.memref_squeeze %dma_wait3A_444 : memref<1x128xi32, #tpu.memory_space<vmem>> -> memref<128xi32, #tpu.memory_space<vmem>>
    %dma_wait3A_446 = arith.constant 0 : i32
    %dma_wait3A_447 = tpu.memref_slice %arg7[%dma_wait3A_441, %dma_wait3A_446] : memref<16x128xi32, #tpu.memory_space<vmem>> -> memref<1x128xi32, #tpu.memory_space<vmem>>
    %dma_wait3A_448 = tpu.memref_squeeze %dma_wait3A_447 : memref<1x128xi32, #tpu.memory_space<vmem>> -> memref<128xi32, #tpu.memory_space<vmem>>
    %dma_wait3A_449 = arith.constant 0 : i32
    %dma_wait3A_450 = tpu.memref_slice %arg3[%dma_wait3A_449] : memref<1048576xi32, #tpu.memory_space<hbm>> -> memref<1048576xi32, #tpu.memory_space<hbm>>
    tpu.wait_indirect_dma semaphore(%arg11 : memref<!tpu.dma_semaphore, #tpu.memory_space<semaphore_mem>>) src(%dma_wait3A_450 : memref<1048576xi32, #tpu.memory_space<hbm>>) dst(%dma_wait3A_445 : memref<128xi32, #tpu.memory_space<vmem>>)
    %dma_start3A_451 = arith.constant 6 : i32
    %dma_start3A_452 = arith.constant 6 : i32
    %dma_start3A_453 = arith.constant 0 : i32
    %dma_start3A_454 = tpu.memref_slice %arg10[%dma_start3A_452, %dma_start3A_453] : memref<16x128xi32, #tpu.memory_space<vmem>> -> memref<1x128xi32, #tpu.memory_space<vmem>>
    %dma_start3A_455 = tpu.memref_squeeze %dma_start3A_454 : memref<1x128xi32, #tpu.memory_space<vmem>> -> memref<128xi32, #tpu.memory_space<vmem>>
    %dma_start3A_456 = arith.constant 0 : i32
    %dma_start3A_457 = tpu.memref_slice %arg8[%dma_start3A_451, %dma_start3A_456] : memref<16x128xi32, #tpu.memory_space<vmem>> -> memref<1x128xi32, #tpu.memory_space<vmem>>
    %dma_start3A_458 = tpu.memref_squeeze %dma_start3A_457 : memref<1x128xi32, #tpu.memory_space<vmem>> -> memref<128xi32, #tpu.memory_space<vmem>>
    %dma_start3A_459 = arith.constant 0 : i32
    %dma_start3A_460 = tpu.memref_slice %arg5[%dma_start3A_459] : memref<1048576xi32, #tpu.memory_space<hbm>> -> memref<1048576xi32, #tpu.memory_space<hbm>>
    tpu.enqueue_indirect_dma source(%dma_start3A_460 : memref<1048576xi32, #tpu.memory_space<hbm>>) target(%dma_start3A_455 : memref<128xi32, #tpu.memory_space<vmem>>) offsets(%dma_start3A_458 : memref<128xi32, #tpu.memory_space<vmem>>) semaphore(%arg11 : memref<!tpu.dma_semaphore, #tpu.memory_space<semaphore_mem>>)
    %dma_wait3A_461 = arith.constant 7 : i32
    %dma_wait3A_462 = arith.constant 7 : i32
    %dma_wait3A_463 = arith.constant 0 : i32
    %dma_wait3A_464 = tpu.memref_slice %arg8[%dma_wait3A_462, %dma_wait3A_463] : memref<16x128xi32, #tpu.memory_space<vmem>> -> memref<1x128xi32, #tpu.memory_space<vmem>>
    %dma_wait3A_465 = tpu.memref_squeeze %dma_wait3A_464 : memref<1x128xi32, #tpu.memory_space<vmem>> -> memref<128xi32, #tpu.memory_space<vmem>>
    %dma_wait3A_466 = arith.constant 0 : i32
    %dma_wait3A_467 = tpu.memref_slice %arg7[%dma_wait3A_461, %dma_wait3A_466] : memref<16x128xi32, #tpu.memory_space<vmem>> -> memref<1x128xi32, #tpu.memory_space<vmem>>
    %dma_wait3A_468 = tpu.memref_squeeze %dma_wait3A_467 : memref<1x128xi32, #tpu.memory_space<vmem>> -> memref<128xi32, #tpu.memory_space<vmem>>
    %dma_wait3A_469 = arith.constant 0 : i32
    %dma_wait3A_470 = tpu.memref_slice %arg3[%dma_wait3A_469] : memref<1048576xi32, #tpu.memory_space<hbm>> -> memref<1048576xi32, #tpu.memory_space<hbm>>
    tpu.wait_indirect_dma semaphore(%arg11 : memref<!tpu.dma_semaphore, #tpu.memory_space<semaphore_mem>>) src(%dma_wait3A_470 : memref<1048576xi32, #tpu.memory_space<hbm>>) dst(%dma_wait3A_465 : memref<128xi32, #tpu.memory_space<vmem>>)
    %dma_start3A_471 = arith.constant 7 : i32
    %dma_start3A_472 = arith.constant 7 : i32
    %dma_start3A_473 = arith.constant 0 : i32
    %dma_start3A_474 = tpu.memref_slice %arg10[%dma_start3A_472, %dma_start3A_473] : memref<16x128xi32, #tpu.memory_space<vmem>> -> memref<1x128xi32, #tpu.memory_space<vmem>>
    %dma_start3A_475 = tpu.memref_squeeze %dma_start3A_474 : memref<1x128xi32, #tpu.memory_space<vmem>> -> memref<128xi32, #tpu.memory_space<vmem>>
    %dma_start3A_476 = arith.constant 0 : i32
    %dma_start3A_477 = tpu.memref_slice %arg8[%dma_start3A_471, %dma_start3A_476] : memref<16x128xi32, #tpu.memory_space<vmem>> -> memref<1x128xi32, #tpu.memory_space<vmem>>
    %dma_start3A_478 = tpu.memref_squeeze %dma_start3A_477 : memref<1x128xi32, #tpu.memory_space<vmem>> -> memref<128xi32, #tpu.memory_space<vmem>>
    %dma_start3A_479 = arith.constant 0 : i32
    %dma_start3A_480 = tpu.memref_slice %arg5[%dma_start3A_479] : memref<1048576xi32, #tpu.memory_space<hbm>> -> memref<1048576xi32, #tpu.memory_space<hbm>>
    tpu.enqueue_indirect_dma source(%dma_start3A_480 : memref<1048576xi32, #tpu.memory_space<hbm>>) target(%dma_start3A_475 : memref<128xi32, #tpu.memory_space<vmem>>) offsets(%dma_start3A_478 : memref<128xi32, #tpu.memory_space<vmem>>) semaphore(%arg11 : memref<!tpu.dma_semaphore, #tpu.memory_space<semaphore_mem>>)
    %dma_wait3A_481 = arith.constant 8 : i32
    %dma_wait3A_482 = arith.constant 8 : i32
    %dma_wait3A_483 = arith.constant 0 : i32
    %dma_wait3A_484 = tpu.memref_slice %arg8[%dma_wait3A_482, %dma_wait3A_483] : memref<16x128xi32, #tpu.memory_space<vmem>> -> memref<1x128xi32, #tpu.memory_space<vmem>>
    %dma_wait3A_485 = tpu.memref_squeeze %dma_wait3A_484 : memref<1x128xi32, #tpu.memory_space<vmem>> -> memref<128xi32, #tpu.memory_space<vmem>>
    %dma_wait3A_486 = arith.constant 0 : i32
    %dma_wait3A_487 = tpu.memref_slice %arg7[%dma_wait3A_481, %dma_wait3A_486] : memref<16x128xi32, #tpu.memory_space<vmem>> -> memref<1x128xi32, #tpu.memory_space<vmem>>
    %dma_wait3A_488 = tpu.memref_squeeze %dma_wait3A_487 : memref<1x128xi32, #tpu.memory_space<vmem>> -> memref<128xi32, #tpu.memory_space<vmem>>
    %dma_wait3A_489 = arith.constant 0 : i32
    %dma_wait3A_490 = tpu.memref_slice %arg3[%dma_wait3A_489] : memref<1048576xi32, #tpu.memory_space<hbm>> -> memref<1048576xi32, #tpu.memory_space<hbm>>
    tpu.wait_indirect_dma semaphore(%arg11 : memref<!tpu.dma_semaphore, #tpu.memory_space<semaphore_mem>>) src(%dma_wait3A_490 : memref<1048576xi32, #tpu.memory_space<hbm>>) dst(%dma_wait3A_485 : memref<128xi32, #tpu.memory_space<vmem>>)
    %dma_start3A_491 = arith.constant 8 : i32
    %dma_start3A_492 = arith.constant 8 : i32
    %dma_start3A_493 = arith.constant 0 : i32
    %dma_start3A_494 = tpu.memref_slice %arg10[%dma_start3A_492, %dma_start3A_493] : memref<16x128xi32, #tpu.memory_space<vmem>> -> memref<1x128xi32, #tpu.memory_space<vmem>>
    %dma_start3A_495 = tpu.memref_squeeze %dma_start3A_494 : memref<1x128xi32, #tpu.memory_space<vmem>> -> memref<128xi32, #tpu.memory_space<vmem>>
    %dma_start3A_496 = arith.constant 0 : i32
    %dma_start3A_497 = tpu.memref_slice %arg8[%dma_start3A_491, %dma_start3A_496] : memref<16x128xi32, #tpu.memory_space<vmem>> -> memref<1x128xi32, #tpu.memory_space<vmem>>
    %dma_start3A_498 = tpu.memref_squeeze %dma_start3A_497 : memref<1x128xi32, #tpu.memory_space<vmem>> -> memref<128xi32, #tpu.memory_space<vmem>>
    %dma_start3A_499 = arith.constant 0 : i32
    %dma_start3A_500 = tpu.memref_slice %arg5[%dma_start3A_499] : memref<1048576xi32, #tpu.memory_space<hbm>> -> memref<1048576xi32, #tpu.memory_space<hbm>>
    tpu.enqueue_indirect_dma source(%dma_start3A_500 : memref<1048576xi32, #tpu.memory_space<hbm>>) target(%dma_start3A_495 : memref<128xi32, #tpu.memory_space<vmem>>) offsets(%dma_start3A_498 : memref<128xi32, #tpu.memory_space<vmem>>) semaphore(%arg11 : memref<!tpu.dma_semaphore, #tpu.memory_space<semaphore_mem>>)
    %dma_wait3A_501 = arith.constant 9 : i32
    %dma_wait3A_502 = arith.constant 9 : i32
    %dma_wait3A_503 = arith.constant 0 : i32
    %dma_wait3A_504 = tpu.memref_slice %arg8[%dma_wait3A_502, %dma_wait3A_503] : memref<16x128xi32, #tpu.memory_space<vmem>> -> memref<1x128xi32, #tpu.memory_space<vmem>>
    %dma_wait3A_505 = tpu.memref_squeeze %dma_wait3A_504 : memref<1x128xi32, #tpu.memory_space<vmem>> -> memref<128xi32, #tpu.memory_space<vmem>>
    %dma_wait3A_506 = arith.constant 0 : i32
    %dma_wait3A_507 = tpu.memref_slice %arg7[%dma_wait3A_501, %dma_wait3A_506] : memref<16x128xi32, #tpu.memory_space<vmem>> -> memref<1x128xi32, #tpu.memory_space<vmem>>
    %dma_wait3A_508 = tpu.memref_squeeze %dma_wait3A_507 : memref<1x128xi32, #tpu.memory_space<vmem>> -> memref<128xi32, #tpu.memory_space<vmem>>
    %dma_wait3A_509 = arith.constant 0 : i32
    %dma_wait3A_510 = tpu.memref_slice %arg3[%dma_wait3A_509] : memref<1048576xi32, #tpu.memory_space<hbm>> -> memref<1048576xi32, #tpu.memory_space<hbm>>
    tpu.wait_indirect_dma semaphore(%arg11 : memref<!tpu.dma_semaphore, #tpu.memory_space<semaphore_mem>>) src(%dma_wait3A_510 : memref<1048576xi32, #tpu.memory_space<hbm>>) dst(%dma_wait3A_505 : memref<128xi32, #tpu.memory_space<vmem>>)
    %dma_start3A_511 = arith.constant 9 : i32
    %dma_start3A_512 = arith.constant 9 : i32
    %dma_start3A_513 = arith.constant 0 : i32
    %dma_start3A_514 = tpu.memref_slice %arg10[%dma_start3A_512, %dma_start3A_513] : memref<16x128xi32, #tpu.memory_space<vmem>> -> memref<1x128xi32, #tpu.memory_space<vmem>>
    %dma_start3A_515 = tpu.memref_squeeze %dma_start3A_514 : memref<1x128xi32, #tpu.memory_space<vmem>> -> memref<128xi32, #tpu.memory_space<vmem>>
    %dma_start3A_516 = arith.constant 0 : i32
    %dma_start3A_517 = tpu.memref_slice %arg8[%dma_start3A_511, %dma_start3A_516] : memref<16x128xi32, #tpu.memory_space<vmem>> -> memref<1x128xi32, #tpu.memory_space<vmem>>
    %dma_start3A_518 = tpu.memref_squeeze %dma_start3A_517 : memref<1x128xi32, #tpu.memory_space<vmem>> -> memref<128xi32, #tpu.memory_space<vmem>>
    %dma_start3A_519 = arith.constant 0 : i32
    %dma_start3A_520 = tpu.memref_slice %arg5[%dma_start3A_519] : memref<1048576xi32, #tpu.memory_space<hbm>> -> memref<1048576xi32, #tpu.memory_space<hbm>>
    tpu.enqueue_indirect_dma source(%dma_start3A_520 : memref<1048576xi32, #tpu.memory_space<hbm>>) target(%dma_start3A_515 : memref<128xi32, #tpu.memory_space<vmem>>) offsets(%dma_start3A_518 : memref<128xi32, #tpu.memory_space<vmem>>) semaphore(%arg11 : memref<!tpu.dma_semaphore, #tpu.memory_space<semaphore_mem>>)
    %dma_wait3A_521 = arith.constant 10 : i32
    %dma_wait3A_522 = arith.constant 10 : i32
    %dma_wait3A_523 = arith.constant 0 : i32
    %dma_wait3A_524 = tpu.memref_slice %arg8[%dma_wait3A_522, %dma_wait3A_523] : memref<16x128xi32, #tpu.memory_space<vmem>> -> memref<1x128xi32, #tpu.memory_space<vmem>>
    %dma_wait3A_525 = tpu.memref_squeeze %dma_wait3A_524 : memref<1x128xi32, #tpu.memory_space<vmem>> -> memref<128xi32, #tpu.memory_space<vmem>>
    %dma_wait3A_526 = arith.constant 0 : i32
    %dma_wait3A_527 = tpu.memref_slice %arg7[%dma_wait3A_521, %dma_wait3A_526] : memref<16x128xi32, #tpu.memory_space<vmem>> -> memref<1x128xi32, #tpu.memory_space<vmem>>
    %dma_wait3A_528 = tpu.memref_squeeze %dma_wait3A_527 : memref<1x128xi32, #tpu.memory_space<vmem>> -> memref<128xi32, #tpu.memory_space<vmem>>
    %dma_wait3A_529 = arith.constant 0 : i32
    %dma_wait3A_530 = tpu.memref_slice %arg3[%dma_wait3A_529] : memref<1048576xi32, #tpu.memory_space<hbm>> -> memref<1048576xi32, #tpu.memory_space<hbm>>
    tpu.wait_indirect_dma semaphore(%arg11 : memref<!tpu.dma_semaphore, #tpu.memory_space<semaphore_mem>>) src(%dma_wait3A_530 : memref<1048576xi32, #tpu.memory_space<hbm>>) dst(%dma_wait3A_525 : memref<128xi32, #tpu.memory_space<vmem>>)
    %dma_start3A_531 = arith.constant 10 : i32
    %dma_start3A_532 = arith.constant 10 : i32
    %dma_start3A_533 = arith.constant 0 : i32
    %dma_start3A_534 = tpu.memref_slice %arg10[%dma_start3A_532, %dma_start3A_533] : memref<16x128xi32, #tpu.memory_space<vmem>> -> memref<1x128xi32, #tpu.memory_space<vmem>>
    %dma_start3A_535 = tpu.memref_squeeze %dma_start3A_534 : memref<1x128xi32, #tpu.memory_space<vmem>> -> memref<128xi32, #tpu.memory_space<vmem>>
    %dma_start3A_536 = arith.constant 0 : i32
    %dma_start3A_537 = tpu.memref_slice %arg8[%dma_start3A_531, %dma_start3A_536] : memref<16x128xi32, #tpu.memory_space<vmem>> -> memref<1x128xi32, #tpu.memory_space<vmem>>
    %dma_start3A_538 = tpu.memref_squeeze %dma_start3A_537 : memref<1x128xi32, #tpu.memory_space<vmem>> -> memref<128xi32, #tpu.memory_space<vmem>>
    %dma_start3A_539 = arith.constant 0 : i32
    %dma_start3A_540 = tpu.memref_slice %arg5[%dma_start3A_539] : memref<1048576xi32, #tpu.memory_space<hbm>> -> memref<1048576xi32, #tpu.memory_space<hbm>>
    tpu.enqueue_indirect_dma source(%dma_start3A_540 : memref<1048576xi32, #tpu.memory_space<hbm>>) target(%dma_start3A_535 : memref<128xi32, #tpu.memory_space<vmem>>) offsets(%dma_start3A_538 : memref<128xi32, #tpu.memory_space<vmem>>) semaphore(%arg11 : memref<!tpu.dma_semaphore, #tpu.memory_space<semaphore_mem>>)
    %dma_wait3A_541 = arith.constant 11 : i32
    %dma_wait3A_542 = arith.constant 11 : i32
    %dma_wait3A_543 = arith.constant 0 : i32
    %dma_wait3A_544 = tpu.memref_slice %arg8[%dma_wait3A_542, %dma_wait3A_543] : memref<16x128xi32, #tpu.memory_space<vmem>> -> memref<1x128xi32, #tpu.memory_space<vmem>>
    %dma_wait3A_545 = tpu.memref_squeeze %dma_wait3A_544 : memref<1x128xi32, #tpu.memory_space<vmem>> -> memref<128xi32, #tpu.memory_space<vmem>>
    %dma_wait3A_546 = arith.constant 0 : i32
    %dma_wait3A_547 = tpu.memref_slice %arg7[%dma_wait3A_541, %dma_wait3A_546] : memref<16x128xi32, #tpu.memory_space<vmem>> -> memref<1x128xi32, #tpu.memory_space<vmem>>
    %dma_wait3A_548 = tpu.memref_squeeze %dma_wait3A_547 : memref<1x128xi32, #tpu.memory_space<vmem>> -> memref<128xi32, #tpu.memory_space<vmem>>
    %dma_wait3A_549 = arith.constant 0 : i32
    %dma_wait3A_550 = tpu.memref_slice %arg3[%dma_wait3A_549] : memref<1048576xi32, #tpu.memory_space<hbm>> -> memref<1048576xi32, #tpu.memory_space<hbm>>
    tpu.wait_indirect_dma semaphore(%arg11 : memref<!tpu.dma_semaphore, #tpu.memory_space<semaphore_mem>>) src(%dma_wait3A_550 : memref<1048576xi32, #tpu.memory_space<hbm>>) dst(%dma_wait3A_545 : memref<128xi32, #tpu.memory_space<vmem>>)
    %dma_start3A_551 = arith.constant 11 : i32
    %dma_start3A_552 = arith.constant 11 : i32
    %dma_start3A_553 = arith.constant 0 : i32
    %dma_start3A_554 = tpu.memref_slice %arg10[%dma_start3A_552, %dma_start3A_553] : memref<16x128xi32, #tpu.memory_space<vmem>> -> memref<1x128xi32, #tpu.memory_space<vmem>>
    %dma_start3A_555 = tpu.memref_squeeze %dma_start3A_554 : memref<1x128xi32, #tpu.memory_space<vmem>> -> memref<128xi32, #tpu.memory_space<vmem>>
    %dma_start3A_556 = arith.constant 0 : i32
    %dma_start3A_557 = tpu.memref_slice %arg8[%dma_start3A_551, %dma_start3A_556] : memref<16x128xi32, #tpu.memory_space<vmem>> -> memref<1x128xi32, #tpu.memory_space<vmem>>
    %dma_start3A_558 = tpu.memref_squeeze %dma_start3A_557 : memref<1x128xi32, #tpu.memory_space<vmem>> -> memref<128xi32, #tpu.memory_space<vmem>>
    %dma_start3A_559 = arith.constant 0 : i32
    %dma_start3A_560 = tpu.memref_slice %arg5[%dma_start3A_559] : memref<1048576xi32, #tpu.memory_space<hbm>> -> memref<1048576xi32, #tpu.memory_space<hbm>>
    tpu.enqueue_indirect_dma source(%dma_start3A_560 : memref<1048576xi32, #tpu.memory_space<hbm>>) target(%dma_start3A_555 : memref<128xi32, #tpu.memory_space<vmem>>) offsets(%dma_start3A_558 : memref<128xi32, #tpu.memory_space<vmem>>) semaphore(%arg11 : memref<!tpu.dma_semaphore, #tpu.memory_space<semaphore_mem>>)
    %dma_wait3A_561 = arith.constant 12 : i32
    %dma_wait3A_562 = arith.constant 12 : i32
    %dma_wait3A_563 = arith.constant 0 : i32
    %dma_wait3A_564 = tpu.memref_slice %arg8[%dma_wait3A_562, %dma_wait3A_563] : memref<16x128xi32, #tpu.memory_space<vmem>> -> memref<1x128xi32, #tpu.memory_space<vmem>>
    %dma_wait3A_565 = tpu.memref_squeeze %dma_wait3A_564 : memref<1x128xi32, #tpu.memory_space<vmem>> -> memref<128xi32, #tpu.memory_space<vmem>>
    %dma_wait3A_566 = arith.constant 0 : i32
    %dma_wait3A_567 = tpu.memref_slice %arg7[%dma_wait3A_561, %dma_wait3A_566] : memref<16x128xi32, #tpu.memory_space<vmem>> -> memref<1x128xi32, #tpu.memory_space<vmem>>
    %dma_wait3A_568 = tpu.memref_squeeze %dma_wait3A_567 : memref<1x128xi32, #tpu.memory_space<vmem>> -> memref<128xi32, #tpu.memory_space<vmem>>
    %dma_wait3A_569 = arith.constant 0 : i32
    %dma_wait3A_570 = tpu.memref_slice %arg3[%dma_wait3A_569] : memref<1048576xi32, #tpu.memory_space<hbm>> -> memref<1048576xi32, #tpu.memory_space<hbm>>
    tpu.wait_indirect_dma semaphore(%arg11 : memref<!tpu.dma_semaphore, #tpu.memory_space<semaphore_mem>>) src(%dma_wait3A_570 : memref<1048576xi32, #tpu.memory_space<hbm>>) dst(%dma_wait3A_565 : memref<128xi32, #tpu.memory_space<vmem>>)
    %dma_start3A_571 = arith.constant 12 : i32
    %dma_start3A_572 = arith.constant 12 : i32
    %dma_start3A_573 = arith.constant 0 : i32
    %dma_start3A_574 = tpu.memref_slice %arg10[%dma_start3A_572, %dma_start3A_573] : memref<16x128xi32, #tpu.memory_space<vmem>> -> memref<1x128xi32, #tpu.memory_space<vmem>>
    %dma_start3A_575 = tpu.memref_squeeze %dma_start3A_574 : memref<1x128xi32, #tpu.memory_space<vmem>> -> memref<128xi32, #tpu.memory_space<vmem>>
    %dma_start3A_576 = arith.constant 0 : i32
    %dma_start3A_577 = tpu.memref_slice %arg8[%dma_start3A_571, %dma_start3A_576] : memref<16x128xi32, #tpu.memory_space<vmem>> -> memref<1x128xi32, #tpu.memory_space<vmem>>
    %dma_start3A_578 = tpu.memref_squeeze %dma_start3A_577 : memref<1x128xi32, #tpu.memory_space<vmem>> -> memref<128xi32, #tpu.memory_space<vmem>>
    %dma_start3A_579 = arith.constant 0 : i32
    %dma_start3A_580 = tpu.memref_slice %arg5[%dma_start3A_579] : memref<1048576xi32, #tpu.memory_space<hbm>> -> memref<1048576xi32, #tpu.memory_space<hbm>>
    tpu.enqueue_indirect_dma source(%dma_start3A_580 : memref<1048576xi32, #tpu.memory_space<hbm>>) target(%dma_start3A_575 : memref<128xi32, #tpu.memory_space<vmem>>) offsets(%dma_start3A_578 : memref<128xi32, #tpu.memory_space<vmem>>) semaphore(%arg11 : memref<!tpu.dma_semaphore, #tpu.memory_space<semaphore_mem>>)
    %dma_wait3A_581 = arith.constant 13 : i32
    %dma_wait3A_582 = arith.constant 13 : i32
    %dma_wait3A_583 = arith.constant 0 : i32
    %dma_wait3A_584 = tpu.memref_slice %arg8[%dma_wait3A_582, %dma_wait3A_583] : memref<16x128xi32, #tpu.memory_space<vmem>> -> memref<1x128xi32, #tpu.memory_space<vmem>>
    %dma_wait3A_585 = tpu.memref_squeeze %dma_wait3A_584 : memref<1x128xi32, #tpu.memory_space<vmem>> -> memref<128xi32, #tpu.memory_space<vmem>>
    %dma_wait3A_586 = arith.constant 0 : i32
    %dma_wait3A_587 = tpu.memref_slice %arg7[%dma_wait3A_581, %dma_wait3A_586] : memref<16x128xi32, #tpu.memory_space<vmem>> -> memref<1x128xi32, #tpu.memory_space<vmem>>
    %dma_wait3A_588 = tpu.memref_squeeze %dma_wait3A_587 : memref<1x128xi32, #tpu.memory_space<vmem>> -> memref<128xi32, #tpu.memory_space<vmem>>
    %dma_wait3A_589 = arith.constant 0 : i32
    %dma_wait3A_590 = tpu.memref_slice %arg3[%dma_wait3A_589] : memref<1048576xi32, #tpu.memory_space<hbm>> -> memref<1048576xi32, #tpu.memory_space<hbm>>
    tpu.wait_indirect_dma semaphore(%arg11 : memref<!tpu.dma_semaphore, #tpu.memory_space<semaphore_mem>>) src(%dma_wait3A_590 : memref<1048576xi32, #tpu.memory_space<hbm>>) dst(%dma_wait3A_585 : memref<128xi32, #tpu.memory_space<vmem>>)
    %dma_start3A_591 = arith.constant 13 : i32
    %dma_start3A_592 = arith.constant 13 : i32
    %dma_start3A_593 = arith.constant 0 : i32
    %dma_start3A_594 = tpu.memref_slice %arg10[%dma_start3A_592, %dma_start3A_593] : memref<16x128xi32, #tpu.memory_space<vmem>> -> memref<1x128xi32, #tpu.memory_space<vmem>>
    %dma_start3A_595 = tpu.memref_squeeze %dma_start3A_594 : memref<1x128xi32, #tpu.memory_space<vmem>> -> memref<128xi32, #tpu.memory_space<vmem>>
    %dma_start3A_596 = arith.constant 0 : i32
    %dma_start3A_597 = tpu.memref_slice %arg8[%dma_start3A_591, %dma_start3A_596] : memref<16x128xi32, #tpu.memory_space<vmem>> -> memref<1x128xi32, #tpu.memory_space<vmem>>
    %dma_start3A_598 = tpu.memref_squeeze %dma_start3A_597 : memref<1x128xi32, #tpu.memory_space<vmem>> -> memref<128xi32, #tpu.memory_space<vmem>>
    %dma_start3A_599 = arith.constant 0 : i32
    %dma_start3A_600 = tpu.memref_slice %arg5[%dma_start3A_599] : memref<1048576xi32, #tpu.memory_space<hbm>> -> memref<1048576xi32, #tpu.memory_space<hbm>>
    tpu.enqueue_indirect_dma source(%dma_start3A_600 : memref<1048576xi32, #tpu.memory_space<hbm>>) target(%dma_start3A_595 : memref<128xi32, #tpu.memory_space<vmem>>) offsets(%dma_start3A_598 : memref<128xi32, #tpu.memory_space<vmem>>) semaphore(%arg11 : memref<!tpu.dma_semaphore, #tpu.memory_space<semaphore_mem>>)
    %dma_wait3A_601 = arith.constant 14 : i32
    %dma_wait3A_602 = arith.constant 14 : i32
    %dma_wait3A_603 = arith.constant 0 : i32
    %dma_wait3A_604 = tpu.memref_slice %arg8[%dma_wait3A_602, %dma_wait3A_603] : memref<16x128xi32, #tpu.memory_space<vmem>> -> memref<1x128xi32, #tpu.memory_space<vmem>>
    %dma_wait3A_605 = tpu.memref_squeeze %dma_wait3A_604 : memref<1x128xi32, #tpu.memory_space<vmem>> -> memref<128xi32, #tpu.memory_space<vmem>>
    %dma_wait3A_606 = arith.constant 0 : i32
    %dma_wait3A_607 = tpu.memref_slice %arg7[%dma_wait3A_601, %dma_wait3A_606] : memref<16x128xi32, #tpu.memory_space<vmem>> -> memref<1x128xi32, #tpu.memory_space<vmem>>
    %dma_wait3A_608 = tpu.memref_squeeze %dma_wait3A_607 : memref<1x128xi32, #tpu.memory_space<vmem>> -> memref<128xi32, #tpu.memory_space<vmem>>
    %dma_wait3A_609 = arith.constant 0 : i32
    %dma_wait3A_610 = tpu.memref_slice %arg3[%dma_wait3A_609] : memref<1048576xi32, #tpu.memory_space<hbm>> -> memref<1048576xi32, #tpu.memory_space<hbm>>
    tpu.wait_indirect_dma semaphore(%arg11 : memref<!tpu.dma_semaphore, #tpu.memory_space<semaphore_mem>>) src(%dma_wait3A_610 : memref<1048576xi32, #tpu.memory_space<hbm>>) dst(%dma_wait3A_605 : memref<128xi32, #tpu.memory_space<vmem>>)
    %dma_start3A_611 = arith.constant 14 : i32
    %dma_start3A_612 = arith.constant 14 : i32
    %dma_start3A_613 = arith.constant 0 : i32
    %dma_start3A_614 = tpu.memref_slice %arg10[%dma_start3A_612, %dma_start3A_613] : memref<16x128xi32, #tpu.memory_space<vmem>> -> memref<1x128xi32, #tpu.memory_space<vmem>>
    %dma_start3A_615 = tpu.memref_squeeze %dma_start3A_614 : memref<1x128xi32, #tpu.memory_space<vmem>> -> memref<128xi32, #tpu.memory_space<vmem>>
    %dma_start3A_616 = arith.constant 0 : i32
    %dma_start3A_617 = tpu.memref_slice %arg8[%dma_start3A_611, %dma_start3A_616] : memref<16x128xi32, #tpu.memory_space<vmem>> -> memref<1x128xi32, #tpu.memory_space<vmem>>
    %dma_start3A_618 = tpu.memref_squeeze %dma_start3A_617 : memref<1x128xi32, #tpu.memory_space<vmem>> -> memref<128xi32, #tpu.memory_space<vmem>>
    %dma_start3A_619 = arith.constant 0 : i32
    %dma_start3A_620 = tpu.memref_slice %arg5[%dma_start3A_619] : memref<1048576xi32, #tpu.memory_space<hbm>> -> memref<1048576xi32, #tpu.memory_space<hbm>>
    tpu.enqueue_indirect_dma source(%dma_start3A_620 : memref<1048576xi32, #tpu.memory_space<hbm>>) target(%dma_start3A_615 : memref<128xi32, #tpu.memory_space<vmem>>) offsets(%dma_start3A_618 : memref<128xi32, #tpu.memory_space<vmem>>) semaphore(%arg11 : memref<!tpu.dma_semaphore, #tpu.memory_space<semaphore_mem>>)
    %dma_wait3A_621 = arith.constant 15 : i32
    %dma_wait3A_622 = arith.constant 15 : i32
    %dma_wait3A_623 = arith.constant 0 : i32
    %dma_wait3A_624 = tpu.memref_slice %arg8[%dma_wait3A_622, %dma_wait3A_623] : memref<16x128xi32, #tpu.memory_space<vmem>> -> memref<1x128xi32, #tpu.memory_space<vmem>>
    %dma_wait3A_625 = tpu.memref_squeeze %dma_wait3A_624 : memref<1x128xi32, #tpu.memory_space<vmem>> -> memref<128xi32, #tpu.memory_space<vmem>>
    %dma_wait3A_626 = arith.constant 0 : i32
    %dma_wait3A_627 = tpu.memref_slice %arg7[%dma_wait3A_621, %dma_wait3A_626] : memref<16x128xi32, #tpu.memory_space<vmem>> -> memref<1x128xi32, #tpu.memory_space<vmem>>
    %dma_wait3A_628 = tpu.memref_squeeze %dma_wait3A_627 : memref<1x128xi32, #tpu.memory_space<vmem>> -> memref<128xi32, #tpu.memory_space<vmem>>
    %dma_wait3A_629 = arith.constant 0 : i32
    %dma_wait3A_630 = tpu.memref_slice %arg3[%dma_wait3A_629] : memref<1048576xi32, #tpu.memory_space<hbm>> -> memref<1048576xi32, #tpu.memory_space<hbm>>
    tpu.wait_indirect_dma semaphore(%arg11 : memref<!tpu.dma_semaphore, #tpu.memory_space<semaphore_mem>>) src(%dma_wait3A_630 : memref<1048576xi32, #tpu.memory_space<hbm>>) dst(%dma_wait3A_625 : memref<128xi32, #tpu.memory_space<vmem>>)
    %dma_start3A_631 = arith.constant 15 : i32
    %dma_start3A_632 = arith.constant 15 : i32
    %dma_start3A_633 = arith.constant 0 : i32
    %dma_start3A_634 = tpu.memref_slice %arg10[%dma_start3A_632, %dma_start3A_633] : memref<16x128xi32, #tpu.memory_space<vmem>> -> memref<1x128xi32, #tpu.memory_space<vmem>>
    %dma_start3A_635 = tpu.memref_squeeze %dma_start3A_634 : memref<1x128xi32, #tpu.memory_space<vmem>> -> memref<128xi32, #tpu.memory_space<vmem>>
    %dma_start3A_636 = arith.constant 0 : i32
    %dma_start3A_637 = tpu.memref_slice %arg8[%dma_start3A_631, %dma_start3A_636] : memref<16x128xi32, #tpu.memory_space<vmem>> -> memref<1x128xi32, #tpu.memory_space<vmem>>
    %dma_start3A_638 = tpu.memref_squeeze %dma_start3A_637 : memref<1x128xi32, #tpu.memory_space<vmem>> -> memref<128xi32, #tpu.memory_space<vmem>>
    %dma_start3A_639 = arith.constant 0 : i32
    %dma_start3A_640 = tpu.memref_slice %arg5[%dma_start3A_639] : memref<1048576xi32, #tpu.memory_space<hbm>> -> memref<1048576xi32, #tpu.memory_space<hbm>>
    tpu.enqueue_indirect_dma source(%dma_start3A_640 : memref<1048576xi32, #tpu.memory_space<hbm>>) target(%dma_start3A_635 : memref<128xi32, #tpu.memory_space<vmem>>) offsets(%dma_start3A_638 : memref<128xi32, #tpu.memory_space<vmem>>) semaphore(%arg11 : memref<!tpu.dma_semaphore, #tpu.memory_space<semaphore_mem>>)
    %dma_wait3A_641 = arith.constant 0 : i32
    %dma_wait3A_642 = arith.constant 0 : i32
    %dma_wait3A_643 = arith.constant 0 : i32
    %dma_wait3A_644 = tpu.memref_slice %arg9[%dma_wait3A_642, %dma_wait3A_643] : memref<16x128xi32, #tpu.memory_space<vmem>> -> memref<1x128xi32, #tpu.memory_space<vmem>>
    %dma_wait3A_645 = tpu.memref_squeeze %dma_wait3A_644 : memref<1x128xi32, #tpu.memory_space<vmem>> -> memref<128xi32, #tpu.memory_space<vmem>>
    %dma_wait3A_646 = arith.constant 0 : i32
    %dma_wait3A_647 = tpu.memref_slice %arg7[%dma_wait3A_641, %dma_wait3A_646] : memref<16x128xi32, #tpu.memory_space<vmem>> -> memref<1x128xi32, #tpu.memory_space<vmem>>
    %dma_wait3A_648 = tpu.memref_squeeze %dma_wait3A_647 : memref<1x128xi32, #tpu.memory_space<vmem>> -> memref<128xi32, #tpu.memory_space<vmem>>
    %dma_wait3A_649 = arith.constant 0 : i32
    %dma_wait3A_650 = tpu.memref_slice %arg4[%dma_wait3A_649] : memref<1048576xi32, #tpu.memory_space<hbm>> -> memref<1048576xi32, #tpu.memory_space<hbm>>
    tpu.wait_indirect_dma semaphore(%arg11 : memref<!tpu.dma_semaphore, #tpu.memory_space<semaphore_mem>>) src(%dma_wait3A_650 : memref<1048576xi32, #tpu.memory_space<hbm>>) dst(%dma_wait3A_645 : memref<128xi32, #tpu.memory_space<vmem>>)
    %dma_wait3A_651 = arith.constant 1 : i32
    %dma_wait3A_652 = arith.constant 1 : i32
    %dma_wait3A_653 = arith.constant 0 : i32
    %dma_wait3A_654 = tpu.memref_slice %arg9[%dma_wait3A_652, %dma_wait3A_653] : memref<16x128xi32, #tpu.memory_space<vmem>> -> memref<1x128xi32, #tpu.memory_space<vmem>>
    %dma_wait3A_655 = tpu.memref_squeeze %dma_wait3A_654 : memref<1x128xi32, #tpu.memory_space<vmem>> -> memref<128xi32, #tpu.memory_space<vmem>>
    %dma_wait3A_656 = arith.constant 0 : i32
    %dma_wait3A_657 = tpu.memref_slice %arg7[%dma_wait3A_651, %dma_wait3A_656] : memref<16x128xi32, #tpu.memory_space<vmem>> -> memref<1x128xi32, #tpu.memory_space<vmem>>
    %dma_wait3A_658 = tpu.memref_squeeze %dma_wait3A_657 : memref<1x128xi32, #tpu.memory_space<vmem>> -> memref<128xi32, #tpu.memory_space<vmem>>
    %dma_wait3A_659 = arith.constant 0 : i32
    %dma_wait3A_660 = tpu.memref_slice %arg4[%dma_wait3A_659] : memref<1048576xi32, #tpu.memory_space<hbm>> -> memref<1048576xi32, #tpu.memory_space<hbm>>
    tpu.wait_indirect_dma semaphore(%arg11 : memref<!tpu.dma_semaphore, #tpu.memory_space<semaphore_mem>>) src(%dma_wait3A_660 : memref<1048576xi32, #tpu.memory_space<hbm>>) dst(%dma_wait3A_655 : memref<128xi32, #tpu.memory_space<vmem>>)
    %dma_wait3A_661 = arith.constant 2 : i32
    %dma_wait3A_662 = arith.constant 2 : i32
    %dma_wait3A_663 = arith.constant 0 : i32
    %dma_wait3A_664 = tpu.memref_slice %arg9[%dma_wait3A_662, %dma_wait3A_663] : memref<16x128xi32, #tpu.memory_space<vmem>> -> memref<1x128xi32, #tpu.memory_space<vmem>>
    %dma_wait3A_665 = tpu.memref_squeeze %dma_wait3A_664 : memref<1x128xi32, #tpu.memory_space<vmem>> -> memref<128xi32, #tpu.memory_space<vmem>>
    %dma_wait3A_666 = arith.constant 0 : i32
    %dma_wait3A_667 = tpu.memref_slice %arg7[%dma_wait3A_661, %dma_wait3A_666] : memref<16x128xi32, #tpu.memory_space<vmem>> -> memref<1x128xi32, #tpu.memory_space<vmem>>
    %dma_wait3A_668 = tpu.memref_squeeze %dma_wait3A_667 : memref<1x128xi32, #tpu.memory_space<vmem>> -> memref<128xi32, #tpu.memory_space<vmem>>
    %dma_wait3A_669 = arith.constant 0 : i32
    %dma_wait3A_670 = tpu.memref_slice %arg4[%dma_wait3A_669] : memref<1048576xi32, #tpu.memory_space<hbm>> -> memref<1048576xi32, #tpu.memory_space<hbm>>
    tpu.wait_indirect_dma semaphore(%arg11 : memref<!tpu.dma_semaphore, #tpu.memory_space<semaphore_mem>>) src(%dma_wait3A_670 : memref<1048576xi32, #tpu.memory_space<hbm>>) dst(%dma_wait3A_665 : memref<128xi32, #tpu.memory_space<vmem>>)
    %dma_wait3A_671 = arith.constant 3 : i32
    %dma_wait3A_672 = arith.constant 3 : i32
    %dma_wait3A_673 = arith.constant 0 : i32
    %dma_wait3A_674 = tpu.memref_slice %arg9[%dma_wait3A_672, %dma_wait3A_673] : memref<16x128xi32, #tpu.memory_space<vmem>> -> memref<1x128xi32, #tpu.memory_space<vmem>>
    %dma_wait3A_675 = tpu.memref_squeeze %dma_wait3A_674 : memref<1x128xi32, #tpu.memory_space<vmem>> -> memref<128xi32, #tpu.memory_space<vmem>>
    %dma_wait3A_676 = arith.constant 0 : i32
    %dma_wait3A_677 = tpu.memref_slice %arg7[%dma_wait3A_671, %dma_wait3A_676] : memref<16x128xi32, #tpu.memory_space<vmem>> -> memref<1x128xi32, #tpu.memory_space<vmem>>
    %dma_wait3A_678 = tpu.memref_squeeze %dma_wait3A_677 : memref<1x128xi32, #tpu.memory_space<vmem>> -> memref<128xi32, #tpu.memory_space<vmem>>
    %dma_wait3A_679 = arith.constant 0 : i32
    %dma_wait3A_680 = tpu.memref_slice %arg4[%dma_wait3A_679] : memref<1048576xi32, #tpu.memory_space<hbm>> -> memref<1048576xi32, #tpu.memory_space<hbm>>
    tpu.wait_indirect_dma semaphore(%arg11 : memref<!tpu.dma_semaphore, #tpu.memory_space<semaphore_mem>>) src(%dma_wait3A_680 : memref<1048576xi32, #tpu.memory_space<hbm>>) dst(%dma_wait3A_675 : memref<128xi32, #tpu.memory_space<vmem>>)
    %dma_wait3A_681 = arith.constant 4 : i32
    %dma_wait3A_682 = arith.constant 4 : i32
    %dma_wait3A_683 = arith.constant 0 : i32
    %dma_wait3A_684 = tpu.memref_slice %arg9[%dma_wait3A_682, %dma_wait3A_683] : memref<16x128xi32, #tpu.memory_space<vmem>> -> memref<1x128xi32, #tpu.memory_space<vmem>>
    %dma_wait3A_685 = tpu.memref_squeeze %dma_wait3A_684 : memref<1x128xi32, #tpu.memory_space<vmem>> -> memref<128xi32, #tpu.memory_space<vmem>>
    %dma_wait3A_686 = arith.constant 0 : i32
    %dma_wait3A_687 = tpu.memref_slice %arg7[%dma_wait3A_681, %dma_wait3A_686] : memref<16x128xi32, #tpu.memory_space<vmem>> -> memref<1x128xi32, #tpu.memory_space<vmem>>
    %dma_wait3A_688 = tpu.memref_squeeze %dma_wait3A_687 : memref<1x128xi32, #tpu.memory_space<vmem>> -> memref<128xi32, #tpu.memory_space<vmem>>
    %dma_wait3A_689 = arith.constant 0 : i32
    %dma_wait3A_690 = tpu.memref_slice %arg4[%dma_wait3A_689] : memref<1048576xi32, #tpu.memory_space<hbm>> -> memref<1048576xi32, #tpu.memory_space<hbm>>
    tpu.wait_indirect_dma semaphore(%arg11 : memref<!tpu.dma_semaphore, #tpu.memory_space<semaphore_mem>>) src(%dma_wait3A_690 : memref<1048576xi32, #tpu.memory_space<hbm>>) dst(%dma_wait3A_685 : memref<128xi32, #tpu.memory_space<vmem>>)
    %dma_wait3A_691 = arith.constant 5 : i32
    %dma_wait3A_692 = arith.constant 5 : i32
    %dma_wait3A_693 = arith.constant 0 : i32
    %dma_wait3A_694 = tpu.memref_slice %arg9[%dma_wait3A_692, %dma_wait3A_693] : memref<16x128xi32, #tpu.memory_space<vmem>> -> memref<1x128xi32, #tpu.memory_space<vmem>>
    %dma_wait3A_695 = tpu.memref_squeeze %dma_wait3A_694 : memref<1x128xi32, #tpu.memory_space<vmem>> -> memref<128xi32, #tpu.memory_space<vmem>>
    %dma_wait3A_696 = arith.constant 0 : i32
    %dma_wait3A_697 = tpu.memref_slice %arg7[%dma_wait3A_691, %dma_wait3A_696] : memref<16x128xi32, #tpu.memory_space<vmem>> -> memref<1x128xi32, #tpu.memory_space<vmem>>
    %dma_wait3A_698 = tpu.memref_squeeze %dma_wait3A_697 : memref<1x128xi32, #tpu.memory_space<vmem>> -> memref<128xi32, #tpu.memory_space<vmem>>
    %dma_wait3A_699 = arith.constant 0 : i32
    %dma_wait3A_700 = tpu.memref_slice %arg4[%dma_wait3A_699] : memref<1048576xi32, #tpu.memory_space<hbm>> -> memref<1048576xi32, #tpu.memory_space<hbm>>
    tpu.wait_indirect_dma semaphore(%arg11 : memref<!tpu.dma_semaphore, #tpu.memory_space<semaphore_mem>>) src(%dma_wait3A_700 : memref<1048576xi32, #tpu.memory_space<hbm>>) dst(%dma_wait3A_695 : memref<128xi32, #tpu.memory_space<vmem>>)
    %dma_wait3A_701 = arith.constant 6 : i32
    %dma_wait3A_702 = arith.constant 6 : i32
    %dma_wait3A_703 = arith.constant 0 : i32
    %dma_wait3A_704 = tpu.memref_slice %arg9[%dma_wait3A_702, %dma_wait3A_703] : memref<16x128xi32, #tpu.memory_space<vmem>> -> memref<1x128xi32, #tpu.memory_space<vmem>>
    %dma_wait3A_705 = tpu.memref_squeeze %dma_wait3A_704 : memref<1x128xi32, #tpu.memory_space<vmem>> -> memref<128xi32, #tpu.memory_space<vmem>>
    %dma_wait3A_706 = arith.constant 0 : i32
    %dma_wait3A_707 = tpu.memref_slice %arg7[%dma_wait3A_701, %dma_wait3A_706] : memref<16x128xi32, #tpu.memory_space<vmem>> -> memref<1x128xi32, #tpu.memory_space<vmem>>
    %dma_wait3A_708 = tpu.memref_squeeze %dma_wait3A_707 : memref<1x128xi32, #tpu.memory_space<vmem>> -> memref<128xi32, #tpu.memory_space<vmem>>
    %dma_wait3A_709 = arith.constant 0 : i32
    %dma_wait3A_710 = tpu.memref_slice %arg4[%dma_wait3A_709] : memref<1048576xi32, #tpu.memory_space<hbm>> -> memref<1048576xi32, #tpu.memory_space<hbm>>
    tpu.wait_indirect_dma semaphore(%arg11 : memref<!tpu.dma_semaphore, #tpu.memory_space<semaphore_mem>>) src(%dma_wait3A_710 : memref<1048576xi32, #tpu.memory_space<hbm>>) dst(%dma_wait3A_705 : memref<128xi32, #tpu.memory_space<vmem>>)
    %dma_wait3A_711 = arith.constant 7 : i32
    %dma_wait3A_712 = arith.constant 7 : i32
    %dma_wait3A_713 = arith.constant 0 : i32
    %dma_wait3A_714 = tpu.memref_slice %arg9[%dma_wait3A_712, %dma_wait3A_713] : memref<16x128xi32, #tpu.memory_space<vmem>> -> memref<1x128xi32, #tpu.memory_space<vmem>>
    %dma_wait3A_715 = tpu.memref_squeeze %dma_wait3A_714 : memref<1x128xi32, #tpu.memory_space<vmem>> -> memref<128xi32, #tpu.memory_space<vmem>>
    %dma_wait3A_716 = arith.constant 0 : i32
    %dma_wait3A_717 = tpu.memref_slice %arg7[%dma_wait3A_711, %dma_wait3A_716] : memref<16x128xi32, #tpu.memory_space<vmem>> -> memref<1x128xi32, #tpu.memory_space<vmem>>
    %dma_wait3A_718 = tpu.memref_squeeze %dma_wait3A_717 : memref<1x128xi32, #tpu.memory_space<vmem>> -> memref<128xi32, #tpu.memory_space<vmem>>
    %dma_wait3A_719 = arith.constant 0 : i32
    %dma_wait3A_720 = tpu.memref_slice %arg4[%dma_wait3A_719] : memref<1048576xi32, #tpu.memory_space<hbm>> -> memref<1048576xi32, #tpu.memory_space<hbm>>
    tpu.wait_indirect_dma semaphore(%arg11 : memref<!tpu.dma_semaphore, #tpu.memory_space<semaphore_mem>>) src(%dma_wait3A_720 : memref<1048576xi32, #tpu.memory_space<hbm>>) dst(%dma_wait3A_715 : memref<128xi32, #tpu.memory_space<vmem>>)
    %dma_wait3A_721 = arith.constant 8 : i32
    %dma_wait3A_722 = arith.constant 8 : i32
    %dma_wait3A_723 = arith.constant 0 : i32
    %dma_wait3A_724 = tpu.memref_slice %arg9[%dma_wait3A_722, %dma_wait3A_723] : memref<16x128xi32, #tpu.memory_space<vmem>> -> memref<1x128xi32, #tpu.memory_space<vmem>>
    %dma_wait3A_725 = tpu.memref_squeeze %dma_wait3A_724 : memref<1x128xi32, #tpu.memory_space<vmem>> -> memref<128xi32, #tpu.memory_space<vmem>>
    %dma_wait3A_726 = arith.constant 0 : i32
    %dma_wait3A_727 = tpu.memref_slice %arg7[%dma_wait3A_721, %dma_wait3A_726] : memref<16x128xi32, #tpu.memory_space<vmem>> -> memref<1x128xi32, #tpu.memory_space<vmem>>
    %dma_wait3A_728 = tpu.memref_squeeze %dma_wait3A_727 : memref<1x128xi32, #tpu.memory_space<vmem>> -> memref<128xi32, #tpu.memory_space<vmem>>
    %dma_wait3A_729 = arith.constant 0 : i32
    %dma_wait3A_730 = tpu.memref_slice %arg4[%dma_wait3A_729] : memref<1048576xi32, #tpu.memory_space<hbm>> -> memref<1048576xi32, #tpu.memory_space<hbm>>
    tpu.wait_indirect_dma semaphore(%arg11 : memref<!tpu.dma_semaphore, #tpu.memory_space<semaphore_mem>>) src(%dma_wait3A_730 : memref<1048576xi32, #tpu.memory_space<hbm>>) dst(%dma_wait3A_725 : memref<128xi32, #tpu.memory_space<vmem>>)
    %dma_wait3A_731 = arith.constant 9 : i32
    %dma_wait3A_732 = arith.constant 9 : i32
    %dma_wait3A_733 = arith.constant 0 : i32
    %dma_wait3A_734 = tpu.memref_slice %arg9[%dma_wait3A_732, %dma_wait3A_733] : memref<16x128xi32, #tpu.memory_space<vmem>> -> memref<1x128xi32, #tpu.memory_space<vmem>>
    %dma_wait3A_735 = tpu.memref_squeeze %dma_wait3A_734 : memref<1x128xi32, #tpu.memory_space<vmem>> -> memref<128xi32, #tpu.memory_space<vmem>>
    %dma_wait3A_736 = arith.constant 0 : i32
    %dma_wait3A_737 = tpu.memref_slice %arg7[%dma_wait3A_731, %dma_wait3A_736] : memref<16x128xi32, #tpu.memory_space<vmem>> -> memref<1x128xi32, #tpu.memory_space<vmem>>
    %dma_wait3A_738 = tpu.memref_squeeze %dma_wait3A_737 : memref<1x128xi32, #tpu.memory_space<vmem>> -> memref<128xi32, #tpu.memory_space<vmem>>
    %dma_wait3A_739 = arith.constant 0 : i32
    %dma_wait3A_740 = tpu.memref_slice %arg4[%dma_wait3A_739] : memref<1048576xi32, #tpu.memory_space<hbm>> -> memref<1048576xi32, #tpu.memory_space<hbm>>
    tpu.wait_indirect_dma semaphore(%arg11 : memref<!tpu.dma_semaphore, #tpu.memory_space<semaphore_mem>>) src(%dma_wait3A_740 : memref<1048576xi32, #tpu.memory_space<hbm>>) dst(%dma_wait3A_735 : memref<128xi32, #tpu.memory_space<vmem>>)
    %dma_wait3A_741 = arith.constant 10 : i32
    %dma_wait3A_742 = arith.constant 10 : i32
    %dma_wait3A_743 = arith.constant 0 : i32
    %dma_wait3A_744 = tpu.memref_slice %arg9[%dma_wait3A_742, %dma_wait3A_743] : memref<16x128xi32, #tpu.memory_space<vmem>> -> memref<1x128xi32, #tpu.memory_space<vmem>>
    %dma_wait3A_745 = tpu.memref_squeeze %dma_wait3A_744 : memref<1x128xi32, #tpu.memory_space<vmem>> -> memref<128xi32, #tpu.memory_space<vmem>>
    %dma_wait3A_746 = arith.constant 0 : i32
    %dma_wait3A_747 = tpu.memref_slice %arg7[%dma_wait3A_741, %dma_wait3A_746] : memref<16x128xi32, #tpu.memory_space<vmem>> -> memref<1x128xi32, #tpu.memory_space<vmem>>
    %dma_wait3A_748 = tpu.memref_squeeze %dma_wait3A_747 : memref<1x128xi32, #tpu.memory_space<vmem>> -> memref<128xi32, #tpu.memory_space<vmem>>
    %dma_wait3A_749 = arith.constant 0 : i32
    %dma_wait3A_750 = tpu.memref_slice %arg4[%dma_wait3A_749] : memref<1048576xi32, #tpu.memory_space<hbm>> -> memref<1048576xi32, #tpu.memory_space<hbm>>
    tpu.wait_indirect_dma semaphore(%arg11 : memref<!tpu.dma_semaphore, #tpu.memory_space<semaphore_mem>>) src(%dma_wait3A_750 : memref<1048576xi32, #tpu.memory_space<hbm>>) dst(%dma_wait3A_745 : memref<128xi32, #tpu.memory_space<vmem>>)
    %dma_wait3A_751 = arith.constant 11 : i32
    %dma_wait3A_752 = arith.constant 11 : i32
    %dma_wait3A_753 = arith.constant 0 : i32
    %dma_wait3A_754 = tpu.memref_slice %arg9[%dma_wait3A_752, %dma_wait3A_753] : memref<16x128xi32, #tpu.memory_space<vmem>> -> memref<1x128xi32, #tpu.memory_space<vmem>>
    %dma_wait3A_755 = tpu.memref_squeeze %dma_wait3A_754 : memref<1x128xi32, #tpu.memory_space<vmem>> -> memref<128xi32, #tpu.memory_space<vmem>>
    %dma_wait3A_756 = arith.constant 0 : i32
    %dma_wait3A_757 = tpu.memref_slice %arg7[%dma_wait3A_751, %dma_wait3A_756] : memref<16x128xi32, #tpu.memory_space<vmem>> -> memref<1x128xi32, #tpu.memory_space<vmem>>
    %dma_wait3A_758 = tpu.memref_squeeze %dma_wait3A_757 : memref<1x128xi32, #tpu.memory_space<vmem>> -> memref<128xi32, #tpu.memory_space<vmem>>
    %dma_wait3A_759 = arith.constant 0 : i32
    %dma_wait3A_760 = tpu.memref_slice %arg4[%dma_wait3A_759] : memref<1048576xi32, #tpu.memory_space<hbm>> -> memref<1048576xi32, #tpu.memory_space<hbm>>
    tpu.wait_indirect_dma semaphore(%arg11 : memref<!tpu.dma_semaphore, #tpu.memory_space<semaphore_mem>>) src(%dma_wait3A_760 : memref<1048576xi32, #tpu.memory_space<hbm>>) dst(%dma_wait3A_755 : memref<128xi32, #tpu.memory_space<vmem>>)
    %dma_wait3A_761 = arith.constant 12 : i32
    %dma_wait3A_762 = arith.constant 12 : i32
    %dma_wait3A_763 = arith.constant 0 : i32
    %dma_wait3A_764 = tpu.memref_slice %arg9[%dma_wait3A_762, %dma_wait3A_763] : memref<16x128xi32, #tpu.memory_space<vmem>> -> memref<1x128xi32, #tpu.memory_space<vmem>>
    %dma_wait3A_765 = tpu.memref_squeeze %dma_wait3A_764 : memref<1x128xi32, #tpu.memory_space<vmem>> -> memref<128xi32, #tpu.memory_space<vmem>>
    %dma_wait3A_766 = arith.constant 0 : i32
    %dma_wait3A_767 = tpu.memref_slice %arg7[%dma_wait3A_761, %dma_wait3A_766] : memref<16x128xi32, #tpu.memory_space<vmem>> -> memref<1x128xi32, #tpu.memory_space<vmem>>
    %dma_wait3A_768 = tpu.memref_squeeze %dma_wait3A_767 : memref<1x128xi32, #tpu.memory_space<vmem>> -> memref<128xi32, #tpu.memory_space<vmem>>
    %dma_wait3A_769 = arith.constant 0 : i32
    %dma_wait3A_770 = tpu.memref_slice %arg4[%dma_wait3A_769] : memref<1048576xi32, #tpu.memory_space<hbm>> -> memref<1048576xi32, #tpu.memory_space<hbm>>
    tpu.wait_indirect_dma semaphore(%arg11 : memref<!tpu.dma_semaphore, #tpu.memory_space<semaphore_mem>>) src(%dma_wait3A_770 : memref<1048576xi32, #tpu.memory_space<hbm>>) dst(%dma_wait3A_765 : memref<128xi32, #tpu.memory_space<vmem>>)
    %dma_wait3A_771 = arith.constant 13 : i32
    %dma_wait3A_772 = arith.constant 13 : i32
    %dma_wait3A_773 = arith.constant 0 : i32
    %dma_wait3A_774 = tpu.memref_slice %arg9[%dma_wait3A_772, %dma_wait3A_773] : memref<16x128xi32, #tpu.memory_space<vmem>> -> memref<1x128xi32, #tpu.memory_space<vmem>>
    %dma_wait3A_775 = tpu.memref_squeeze %dma_wait3A_774 : memref<1x128xi32, #tpu.memory_space<vmem>> -> memref<128xi32, #tpu.memory_space<vmem>>
    %dma_wait3A_776 = arith.constant 0 : i32
    %dma_wait3A_777 = tpu.memref_slice %arg7[%dma_wait3A_771, %dma_wait3A_776] : memref<16x128xi32, #tpu.memory_space<vmem>> -> memref<1x128xi32, #tpu.memory_space<vmem>>
    %dma_wait3A_778 = tpu.memref_squeeze %dma_wait3A_777 : memref<1x128xi32, #tpu.memory_space<vmem>> -> memref<128xi32, #tpu.memory_space<vmem>>
    %dma_wait3A_779 = arith.constant 0 : i32
    %dma_wait3A_780 = tpu.memref_slice %arg4[%dma_wait3A_779] : memref<1048576xi32, #tpu.memory_space<hbm>> -> memref<1048576xi32, #tpu.memory_space<hbm>>
    tpu.wait_indirect_dma semaphore(%arg11 : memref<!tpu.dma_semaphore, #tpu.memory_space<semaphore_mem>>) src(%dma_wait3A_780 : memref<1048576xi32, #tpu.memory_space<hbm>>) dst(%dma_wait3A_775 : memref<128xi32, #tpu.memory_space<vmem>>)
    %dma_wait3A_781 = arith.constant 14 : i32
    %dma_wait3A_782 = arith.constant 14 : i32
    %dma_wait3A_783 = arith.constant 0 : i32
    %dma_wait3A_784 = tpu.memref_slice %arg9[%dma_wait3A_782, %dma_wait3A_783] : memref<16x128xi32, #tpu.memory_space<vmem>> -> memref<1x128xi32, #tpu.memory_space<vmem>>
    %dma_wait3A_785 = tpu.memref_squeeze %dma_wait3A_784 : memref<1x128xi32, #tpu.memory_space<vmem>> -> memref<128xi32, #tpu.memory_space<vmem>>
    %dma_wait3A_786 = arith.constant 0 : i32
    %dma_wait3A_787 = tpu.memref_slice %arg7[%dma_wait3A_781, %dma_wait3A_786] : memref<16x128xi32, #tpu.memory_space<vmem>> -> memref<1x128xi32, #tpu.memory_space<vmem>>
    %dma_wait3A_788 = tpu.memref_squeeze %dma_wait3A_787 : memref<1x128xi32, #tpu.memory_space<vmem>> -> memref<128xi32, #tpu.memory_space<vmem>>
    %dma_wait3A_789 = arith.constant 0 : i32
    %dma_wait3A_790 = tpu.memref_slice %arg4[%dma_wait3A_789] : memref<1048576xi32, #tpu.memory_space<hbm>> -> memref<1048576xi32, #tpu.memory_space<hbm>>
    tpu.wait_indirect_dma semaphore(%arg11 : memref<!tpu.dma_semaphore, #tpu.memory_space<semaphore_mem>>) src(%dma_wait3A_790 : memref<1048576xi32, #tpu.memory_space<hbm>>) dst(%dma_wait3A_785 : memref<128xi32, #tpu.memory_space<vmem>>)
    %dma_wait3A_791 = arith.constant 15 : i32
    %dma_wait3A_792 = arith.constant 15 : i32
    %dma_wait3A_793 = arith.constant 0 : i32
    %dma_wait3A_794 = tpu.memref_slice %arg9[%dma_wait3A_792, %dma_wait3A_793] : memref<16x128xi32, #tpu.memory_space<vmem>> -> memref<1x128xi32, #tpu.memory_space<vmem>>
    %dma_wait3A_795 = tpu.memref_squeeze %dma_wait3A_794 : memref<1x128xi32, #tpu.memory_space<vmem>> -> memref<128xi32, #tpu.memory_space<vmem>>
    %dma_wait3A_796 = arith.constant 0 : i32
    %dma_wait3A_797 = tpu.memref_slice %arg7[%dma_wait3A_791, %dma_wait3A_796] : memref<16x128xi32, #tpu.memory_space<vmem>> -> memref<1x128xi32, #tpu.memory_space<vmem>>
    %dma_wait3A_798 = tpu.memref_squeeze %dma_wait3A_797 : memref<1x128xi32, #tpu.memory_space<vmem>> -> memref<128xi32, #tpu.memory_space<vmem>>
    %dma_wait3A_799 = arith.constant 0 : i32
    %dma_wait3A_800 = tpu.memref_slice %arg4[%dma_wait3A_799] : memref<1048576xi32, #tpu.memory_space<hbm>> -> memref<1048576xi32, #tpu.memory_space<hbm>>
    tpu.wait_indirect_dma semaphore(%arg11 : memref<!tpu.dma_semaphore, #tpu.memory_space<semaphore_mem>>) src(%dma_wait3A_800 : memref<1048576xi32, #tpu.memory_space<hbm>>) dst(%dma_wait3A_795 : memref<128xi32, #tpu.memory_space<vmem>>)
    %dma_wait3A_801 = arith.constant 0 : i32
    %dma_wait3A_802 = arith.constant 0 : i32
    %dma_wait3A_803 = arith.constant 0 : i32
    %dma_wait3A_804 = tpu.memref_slice %arg10[%dma_wait3A_802, %dma_wait3A_803] : memref<16x128xi32, #tpu.memory_space<vmem>> -> memref<1x128xi32, #tpu.memory_space<vmem>>
    %dma_wait3A_805 = tpu.memref_squeeze %dma_wait3A_804 : memref<1x128xi32, #tpu.memory_space<vmem>> -> memref<128xi32, #tpu.memory_space<vmem>>
    %dma_wait3A_806 = arith.constant 0 : i32
    %dma_wait3A_807 = tpu.memref_slice %arg8[%dma_wait3A_801, %dma_wait3A_806] : memref<16x128xi32, #tpu.memory_space<vmem>> -> memref<1x128xi32, #tpu.memory_space<vmem>>
    %dma_wait3A_808 = tpu.memref_squeeze %dma_wait3A_807 : memref<1x128xi32, #tpu.memory_space<vmem>> -> memref<128xi32, #tpu.memory_space<vmem>>
    %dma_wait3A_809 = arith.constant 0 : i32
    %dma_wait3A_810 = tpu.memref_slice %arg5[%dma_wait3A_809] : memref<1048576xi32, #tpu.memory_space<hbm>> -> memref<1048576xi32, #tpu.memory_space<hbm>>
    tpu.wait_indirect_dma semaphore(%arg11 : memref<!tpu.dma_semaphore, #tpu.memory_space<semaphore_mem>>) src(%dma_wait3A_810 : memref<1048576xi32, #tpu.memory_space<hbm>>) dst(%dma_wait3A_805 : memref<128xi32, #tpu.memory_space<vmem>>)
    %get3A = arith.constant 0 : i32
    %get3A_811 = arith.index_cast %get3A : i32 to index
    %get3A_812 = arith.constant 0 : index
    %get3A_813 = tpu.vector_load %arg9[%get3A_811, %get3A_812] {strides = array<i32>} : memref<16x128xi32, #tpu.memory_space<vmem>>, vector<1x16xi32>,
    %get3A_814 = vector.shape_cast %get3A_813 : vector<1x16xi32> to vector<16xi32>
    %gt3A = arith.constant 0 : i32
    %gt3A_815 = vector.broadcast %gt3A : i32 to vector<16xi32>
    %gt3A_816 = arith.cmpi sgt, %get3A_814, %gt3A_815 : vector<16xi32>
    %get3A_817 = arith.constant 0 : i32
    %get3A_818 = arith.index_cast %get3A_817 : i32 to index
    %get3A_819 = arith.constant 0 : index
    %get3A_820 = tpu.vector_load %arg10[%get3A_818, %get3A_819] {strides = array<i32>} : memref<16x128xi32, #tpu.memory_space<vmem>>, vector<1x16xi32>,
    %get3A_821 = vector.shape_cast %get3A_820 : vector<1x16xi32> to vector<16xi32>
    %jit3A = arith.constant 0 : i32
    %broadcast_in_dim3A = vector.broadcast %jit3A : i32 to vector<16xi32>
    %select_n3A = arith.select %gt3A_816, %get3A_821, %broadcast_in_dim3A : vector<16xi1>, vector<16xi32>
    %swap3A = arith.constant 0 : i32
    %swap3A_822 = arith.index_cast %swap3A : i32 to index
    %swap3A_823 = arith.constant 0 : index
    %swap3A_824 = tpu.vector_load %arg10[%swap3A_822, %swap3A_823] {strides = array<i32>} : memref<16x128xi32, #tpu.memory_space<vmem>>, vector<1x16xi32>,
    %swap3A_825 = vector.shape_cast %swap3A_824 : vector<1x16xi32> to vector<16xi32>
    %swap3A_826 = vector.shape_cast %select_n3A : vector<16xi32> to vector<1x16xi32>
    tpu.vector_store %arg10[%swap3A_822, %swap3A_823], %swap3A_826 {strides = array<i32>} : memref<16x128xi32, #tpu.memory_space<vmem>>, vector<1x16xi32>,
    %get3A_827 = arith.constant 0 : i32
    %get3A_828 = arith.index_cast %get3A_827 : i32 to index
    %get3A_829 = arith.constant 16 : index
    %get3A_830 = tpu.vector_load %arg9[%get3A_828, %get3A_829] {strides = array<i32>} : memref<16x128xi32, #tpu.memory_space<vmem>>, vector<1x16xi32>,
    %get3A_831 = vector.shape_cast %get3A_830 : vector<1x16xi32> to vector<16xi32>
    %gt3A_832 = arith.constant 0 : i32
    %gt3A_833 = vector.broadcast %gt3A_832 : i32 to vector<16xi32>
    %gt3A_834 = arith.cmpi sgt, %get3A_831, %gt3A_833 : vector<16xi32>
    %get3A_835 = arith.constant 0 : i32
    %get3A_836 = arith.index_cast %get3A_835 : i32 to index
    %get3A_837 = arith.constant 16 : index
    %get3A_838 = tpu.vector_load %arg10[%get3A_836, %get3A_837] {strides = array<i32>} : memref<16x128xi32, #tpu.memory_space<vmem>>, vector<1x16xi32>,
    %get3A_839 = vector.shape_cast %get3A_838 : vector<1x16xi32> to vector<16xi32>
    %jit3A_840 = arith.constant 0 : i32
    %broadcast_in_dim3A_841 = vector.broadcast %jit3A_840 : i32 to vector<16xi32>
    %select_n3A_842 = arith.select %gt3A_834, %get3A_839, %broadcast_in_dim3A_841 : vector<16xi1>, vector<16xi32>
    %swap3A_843 = arith.constant 0 : i32
    %swap3A_844 = arith.index_cast %swap3A_843 : i32 to index
    %swap3A_845 = arith.constant 16 : index
    %swap3A_846 = tpu.vector_load %arg10[%swap3A_844, %swap3A_845] {strides = array<i32>} : memref<16x128xi32, #tpu.memory_space<vmem>>, vector<1x16xi32>,
    %swap3A_847 = vector.shape_cast %swap3A_846 : vector<1x16xi32> to vector<16xi32>
    %swap3A_848 = vector.shape_cast %select_n3A_842 : vector<16xi32> to vector<1x16xi32>
    tpu.vector_store %arg10[%swap3A_844, %swap3A_845], %swap3A_848 {strides = array<i32>} : memref<16x128xi32, #tpu.memory_space<vmem>>, vector<1x16xi32>,
    %get3A_849 = arith.constant 0 : i32
    %get3A_850 = arith.index_cast %get3A_849 : i32 to index
    %get3A_851 = arith.constant 32 : index
    %get3A_852 = tpu.vector_load %arg9[%get3A_850, %get3A_851] {strides = array<i32>} : memref<16x128xi32, #tpu.memory_space<vmem>>, vector<1x16xi32>,
    %get3A_853 = vector.shape_cast %get3A_852 : vector<1x16xi32> to vector<16xi32>
    %gt3A_854 = arith.constant 0 : i32
    %gt3A_855 = vector.broadcast %gt3A_854 : i32 to vector<16xi32>
    %gt3A_856 = arith.cmpi sgt, %get3A_853, %gt3A_855 : vector<16xi32>
    %get3A_857 = arith.constant 0 : i32
    %get3A_858 = arith.index_cast %get3A_857 : i32 to index
    %get3A_859 = arith.constant 32 : index
    %get3A_860 = tpu.vector_load %arg10[%get3A_858, %get3A_859] {strides = array<i32>} : memref<16x128xi32, #tpu.memory_space<vmem>>, vector<1x16xi32>,
    %get3A_861 = vector.shape_cast %get3A_860 : vector<1x16xi32> to vector<16xi32>
    %jit3A_862 = arith.constant 0 : i32
    %broadcast_in_dim3A_863 = vector.broadcast %jit3A_862 : i32 to vector<16xi32>
    %select_n3A_864 = arith.select %gt3A_856, %get3A_861, %broadcast_in_dim3A_863 : vector<16xi1>, vector<16xi32>
    %swap3A_865 = arith.constant 0 : i32
    %swap3A_866 = arith.index_cast %swap3A_865 : i32 to index
    %swap3A_867 = arith.constant 32 : index
    %swap3A_868 = tpu.vector_load %arg10[%swap3A_866, %swap3A_867] {strides = array<i32>} : memref<16x128xi32, #tpu.memory_space<vmem>>, vector<1x16xi32>,
    %swap3A_869 = vector.shape_cast %swap3A_868 : vector<1x16xi32> to vector<16xi32>
    %swap3A_870 = vector.shape_cast %select_n3A_864 : vector<16xi32> to vector<1x16xi32>
    tpu.vector_store %arg10[%swap3A_866, %swap3A_867], %swap3A_870 {strides = array<i32>} : memref<16x128xi32, #tpu.memory_space<vmem>>, vector<1x16xi32>,
    %get3A_871 = arith.constant 0 : i32
    %get3A_872 = arith.index_cast %get3A_871 : i32 to index
    %get3A_873 = arith.constant 48 : index
    %get3A_874 = tpu.vector_load %arg9[%get3A_872, %get3A_873] {strides = array<i32>} : memref<16x128xi32, #tpu.memory_space<vmem>>, vector<1x16xi32>,
    %get3A_875 = vector.shape_cast %get3A_874 : vector<1x16xi32> to vector<16xi32>
    %gt3A_876 = arith.constant 0 : i32
    %gt3A_877 = vector.broadcast %gt3A_876 : i32 to vector<16xi32>
    %gt3A_878 = arith.cmpi sgt, %get3A_875, %gt3A_877 : vector<16xi32>
    %get3A_879 = arith.constant 0 : i32
    %get3A_880 = arith.index_cast %get3A_879 : i32 to index
    %get3A_881 = arith.constant 48 : index
    %get3A_882 = tpu.vector_load %arg10[%get3A_880, %get3A_881] {strides = array<i32>} : memref<16x128xi32, #tpu.memory_space<vmem>>, vector<1x16xi32>,
    %get3A_883 = vector.shape_cast %get3A_882 : vector<1x16xi32> to vector<16xi32>
    %jit3A_884 = arith.constant 0 : i32
    %broadcast_in_dim3A_885 = vector.broadcast %jit3A_884 : i32 to vector<16xi32>
    %select_n3A_886 = arith.select %gt3A_878, %get3A_883, %broadcast_in_dim3A_885 : vector<16xi1>, vector<16xi32>
    %swap3A_887 = arith.constant 0 : i32
    %swap3A_888 = arith.index_cast %swap3A_887 : i32 to index
    %swap3A_889 = arith.constant 48 : index
    %swap3A_890 = tpu.vector_load %arg10[%swap3A_888, %swap3A_889] {strides = array<i32>} : memref<16x128xi32, #tpu.memory_space<vmem>>, vector<1x16xi32>,
    %swap3A_891 = vector.shape_cast %swap3A_890 : vector<1x16xi32> to vector<16xi32>
    %swap3A_892 = vector.shape_cast %select_n3A_886 : vector<16xi32> to vector<1x16xi32>
    tpu.vector_store %arg10[%swap3A_888, %swap3A_889], %swap3A_892 {strides = array<i32>} : memref<16x128xi32, #tpu.memory_space<vmem>>, vector<1x16xi32>,
    %get3A_893 = arith.constant 0 : i32
    %get3A_894 = arith.index_cast %get3A_893 : i32 to index
    %get3A_895 = arith.constant 64 : index
    %get3A_896 = tpu.vector_load %arg9[%get3A_894, %get3A_895] {strides = array<i32>} : memref<16x128xi32, #tpu.memory_space<vmem>>, vector<1x16xi32>,
    %get3A_897 = vector.shape_cast %get3A_896 : vector<1x16xi32> to vector<16xi32>
    %gt3A_898 = arith.constant 0 : i32
    %gt3A_899 = vector.broadcast %gt3A_898 : i32 to vector<16xi32>
    %gt3A_900 = arith.cmpi sgt, %get3A_897, %gt3A_899 : vector<16xi32>
    %get3A_901 = arith.constant 0 : i32
    %get3A_902 = arith.index_cast %get3A_901 : i32 to index
    %get3A_903 = arith.constant 64 : index
    %get3A_904 = tpu.vector_load %arg10[%get3A_902, %get3A_903] {strides = array<i32>} : memref<16x128xi32, #tpu.memory_space<vmem>>, vector<1x16xi32>,
    %get3A_905 = vector.shape_cast %get3A_904 : vector<1x16xi32> to vector<16xi32>
    %jit3A_906 = arith.constant 0 : i32
    %broadcast_in_dim3A_907 = vector.broadcast %jit3A_906 : i32 to vector<16xi32>
    %select_n3A_908 = arith.select %gt3A_900, %get3A_905, %broadcast_in_dim3A_907 : vector<16xi1>, vector<16xi32>
    %swap3A_909 = arith.constant 0 : i32
    %swap3A_910 = arith.index_cast %swap3A_909 : i32 to index
    %swap3A_911 = arith.constant 64 : index
    %swap3A_912 = tpu.vector_load %arg10[%swap3A_910, %swap3A_911] {strides = array<i32>} : memref<16x128xi32, #tpu.memory_space<vmem>>, vector<1x16xi32>,
    %swap3A_913 = vector.shape_cast %swap3A_912 : vector<1x16xi32> to vector<16xi32>
    %swap3A_914 = vector.shape_cast %select_n3A_908 : vector<16xi32> to vector<1x16xi32>
    tpu.vector_store %arg10[%swap3A_910, %swap3A_911], %swap3A_914 {strides = array<i32>} : memref<16x128xi32, #tpu.memory_space<vmem>>, vector<1x16xi32>,
    %get3A_915 = arith.constant 0 : i32
    %get3A_916 = arith.index_cast %get3A_915 : i32 to index
    %get3A_917 = arith.constant 80 : index
    %get3A_918 = tpu.vector_load %arg9[%get3A_916, %get3A_917] {strides = array<i32>} : memref<16x128xi32, #tpu.memory_space<vmem>>, vector<1x16xi32>,
    %get3A_919 = vector.shape_cast %get3A_918 : vector<1x16xi32> to vector<16xi32>
    %gt3A_920 = arith.constant 0 : i32
    %gt3A_921 = vector.broadcast %gt3A_920 : i32 to vector<16xi32>
    %gt3A_922 = arith.cmpi sgt, %get3A_919, %gt3A_921 : vector<16xi32>
    %get3A_923 = arith.constant 0 : i32
    %get3A_924 = arith.index_cast %get3A_923 : i32 to index
    %get3A_925 = arith.constant 80 : index
    %get3A_926 = tpu.vector_load %arg10[%get3A_924, %get3A_925] {strides = array<i32>} : memref<16x128xi32, #tpu.memory_space<vmem>>, vector<1x16xi32>,
    %get3A_927 = vector.shape_cast %get3A_926 : vector<1x16xi32> to vector<16xi32>
    %jit3A_928 = arith.constant 0 : i32
    %broadcast_in_dim3A_929 = vector.broadcast %jit3A_928 : i32 to vector<16xi32>
    %select_n3A_930 = arith.select %gt3A_922, %get3A_927, %broadcast_in_dim3A_929 : vector<16xi1>, vector<16xi32>
    %swap3A_931 = arith.constant 0 : i32
    %swap3A_932 = arith.index_cast %swap3A_931 : i32 to index
    %swap3A_933 = arith.constant 80 : index
    %swap3A_934 = tpu.vector_load %arg10[%swap3A_932, %swap3A_933] {strides = array<i32>} : memref<16x128xi32, #tpu.memory_space<vmem>>, vector<1x16xi32>,
    %swap3A_935 = vector.shape_cast %swap3A_934 : vector<1x16xi32> to vector<16xi32>
    %swap3A_936 = vector.shape_cast %select_n3A_930 : vector<16xi32> to vector<1x16xi32>
    tpu.vector_store %arg10[%swap3A_932, %swap3A_933], %swap3A_936 {strides = array<i32>} : memref<16x128xi32, #tpu.memory_space<vmem>>, vector<1x16xi32>,
    %get3A_937 = arith.constant 0 : i32
    %get3A_938 = arith.index_cast %get3A_937 : i32 to index
    %get3A_939 = arith.constant 96 : index
    %get3A_940 = tpu.vector_load %arg9[%get3A_938, %get3A_939] {strides = array<i32>} : memref<16x128xi32, #tpu.memory_space<vmem>>, vector<1x16xi32>,
    %get3A_941 = vector.shape_cast %get3A_940 : vector<1x16xi32> to vector<16xi32>
    %gt3A_942 = arith.constant 0 : i32
    %gt3A_943 = vector.broadcast %gt3A_942 : i32 to vector<16xi32>
    %gt3A_944 = arith.cmpi sgt, %get3A_941, %gt3A_943 : vector<16xi32>
    %get3A_945 = arith.constant 0 : i32
    %get3A_946 = arith.index_cast %get3A_945 : i32 to index
    %get3A_947 = arith.constant 96 : index
    %get3A_948 = tpu.vector_load %arg10[%get3A_946, %get3A_947] {strides = array<i32>} : memref<16x128xi32, #tpu.memory_space<vmem>>, vector<1x16xi32>,
    %get3A_949 = vector.shape_cast %get3A_948 : vector<1x16xi32> to vector<16xi32>
    %jit3A_950 = arith.constant 0 : i32
    %broadcast_in_dim3A_951 = vector.broadcast %jit3A_950 : i32 to vector<16xi32>
    %select_n3A_952 = arith.select %gt3A_944, %get3A_949, %broadcast_in_dim3A_951 : vector<16xi1>, vector<16xi32>
    %swap3A_953 = arith.constant 0 : i32
    %swap3A_954 = arith.index_cast %swap3A_953 : i32 to index
    %swap3A_955 = arith.constant 96 : index
    %swap3A_956 = tpu.vector_load %arg10[%swap3A_954, %swap3A_955] {strides = array<i32>} : memref<16x128xi32, #tpu.memory_space<vmem>>, vector<1x16xi32>,
    %swap3A_957 = vector.shape_cast %swap3A_956 : vector<1x16xi32> to vector<16xi32>
    %swap3A_958 = vector.shape_cast %select_n3A_952 : vector<16xi32> to vector<1x16xi32>
    tpu.vector_store %arg10[%swap3A_954, %swap3A_955], %swap3A_958 {strides = array<i32>} : memref<16x128xi32, #tpu.memory_space<vmem>>, vector<1x16xi32>,
    %get3A_959 = arith.constant 0 : i32
    %get3A_960 = arith.index_cast %get3A_959 : i32 to index
    %get3A_961 = arith.constant 112 : index
    %get3A_962 = tpu.vector_load %arg9[%get3A_960, %get3A_961] {strides = array<i32>} : memref<16x128xi32, #tpu.memory_space<vmem>>, vector<1x16xi32>,
    %get3A_963 = vector.shape_cast %get3A_962 : vector<1x16xi32> to vector<16xi32>
    %gt3A_964 = arith.constant 0 : i32
    %gt3A_965 = vector.broadcast %gt3A_964 : i32 to vector<16xi32>
    %gt3A_966 = arith.cmpi sgt, %get3A_963, %gt3A_965 : vector<16xi32>
    %get3A_967 = arith.constant 0 : i32
    %get3A_968 = arith.index_cast %get3A_967 : i32 to index
    %get3A_969 = arith.constant 112 : index
    %get3A_970 = tpu.vector_load %arg10[%get3A_968, %get3A_969] {strides = array<i32>} : memref<16x128xi32, #tpu.memory_space<vmem>>, vector<1x16xi32>,
    %get3A_971 = vector.shape_cast %get3A_970 : vector<1x16xi32> to vector<16xi32>
    %jit3A_972 = arith.constant 0 : i32
    %broadcast_in_dim3A_973 = vector.broadcast %jit3A_972 : i32 to vector<16xi32>
    %select_n3A_974 = arith.select %gt3A_966, %get3A_971, %broadcast_in_dim3A_973 : vector<16xi1>, vector<16xi32>
    %swap3A_975 = arith.constant 0 : i32
    %swap3A_976 = arith.index_cast %swap3A_975 : i32 to index
    %swap3A_977 = arith.constant 112 : index
    %swap3A_978 = tpu.vector_load %arg10[%swap3A_976, %swap3A_977] {strides = array<i32>} : memref<16x128xi32, #tpu.memory_space<vmem>>, vector<1x16xi32>,
    %swap3A_979 = vector.shape_cast %swap3A_978 : vector<1x16xi32> to vector<16xi32>
    %swap3A_980 = vector.shape_cast %select_n3A_974 : vector<16xi32> to vector<1x16xi32>
    tpu.vector_store %arg10[%swap3A_976, %swap3A_977], %swap3A_980 {strides = array<i32>} : memref<16x128xi32, #tpu.memory_space<vmem>>, vector<1x16xi32>,
    %add3A_981 = arith.constant 0 : i32
    %add3A_982 = arith.addi %mul3A_2, %add3A_981 : i32
    %dma_start3A_983 = arith.constant 0 : i32
    %dma_start3A_984 = arith.constant 0 : i32
    %dma_start3A_985 = tpu.memref_slice %arg10[%dma_start3A_983, %dma_start3A_984] : memref<16x128xi32, #tpu.memory_space<vmem>> -> memref<1x128xi32, #tpu.memory_space<vmem>>
    %dma_start3A_986 = tpu.memref_squeeze %dma_start3A_985 : memref<1x128xi32, #tpu.memory_space<vmem>> -> memref<128xi32, #tpu.memory_space<vmem>>
    %dma_start3A_987 = arith.constant 0 : i32
    %dma_start3A_988 = tpu.memref_slice %arg6[%add3A_982, %dma_start3A_987] : memref<512x128xi32, #tpu.memory_space<hbm>> -> memref<1x128xi32, #tpu.memory_space<hbm>>
    %dma_start3A_989 = tpu.memref_squeeze %dma_start3A_988 : memref<1x128xi32, #tpu.memory_space<hbm>> -> memref<128xi32, #tpu.memory_space<hbm>>
    %dma_start3A_990 = arith.constant 0 : i32
    %dma_start3A_991 = tpu.memref_slice %arg6[%add3A_982, %dma_start3A_990] : memref<512x128xi32, #tpu.memory_space<hbm>> -> memref<1x128xi32, #tpu.memory_space<hbm>>
    %dma_start3A_992 = tpu.memref_squeeze %dma_start3A_991 : memref<1x128xi32, #tpu.memory_space<hbm>> -> memref<128xi32, #tpu.memory_space<hbm>>
    %dma_start3A_993 = arith.constant 0 : i32
    %dma_start3A_994 = tpu.memref_slice %arg10[%dma_start3A_983, %dma_start3A_993] : memref<16x128xi32, #tpu.memory_space<vmem>> -> memref<1x128xi32, #tpu.memory_space<vmem>>
    %dma_start3A_995 = tpu.memref_squeeze %dma_start3A_994 : memref<1x128xi32, #tpu.memory_space<vmem>> -> memref<128xi32, #tpu.memory_space<vmem>>
    tpu.enqueue_dma source(%dma_start3A_995 : memref<128xi32, #tpu.memory_space<vmem>>) target(%dma_start3A_992 : memref<128xi32, #tpu.memory_space<hbm>>) target_semaphore(%arg11 : memref<!tpu.dma_semaphore, #tpu.memory_space<semaphore_mem>>)
    %dma_wait3A_996 = arith.constant 1 : i32
    %dma_wait3A_997 = arith.constant 1 : i32
    %dma_wait3A_998 = arith.constant 0 : i32
    %dma_wait3A_999 = tpu.memref_slice %arg10[%dma_wait3A_997, %dma_wait3A_998] : memref<16x128xi32, #tpu.memory_space<vmem>> -> memref<1x128xi32, #tpu.memory_space<vmem>>
    %dma_wait3A_1000 = tpu.memref_squeeze %dma_wait3A_999 : memref<1x128xi32, #tpu.memory_space<vmem>> -> memref<128xi32, #tpu.memory_space<vmem>>
    %dma_wait3A_1001 = arith.constant 0 : i32
    %dma_wait3A_1002 = tpu.memref_slice %arg8[%dma_wait3A_996, %dma_wait3A_1001] : memref<16x128xi32, #tpu.memory_space<vmem>> -> memref<1x128xi32, #tpu.memory_space<vmem>>
    %dma_wait3A_1003 = tpu.memref_squeeze %dma_wait3A_1002 : memref<1x128xi32, #tpu.memory_space<vmem>> -> memref<128xi32, #tpu.memory_space<vmem>>
    %dma_wait3A_1004 = arith.constant 0 : i32
    %dma_wait3A_1005 = tpu.memref_slice %arg5[%dma_wait3A_1004] : memref<1048576xi32, #tpu.memory_space<hbm>> -> memref<1048576xi32, #tpu.memory_space<hbm>>
    tpu.wait_indirect_dma semaphore(%arg11 : memref<!tpu.dma_semaphore, #tpu.memory_space<semaphore_mem>>) src(%dma_wait3A_1005 : memref<1048576xi32, #tpu.memory_space<hbm>>) dst(%dma_wait3A_1000 : memref<128xi32, #tpu.memory_space<vmem>>)
    %get3A_1006 = arith.constant 1 : i32
    %get3A_1007 = arith.index_cast %get3A_1006 : i32 to index
    %get3A_1008 = arith.constant 0 : index
    %get3A_1009 = tpu.vector_load %arg9[%get3A_1007, %get3A_1008] {strides = array<i32>} : memref<16x128xi32, #tpu.memory_space<vmem>>, vector<1x16xi32>,
    %get3A_1010 = vector.shape_cast %get3A_1009 : vector<1x16xi32> to vector<16xi32>
    %gt3A_1011 = arith.constant 0 : i32
    %gt3A_1012 = vector.broadcast %gt3A_1011 : i32 to vector<16xi32>
    %gt3A_1013 = arith.cmpi sgt, %get3A_1010, %gt3A_1012 : vector<16xi32>
    %get3A_1014 = arith.constant 1 : i32
    %get3A_1015 = arith.index_cast %get3A_1014 : i32 to index
    %get3A_1016 = arith.constant 0 : index
    %get3A_1017 = tpu.vector_load %arg10[%get3A_1015, %get3A_1016] {strides = array<i32>} : memref<16x128xi32, #tpu.memory_space<vmem>>, vector<1x16xi32>,
    %get3A_1018 = vector.shape_cast %get3A_1017 : vector<1x16xi32> to vector<16xi32>
    %jit3A_1019 = arith.constant 0 : i32
    %broadcast_in_dim3A_1020 = vector.broadcast %jit3A_1019 : i32 to vector<16xi32>
    %select_n3A_1021 = arith.select %gt3A_1013, %get3A_1018, %broadcast_in_dim3A_1020 : vector<16xi1>, vector<16xi32>
    %swap3A_1022 = arith.constant 1 : i32
    %swap3A_1023 = arith.index_cast %swap3A_1022 : i32 to index
    %swap3A_1024 = arith.constant 0 : index
    %swap3A_1025 = tpu.vector_load %arg10[%swap3A_1023, %swap3A_1024] {strides = array<i32>} : memref<16x128xi32, #tpu.memory_space<vmem>>, vector<1x16xi32>,
    %swap3A_1026 = vector.shape_cast %swap3A_1025 : vector<1x16xi32> to vector<16xi32>
    %swap3A_1027 = vector.shape_cast %select_n3A_1021 : vector<16xi32> to vector<1x16xi32>
    tpu.vector_store %arg10[%swap3A_1023, %swap3A_1024], %swap3A_1027 {strides = array<i32>} : memref<16x128xi32, #tpu.memory_space<vmem>>, vector<1x16xi32>,
    %get3A_1028 = arith.constant 1 : i32
    %get3A_1029 = arith.index_cast %get3A_1028 : i32 to index
    %get3A_1030 = arith.constant 16 : index
    %get3A_1031 = tpu.vector_load %arg9[%get3A_1029, %get3A_1030] {strides = array<i32>} : memref<16x128xi32, #tpu.memory_space<vmem>>, vector<1x16xi32>,
    %get3A_1032 = vector.shape_cast %get3A_1031 : vector<1x16xi32> to vector<16xi32>
    %gt3A_1033 = arith.constant 0 : i32
    %gt3A_1034 = vector.broadcast %gt3A_1033 : i32 to vector<16xi32>
    %gt3A_1035 = arith.cmpi sgt, %get3A_1032, %gt3A_1034 : vector<16xi32>
    %get3A_1036 = arith.constant 1 : i32
    %get3A_1037 = arith.index_cast %get3A_1036 : i32 to index
    %get3A_1038 = arith.constant 16 : index
    %get3A_1039 = tpu.vector_load %arg10[%get3A_1037, %get3A_1038] {strides = array<i32>} : memref<16x128xi32, #tpu.memory_space<vmem>>, vector<1x16xi32>,
    %get3A_1040 = vector.shape_cast %get3A_1039 : vector<1x16xi32> to vector<16xi32>
    %jit3A_1041 = arith.constant 0 : i32
    %broadcast_in_dim3A_1042 = vector.broadcast %jit3A_1041 : i32 to vector<16xi32>
    %select_n3A_1043 = arith.select %gt3A_1035, %get3A_1040, %broadcast_in_dim3A_1042 : vector<16xi1>, vector<16xi32>
    %swap3A_1044 = arith.constant 1 : i32
    %swap3A_1045 = arith.index_cast %swap3A_1044 : i32 to index
    %swap3A_1046 = arith.constant 16 : index
    %swap3A_1047 = tpu.vector_load %arg10[%swap3A_1045, %swap3A_1046] {strides = array<i32>} : memref<16x128xi32, #tpu.memory_space<vmem>>, vector<1x16xi32>,
    %swap3A_1048 = vector.shape_cast %swap3A_1047 : vector<1x16xi32> to vector<16xi32>
    %swap3A_1049 = vector.shape_cast %select_n3A_1043 : vector<16xi32> to vector<1x16xi32>
    tpu.vector_store %arg10[%swap3A_1045, %swap3A_1046], %swap3A_1049 {strides = array<i32>} : memref<16x128xi32, #tpu.memory_space<vmem>>, vector<1x16xi32>,
    %get3A_1050 = arith.constant 1 : i32
    %get3A_1051 = arith.index_cast %get3A_1050 : i32 to index
    %get3A_1052 = arith.constant 32 : index
    %get3A_1053 = tpu.vector_load %arg9[%get3A_1051, %get3A_1052] {strides = array<i32>} : memref<16x128xi32, #tpu.memory_space<vmem>>, vector<1x16xi32>,
    %get3A_1054 = vector.shape_cast %get3A_1053 : vector<1x16xi32> to vector<16xi32>
    %gt3A_1055 = arith.constant 0 : i32
    %gt3A_1056 = vector.broadcast %gt3A_1055 : i32 to vector<16xi32>
    %gt3A_1057 = arith.cmpi sgt, %get3A_1054, %gt3A_1056 : vector<16xi32>
    %get3A_1058 = arith.constant 1 : i32
    %get3A_1059 = arith.index_cast %get3A_1058 : i32 to index
    %get3A_1060 = arith.constant 32 : index
    %get3A_1061 = tpu.vector_load %arg10[%get3A_1059, %get3A_1060] {strides = array<i32>} : memref<16x128xi32, #tpu.memory_space<vmem>>, vector<1x16xi32>,
    %get3A_1062 = vector.shape_cast %get3A_1061 : vector<1x16xi32> to vector<16xi32>
    %jit3A_1063 = arith.constant 0 : i32
    %broadcast_in_dim3A_1064 = vector.broadcast %jit3A_1063 : i32 to vector<16xi32>
    %select_n3A_1065 = arith.select %gt3A_1057, %get3A_1062, %broadcast_in_dim3A_1064 : vector<16xi1>, vector<16xi32>
    %swap3A_1066 = arith.constant 1 : i32
    %swap3A_1067 = arith.index_cast %swap3A_1066 : i32 to index
    %swap3A_1068 = arith.constant 32 : index
    %swap3A_1069 = tpu.vector_load %arg10[%swap3A_1067, %swap3A_1068] {strides = array<i32>} : memref<16x128xi32, #tpu.memory_space<vmem>>, vector<1x16xi32>,
    %swap3A_1070 = vector.shape_cast %swap3A_1069 : vector<1x16xi32> to vector<16xi32>
    %swap3A_1071 = vector.shape_cast %select_n3A_1065 : vector<16xi32> to vector<1x16xi32>
    tpu.vector_store %arg10[%swap3A_1067, %swap3A_1068], %swap3A_1071 {strides = array<i32>} : memref<16x128xi32, #tpu.memory_space<vmem>>, vector<1x16xi32>,
    %get3A_1072 = arith.constant 1 : i32
    %get3A_1073 = arith.index_cast %get3A_1072 : i32 to index
    %get3A_1074 = arith.constant 48 : index
    %get3A_1075 = tpu.vector_load %arg9[%get3A_1073, %get3A_1074] {strides = array<i32>} : memref<16x128xi32, #tpu.memory_space<vmem>>, vector<1x16xi32>,
    %get3A_1076 = vector.shape_cast %get3A_1075 : vector<1x16xi32> to vector<16xi32>
    %gt3A_1077 = arith.constant 0 : i32
    %gt3A_1078 = vector.broadcast %gt3A_1077 : i32 to vector<16xi32>
    %gt3A_1079 = arith.cmpi sgt, %get3A_1076, %gt3A_1078 : vector<16xi32>
    %get3A_1080 = arith.constant 1 : i32
    %get3A_1081 = arith.index_cast %get3A_1080 : i32 to index
    %get3A_1082 = arith.constant 48 : index
    %get3A_1083 = tpu.vector_load %arg10[%get3A_1081, %get3A_1082] {strides = array<i32>} : memref<16x128xi32, #tpu.memory_space<vmem>>, vector<1x16xi32>,
    %get3A_1084 = vector.shape_cast %get3A_1083 : vector<1x16xi32> to vector<16xi32>
    %jit3A_1085 = arith.constant 0 : i32
    %broadcast_in_dim3A_1086 = vector.broadcast %jit3A_1085 : i32 to vector<16xi32>
    %select_n3A_1087 = arith.select %gt3A_1079, %get3A_1084, %broadcast_in_dim3A_1086 : vector<16xi1>, vector<16xi32>
    %swap3A_1088 = arith.constant 1 : i32
    %swap3A_1089 = arith.index_cast %swap3A_1088 : i32 to index
    %swap3A_1090 = arith.constant 48 : index
    %swap3A_1091 = tpu.vector_load %arg10[%swap3A_1089, %swap3A_1090] {strides = array<i32>} : memref<16x128xi32, #tpu.memory_space<vmem>>, vector<1x16xi32>,
    %swap3A_1092 = vector.shape_cast %swap3A_1091 : vector<1x16xi32> to vector<16xi32>
    %swap3A_1093 = vector.shape_cast %select_n3A_1087 : vector<16xi32> to vector<1x16xi32>
    tpu.vector_store %arg10[%swap3A_1089, %swap3A_1090], %swap3A_1093 {strides = array<i32>} : memref<16x128xi32, #tpu.memory_space<vmem>>, vector<1x16xi32>,
    %get3A_1094 = arith.constant 1 : i32
    %get3A_1095 = arith.index_cast %get3A_1094 : i32 to index
    %get3A_1096 = arith.constant 64 : index
    %get3A_1097 = tpu.vector_load %arg9[%get3A_1095, %get3A_1096] {strides = array<i32>} : memref<16x128xi32, #tpu.memory_space<vmem>>, vector<1x16xi32>,
    %get3A_1098 = vector.shape_cast %get3A_1097 : vector<1x16xi32> to vector<16xi32>
    %gt3A_1099 = arith.constant 0 : i32
    %gt3A_1100 = vector.broadcast %gt3A_1099 : i32 to vector<16xi32>
    %gt3A_1101 = arith.cmpi sgt, %get3A_1098, %gt3A_1100 : vector<16xi32>
    %get3A_1102 = arith.constant 1 : i32
    %get3A_1103 = arith.index_cast %get3A_1102 : i32 to index
    %get3A_1104 = arith.constant 64 : index
    %get3A_1105 = tpu.vector_load %arg10[%get3A_1103, %get3A_1104] {strides = array<i32>} : memref<16x128xi32, #tpu.memory_space<vmem>>, vector<1x16xi32>,
    %get3A_1106 = vector.shape_cast %get3A_1105 : vector<1x16xi32> to vector<16xi32>
    %jit3A_1107 = arith.constant 0 : i32
    %broadcast_in_dim3A_1108 = vector.broadcast %jit3A_1107 : i32 to vector<16xi32>
    %select_n3A_1109 = arith.select %gt3A_1101, %get3A_1106, %broadcast_in_dim3A_1108 : vector<16xi1>, vector<16xi32>
    %swap3A_1110 = arith.constant 1 : i32
    %swap3A_1111 = arith.index_cast %swap3A_1110 : i32 to index
    %swap3A_1112 = arith.constant 64 : index
    %swap3A_1113 = tpu.vector_load %arg10[%swap3A_1111, %swap3A_1112] {strides = array<i32>} : memref<16x128xi32, #tpu.memory_space<vmem>>, vector<1x16xi32>,
    %swap3A_1114 = vector.shape_cast %swap3A_1113 : vector<1x16xi32> to vector<16xi32>
    %swap3A_1115 = vector.shape_cast %select_n3A_1109 : vector<16xi32> to vector<1x16xi32>
    tpu.vector_store %arg10[%swap3A_1111, %swap3A_1112], %swap3A_1115 {strides = array<i32>} : memref<16x128xi32, #tpu.memory_space<vmem>>, vector<1x16xi32>,
    %get3A_1116 = arith.constant 1 : i32
    %get3A_1117 = arith.index_cast %get3A_1116 : i32 to index
    %get3A_1118 = arith.constant 80 : index
    %get3A_1119 = tpu.vector_load %arg9[%get3A_1117, %get3A_1118] {strides = array<i32>} : memref<16x128xi32, #tpu.memory_space<vmem>>, vector<1x16xi32>,
    %get3A_1120 = vector.shape_cast %get3A_1119 : vector<1x16xi32> to vector<16xi32>
    %gt3A_1121 = arith.constant 0 : i32
    %gt3A_1122 = vector.broadcast %gt3A_1121 : i32 to vector<16xi32>
    %gt3A_1123 = arith.cmpi sgt, %get3A_1120, %gt3A_1122 : vector<16xi32>
    %get3A_1124 = arith.constant 1 : i32
    %get3A_1125 = arith.index_cast %get3A_1124 : i32 to index
    %get3A_1126 = arith.constant 80 : index
    %get3A_1127 = tpu.vector_load %arg10[%get3A_1125, %get3A_1126] {strides = array<i32>} : memref<16x128xi32, #tpu.memory_space<vmem>>, vector<1x16xi32>,
    %get3A_1128 = vector.shape_cast %get3A_1127 : vector<1x16xi32> to vector<16xi32>
    %jit3A_1129 = arith.constant 0 : i32
    %broadcast_in_dim3A_1130 = vector.broadcast %jit3A_1129 : i32 to vector<16xi32>
    %select_n3A_1131 = arith.select %gt3A_1123, %get3A_1128, %broadcast_in_dim3A_1130 : vector<16xi1>, vector<16xi32>
    %swap3A_1132 = arith.constant 1 : i32
    %swap3A_1133 = arith.index_cast %swap3A_1132 : i32 to index
    %swap3A_1134 = arith.constant 80 : index
    %swap3A_1135 = tpu.vector_load %arg10[%swap3A_1133, %swap3A_1134] {strides = array<i32>} : memref<16x128xi32, #tpu.memory_space<vmem>>, vector<1x16xi32>,
    %swap3A_1136 = vector.shape_cast %swap3A_1135 : vector<1x16xi32> to vector<16xi32>
    %swap3A_1137 = vector.shape_cast %select_n3A_1131 : vector<16xi32> to vector<1x16xi32>
    tpu.vector_store %arg10[%swap3A_1133, %swap3A_1134], %swap3A_1137 {strides = array<i32>} : memref<16x128xi32, #tpu.memory_space<vmem>>, vector<1x16xi32>,
    %get3A_1138 = arith.constant 1 : i32
    %get3A_1139 = arith.index_cast %get3A_1138 : i32 to index
    %get3A_1140 = arith.constant 96 : index
    %get3A_1141 = tpu.vector_load %arg9[%get3A_1139, %get3A_1140] {strides = array<i32>} : memref<16x128xi32, #tpu.memory_space<vmem>>, vector<1x16xi32>,
    %get3A_1142 = vector.shape_cast %get3A_1141 : vector<1x16xi32> to vector<16xi32>
    %gt3A_1143 = arith.constant 0 : i32
    %gt3A_1144 = vector.broadcast %gt3A_1143 : i32 to vector<16xi32>
    %gt3A_1145 = arith.cmpi sgt, %get3A_1142, %gt3A_1144 : vector<16xi32>
    %get3A_1146 = arith.constant 1 : i32
    %get3A_1147 = arith.index_cast %get3A_1146 : i32 to index
    %get3A_1148 = arith.constant 96 : index
    %get3A_1149 = tpu.vector_load %arg10[%get3A_1147, %get3A_1148] {strides = array<i32>} : memref<16x128xi32, #tpu.memory_space<vmem>>, vector<1x16xi32>,
    %get3A_1150 = vector.shape_cast %get3A_1149 : vector<1x16xi32> to vector<16xi32>
    %jit3A_1151 = arith.constant 0 : i32
    %broadcast_in_dim3A_1152 = vector.broadcast %jit3A_1151 : i32 to vector<16xi32>
    %select_n3A_1153 = arith.select %gt3A_1145, %get3A_1150, %broadcast_in_dim3A_1152 : vector<16xi1>, vector<16xi32>
    %swap3A_1154 = arith.constant 1 : i32
    %swap3A_1155 = arith.index_cast %swap3A_1154 : i32 to index
    %swap3A_1156 = arith.constant 96 : index
    %swap3A_1157 = tpu.vector_load %arg10[%swap3A_1155, %swap3A_1156] {strides = array<i32>} : memref<16x128xi32, #tpu.memory_space<vmem>>, vector<1x16xi32>,
    %swap3A_1158 = vector.shape_cast %swap3A_1157 : vector<1x16xi32> to vector<16xi32>
    %swap3A_1159 = vector.shape_cast %select_n3A_1153 : vector<16xi32> to vector<1x16xi32>
    tpu.vector_store %arg10[%swap3A_1155, %swap3A_1156], %swap3A_1159 {strides = array<i32>} : memref<16x128xi32, #tpu.memory_space<vmem>>, vector<1x16xi32>,
    %get3A_1160 = arith.constant 1 : i32
    %get3A_1161 = arith.index_cast %get3A_1160 : i32 to index
    %get3A_1162 = arith.constant 112 : index
    %get3A_1163 = tpu.vector_load %arg9[%get3A_1161, %get3A_1162] {strides = array<i32>} : memref<16x128xi32, #tpu.memory_space<vmem>>, vector<1x16xi32>,
    %get3A_1164 = vector.shape_cast %get3A_1163 : vector<1x16xi32> to vector<16xi32>
    %gt3A_1165 = arith.constant 0 : i32
    %gt3A_1166 = vector.broadcast %gt3A_1165 : i32 to vector<16xi32>
    %gt3A_1167 = arith.cmpi sgt, %get3A_1164, %gt3A_1166 : vector<16xi32>
    %get3A_1168 = arith.constant 1 : i32
    %get3A_1169 = arith.index_cast %get3A_1168 : i32 to index
    %get3A_1170 = arith.constant 112 : index
    %get3A_1171 = tpu.vector_load %arg10[%get3A_1169, %get3A_1170] {strides = array<i32>} : memref<16x128xi32, #tpu.memory_space<vmem>>, vector<1x16xi32>,
    %get3A_1172 = vector.shape_cast %get3A_1171 : vector<1x16xi32> to vector<16xi32>
    %jit3A_1173 = arith.constant 0 : i32
    %broadcast_in_dim3A_1174 = vector.broadcast %jit3A_1173 : i32 to vector<16xi32>
    %select_n3A_1175 = arith.select %gt3A_1167, %get3A_1172, %broadcast_in_dim3A_1174 : vector<16xi1>, vector<16xi32>
    %swap3A_1176 = arith.constant 1 : i32
    %swap3A_1177 = arith.index_cast %swap3A_1176 : i32 to index
    %swap3A_1178 = arith.constant 112 : index
    %swap3A_1179 = tpu.vector_load %arg10[%swap3A_1177, %swap3A_1178] {strides = array<i32>} : memref<16x128xi32, #tpu.memory_space<vmem>>, vector<1x16xi32>,
    %swap3A_1180 = vector.shape_cast %swap3A_1179 : vector<1x16xi32> to vector<16xi32>
    %swap3A_1181 = vector.shape_cast %select_n3A_1175 : vector<16xi32> to vector<1x16xi32>
    tpu.vector_store %arg10[%swap3A_1177, %swap3A_1178], %swap3A_1181 {strides = array<i32>} : memref<16x128xi32, #tpu.memory_space<vmem>>, vector<1x16xi32>,
    %add3A_1182 = arith.constant 1 : i32
    %add3A_1183 = arith.addi %mul3A_2, %add3A_1182 : i32
    %dma_start3A_1184 = arith.constant 1 : i32
    %dma_start3A_1185 = arith.constant 0 : i32
    %dma_start3A_1186 = tpu.memref_slice %arg10[%dma_start3A_1184, %dma_start3A_1185] : memref<16x128xi32, #tpu.memory_space<vmem>> -> memref<1x128xi32, #tpu.memory_space<vmem>>
    %dma_start3A_1187 = tpu.memref_squeeze %dma_start3A_1186 : memref<1x128xi32, #tpu.memory_space<vmem>> -> memref<128xi32, #tpu.memory_space<vmem>>
    %dma_start3A_1188 = arith.constant 0 : i32
    %dma_start3A_1189 = tpu.memref_slice %arg6[%add3A_1183, %dma_start3A_1188] : memref<512x128xi32, #tpu.memory_space<hbm>> -> memref<1x128xi32, #tpu.memory_space<hbm>>
    %dma_start3A_1190 = tpu.memref_squeeze %dma_start3A_1189 : memref<1x128xi32, #tpu.memory_space<hbm>> -> memref<128xi32, #tpu.memory_space<hbm>>
    %dma_start3A_1191 = arith.constant 0 : i32
    %dma_start3A_1192 = tpu.memref_slice %arg6[%add3A_1183, %dma_start3A_1191] : memref<512x128xi32, #tpu.memory_space<hbm>> -> memref<1x128xi32, #tpu.memory_space<hbm>>
    %dma_start3A_1193 = tpu.memref_squeeze %dma_start3A_1192 : memref<1x128xi32, #tpu.memory_space<hbm>> -> memref<128xi32, #tpu.memory_space<hbm>>
    %dma_start3A_1194 = arith.constant 0 : i32
    %dma_start3A_1195 = tpu.memref_slice %arg10[%dma_start3A_1184, %dma_start3A_1194] : memref<16x128xi32, #tpu.memory_space<vmem>> -> memref<1x128xi32, #tpu.memory_space<vmem>>
    %dma_start3A_1196 = tpu.memref_squeeze %dma_start3A_1195 : memref<1x128xi32, #tpu.memory_space<vmem>> -> memref<128xi32, #tpu.memory_space<vmem>>
    tpu.enqueue_dma source(%dma_start3A_1196 : memref<128xi32, #tpu.memory_space<vmem>>) target(%dma_start3A_1193 : memref<128xi32, #tpu.memory_space<hbm>>) target_semaphore(%arg11 : memref<!tpu.dma_semaphore, #tpu.memory_space<semaphore_mem>>)
    %dma_wait3A_1197 = arith.constant 2 : i32
    %dma_wait3A_1198 = arith.constant 2 : i32
    %dma_wait3A_1199 = arith.constant 0 : i32
    %dma_wait3A_1200 = tpu.memref_slice %arg10[%dma_wait3A_1198, %dma_wait3A_1199] : memref<16x128xi32, #tpu.memory_space<vmem>> -> memref<1x128xi32, #tpu.memory_space<vmem>>
    %dma_wait3A_1201 = tpu.memref_squeeze %dma_wait3A_1200 : memref<1x128xi32, #tpu.memory_space<vmem>> -> memref<128xi32, #tpu.memory_space<vmem>>
    %dma_wait3A_1202 = arith.constant 0 : i32
    %dma_wait3A_1203 = tpu.memref_slice %arg8[%dma_wait3A_1197, %dma_wait3A_1202] : memref<16x128xi32, #tpu.memory_space<vmem>> -> memref<1x128xi32, #tpu.memory_space<vmem>>
    %dma_wait3A_1204 = tpu.memref_squeeze %dma_wait3A_1203 : memref<1x128xi32, #tpu.memory_space<vmem>> -> memref<128xi32, #tpu.memory_space<vmem>>
    %dma_wait3A_1205 = arith.constant 0 : i32
    %dma_wait3A_1206 = tpu.memref_slice %arg5[%dma_wait3A_1205] : memref<1048576xi32, #tpu.memory_space<hbm>> -> memref<1048576xi32, #tpu.memory_space<hbm>>
    tpu.wait_indirect_dma semaphore(%arg11 : memref<!tpu.dma_semaphore, #tpu.memory_space<semaphore_mem>>) src(%dma_wait3A_1206 : memref<1048576xi32, #tpu.memory_space<hbm>>) dst(%dma_wait3A_1201 : memref<128xi32, #tpu.memory_space<vmem>>)
    %get3A_1207 = arith.constant 2 : i32
    %get3A_1208 = arith.index_cast %get3A_1207 : i32 to index
    %get3A_1209 = arith.constant 0 : index
    %get3A_1210 = tpu.vector_load %arg9[%get3A_1208, %get3A_1209] {strides = array<i32>} : memref<16x128xi32, #tpu.memory_space<vmem>>, vector<1x16xi32>,
    %get3A_1211 = vector.shape_cast %get3A_1210 : vector<1x16xi32> to vector<16xi32>
    %gt3A_1212 = arith.constant 0 : i32
    %gt3A_1213 = vector.broadcast %gt3A_1212 : i32 to vector<16xi32>
    %gt3A_1214 = arith.cmpi sgt, %get3A_1211, %gt3A_1213 : vector<16xi32>
    %get3A_1215 = arith.constant 2 : i32
    %get3A_1216 = arith.index_cast %get3A_1215 : i32 to index
    %get3A_1217 = arith.constant 0 : index
    %get3A_1218 = tpu.vector_load %arg10[%get3A_1216, %get3A_1217] {strides = array<i32>} : memref<16x128xi32, #tpu.memory_space<vmem>>, vector<1x16xi32>,
    %get3A_1219 = vector.shape_cast %get3A_1218 : vector<1x16xi32> to vector<16xi32>
    %jit3A_1220 = arith.constant 0 : i32
    %broadcast_in_dim3A_1221 = vector.broadcast %jit3A_1220 : i32 to vector<16xi32>
    %select_n3A_1222 = arith.select %gt3A_1214, %get3A_1219, %broadcast_in_dim3A_1221 : vector<16xi1>, vector<16xi32>
    %swap3A_1223 = arith.constant 2 : i32
    %swap3A_1224 = arith.index_cast %swap3A_1223 : i32 to index
    %swap3A_1225 = arith.constant 0 : index
    %swap3A_1226 = tpu.vector_load %arg10[%swap3A_1224, %swap3A_1225] {strides = array<i32>} : memref<16x128xi32, #tpu.memory_space<vmem>>, vector<1x16xi32>,
    %swap3A_1227 = vector.shape_cast %swap3A_1226 : vector<1x16xi32> to vector<16xi32>
    %swap3A_1228 = vector.shape_cast %select_n3A_1222 : vector<16xi32> to vector<1x16xi32>
    tpu.vector_store %arg10[%swap3A_1224, %swap3A_1225], %swap3A_1228 {strides = array<i32>} : memref<16x128xi32, #tpu.memory_space<vmem>>, vector<1x16xi32>,
    %get3A_1229 = arith.constant 2 : i32
    %get3A_1230 = arith.index_cast %get3A_1229 : i32 to index
    %get3A_1231 = arith.constant 16 : index
    %get3A_1232 = tpu.vector_load %arg9[%get3A_1230, %get3A_1231] {strides = array<i32>} : memref<16x128xi32, #tpu.memory_space<vmem>>, vector<1x16xi32>,
    %get3A_1233 = vector.shape_cast %get3A_1232 : vector<1x16xi32> to vector<16xi32>
    %gt3A_1234 = arith.constant 0 : i32
    %gt3A_1235 = vector.broadcast %gt3A_1234 : i32 to vector<16xi32>
    %gt3A_1236 = arith.cmpi sgt, %get3A_1233, %gt3A_1235 : vector<16xi32>
    %get3A_1237 = arith.constant 2 : i32
    %get3A_1238 = arith.index_cast %get3A_1237 : i32 to index
    %get3A_1239 = arith.constant 16 : index
    %get3A_1240 = tpu.vector_load %arg10[%get3A_1238, %get3A_1239] {strides = array<i32>} : memref<16x128xi32, #tpu.memory_space<vmem>>, vector<1x16xi32>,
    %get3A_1241 = vector.shape_cast %get3A_1240 : vector<1x16xi32> to vector<16xi32>
    %jit3A_1242 = arith.constant 0 : i32
    %broadcast_in_dim3A_1243 = vector.broadcast %jit3A_1242 : i32 to vector<16xi32>
    %select_n3A_1244 = arith.select %gt3A_1236, %get3A_1241, %broadcast_in_dim3A_1243 : vector<16xi1>, vector<16xi32>
    %swap3A_1245 = arith.constant 2 : i32
    %swap3A_1246 = arith.index_cast %swap3A_1245 : i32 to index
    %swap3A_1247 = arith.constant 16 : index
    %swap3A_1248 = tpu.vector_load %arg10[%swap3A_1246, %swap3A_1247] {strides = array<i32>} : memref<16x128xi32, #tpu.memory_space<vmem>>, vector<1x16xi32>,
    %swap3A_1249 = vector.shape_cast %swap3A_1248 : vector<1x16xi32> to vector<16xi32>
    %swap3A_1250 = vector.shape_cast %select_n3A_1244 : vector<16xi32> to vector<1x16xi32>
    tpu.vector_store %arg10[%swap3A_1246, %swap3A_1247], %swap3A_1250 {strides = array<i32>} : memref<16x128xi32, #tpu.memory_space<vmem>>, vector<1x16xi32>,
    %get3A_1251 = arith.constant 2 : i32
    %get3A_1252 = arith.index_cast %get3A_1251 : i32 to index
    %get3A_1253 = arith.constant 32 : index
    %get3A_1254 = tpu.vector_load %arg9[%get3A_1252, %get3A_1253] {strides = array<i32>} : memref<16x128xi32, #tpu.memory_space<vmem>>, vector<1x16xi32>,
    %get3A_1255 = vector.shape_cast %get3A_1254 : vector<1x16xi32> to vector<16xi32>
    %gt3A_1256 = arith.constant 0 : i32
    %gt3A_1257 = vector.broadcast %gt3A_1256 : i32 to vector<16xi32>
    %gt3A_1258 = arith.cmpi sgt, %get3A_1255, %gt3A_1257 : vector<16xi32>
    %get3A_1259 = arith.constant 2 : i32
    %get3A_1260 = arith.index_cast %get3A_1259 : i32 to index
    %get3A_1261 = arith.constant 32 : index
    %get3A_1262 = tpu.vector_load %arg10[%get3A_1260, %get3A_1261] {strides = array<i32>} : memref<16x128xi32, #tpu.memory_space<vmem>>, vector<1x16xi32>,
    %get3A_1263 = vector.shape_cast %get3A_1262 : vector<1x16xi32> to vector<16xi32>
    %jit3A_1264 = arith.constant 0 : i32
    %broadcast_in_dim3A_1265 = vector.broadcast %jit3A_1264 : i32 to vector<16xi32>
    %select_n3A_1266 = arith.select %gt3A_1258, %get3A_1263, %broadcast_in_dim3A_1265 : vector<16xi1>, vector<16xi32>
    %swap3A_1267 = arith.constant 2 : i32
    %swap3A_1268 = arith.index_cast %swap3A_1267 : i32 to index
    %swap3A_1269 = arith.constant 32 : index
    %swap3A_1270 = tpu.vector_load %arg10[%swap3A_1268, %swap3A_1269] {strides = array<i32>} : memref<16x128xi32, #tpu.memory_space<vmem>>, vector<1x16xi32>,
    %swap3A_1271 = vector.shape_cast %swap3A_1270 : vector<1x16xi32> to vector<16xi32>
    %swap3A_1272 = vector.shape_cast %select_n3A_1266 : vector<16xi32> to vector<1x16xi32>
    tpu.vector_store %arg10[%swap3A_1268, %swap3A_1269], %swap3A_1272 {strides = array<i32>} : memref<16x128xi32, #tpu.memory_space<vmem>>, vector<1x16xi32>,
    %get3A_1273 = arith.constant 2 : i32
    %get3A_1274 = arith.index_cast %get3A_1273 : i32 to index
    %get3A_1275 = arith.constant 48 : index
    %get3A_1276 = tpu.vector_load %arg9[%get3A_1274, %get3A_1275] {strides = array<i32>} : memref<16x128xi32, #tpu.memory_space<vmem>>, vector<1x16xi32>,
    %get3A_1277 = vector.shape_cast %get3A_1276 : vector<1x16xi32> to vector<16xi32>
    %gt3A_1278 = arith.constant 0 : i32
    %gt3A_1279 = vector.broadcast %gt3A_1278 : i32 to vector<16xi32>
    %gt3A_1280 = arith.cmpi sgt, %get3A_1277, %gt3A_1279 : vector<16xi32>
    %get3A_1281 = arith.constant 2 : i32
    %get3A_1282 = arith.index_cast %get3A_1281 : i32 to index
    %get3A_1283 = arith.constant 48 : index
    %get3A_1284 = tpu.vector_load %arg10[%get3A_1282, %get3A_1283] {strides = array<i32>} : memref<16x128xi32, #tpu.memory_space<vmem>>, vector<1x16xi32>,
    %get3A_1285 = vector.shape_cast %get3A_1284 : vector<1x16xi32> to vector<16xi32>
    %jit3A_1286 = arith.constant 0 : i32
    %broadcast_in_dim3A_1287 = vector.broadcast %jit3A_1286 : i32 to vector<16xi32>
    %select_n3A_1288 = arith.select %gt3A_1280, %get3A_1285, %broadcast_in_dim3A_1287 : vector<16xi1>, vector<16xi32>
    %swap3A_1289 = arith.constant 2 : i32
    %swap3A_1290 = arith.index_cast %swap3A_1289 : i32 to index
    %swap3A_1291 = arith.constant 48 : index
    %swap3A_1292 = tpu.vector_load %arg10[%swap3A_1290, %swap3A_1291] {strides = array<i32>} : memref<16x128xi32, #tpu.memory_space<vmem>>, vector<1x16xi32>,
    %swap3A_1293 = vector.shape_cast %swap3A_1292 : vector<1x16xi32> to vector<16xi32>
    %swap3A_1294 = vector.shape_cast %select_n3A_1288 : vector<16xi32> to vector<1x16xi32>
    tpu.vector_store %arg10[%swap3A_1290, %swap3A_1291], %swap3A_1294 {strides = array<i32>} : memref<16x128xi32, #tpu.memory_space<vmem>>, vector<1x16xi32>,
    %get3A_1295 = arith.constant 2 : i32
    %get3A_1296 = arith.index_cast %get3A_1295 : i32 to index
    %get3A_1297 = arith.constant 64 : index
    %get3A_1298 = tpu.vector_load %arg9[%get3A_1296, %get3A_1297] {strides = array<i32>} : memref<16x128xi32, #tpu.memory_space<vmem>>, vector<1x16xi32>,
    %get3A_1299 = vector.shape_cast %get3A_1298 : vector<1x16xi32> to vector<16xi32>
    %gt3A_1300 = arith.constant 0 : i32
    %gt3A_1301 = vector.broadcast %gt3A_1300 : i32 to vector<16xi32>
    %gt3A_1302 = arith.cmpi sgt, %get3A_1299, %gt3A_1301 : vector<16xi32>
    %get3A_1303 = arith.constant 2 : i32
    %get3A_1304 = arith.index_cast %get3A_1303 : i32 to index
    %get3A_1305 = arith.constant 64 : index
    %get3A_1306 = tpu.vector_load %arg10[%get3A_1304, %get3A_1305] {strides = array<i32>} : memref<16x128xi32, #tpu.memory_space<vmem>>, vector<1x16xi32>,
    %get3A_1307 = vector.shape_cast %get3A_1306 : vector<1x16xi32> to vector<16xi32>
    %jit3A_1308 = arith.constant 0 : i32
    %broadcast_in_dim3A_1309 = vector.broadcast %jit3A_1308 : i32 to vector<16xi32>
    %select_n3A_1310 = arith.select %gt3A_1302, %get3A_1307, %broadcast_in_dim3A_1309 : vector<16xi1>, vector<16xi32>
    %swap3A_1311 = arith.constant 2 : i32
    %swap3A_1312 = arith.index_cast %swap3A_1311 : i32 to index
    %swap3A_1313 = arith.constant 64 : index
    %swap3A_1314 = tpu.vector_load %arg10[%swap3A_1312, %swap3A_1313] {strides = array<i32>} : memref<16x128xi32, #tpu.memory_space<vmem>>, vector<1x16xi32>,
    %swap3A_1315 = vector.shape_cast %swap3A_1314 : vector<1x16xi32> to vector<16xi32>
    %swap3A_1316 = vector.shape_cast %select_n3A_1310 : vector<16xi32> to vector<1x16xi32>
    tpu.vector_store %arg10[%swap3A_1312, %swap3A_1313], %swap3A_1316 {strides = array<i32>} : memref<16x128xi32, #tpu.memory_space<vmem>>, vector<1x16xi32>,
    %get3A_1317 = arith.constant 2 : i32
    %get3A_1318 = arith.index_cast %get3A_1317 : i32 to index
    %get3A_1319 = arith.constant 80 : index
    %get3A_1320 = tpu.vector_load %arg9[%get3A_1318, %get3A_1319] {strides = array<i32>} : memref<16x128xi32, #tpu.memory_space<vmem>>, vector<1x16xi32>,
    %get3A_1321 = vector.shape_cast %get3A_1320 : vector<1x16xi32> to vector<16xi32>
    %gt3A_1322 = arith.constant 0 : i32
    %gt3A_1323 = vector.broadcast %gt3A_1322 : i32 to vector<16xi32>
    %gt3A_1324 = arith.cmpi sgt, %get3A_1321, %gt3A_1323 : vector<16xi32>
    %get3A_1325 = arith.constant 2 : i32
    %get3A_1326 = arith.index_cast %get3A_1325 : i32 to index
    %get3A_1327 = arith.constant 80 : index
    %get3A_1328 = tpu.vector_load %arg10[%get3A_1326, %get3A_1327] {strides = array<i32>} : memref<16x128xi32, #tpu.memory_space<vmem>>, vector<1x16xi32>,
    %get3A_1329 = vector.shape_cast %get3A_1328 : vector<1x16xi32> to vector<16xi32>
    %jit3A_1330 = arith.constant 0 : i32
    %broadcast_in_dim3A_1331 = vector.broadcast %jit3A_1330 : i32 to vector<16xi32>
    %select_n3A_1332 = arith.select %gt3A_1324, %get3A_1329, %broadcast_in_dim3A_1331 : vector<16xi1>, vector<16xi32>
    %swap3A_1333 = arith.constant 2 : i32
    %swap3A_1334 = arith.index_cast %swap3A_1333 : i32 to index
    %swap3A_1335 = arith.constant 80 : index
    %swap3A_1336 = tpu.vector_load %arg10[%swap3A_1334, %swap3A_1335] {strides = array<i32>} : memref<16x128xi32, #tpu.memory_space<vmem>>, vector<1x16xi32>,
    %swap3A_1337 = vector.shape_cast %swap3A_1336 : vector<1x16xi32> to vector<16xi32>
    %swap3A_1338 = vector.shape_cast %select_n3A_1332 : vector<16xi32> to vector<1x16xi32>
    tpu.vector_store %arg10[%swap3A_1334, %swap3A_1335], %swap3A_1338 {strides = array<i32>} : memref<16x128xi32, #tpu.memory_space<vmem>>, vector<1x16xi32>,
    %get3A_1339 = arith.constant 2 : i32
    %get3A_1340 = arith.index_cast %get3A_1339 : i32 to index
    %get3A_1341 = arith.constant 96 : index
    %get3A_1342 = tpu.vector_load %arg9[%get3A_1340, %get3A_1341] {strides = array<i32>} : memref<16x128xi32, #tpu.memory_space<vmem>>, vector<1x16xi32>,
    %get3A_1343 = vector.shape_cast %get3A_1342 : vector<1x16xi32> to vector<16xi32>
    %gt3A_1344 = arith.constant 0 : i32
    %gt3A_1345 = vector.broadcast %gt3A_1344 : i32 to vector<16xi32>
    %gt3A_1346 = arith.cmpi sgt, %get3A_1343, %gt3A_1345 : vector<16xi32>
    %get3A_1347 = arith.constant 2 : i32
    %get3A_1348 = arith.index_cast %get3A_1347 : i32 to index
    %get3A_1349 = arith.constant 96 : index
    %get3A_1350 = tpu.vector_load %arg10[%get3A_1348, %get3A_1349] {strides = array<i32>} : memref<16x128xi32, #tpu.memory_space<vmem>>, vector<1x16xi32>,
    %get3A_1351 = vector.shape_cast %get3A_1350 : vector<1x16xi32> to vector<16xi32>
    %jit3A_1352 = arith.constant 0 : i32
    %broadcast_in_dim3A_1353 = vector.broadcast %jit3A_1352 : i32 to vector<16xi32>
    %select_n3A_1354 = arith.select %gt3A_1346, %get3A_1351, %broadcast_in_dim3A_1353 : vector<16xi1>, vector<16xi32>
    %swap3A_1355 = arith.constant 2 : i32
    %swap3A_1356 = arith.index_cast %swap3A_1355 : i32 to index
    %swap3A_1357 = arith.constant 96 : index
    %swap3A_1358 = tpu.vector_load %arg10[%swap3A_1356, %swap3A_1357] {strides = array<i32>} : memref<16x128xi32, #tpu.memory_space<vmem>>, vector<1x16xi32>,
    %swap3A_1359 = vector.shape_cast %swap3A_1358 : vector<1x16xi32> to vector<16xi32>
    %swap3A_1360 = vector.shape_cast %select_n3A_1354 : vector<16xi32> to vector<1x16xi32>
    tpu.vector_store %arg10[%swap3A_1356, %swap3A_1357], %swap3A_1360 {strides = array<i32>} : memref<16x128xi32, #tpu.memory_space<vmem>>, vector<1x16xi32>,
    %get3A_1361 = arith.constant 2 : i32
    %get3A_1362 = arith.index_cast %get3A_1361 : i32 to index
    %get3A_1363 = arith.constant 112 : index
    %get3A_1364 = tpu.vector_load %arg9[%get3A_1362, %get3A_1363] {strides = array<i32>} : memref<16x128xi32, #tpu.memory_space<vmem>>, vector<1x16xi32>,
    %get3A_1365 = vector.shape_cast %get3A_1364 : vector<1x16xi32> to vector<16xi32>
    %gt3A_1366 = arith.constant 0 : i32
    %gt3A_1367 = vector.broadcast %gt3A_1366 : i32 to vector<16xi32>
    %gt3A_1368 = arith.cmpi sgt, %get3A_1365, %gt3A_1367 : vector<16xi32>
    %get3A_1369 = arith.constant 2 : i32
    %get3A_1370 = arith.index_cast %get3A_1369 : i32 to index
    %get3A_1371 = arith.constant 112 : index
    %get3A_1372 = tpu.vector_load %arg10[%get3A_1370, %get3A_1371] {strides = array<i32>} : memref<16x128xi32, #tpu.memory_space<vmem>>, vector<1x16xi32>,
    %get3A_1373 = vector.shape_cast %get3A_1372 : vector<1x16xi32> to vector<16xi32>
    %jit3A_1374 = arith.constant 0 : i32
    %broadcast_in_dim3A_1375 = vector.broadcast %jit3A_1374 : i32 to vector<16xi32>
    %select_n3A_1376 = arith.select %gt3A_1368, %get3A_1373, %broadcast_in_dim3A_1375 : vector<16xi1>, vector<16xi32>
    %swap3A_1377 = arith.constant 2 : i32
    %swap3A_1378 = arith.index_cast %swap3A_1377 : i32 to index
    %swap3A_1379 = arith.constant 112 : index
    %swap3A_1380 = tpu.vector_load %arg10[%swap3A_1378, %swap3A_1379] {strides = array<i32>} : memref<16x128xi32, #tpu.memory_space<vmem>>, vector<1x16xi32>,
    %swap3A_1381 = vector.shape_cast %swap3A_1380 : vector<1x16xi32> to vector<16xi32>
    %swap3A_1382 = vector.shape_cast %select_n3A_1376 : vector<16xi32> to vector<1x16xi32>
    tpu.vector_store %arg10[%swap3A_1378, %swap3A_1379], %swap3A_1382 {strides = array<i32>} : memref<16x128xi32, #tpu.memory_space<vmem>>, vector<1x16xi32>,
    %add3A_1383 = arith.constant 2 : i32
    %add3A_1384 = arith.addi %mul3A_2, %add3A_1383 : i32
    %dma_start3A_1385 = arith.constant 2 : i32
    %dma_start3A_1386 = arith.constant 0 : i32
    %dma_start3A_1387 = tpu.memref_slice %arg10[%dma_start3A_1385, %dma_start3A_1386] : memref<16x128xi32, #tpu.memory_space<vmem>> -> memref<1x128xi32, #tpu.memory_space<vmem>>
    %dma_start3A_1388 = tpu.memref_squeeze %dma_start3A_1387 : memref<1x128xi32, #tpu.memory_space<vmem>> -> memref<128xi32, #tpu.memory_space<vmem>>
    %dma_start3A_1389 = arith.constant 0 : i32
    %dma_start3A_1390 = tpu.memref_slice %arg6[%add3A_1384, %dma_start3A_1389] : memref<512x128xi32, #tpu.memory_space<hbm>> -> memref<1x128xi32, #tpu.memory_space<hbm>>
    %dma_start3A_1391 = tpu.memref_squeeze %dma_start3A_1390 : memref<1x128xi32, #tpu.memory_space<hbm>> -> memref<128xi32, #tpu.memory_space<hbm>>
    %dma_start3A_1392 = arith.constant 0 : i32
    %dma_start3A_1393 = tpu.memref_slice %arg6[%add3A_1384, %dma_start3A_1392] : memref<512x128xi32, #tpu.memory_space<hbm>> -> memref<1x128xi32, #tpu.memory_space<hbm>>
    %dma_start3A_1394 = tpu.memref_squeeze %dma_start3A_1393 : memref<1x128xi32, #tpu.memory_space<hbm>> -> memref<128xi32, #tpu.memory_space<hbm>>
    %dma_start3A_1395 = arith.constant 0 : i32
    %dma_start3A_1396 = tpu.memref_slice %arg10[%dma_start3A_1385, %dma_start3A_1395] : memref<16x128xi32, #tpu.memory_space<vmem>> -> memref<1x128xi32, #tpu.memory_space<vmem>>
    %dma_start3A_1397 = tpu.memref_squeeze %dma_start3A_1396 : memref<1x128xi32, #tpu.memory_space<vmem>> -> memref<128xi32, #tpu.memory_space<vmem>>
    tpu.enqueue_dma source(%dma_start3A_1397 : memref<128xi32, #tpu.memory_space<vmem>>) target(%dma_start3A_1394 : memref<128xi32, #tpu.memory_space<hbm>>) target_semaphore(%arg11 : memref<!tpu.dma_semaphore, #tpu.memory_space<semaphore_mem>>)
    %dma_wait3A_1398 = arith.constant 3 : i32
    %dma_wait3A_1399 = arith.constant 3 : i32
    %dma_wait3A_1400 = arith.constant 0 : i32
    %dma_wait3A_1401 = tpu.memref_slice %arg10[%dma_wait3A_1399, %dma_wait3A_1400] : memref<16x128xi32, #tpu.memory_space<vmem>> -> memref<1x128xi32, #tpu.memory_space<vmem>>
    %dma_wait3A_1402 = tpu.memref_squeeze %dma_wait3A_1401 : memref<1x128xi32, #tpu.memory_space<vmem>> -> memref<128xi32, #tpu.memory_space<vmem>>
    %dma_wait3A_1403 = arith.constant 0 : i32
    %dma_wait3A_1404 = tpu.memref_slice %arg8[%dma_wait3A_1398, %dma_wait3A_1403] : memref<16x128xi32, #tpu.memory_space<vmem>> -> memref<1x128xi32, #tpu.memory_space<vmem>>
    %dma_wait3A_1405 = tpu.memref_squeeze %dma_wait3A_1404 : memref<1x128xi32, #tpu.memory_space<vmem>> -> memref<128xi32, #tpu.memory_space<vmem>>
    %dma_wait3A_1406 = arith.constant 0 : i32
    %dma_wait3A_1407 = tpu.memref_slice %arg5[%dma_wait3A_1406] : memref<1048576xi32, #tpu.memory_space<hbm>> -> memref<1048576xi32, #tpu.memory_space<hbm>>
    tpu.wait_indirect_dma semaphore(%arg11 : memref<!tpu.dma_semaphore, #tpu.memory_space<semaphore_mem>>) src(%dma_wait3A_1407 : memref<1048576xi32, #tpu.memory_space<hbm>>) dst(%dma_wait3A_1402 : memref<128xi32, #tpu.memory_space<vmem>>)
    %get3A_1408 = arith.constant 3 : i32
    %get3A_1409 = arith.index_cast %get3A_1408 : i32 to index
    %get3A_1410 = arith.constant 0 : index
    %get3A_1411 = tpu.vector_load %arg9[%get3A_1409, %get3A_1410] {strides = array<i32>} : memref<16x128xi32, #tpu.memory_space<vmem>>, vector<1x16xi32>,
    %get3A_1412 = vector.shape_cast %get3A_1411 : vector<1x16xi32> to vector<16xi32>
    %gt3A_1413 = arith.constant 0 : i32
    %gt3A_1414 = vector.broadcast %gt3A_1413 : i32 to vector<16xi32>
    %gt3A_1415 = arith.cmpi sgt, %get3A_1412, %gt3A_1414 : vector<16xi32>
    %get3A_1416 = arith.constant 3 : i32
    %get3A_1417 = arith.index_cast %get3A_1416 : i32 to index
    %get3A_1418 = arith.constant 0 : index
    %get3A_1419 = tpu.vector_load %arg10[%get3A_1417, %get3A_1418] {strides = array<i32>} : memref<16x128xi32, #tpu.memory_space<vmem>>, vector<1x16xi32>,
    %get3A_1420 = vector.shape_cast %get3A_1419 : vector<1x16xi32> to vector<16xi32>
    %jit3A_1421 = arith.constant 0 : i32
    %broadcast_in_dim3A_1422 = vector.broadcast %jit3A_1421 : i32 to vector<16xi32>
    %select_n3A_1423 = arith.select %gt3A_1415, %get3A_1420, %broadcast_in_dim3A_1422 : vector<16xi1>, vector<16xi32>
    %swap3A_1424 = arith.constant 3 : i32
    %swap3A_1425 = arith.index_cast %swap3A_1424 : i32 to index
    %swap3A_1426 = arith.constant 0 : index
    %swap3A_1427 = tpu.vector_load %arg10[%swap3A_1425, %swap3A_1426] {strides = array<i32>} : memref<16x128xi32, #tpu.memory_space<vmem>>, vector<1x16xi32>,
    %swap3A_1428 = vector.shape_cast %swap3A_1427 : vector<1x16xi32> to vector<16xi32>
    %swap3A_1429 = vector.shape_cast %select_n3A_1423 : vector<16xi32> to vector<1x16xi32>
    tpu.vector_store %arg10[%swap3A_1425, %swap3A_1426], %swap3A_1429 {strides = array<i32>} : memref<16x128xi32, #tpu.memory_space<vmem>>, vector<1x16xi32>,
    %get3A_1430 = arith.constant 3 : i32
    %get3A_1431 = arith.index_cast %get3A_1430 : i32 to index
    %get3A_1432 = arith.constant 16 : index
    %get3A_1433 = tpu.vector_load %arg9[%get3A_1431, %get3A_1432] {strides = array<i32>} : memref<16x128xi32, #tpu.memory_space<vmem>>, vector<1x16xi32>,
    %get3A_1434 = vector.shape_cast %get3A_1433 : vector<1x16xi32> to vector<16xi32>
    %gt3A_1435 = arith.constant 0 : i32
    %gt3A_1436 = vector.broadcast %gt3A_1435 : i32 to vector<16xi32>
    %gt3A_1437 = arith.cmpi sgt, %get3A_1434, %gt3A_1436 : vector<16xi32>
    %get3A_1438 = arith.constant 3 : i32
    %get3A_1439 = arith.index_cast %get3A_1438 : i32 to index
    %get3A_1440 = arith.constant 16 : index
    %get3A_1441 = tpu.vector_load %arg10[%get3A_1439, %get3A_1440] {strides = array<i32>} : memref<16x128xi32, #tpu.memory_space<vmem>>, vector<1x16xi32>,
    %get3A_1442 = vector.shape_cast %get3A_1441 : vector<1x16xi32> to vector<16xi32>
    %jit3A_1443 = arith.constant 0 : i32
    %broadcast_in_dim3A_1444 = vector.broadcast %jit3A_1443 : i32 to vector<16xi32>
    %select_n3A_1445 = arith.select %gt3A_1437, %get3A_1442, %broadcast_in_dim3A_1444 : vector<16xi1>, vector<16xi32>
    %swap3A_1446 = arith.constant 3 : i32
    %swap3A_1447 = arith.index_cast %swap3A_1446 : i32 to index
    %swap3A_1448 = arith.constant 16 : index
    %swap3A_1449 = tpu.vector_load %arg10[%swap3A_1447, %swap3A_1448] {strides = array<i32>} : memref<16x128xi32, #tpu.memory_space<vmem>>, vector<1x16xi32>,
    %swap3A_1450 = vector.shape_cast %swap3A_1449 : vector<1x16xi32> to vector<16xi32>
    %swap3A_1451 = vector.shape_cast %select_n3A_1445 : vector<16xi32> to vector<1x16xi32>
    tpu.vector_store %arg10[%swap3A_1447, %swap3A_1448], %swap3A_1451 {strides = array<i32>} : memref<16x128xi32, #tpu.memory_space<vmem>>, vector<1x16xi32>,
    %get3A_1452 = arith.constant 3 : i32
    %get3A_1453 = arith.index_cast %get3A_1452 : i32 to index
    %get3A_1454 = arith.constant 32 : index
    %get3A_1455 = tpu.vector_load %arg9[%get3A_1453, %get3A_1454] {strides = array<i32>} : memref<16x128xi32, #tpu.memory_space<vmem>>, vector<1x16xi32>,
    %get3A_1456 = vector.shape_cast %get3A_1455 : vector<1x16xi32> to vector<16xi32>
    %gt3A_1457 = arith.constant 0 : i32
    %gt3A_1458 = vector.broadcast %gt3A_1457 : i32 to vector<16xi32>
    %gt3A_1459 = arith.cmpi sgt, %get3A_1456, %gt3A_1458 : vector<16xi32>
    %get3A_1460 = arith.constant 3 : i32
    %get3A_1461 = arith.index_cast %get3A_1460 : i32 to index
    %get3A_1462 = arith.constant 32 : index
    %get3A_1463 = tpu.vector_load %arg10[%get3A_1461, %get3A_1462] {strides = array<i32>} : memref<16x128xi32, #tpu.memory_space<vmem>>, vector<1x16xi32>,
    %get3A_1464 = vector.shape_cast %get3A_1463 : vector<1x16xi32> to vector<16xi32>
    %jit3A_1465 = arith.constant 0 : i32
    %broadcast_in_dim3A_1466 = vector.broadcast %jit3A_1465 : i32 to vector<16xi32>
    %select_n3A_1467 = arith.select %gt3A_1459, %get3A_1464, %broadcast_in_dim3A_1466 : vector<16xi1>, vector<16xi32>
    %swap3A_1468 = arith.constant 3 : i32
    %swap3A_1469 = arith.index_cast %swap3A_1468 : i32 to index
    %swap3A_1470 = arith.constant 32 : index
    %swap3A_1471 = tpu.vector_load %arg10[%swap3A_1469, %swap3A_1470] {strides = array<i32>} : memref<16x128xi32, #tpu.memory_space<vmem>>, vector<1x16xi32>,
    %swap3A_1472 = vector.shape_cast %swap3A_1471 : vector<1x16xi32> to vector<16xi32>
    %swap3A_1473 = vector.shape_cast %select_n3A_1467 : vector<16xi32> to vector<1x16xi32>
    tpu.vector_store %arg10[%swap3A_1469, %swap3A_1470], %swap3A_1473 {strides = array<i32>} : memref<16x128xi32, #tpu.memory_space<vmem>>, vector<1x16xi32>,
    %get3A_1474 = arith.constant 3 : i32
    %get3A_1475 = arith.index_cast %get3A_1474 : i32 to index
    %get3A_1476 = arith.constant 48 : index
    %get3A_1477 = tpu.vector_load %arg9[%get3A_1475, %get3A_1476] {strides = array<i32>} : memref<16x128xi32, #tpu.memory_space<vmem>>, vector<1x16xi32>,
    %get3A_1478 = vector.shape_cast %get3A_1477 : vector<1x16xi32> to vector<16xi32>
    %gt3A_1479 = arith.constant 0 : i32
    %gt3A_1480 = vector.broadcast %gt3A_1479 : i32 to vector<16xi32>
    %gt3A_1481 = arith.cmpi sgt, %get3A_1478, %gt3A_1480 : vector<16xi32>
    %get3A_1482 = arith.constant 3 : i32
    %get3A_1483 = arith.index_cast %get3A_1482 : i32 to index
    %get3A_1484 = arith.constant 48 : index
    %get3A_1485 = tpu.vector_load %arg10[%get3A_1483, %get3A_1484] {strides = array<i32>} : memref<16x128xi32, #tpu.memory_space<vmem>>, vector<1x16xi32>,
    %get3A_1486 = vector.shape_cast %get3A_1485 : vector<1x16xi32> to vector<16xi32>
    %jit3A_1487 = arith.constant 0 : i32
    %broadcast_in_dim3A_1488 = vector.broadcast %jit3A_1487 : i32 to vector<16xi32>
    %select_n3A_1489 = arith.select %gt3A_1481, %get3A_1486, %broadcast_in_dim3A_1488 : vector<16xi1>, vector<16xi32>
    %swap3A_1490 = arith.constant 3 : i32
    %swap3A_1491 = arith.index_cast %swap3A_1490 : i32 to index
    %swap3A_1492 = arith.constant 48 : index
    %swap3A_1493 = tpu.vector_load %arg10[%swap3A_1491, %swap3A_1492] {strides = array<i32>} : memref<16x128xi32, #tpu.memory_space<vmem>>, vector<1x16xi32>,
    %swap3A_1494 = vector.shape_cast %swap3A_1493 : vector<1x16xi32> to vector<16xi32>
    %swap3A_1495 = vector.shape_cast %select_n3A_1489 : vector<16xi32> to vector<1x16xi32>
    tpu.vector_store %arg10[%swap3A_1491, %swap3A_1492], %swap3A_1495 {strides = array<i32>} : memref<16x128xi32, #tpu.memory_space<vmem>>, vector<1x16xi32>,
    %get3A_1496 = arith.constant 3 : i32
    %get3A_1497 = arith.index_cast %get3A_1496 : i32 to index
    %get3A_1498 = arith.constant 64 : index
    %get3A_1499 = tpu.vector_load %arg9[%get3A_1497, %get3A_1498] {strides = array<i32>} : memref<16x128xi32, #tpu.memory_space<vmem>>, vector<1x16xi32>,
    %get3A_1500 = vector.shape_cast %get3A_1499 : vector<1x16xi32> to vector<16xi32>
    %gt3A_1501 = arith.constant 0 : i32
    %gt3A_1502 = vector.broadcast %gt3A_1501 : i32 to vector<16xi32>
    %gt3A_1503 = arith.cmpi sgt, %get3A_1500, %gt3A_1502 : vector<16xi32>
    %get3A_1504 = arith.constant 3 : i32
    %get3A_1505 = arith.index_cast %get3A_1504 : i32 to index
    %get3A_1506 = arith.constant 64 : index
    %get3A_1507 = tpu.vector_load %arg10[%get3A_1505, %get3A_1506] {strides = array<i32>} : memref<16x128xi32, #tpu.memory_space<vmem>>, vector<1x16xi32>,
    %get3A_1508 = vector.shape_cast %get3A_1507 : vector<1x16xi32> to vector<16xi32>
    %jit3A_1509 = arith.constant 0 : i32
    %broadcast_in_dim3A_1510 = vector.broadcast %jit3A_1509 : i32 to vector<16xi32>
    %select_n3A_1511 = arith.select %gt3A_1503, %get3A_1508, %broadcast_in_dim3A_1510 : vector<16xi1>, vector<16xi32>
    %swap3A_1512 = arith.constant 3 : i32
    %swap3A_1513 = arith.index_cast %swap3A_1512 : i32 to index
    %swap3A_1514 = arith.constant 64 : index
    %swap3A_1515 = tpu.vector_load %arg10[%swap3A_1513, %swap3A_1514] {strides = array<i32>} : memref<16x128xi32, #tpu.memory_space<vmem>>, vector<1x16xi32>,
    %swap3A_1516 = vector.shape_cast %swap3A_1515 : vector<1x16xi32> to vector<16xi32>
    %swap3A_1517 = vector.shape_cast %select_n3A_1511 : vector<16xi32> to vector<1x16xi32>
    tpu.vector_store %arg10[%swap3A_1513, %swap3A_1514], %swap3A_1517 {strides = array<i32>} : memref<16x128xi32, #tpu.memory_space<vmem>>, vector<1x16xi32>,
    %get3A_1518 = arith.constant 3 : i32
    %get3A_1519 = arith.index_cast %get3A_1518 : i32 to index
    %get3A_1520 = arith.constant 80 : index
    %get3A_1521 = tpu.vector_load %arg9[%get3A_1519, %get3A_1520] {strides = array<i32>} : memref<16x128xi32, #tpu.memory_space<vmem>>, vector<1x16xi32>,
    %get3A_1522 = vector.shape_cast %get3A_1521 : vector<1x16xi32> to vector<16xi32>
    %gt3A_1523 = arith.constant 0 : i32
    %gt3A_1524 = vector.broadcast %gt3A_1523 : i32 to vector<16xi32>
    %gt3A_1525 = arith.cmpi sgt, %get3A_1522, %gt3A_1524 : vector<16xi32>
    %get3A_1526 = arith.constant 3 : i32
    %get3A_1527 = arith.index_cast %get3A_1526 : i32 to index
    %get3A_1528 = arith.constant 80 : index
    %get3A_1529 = tpu.vector_load %arg10[%get3A_1527, %get3A_1528] {strides = array<i32>} : memref<16x128xi32, #tpu.memory_space<vmem>>, vector<1x16xi32>,
    %get3A_1530 = vector.shape_cast %get3A_1529 : vector<1x16xi32> to vector<16xi32>
    %jit3A_1531 = arith.constant 0 : i32
    %broadcast_in_dim3A_1532 = vector.broadcast %jit3A_1531 : i32 to vector<16xi32>
    %select_n3A_1533 = arith.select %gt3A_1525, %get3A_1530, %broadcast_in_dim3A_1532 : vector<16xi1>, vector<16xi32>
    %swap3A_1534 = arith.constant 3 : i32
    %swap3A_1535 = arith.index_cast %swap3A_1534 : i32 to index
    %swap3A_1536 = arith.constant 80 : index
    %swap3A_1537 = tpu.vector_load %arg10[%swap3A_1535, %swap3A_1536] {strides = array<i32>} : memref<16x128xi32, #tpu.memory_space<vmem>>, vector<1x16xi32>,
    %swap3A_1538 = vector.shape_cast %swap3A_1537 : vector<1x16xi32> to vector<16xi32>
    %swap3A_1539 = vector.shape_cast %select_n3A_1533 : vector<16xi32> to vector<1x16xi32>
    tpu.vector_store %arg10[%swap3A_1535, %swap3A_1536], %swap3A_1539 {strides = array<i32>} : memref<16x128xi32, #tpu.memory_space<vmem>>, vector<1x16xi32>,
    %get3A_1540 = arith.constant 3 : i32
    %get3A_1541 = arith.index_cast %get3A_1540 : i32 to index
    %get3A_1542 = arith.constant 96 : index
    %get3A_1543 = tpu.vector_load %arg9[%get3A_1541, %get3A_1542] {strides = array<i32>} : memref<16x128xi32, #tpu.memory_space<vmem>>, vector<1x16xi32>,
    %get3A_1544 = vector.shape_cast %get3A_1543 : vector<1x16xi32> to vector<16xi32>
    %gt3A_1545 = arith.constant 0 : i32
    %gt3A_1546 = vector.broadcast %gt3A_1545 : i32 to vector<16xi32>
    %gt3A_1547 = arith.cmpi sgt, %get3A_1544, %gt3A_1546 : vector<16xi32>
    %get3A_1548 = arith.constant 3 : i32
    %get3A_1549 = arith.index_cast %get3A_1548 : i32 to index
    %get3A_1550 = arith.constant 96 : index
    %get3A_1551 = tpu.vector_load %arg10[%get3A_1549, %get3A_1550] {strides = array<i32>} : memref<16x128xi32, #tpu.memory_space<vmem>>, vector<1x16xi32>,
    %get3A_1552 = vector.shape_cast %get3A_1551 : vector<1x16xi32> to vector<16xi32>
    %jit3A_1553 = arith.constant 0 : i32
    %broadcast_in_dim3A_1554 = vector.broadcast %jit3A_1553 : i32 to vector<16xi32>
    %select_n3A_1555 = arith.select %gt3A_1547, %get3A_1552, %broadcast_in_dim3A_1554 : vector<16xi1>, vector<16xi32>
    %swap3A_1556 = arith.constant 3 : i32
    %swap3A_1557 = arith.index_cast %swap3A_1556 : i32 to index
    %swap3A_1558 = arith.constant 96 : index
    %swap3A_1559 = tpu.vector_load %arg10[%swap3A_1557, %swap3A_1558] {strides = array<i32>} : memref<16x128xi32, #tpu.memory_space<vmem>>, vector<1x16xi32>,
    %swap3A_1560 = vector.shape_cast %swap3A_1559 : vector<1x16xi32> to vector<16xi32>
    %swap3A_1561 = vector.shape_cast %select_n3A_1555 : vector<16xi32> to vector<1x16xi32>
    tpu.vector_store %arg10[%swap3A_1557, %swap3A_1558], %swap3A_1561 {strides = array<i32>} : memref<16x128xi32, #tpu.memory_space<vmem>>, vector<1x16xi32>,
    %get3A_1562 = arith.constant 3 : i32
    %get3A_1563 = arith.index_cast %get3A_1562 : i32 to index
    %get3A_1564 = arith.constant 112 : index
    %get3A_1565 = tpu.vector_load %arg9[%get3A_1563, %get3A_1564] {strides = array<i32>} : memref<16x128xi32, #tpu.memory_space<vmem>>, vector<1x16xi32>,
    %get3A_1566 = vector.shape_cast %get3A_1565 : vector<1x16xi32> to vector<16xi32>
    %gt3A_1567 = arith.constant 0 : i32
    %gt3A_1568 = vector.broadcast %gt3A_1567 : i32 to vector<16xi32>
    %gt3A_1569 = arith.cmpi sgt, %get3A_1566, %gt3A_1568 : vector<16xi32>
    %get3A_1570 = arith.constant 3 : i32
    %get3A_1571 = arith.index_cast %get3A_1570 : i32 to index
    %get3A_1572 = arith.constant 112 : index
    %get3A_1573 = tpu.vector_load %arg10[%get3A_1571, %get3A_1572] {strides = array<i32>} : memref<16x128xi32, #tpu.memory_space<vmem>>, vector<1x16xi32>,
    %get3A_1574 = vector.shape_cast %get3A_1573 : vector<1x16xi32> to vector<16xi32>
    %jit3A_1575 = arith.constant 0 : i32
    %broadcast_in_dim3A_1576 = vector.broadcast %jit3A_1575 : i32 to vector<16xi32>
    %select_n3A_1577 = arith.select %gt3A_1569, %get3A_1574, %broadcast_in_dim3A_1576 : vector<16xi1>, vector<16xi32>
    %swap3A_1578 = arith.constant 3 : i32
    %swap3A_1579 = arith.index_cast %swap3A_1578 : i32 to index
    %swap3A_1580 = arith.constant 112 : index
    %swap3A_1581 = tpu.vector_load %arg10[%swap3A_1579, %swap3A_1580] {strides = array<i32>} : memref<16x128xi32, #tpu.memory_space<vmem>>, vector<1x16xi32>,
    %swap3A_1582 = vector.shape_cast %swap3A_1581 : vector<1x16xi32> to vector<16xi32>
    %swap3A_1583 = vector.shape_cast %select_n3A_1577 : vector<16xi32> to vector<1x16xi32>
    tpu.vector_store %arg10[%swap3A_1579, %swap3A_1580], %swap3A_1583 {strides = array<i32>} : memref<16x128xi32, #tpu.memory_space<vmem>>, vector<1x16xi32>,
    %add3A_1584 = arith.constant 3 : i32
    %add3A_1585 = arith.addi %mul3A_2, %add3A_1584 : i32
    %dma_start3A_1586 = arith.constant 3 : i32
    %dma_start3A_1587 = arith.constant 0 : i32
    %dma_start3A_1588 = tpu.memref_slice %arg10[%dma_start3A_1586, %dma_start3A_1587] : memref<16x128xi32, #tpu.memory_space<vmem>> -> memref<1x128xi32, #tpu.memory_space<vmem>>
    %dma_start3A_1589 = tpu.memref_squeeze %dma_start3A_1588 : memref<1x128xi32, #tpu.memory_space<vmem>> -> memref<128xi32, #tpu.memory_space<vmem>>
    %dma_start3A_1590 = arith.constant 0 : i32
    %dma_start3A_1591 = tpu.memref_slice %arg6[%add3A_1585, %dma_start3A_1590] : memref<512x128xi32, #tpu.memory_space<hbm>> -> memref<1x128xi32, #tpu.memory_space<hbm>>
    %dma_start3A_1592 = tpu.memref_squeeze %dma_start3A_1591 : memref<1x128xi32, #tpu.memory_space<hbm>> -> memref<128xi32, #tpu.memory_space<hbm>>
    %dma_start3A_1593 = arith.constant 0 : i32
    %dma_start3A_1594 = tpu.memref_slice %arg6[%add3A_1585, %dma_start3A_1593] : memref<512x128xi32, #tpu.memory_space<hbm>> -> memref<1x128xi32, #tpu.memory_space<hbm>>
    %dma_start3A_1595 = tpu.memref_squeeze %dma_start3A_1594 : memref<1x128xi32, #tpu.memory_space<hbm>> -> memref<128xi32, #tpu.memory_space<hbm>>
    %dma_start3A_1596 = arith.constant 0 : i32
    %dma_start3A_1597 = tpu.memref_slice %arg10[%dma_start3A_1586, %dma_start3A_1596] : memref<16x128xi32, #tpu.memory_space<vmem>> -> memref<1x128xi32, #tpu.memory_space<vmem>>
    %dma_start3A_1598 = tpu.memref_squeeze %dma_start3A_1597 : memref<1x128xi32, #tpu.memory_space<vmem>> -> memref<128xi32, #tpu.memory_space<vmem>>
    tpu.enqueue_dma source(%dma_start3A_1598 : memref<128xi32, #tpu.memory_space<vmem>>) target(%dma_start3A_1595 : memref<128xi32, #tpu.memory_space<hbm>>) target_semaphore(%arg11 : memref<!tpu.dma_semaphore, #tpu.memory_space<semaphore_mem>>)
    %dma_wait3A_1599 = arith.constant 4 : i32
    %dma_wait3A_1600 = arith.constant 4 : i32
    %dma_wait3A_1601 = arith.constant 0 : i32
    %dma_wait3A_1602 = tpu.memref_slice %arg10[%dma_wait3A_1600, %dma_wait3A_1601] : memref<16x128xi32, #tpu.memory_space<vmem>> -> memref<1x128xi32, #tpu.memory_space<vmem>>
    %dma_wait3A_1603 = tpu.memref_squeeze %dma_wait3A_1602 : memref<1x128xi32, #tpu.memory_space<vmem>> -> memref<128xi32, #tpu.memory_space<vmem>>
    %dma_wait3A_1604 = arith.constant 0 : i32
    %dma_wait3A_1605 = tpu.memref_slice %arg8[%dma_wait3A_1599, %dma_wait3A_1604] : memref<16x128xi32, #tpu.memory_space<vmem>> -> memref<1x128xi32, #tpu.memory_space<vmem>>
    %dma_wait3A_1606 = tpu.memref_squeeze %dma_wait3A_1605 : memref<1x128xi32, #tpu.memory_space<vmem>> -> memref<128xi32, #tpu.memory_space<vmem>>
    %dma_wait3A_1607 = arith.constant 0 : i32
    %dma_wait3A_1608 = tpu.memref_slice %arg5[%dma_wait3A_1607] : memref<1048576xi32, #tpu.memory_space<hbm>> -> memref<1048576xi32, #tpu.memory_space<hbm>>
    tpu.wait_indirect_dma semaphore(%arg11 : memref<!tpu.dma_semaphore, #tpu.memory_space<semaphore_mem>>) src(%dma_wait3A_1608 : memref<1048576xi32, #tpu.memory_space<hbm>>) dst(%dma_wait3A_1603 : memref<128xi32, #tpu.memory_space<vmem>>)
    %get3A_1609 = arith.constant 4 : i32
    %get3A_1610 = arith.index_cast %get3A_1609 : i32 to index
    %get3A_1611 = arith.constant 0 : index
    %get3A_1612 = tpu.vector_load %arg9[%get3A_1610, %get3A_1611] {strides = array<i32>} : memref<16x128xi32, #tpu.memory_space<vmem>>, vector<1x16xi32>,
    %get3A_1613 = vector.shape_cast %get3A_1612 : vector<1x16xi32> to vector<16xi32>
    %gt3A_1614 = arith.constant 0 : i32
    %gt3A_1615 = vector.broadcast %gt3A_1614 : i32 to vector<16xi32>
    %gt3A_1616 = arith.cmpi sgt, %get3A_1613, %gt3A_1615 : vector<16xi32>
    %get3A_1617 = arith.constant 4 : i32
    %get3A_1618 = arith.index_cast %get3A_1617 : i32 to index
    %get3A_1619 = arith.constant 0 : index
    %get3A_1620 = tpu.vector_load %arg10[%get3A_1618, %get3A_1619] {strides = array<i32>} : memref<16x128xi32, #tpu.memory_space<vmem>>, vector<1x16xi32>,
    %get3A_1621 = vector.shape_cast %get3A_1620 : vector<1x16xi32> to vector<16xi32>
    %jit3A_1622 = arith.constant 0 : i32
    %broadcast_in_dim3A_1623 = vector.broadcast %jit3A_1622 : i32 to vector<16xi32>
    %select_n3A_1624 = arith.select %gt3A_1616, %get3A_1621, %broadcast_in_dim3A_1623 : vector<16xi1>, vector<16xi32>
    %swap3A_1625 = arith.constant 4 : i32
    %swap3A_1626 = arith.index_cast %swap3A_1625 : i32 to index
    %swap3A_1627 = arith.constant 0 : index
    %swap3A_1628 = tpu.vector_load %arg10[%swap3A_1626, %swap3A_1627] {strides = array<i32>} : memref<16x128xi32, #tpu.memory_space<vmem>>, vector<1x16xi32>,
    %swap3A_1629 = vector.shape_cast %swap3A_1628 : vector<1x16xi32> to vector<16xi32>
    %swap3A_1630 = vector.shape_cast %select_n3A_1624 : vector<16xi32> to vector<1x16xi32>
    tpu.vector_store %arg10[%swap3A_1626, %swap3A_1627], %swap3A_1630 {strides = array<i32>} : memref<16x128xi32, #tpu.memory_space<vmem>>, vector<1x16xi32>,
    %get3A_1631 = arith.constant 4 : i32
    %get3A_1632 = arith.index_cast %get3A_1631 : i32 to index
    %get3A_1633 = arith.constant 16 : index
    %get3A_1634 = tpu.vector_load %arg9[%get3A_1632, %get3A_1633] {strides = array<i32>} : memref<16x128xi32, #tpu.memory_space<vmem>>, vector<1x16xi32>,
    %get3A_1635 = vector.shape_cast %get3A_1634 : vector<1x16xi32> to vector<16xi32>
    %gt3A_1636 = arith.constant 0 : i32
    %gt3A_1637 = vector.broadcast %gt3A_1636 : i32 to vector<16xi32>
    %gt3A_1638 = arith.cmpi sgt, %get3A_1635, %gt3A_1637 : vector<16xi32>
    %get3A_1639 = arith.constant 4 : i32
    %get3A_1640 = arith.index_cast %get3A_1639 : i32 to index
    %get3A_1641 = arith.constant 16 : index
    %get3A_1642 = tpu.vector_load %arg10[%get3A_1640, %get3A_1641] {strides = array<i32>} : memref<16x128xi32, #tpu.memory_space<vmem>>, vector<1x16xi32>,
    %get3A_1643 = vector.shape_cast %get3A_1642 : vector<1x16xi32> to vector<16xi32>
    %jit3A_1644 = arith.constant 0 : i32
    %broadcast_in_dim3A_1645 = vector.broadcast %jit3A_1644 : i32 to vector<16xi32>
    %select_n3A_1646 = arith.select %gt3A_1638, %get3A_1643, %broadcast_in_dim3A_1645 : vector<16xi1>, vector<16xi32>
    %swap3A_1647 = arith.constant 4 : i32
    %swap3A_1648 = arith.index_cast %swap3A_1647 : i32 to index
    %swap3A_1649 = arith.constant 16 : index
    %swap3A_1650 = tpu.vector_load %arg10[%swap3A_1648, %swap3A_1649] {strides = array<i32>} : memref<16x128xi32, #tpu.memory_space<vmem>>, vector<1x16xi32>,
    %swap3A_1651 = vector.shape_cast %swap3A_1650 : vector<1x16xi32> to vector<16xi32>
    %swap3A_1652 = vector.shape_cast %select_n3A_1646 : vector<16xi32> to vector<1x16xi32>
    tpu.vector_store %arg10[%swap3A_1648, %swap3A_1649], %swap3A_1652 {strides = array<i32>} : memref<16x128xi32, #tpu.memory_space<vmem>>, vector<1x16xi32>,
    %get3A_1653 = arith.constant 4 : i32
    %get3A_1654 = arith.index_cast %get3A_1653 : i32 to index
    %get3A_1655 = arith.constant 32 : index
    %get3A_1656 = tpu.vector_load %arg9[%get3A_1654, %get3A_1655] {strides = array<i32>} : memref<16x128xi32, #tpu.memory_space<vmem>>, vector<1x16xi32>,
    %get3A_1657 = vector.shape_cast %get3A_1656 : vector<1x16xi32> to vector<16xi32>
    %gt3A_1658 = arith.constant 0 : i32
    %gt3A_1659 = vector.broadcast %gt3A_1658 : i32 to vector<16xi32>
    %gt3A_1660 = arith.cmpi sgt, %get3A_1657, %gt3A_1659 : vector<16xi32>
    %get3A_1661 = arith.constant 4 : i32
    %get3A_1662 = arith.index_cast %get3A_1661 : i32 to index
    %get3A_1663 = arith.constant 32 : index
    %get3A_1664 = tpu.vector_load %arg10[%get3A_1662, %get3A_1663] {strides = array<i32>} : memref<16x128xi32, #tpu.memory_space<vmem>>, vector<1x16xi32>,
    %get3A_1665 = vector.shape_cast %get3A_1664 : vector<1x16xi32> to vector<16xi32>
    %jit3A_1666 = arith.constant 0 : i32
    %broadcast_in_dim3A_1667 = vector.broadcast %jit3A_1666 : i32 to vector<16xi32>
    %select_n3A_1668 = arith.select %gt3A_1660, %get3A_1665, %broadcast_in_dim3A_1667 : vector<16xi1>, vector<16xi32>
    %swap3A_1669 = arith.constant 4 : i32
    %swap3A_1670 = arith.index_cast %swap3A_1669 : i32 to index
    %swap3A_1671 = arith.constant 32 : index
    %swap3A_1672 = tpu.vector_load %arg10[%swap3A_1670, %swap3A_1671] {strides = array<i32>} : memref<16x128xi32, #tpu.memory_space<vmem>>, vector<1x16xi32>,
    %swap3A_1673 = vector.shape_cast %swap3A_1672 : vector<1x16xi32> to vector<16xi32>
    %swap3A_1674 = vector.shape_cast %select_n3A_1668 : vector<16xi32> to vector<1x16xi32>
    tpu.vector_store %arg10[%swap3A_1670, %swap3A_1671], %swap3A_1674 {strides = array<i32>} : memref<16x128xi32, #tpu.memory_space<vmem>>, vector<1x16xi32>,
    %get3A_1675 = arith.constant 4 : i32
    %get3A_1676 = arith.index_cast %get3A_1675 : i32 to index
    %get3A_1677 = arith.constant 48 : index
    %get3A_1678 = tpu.vector_load %arg9[%get3A_1676, %get3A_1677] {strides = array<i32>} : memref<16x128xi32, #tpu.memory_space<vmem>>, vector<1x16xi32>,
    %get3A_1679 = vector.shape_cast %get3A_1678 : vector<1x16xi32> to vector<16xi32>
    %gt3A_1680 = arith.constant 0 : i32
    %gt3A_1681 = vector.broadcast %gt3A_1680 : i32 to vector<16xi32>
    %gt3A_1682 = arith.cmpi sgt, %get3A_1679, %gt3A_1681 : vector<16xi32>
    %get3A_1683 = arith.constant 4 : i32
    %get3A_1684 = arith.index_cast %get3A_1683 : i32 to index
    %get3A_1685 = arith.constant 48 : index
    %get3A_1686 = tpu.vector_load %arg10[%get3A_1684, %get3A_1685] {strides = array<i32>} : memref<16x128xi32, #tpu.memory_space<vmem>>, vector<1x16xi32>,
    %get3A_1687 = vector.shape_cast %get3A_1686 : vector<1x16xi32> to vector<16xi32>
    %jit3A_1688 = arith.constant 0 : i32
    %broadcast_in_dim3A_1689 = vector.broadcast %jit3A_1688 : i32 to vector<16xi32>
    %select_n3A_1690 = arith.select %gt3A_1682, %get3A_1687, %broadcast_in_dim3A_1689 : vector<16xi1>, vector<16xi32>
    %swap3A_1691 = arith.constant 4 : i32
    %swap3A_1692 = arith.index_cast %swap3A_1691 : i32 to index
    %swap3A_1693 = arith.constant 48 : index
    %swap3A_1694 = tpu.vector_load %arg10[%swap3A_1692, %swap3A_1693] {strides = array<i32>} : memref<16x128xi32, #tpu.memory_space<vmem>>, vector<1x16xi32>,
    %swap3A_1695 = vector.shape_cast %swap3A_1694 : vector<1x16xi32> to vector<16xi32>
    %swap3A_1696 = vector.shape_cast %select_n3A_1690 : vector<16xi32> to vector<1x16xi32>
    tpu.vector_store %arg10[%swap3A_1692, %swap3A_1693], %swap3A_1696 {strides = array<i32>} : memref<16x128xi32, #tpu.memory_space<vmem>>, vector<1x16xi32>,
    %get3A_1697 = arith.constant 4 : i32
    %get3A_1698 = arith.index_cast %get3A_1697 : i32 to index
    %get3A_1699 = arith.constant 64 : index
    %get3A_1700 = tpu.vector_load %arg9[%get3A_1698, %get3A_1699] {strides = array<i32>} : memref<16x128xi32, #tpu.memory_space<vmem>>, vector<1x16xi32>,
    %get3A_1701 = vector.shape_cast %get3A_1700 : vector<1x16xi32> to vector<16xi32>
    %gt3A_1702 = arith.constant 0 : i32
    %gt3A_1703 = vector.broadcast %gt3A_1702 : i32 to vector<16xi32>
    %gt3A_1704 = arith.cmpi sgt, %get3A_1701, %gt3A_1703 : vector<16xi32>
    %get3A_1705 = arith.constant 4 : i32
    %get3A_1706 = arith.index_cast %get3A_1705 : i32 to index
    %get3A_1707 = arith.constant 64 : index
    %get3A_1708 = tpu.vector_load %arg10[%get3A_1706, %get3A_1707] {strides = array<i32>} : memref<16x128xi32, #tpu.memory_space<vmem>>, vector<1x16xi32>,
    %get3A_1709 = vector.shape_cast %get3A_1708 : vector<1x16xi32> to vector<16xi32>
    %jit3A_1710 = arith.constant 0 : i32
    %broadcast_in_dim3A_1711 = vector.broadcast %jit3A_1710 : i32 to vector<16xi32>
    %select_n3A_1712 = arith.select %gt3A_1704, %get3A_1709, %broadcast_in_dim3A_1711 : vector<16xi1>, vector<16xi32>
    %swap3A_1713 = arith.constant 4 : i32
    %swap3A_1714 = arith.index_cast %swap3A_1713 : i32 to index
    %swap3A_1715 = arith.constant 64 : index
    %swap3A_1716 = tpu.vector_load %arg10[%swap3A_1714, %swap3A_1715] {strides = array<i32>} : memref<16x128xi32, #tpu.memory_space<vmem>>, vector<1x16xi32>,
    %swap3A_1717 = vector.shape_cast %swap3A_1716 : vector<1x16xi32> to vector<16xi32>
    %swap3A_1718 = vector.shape_cast %select_n3A_1712 : vector<16xi32> to vector<1x16xi32>
    tpu.vector_store %arg10[%swap3A_1714, %swap3A_1715], %swap3A_1718 {strides = array<i32>} : memref<16x128xi32, #tpu.memory_space<vmem>>, vector<1x16xi32>,
    %get3A_1719 = arith.constant 4 : i32
    %get3A_1720 = arith.index_cast %get3A_1719 : i32 to index
    %get3A_1721 = arith.constant 80 : index
    %get3A_1722 = tpu.vector_load %arg9[%get3A_1720, %get3A_1721] {strides = array<i32>} : memref<16x128xi32, #tpu.memory_space<vmem>>, vector<1x16xi32>,
    %get3A_1723 = vector.shape_cast %get3A_1722 : vector<1x16xi32> to vector<16xi32>
    %gt3A_1724 = arith.constant 0 : i32
    %gt3A_1725 = vector.broadcast %gt3A_1724 : i32 to vector<16xi32>
    %gt3A_1726 = arith.cmpi sgt, %get3A_1723, %gt3A_1725 : vector<16xi32>
    %get3A_1727 = arith.constant 4 : i32
    %get3A_1728 = arith.index_cast %get3A_1727 : i32 to index
    %get3A_1729 = arith.constant 80 : index
    %get3A_1730 = tpu.vector_load %arg10[%get3A_1728, %get3A_1729] {strides = array<i32>} : memref<16x128xi32, #tpu.memory_space<vmem>>, vector<1x16xi32>,
    %get3A_1731 = vector.shape_cast %get3A_1730 : vector<1x16xi32> to vector<16xi32>
    %jit3A_1732 = arith.constant 0 : i32
    %broadcast_in_dim3A_1733 = vector.broadcast %jit3A_1732 : i32 to vector<16xi32>
    %select_n3A_1734 = arith.select %gt3A_1726, %get3A_1731, %broadcast_in_dim3A_1733 : vector<16xi1>, vector<16xi32>
    %swap3A_1735 = arith.constant 4 : i32
    %swap3A_1736 = arith.index_cast %swap3A_1735 : i32 to index
    %swap3A_1737 = arith.constant 80 : index
    %swap3A_1738 = tpu.vector_load %arg10[%swap3A_1736, %swap3A_1737] {strides = array<i32>} : memref<16x128xi32, #tpu.memory_space<vmem>>, vector<1x16xi32>,
    %swap3A_1739 = vector.shape_cast %swap3A_1738 : vector<1x16xi32> to vector<16xi32>
    %swap3A_1740 = vector.shape_cast %select_n3A_1734 : vector<16xi32> to vector<1x16xi32>
    tpu.vector_store %arg10[%swap3A_1736, %swap3A_1737], %swap3A_1740 {strides = array<i32>} : memref<16x128xi32, #tpu.memory_space<vmem>>, vector<1x16xi32>,
    %get3A_1741 = arith.constant 4 : i32
    %get3A_1742 = arith.index_cast %get3A_1741 : i32 to index
    %get3A_1743 = arith.constant 96 : index
    %get3A_1744 = tpu.vector_load %arg9[%get3A_1742, %get3A_1743] {strides = array<i32>} : memref<16x128xi32, #tpu.memory_space<vmem>>, vector<1x16xi32>,
    %get3A_1745 = vector.shape_cast %get3A_1744 : vector<1x16xi32> to vector<16xi32>
    %gt3A_1746 = arith.constant 0 : i32
    %gt3A_1747 = vector.broadcast %gt3A_1746 : i32 to vector<16xi32>
    %gt3A_1748 = arith.cmpi sgt, %get3A_1745, %gt3A_1747 : vector<16xi32>
    %get3A_1749 = arith.constant 4 : i32
    %get3A_1750 = arith.index_cast %get3A_1749 : i32 to index
    %get3A_1751 = arith.constant 96 : index
    %get3A_1752 = tpu.vector_load %arg10[%get3A_1750, %get3A_1751] {strides = array<i32>} : memref<16x128xi32, #tpu.memory_space<vmem>>, vector<1x16xi32>,
    %get3A_1753 = vector.shape_cast %get3A_1752 : vector<1x16xi32> to vector<16xi32>
    %jit3A_1754 = arith.constant 0 : i32
    %broadcast_in_dim3A_1755 = vector.broadcast %jit3A_1754 : i32 to vector<16xi32>
    %select_n3A_1756 = arith.select %gt3A_1748, %get3A_1753, %broadcast_in_dim3A_1755 : vector<16xi1>, vector<16xi32>
    %swap3A_1757 = arith.constant 4 : i32
    %swap3A_1758 = arith.index_cast %swap3A_1757 : i32 to index
    %swap3A_1759 = arith.constant 96 : index
    %swap3A_1760 = tpu.vector_load %arg10[%swap3A_1758, %swap3A_1759] {strides = array<i32>} : memref<16x128xi32, #tpu.memory_space<vmem>>, vector<1x16xi32>,
    %swap3A_1761 = vector.shape_cast %swap3A_1760 : vector<1x16xi32> to vector<16xi32>
    %swap3A_1762 = vector.shape_cast %select_n3A_1756 : vector<16xi32> to vector<1x16xi32>
    tpu.vector_store %arg10[%swap3A_1758, %swap3A_1759], %swap3A_1762 {strides = array<i32>} : memref<16x128xi32, #tpu.memory_space<vmem>>, vector<1x16xi32>,
    %get3A_1763 = arith.constant 4 : i32
    %get3A_1764 = arith.index_cast %get3A_1763 : i32 to index
    %get3A_1765 = arith.constant 112 : index
    %get3A_1766 = tpu.vector_load %arg9[%get3A_1764, %get3A_1765] {strides = array<i32>} : memref<16x128xi32, #tpu.memory_space<vmem>>, vector<1x16xi32>,
    %get3A_1767 = vector.shape_cast %get3A_1766 : vector<1x16xi32> to vector<16xi32>
    %gt3A_1768 = arith.constant 0 : i32
    %gt3A_1769 = vector.broadcast %gt3A_1768 : i32 to vector<16xi32>
    %gt3A_1770 = arith.cmpi sgt, %get3A_1767, %gt3A_1769 : vector<16xi32>
    %get3A_1771 = arith.constant 4 : i32
    %get3A_1772 = arith.index_cast %get3A_1771 : i32 to index
    %get3A_1773 = arith.constant 112 : index
    %get3A_1774 = tpu.vector_load %arg10[%get3A_1772, %get3A_1773] {strides = array<i32>} : memref<16x128xi32, #tpu.memory_space<vmem>>, vector<1x16xi32>,
    %get3A_1775 = vector.shape_cast %get3A_1774 : vector<1x16xi32> to vector<16xi32>
    %jit3A_1776 = arith.constant 0 : i32
    %broadcast_in_dim3A_1777 = vector.broadcast %jit3A_1776 : i32 to vector<16xi32>
    %select_n3A_1778 = arith.select %gt3A_1770, %get3A_1775, %broadcast_in_dim3A_1777 : vector<16xi1>, vector<16xi32>
    %swap3A_1779 = arith.constant 4 : i32
    %swap3A_1780 = arith.index_cast %swap3A_1779 : i32 to index
    %swap3A_1781 = arith.constant 112 : index
    %swap3A_1782 = tpu.vector_load %arg10[%swap3A_1780, %swap3A_1781] {strides = array<i32>} : memref<16x128xi32, #tpu.memory_space<vmem>>, vector<1x16xi32>,
    %swap3A_1783 = vector.shape_cast %swap3A_1782 : vector<1x16xi32> to vector<16xi32>
    %swap3A_1784 = vector.shape_cast %select_n3A_1778 : vector<16xi32> to vector<1x16xi32>
    tpu.vector_store %arg10[%swap3A_1780, %swap3A_1781], %swap3A_1784 {strides = array<i32>} : memref<16x128xi32, #tpu.memory_space<vmem>>, vector<1x16xi32>,
    %add3A_1785 = arith.constant 4 : i32
    %add3A_1786 = arith.addi %mul3A_2, %add3A_1785 : i32
    %dma_start3A_1787 = arith.constant 4 : i32
    %dma_start3A_1788 = arith.constant 0 : i32
    %dma_start3A_1789 = tpu.memref_slice %arg10[%dma_start3A_1787, %dma_start3A_1788] : memref<16x128xi32, #tpu.memory_space<vmem>> -> memref<1x128xi32, #tpu.memory_space<vmem>>
    %dma_start3A_1790 = tpu.memref_squeeze %dma_start3A_1789 : memref<1x128xi32, #tpu.memory_space<vmem>> -> memref<128xi32, #tpu.memory_space<vmem>>
    %dma_start3A_1791 = arith.constant 0 : i32
    %dma_start3A_1792 = tpu.memref_slice %arg6[%add3A_1786, %dma_start3A_1791] : memref<512x128xi32, #tpu.memory_space<hbm>> -> memref<1x128xi32, #tpu.memory_space<hbm>>
    %dma_start3A_1793 = tpu.memref_squeeze %dma_start3A_1792 : memref<1x128xi32, #tpu.memory_space<hbm>> -> memref<128xi32, #tpu.memory_space<hbm>>
    %dma_start3A_1794 = arith.constant 0 : i32
    %dma_start3A_1795 = tpu.memref_slice %arg6[%add3A_1786, %dma_start3A_1794] : memref<512x128xi32, #tpu.memory_space<hbm>> -> memref<1x128xi32, #tpu.memory_space<hbm>>
    %dma_start3A_1796 = tpu.memref_squeeze %dma_start3A_1795 : memref<1x128xi32, #tpu.memory_space<hbm>> -> memref<128xi32, #tpu.memory_space<hbm>>
    %dma_start3A_1797 = arith.constant 0 : i32
    %dma_start3A_1798 = tpu.memref_slice %arg10[%dma_start3A_1787, %dma_start3A_1797] : memref<16x128xi32, #tpu.memory_space<vmem>> -> memref<1x128xi32, #tpu.memory_space<vmem>>
    %dma_start3A_1799 = tpu.memref_squeeze %dma_start3A_1798 : memref<1x128xi32, #tpu.memory_space<vmem>> -> memref<128xi32, #tpu.memory_space<vmem>>
    tpu.enqueue_dma source(%dma_start3A_1799 : memref<128xi32, #tpu.memory_space<vmem>>) target(%dma_start3A_1796 : memref<128xi32, #tpu.memory_space<hbm>>) target_semaphore(%arg11 : memref<!tpu.dma_semaphore, #tpu.memory_space<semaphore_mem>>)
    %dma_wait3A_1800 = arith.constant 5 : i32
    %dma_wait3A_1801 = arith.constant 5 : i32
    %dma_wait3A_1802 = arith.constant 0 : i32
    %dma_wait3A_1803 = tpu.memref_slice %arg10[%dma_wait3A_1801, %dma_wait3A_1802] : memref<16x128xi32, #tpu.memory_space<vmem>> -> memref<1x128xi32, #tpu.memory_space<vmem>>
    %dma_wait3A_1804 = tpu.memref_squeeze %dma_wait3A_1803 : memref<1x128xi32, #tpu.memory_space<vmem>> -> memref<128xi32, #tpu.memory_space<vmem>>
    %dma_wait3A_1805 = arith.constant 0 : i32
    %dma_wait3A_1806 = tpu.memref_slice %arg8[%dma_wait3A_1800, %dma_wait3A_1805] : memref<16x128xi32, #tpu.memory_space<vmem>> -> memref<1x128xi32, #tpu.memory_space<vmem>>
    %dma_wait3A_1807 = tpu.memref_squeeze %dma_wait3A_1806 : memref<1x128xi32, #tpu.memory_space<vmem>> -> memref<128xi32, #tpu.memory_space<vmem>>
    %dma_wait3A_1808 = arith.constant 0 : i32
    %dma_wait3A_1809 = tpu.memref_slice %arg5[%dma_wait3A_1808] : memref<1048576xi32, #tpu.memory_space<hbm>> -> memref<1048576xi32, #tpu.memory_space<hbm>>
    tpu.wait_indirect_dma semaphore(%arg11 : memref<!tpu.dma_semaphore, #tpu.memory_space<semaphore_mem>>) src(%dma_wait3A_1809 : memref<1048576xi32, #tpu.memory_space<hbm>>) dst(%dma_wait3A_1804 : memref<128xi32, #tpu.memory_space<vmem>>)
    %get3A_1810 = arith.constant 5 : i32
    %get3A_1811 = arith.index_cast %get3A_1810 : i32 to index
    %get3A_1812 = arith.constant 0 : index
    %get3A_1813 = tpu.vector_load %arg9[%get3A_1811, %get3A_1812] {strides = array<i32>} : memref<16x128xi32, #tpu.memory_space<vmem>>, vector<1x16xi32>,
    %get3A_1814 = vector.shape_cast %get3A_1813 : vector<1x16xi32> to vector<16xi32>
    %gt3A_1815 = arith.constant 0 : i32
    %gt3A_1816 = vector.broadcast %gt3A_1815 : i32 to vector<16xi32>
    %gt3A_1817 = arith.cmpi sgt, %get3A_1814, %gt3A_1816 : vector<16xi32>
    %get3A_1818 = arith.constant 5 : i32
    %get3A_1819 = arith.index_cast %get3A_1818 : i32 to index
    %get3A_1820 = arith.constant 0 : index
    %get3A_1821 = tpu.vector_load %arg10[%get3A_1819, %get3A_1820] {strides = array<i32>} : memref<16x128xi32, #tpu.memory_space<vmem>>, vector<1x16xi32>,
    %get3A_1822 = vector.shape_cast %get3A_1821 : vector<1x16xi32> to vector<16xi32>
    %jit3A_1823 = arith.constant 0 : i32
    %broadcast_in_dim3A_1824 = vector.broadcast %jit3A_1823 : i32 to vector<16xi32>
    %select_n3A_1825 = arith.select %gt3A_1817, %get3A_1822, %broadcast_in_dim3A_1824 : vector<16xi1>, vector<16xi32>
    %swap3A_1826 = arith.constant 5 : i32
    %swap3A_1827 = arith.index_cast %swap3A_1826 : i32 to index
    %swap3A_1828 = arith.constant 0 : index
    %swap3A_1829 = tpu.vector_load %arg10[%swap3A_1827, %swap3A_1828] {strides = array<i32>} : memref<16x128xi32, #tpu.memory_space<vmem>>, vector<1x16xi32>,
    %swap3A_1830 = vector.shape_cast %swap3A_1829 : vector<1x16xi32> to vector<16xi32>
    %swap3A_1831 = vector.shape_cast %select_n3A_1825 : vector<16xi32> to vector<1x16xi32>
    tpu.vector_store %arg10[%swap3A_1827, %swap3A_1828], %swap3A_1831 {strides = array<i32>} : memref<16x128xi32, #tpu.memory_space<vmem>>, vector<1x16xi32>,
    %get3A_1832 = arith.constant 5 : i32
    %get3A_1833 = arith.index_cast %get3A_1832 : i32 to index
    %get3A_1834 = arith.constant 16 : index
    %get3A_1835 = tpu.vector_load %arg9[%get3A_1833, %get3A_1834] {strides = array<i32>} : memref<16x128xi32, #tpu.memory_space<vmem>>, vector<1x16xi32>,
    %get3A_1836 = vector.shape_cast %get3A_1835 : vector<1x16xi32> to vector<16xi32>
    %gt3A_1837 = arith.constant 0 : i32
    %gt3A_1838 = vector.broadcast %gt3A_1837 : i32 to vector<16xi32>
    %gt3A_1839 = arith.cmpi sgt, %get3A_1836, %gt3A_1838 : vector<16xi32>
    %get3A_1840 = arith.constant 5 : i32
    %get3A_1841 = arith.index_cast %get3A_1840 : i32 to index
    %get3A_1842 = arith.constant 16 : index
    %get3A_1843 = tpu.vector_load %arg10[%get3A_1841, %get3A_1842] {strides = array<i32>} : memref<16x128xi32, #tpu.memory_space<vmem>>, vector<1x16xi32>,
    %get3A_1844 = vector.shape_cast %get3A_1843 : vector<1x16xi32> to vector<16xi32>
    %jit3A_1845 = arith.constant 0 : i32
    %broadcast_in_dim3A_1846 = vector.broadcast %jit3A_1845 : i32 to vector<16xi32>
    %select_n3A_1847 = arith.select %gt3A_1839, %get3A_1844, %broadcast_in_dim3A_1846 : vector<16xi1>, vector<16xi32>
    %swap3A_1848 = arith.constant 5 : i32
    %swap3A_1849 = arith.index_cast %swap3A_1848 : i32 to index
    %swap3A_1850 = arith.constant 16 : index
    %swap3A_1851 = tpu.vector_load %arg10[%swap3A_1849, %swap3A_1850] {strides = array<i32>} : memref<16x128xi32, #tpu.memory_space<vmem>>, vector<1x16xi32>,
    %swap3A_1852 = vector.shape_cast %swap3A_1851 : vector<1x16xi32> to vector<16xi32>
    %swap3A_1853 = vector.shape_cast %select_n3A_1847 : vector<16xi32> to vector<1x16xi32>
    tpu.vector_store %arg10[%swap3A_1849, %swap3A_1850], %swap3A_1853 {strides = array<i32>} : memref<16x128xi32, #tpu.memory_space<vmem>>, vector<1x16xi32>,
    %get3A_1854 = arith.constant 5 : i32
    %get3A_1855 = arith.index_cast %get3A_1854 : i32 to index
    %get3A_1856 = arith.constant 32 : index
    %get3A_1857 = tpu.vector_load %arg9[%get3A_1855, %get3A_1856] {strides = array<i32>} : memref<16x128xi32, #tpu.memory_space<vmem>>, vector<1x16xi32>,
    %get3A_1858 = vector.shape_cast %get3A_1857 : vector<1x16xi32> to vector<16xi32>
    %gt3A_1859 = arith.constant 0 : i32
    %gt3A_1860 = vector.broadcast %gt3A_1859 : i32 to vector<16xi32>
    %gt3A_1861 = arith.cmpi sgt, %get3A_1858, %gt3A_1860 : vector<16xi32>
    %get3A_1862 = arith.constant 5 : i32
    %get3A_1863 = arith.index_cast %get3A_1862 : i32 to index
    %get3A_1864 = arith.constant 32 : index
    %get3A_1865 = tpu.vector_load %arg10[%get3A_1863, %get3A_1864] {strides = array<i32>} : memref<16x128xi32, #tpu.memory_space<vmem>>, vector<1x16xi32>,
    %get3A_1866 = vector.shape_cast %get3A_1865 : vector<1x16xi32> to vector<16xi32>
    %jit3A_1867 = arith.constant 0 : i32
    %broadcast_in_dim3A_1868 = vector.broadcast %jit3A_1867 : i32 to vector<16xi32>
    %select_n3A_1869 = arith.select %gt3A_1861, %get3A_1866, %broadcast_in_dim3A_1868 : vector<16xi1>, vector<16xi32>
    %swap3A_1870 = arith.constant 5 : i32
    %swap3A_1871 = arith.index_cast %swap3A_1870 : i32 to index
    %swap3A_1872 = arith.constant 32 : index
    %swap3A_1873 = tpu.vector_load %arg10[%swap3A_1871, %swap3A_1872] {strides = array<i32>} : memref<16x128xi32, #tpu.memory_space<vmem>>, vector<1x16xi32>,
    %swap3A_1874 = vector.shape_cast %swap3A_1873 : vector<1x16xi32> to vector<16xi32>
    %swap3A_1875 = vector.shape_cast %select_n3A_1869 : vector<16xi32> to vector<1x16xi32>
    tpu.vector_store %arg10[%swap3A_1871, %swap3A_1872], %swap3A_1875 {strides = array<i32>} : memref<16x128xi32, #tpu.memory_space<vmem>>, vector<1x16xi32>,
    %get3A_1876 = arith.constant 5 : i32
    %get3A_1877 = arith.index_cast %get3A_1876 : i32 to index
    %get3A_1878 = arith.constant 48 : index
    %get3A_1879 = tpu.vector_load %arg9[%get3A_1877, %get3A_1878] {strides = array<i32>} : memref<16x128xi32, #tpu.memory_space<vmem>>, vector<1x16xi32>,
    %get3A_1880 = vector.shape_cast %get3A_1879 : vector<1x16xi32> to vector<16xi32>
    %gt3A_1881 = arith.constant 0 : i32
    %gt3A_1882 = vector.broadcast %gt3A_1881 : i32 to vector<16xi32>
    %gt3A_1883 = arith.cmpi sgt, %get3A_1880, %gt3A_1882 : vector<16xi32>
    %get3A_1884 = arith.constant 5 : i32
    %get3A_1885 = arith.index_cast %get3A_1884 : i32 to index
    %get3A_1886 = arith.constant 48 : index
    %get3A_1887 = tpu.vector_load %arg10[%get3A_1885, %get3A_1886] {strides = array<i32>} : memref<16x128xi32, #tpu.memory_space<vmem>>, vector<1x16xi32>,
    %get3A_1888 = vector.shape_cast %get3A_1887 : vector<1x16xi32> to vector<16xi32>
    %jit3A_1889 = arith.constant 0 : i32
    %broadcast_in_dim3A_1890 = vector.broadcast %jit3A_1889 : i32 to vector<16xi32>
    %select_n3A_1891 = arith.select %gt3A_1883, %get3A_1888, %broadcast_in_dim3A_1890 : vector<16xi1>, vector<16xi32>
    %swap3A_1892 = arith.constant 5 : i32
    %swap3A_1893 = arith.index_cast %swap3A_1892 : i32 to index
    %swap3A_1894 = arith.constant 48 : index
    %swap3A_1895 = tpu.vector_load %arg10[%swap3A_1893, %swap3A_1894] {strides = array<i32>} : memref<16x128xi32, #tpu.memory_space<vmem>>, vector<1x16xi32>,
    %swap3A_1896 = vector.shape_cast %swap3A_1895 : vector<1x16xi32> to vector<16xi32>
    %swap3A_1897 = vector.shape_cast %select_n3A_1891 : vector<16xi32> to vector<1x16xi32>
    tpu.vector_store %arg10[%swap3A_1893, %swap3A_1894], %swap3A_1897 {strides = array<i32>} : memref<16x128xi32, #tpu.memory_space<vmem>>, vector<1x16xi32>,
    %get3A_1898 = arith.constant 5 : i32
    %get3A_1899 = arith.index_cast %get3A_1898 : i32 to index
    %get3A_1900 = arith.constant 64 : index
    %get3A_1901 = tpu.vector_load %arg9[%get3A_1899, %get3A_1900] {strides = array<i32>} : memref<16x128xi32, #tpu.memory_space<vmem>>, vector<1x16xi32>,
    %get3A_1902 = vector.shape_cast %get3A_1901 : vector<1x16xi32> to vector<16xi32>
    %gt3A_1903 = arith.constant 0 : i32
    %gt3A_1904 = vector.broadcast %gt3A_1903 : i32 to vector<16xi32>
    %gt3A_1905 = arith.cmpi sgt, %get3A_1902, %gt3A_1904 : vector<16xi32>
    %get3A_1906 = arith.constant 5 : i32
    %get3A_1907 = arith.index_cast %get3A_1906 : i32 to index
    %get3A_1908 = arith.constant 64 : index
    %get3A_1909 = tpu.vector_load %arg10[%get3A_1907, %get3A_1908] {strides = array<i32>} : memref<16x128xi32, #tpu.memory_space<vmem>>, vector<1x16xi32>,
    %get3A_1910 = vector.shape_cast %get3A_1909 : vector<1x16xi32> to vector<16xi32>
    %jit3A_1911 = arith.constant 0 : i32
    %broadcast_in_dim3A_1912 = vector.broadcast %jit3A_1911 : i32 to vector<16xi32>
    %select_n3A_1913 = arith.select %gt3A_1905, %get3A_1910, %broadcast_in_dim3A_1912 : vector<16xi1>, vector<16xi32>
    %swap3A_1914 = arith.constant 5 : i32
    %swap3A_1915 = arith.index_cast %swap3A_1914 : i32 to index
    %swap3A_1916 = arith.constant 64 : index
    %swap3A_1917 = tpu.vector_load %arg10[%swap3A_1915, %swap3A_1916] {strides = array<i32>} : memref<16x128xi32, #tpu.memory_space<vmem>>, vector<1x16xi32>,
    %swap3A_1918 = vector.shape_cast %swap3A_1917 : vector<1x16xi32> to vector<16xi32>
    %swap3A_1919 = vector.shape_cast %select_n3A_1913 : vector<16xi32> to vector<1x16xi32>
    tpu.vector_store %arg10[%swap3A_1915, %swap3A_1916], %swap3A_1919 {strides = array<i32>} : memref<16x128xi32, #tpu.memory_space<vmem>>, vector<1x16xi32>,
    %get3A_1920 = arith.constant 5 : i32
    %get3A_1921 = arith.index_cast %get3A_1920 : i32 to index
    %get3A_1922 = arith.constant 80 : index
    %get3A_1923 = tpu.vector_load %arg9[%get3A_1921, %get3A_1922] {strides = array<i32>} : memref<16x128xi32, #tpu.memory_space<vmem>>, vector<1x16xi32>,
    %get3A_1924 = vector.shape_cast %get3A_1923 : vector<1x16xi32> to vector<16xi32>
    %gt3A_1925 = arith.constant 0 : i32
    %gt3A_1926 = vector.broadcast %gt3A_1925 : i32 to vector<16xi32>
    %gt3A_1927 = arith.cmpi sgt, %get3A_1924, %gt3A_1926 : vector<16xi32>
    %get3A_1928 = arith.constant 5 : i32
    %get3A_1929 = arith.index_cast %get3A_1928 : i32 to index
    %get3A_1930 = arith.constant 80 : index
    %get3A_1931 = tpu.vector_load %arg10[%get3A_1929, %get3A_1930] {strides = array<i32>} : memref<16x128xi32, #tpu.memory_space<vmem>>, vector<1x16xi32>,
    %get3A_1932 = vector.shape_cast %get3A_1931 : vector<1x16xi32> to vector<16xi32>
    %jit3A_1933 = arith.constant 0 : i32
    %broadcast_in_dim3A_1934 = vector.broadcast %jit3A_1933 : i32 to vector<16xi32>
    %select_n3A_1935 = arith.select %gt3A_1927, %get3A_1932, %broadcast_in_dim3A_1934 : vector<16xi1>, vector<16xi32>
    %swap3A_1936 = arith.constant 5 : i32
    %swap3A_1937 = arith.index_cast %swap3A_1936 : i32 to index
    %swap3A_1938 = arith.constant 80 : index
    %swap3A_1939 = tpu.vector_load %arg10[%swap3A_1937, %swap3A_1938] {strides = array<i32>} : memref<16x128xi32, #tpu.memory_space<vmem>>, vector<1x16xi32>,
    %swap3A_1940 = vector.shape_cast %swap3A_1939 : vector<1x16xi32> to vector<16xi32>
    %swap3A_1941 = vector.shape_cast %select_n3A_1935 : vector<16xi32> to vector<1x16xi32>
    tpu.vector_store %arg10[%swap3A_1937, %swap3A_1938], %swap3A_1941 {strides = array<i32>} : memref<16x128xi32, #tpu.memory_space<vmem>>, vector<1x16xi32>,
    %get3A_1942 = arith.constant 5 : i32
    %get3A_1943 = arith.index_cast %get3A_1942 : i32 to index
    %get3A_1944 = arith.constant 96 : index
    %get3A_1945 = tpu.vector_load %arg9[%get3A_1943, %get3A_1944] {strides = array<i32>} : memref<16x128xi32, #tpu.memory_space<vmem>>, vector<1x16xi32>,
    %get3A_1946 = vector.shape_cast %get3A_1945 : vector<1x16xi32> to vector<16xi32>
    %gt3A_1947 = arith.constant 0 : i32
    %gt3A_1948 = vector.broadcast %gt3A_1947 : i32 to vector<16xi32>
    %gt3A_1949 = arith.cmpi sgt, %get3A_1946, %gt3A_1948 : vector<16xi32>
    %get3A_1950 = arith.constant 5 : i32
    %get3A_1951 = arith.index_cast %get3A_1950 : i32 to index
    %get3A_1952 = arith.constant 96 : index
    %get3A_1953 = tpu.vector_load %arg10[%get3A_1951, %get3A_1952] {strides = array<i32>} : memref<16x128xi32, #tpu.memory_space<vmem>>, vector<1x16xi32>,
    %get3A_1954 = vector.shape_cast %get3A_1953 : vector<1x16xi32> to vector<16xi32>
    %jit3A_1955 = arith.constant 0 : i32
    %broadcast_in_dim3A_1956 = vector.broadcast %jit3A_1955 : i32 to vector<16xi32>
    %select_n3A_1957 = arith.select %gt3A_1949, %get3A_1954, %broadcast_in_dim3A_1956 : vector<16xi1>, vector<16xi32>
    %swap3A_1958 = arith.constant 5 : i32
    %swap3A_1959 = arith.index_cast %swap3A_1958 : i32 to index
    %swap3A_1960 = arith.constant 96 : index
    %swap3A_1961 = tpu.vector_load %arg10[%swap3A_1959, %swap3A_1960] {strides = array<i32>} : memref<16x128xi32, #tpu.memory_space<vmem>>, vector<1x16xi32>,
    %swap3A_1962 = vector.shape_cast %swap3A_1961 : vector<1x16xi32> to vector<16xi32>
    %swap3A_1963 = vector.shape_cast %select_n3A_1957 : vector<16xi32> to vector<1x16xi32>
    tpu.vector_store %arg10[%swap3A_1959, %swap3A_1960], %swap3A_1963 {strides = array<i32>} : memref<16x128xi32, #tpu.memory_space<vmem>>, vector<1x16xi32>,
    %get3A_1964 = arith.constant 5 : i32
    %get3A_1965 = arith.index_cast %get3A_1964 : i32 to index
    %get3A_1966 = arith.constant 112 : index
    %get3A_1967 = tpu.vector_load %arg9[%get3A_1965, %get3A_1966] {strides = array<i32>} : memref<16x128xi32, #tpu.memory_space<vmem>>, vector<1x16xi32>,
    %get3A_1968 = vector.shape_cast %get3A_1967 : vector<1x16xi32> to vector<16xi32>
    %gt3A_1969 = arith.constant 0 : i32
    %gt3A_1970 = vector.broadcast %gt3A_1969 : i32 to vector<16xi32>
    %gt3A_1971 = arith.cmpi sgt, %get3A_1968, %gt3A_1970 : vector<16xi32>
    %get3A_1972 = arith.constant 5 : i32
    %get3A_1973 = arith.index_cast %get3A_1972 : i32 to index
    %get3A_1974 = arith.constant 112 : index
    %get3A_1975 = tpu.vector_load %arg10[%get3A_1973, %get3A_1974] {strides = array<i32>} : memref<16x128xi32, #tpu.memory_space<vmem>>, vector<1x16xi32>,
    %get3A_1976 = vector.shape_cast %get3A_1975 : vector<1x16xi32> to vector<16xi32>
    %jit3A_1977 = arith.constant 0 : i32
    %broadcast_in_dim3A_1978 = vector.broadcast %jit3A_1977 : i32 to vector<16xi32>
    %select_n3A_1979 = arith.select %gt3A_1971, %get3A_1976, %broadcast_in_dim3A_1978 : vector<16xi1>, vector<16xi32>
    %swap3A_1980 = arith.constant 5 : i32
    %swap3A_1981 = arith.index_cast %swap3A_1980 : i32 to index
    %swap3A_1982 = arith.constant 112 : index
    %swap3A_1983 = tpu.vector_load %arg10[%swap3A_1981, %swap3A_1982] {strides = array<i32>} : memref<16x128xi32, #tpu.memory_space<vmem>>, vector<1x16xi32>,
    %swap3A_1984 = vector.shape_cast %swap3A_1983 : vector<1x16xi32> to vector<16xi32>
    %swap3A_1985 = vector.shape_cast %select_n3A_1979 : vector<16xi32> to vector<1x16xi32>
    tpu.vector_store %arg10[%swap3A_1981, %swap3A_1982], %swap3A_1985 {strides = array<i32>} : memref<16x128xi32, #tpu.memory_space<vmem>>, vector<1x16xi32>,
    %add3A_1986 = arith.constant 5 : i32
    %add3A_1987 = arith.addi %mul3A_2, %add3A_1986 : i32
    %dma_start3A_1988 = arith.constant 5 : i32
    %dma_start3A_1989 = arith.constant 0 : i32
    %dma_start3A_1990 = tpu.memref_slice %arg10[%dma_start3A_1988, %dma_start3A_1989] : memref<16x128xi32, #tpu.memory_space<vmem>> -> memref<1x128xi32, #tpu.memory_space<vmem>>
    %dma_start3A_1991 = tpu.memref_squeeze %dma_start3A_1990 : memref<1x128xi32, #tpu.memory_space<vmem>> -> memref<128xi32, #tpu.memory_space<vmem>>
    %dma_start3A_1992 = arith.constant 0 : i32
    %dma_start3A_1993 = tpu.memref_slice %arg6[%add3A_1987, %dma_start3A_1992] : memref<512x128xi32, #tpu.memory_space<hbm>> -> memref<1x128xi32, #tpu.memory_space<hbm>>
    %dma_start3A_1994 = tpu.memref_squeeze %dma_start3A_1993 : memref<1x128xi32, #tpu.memory_space<hbm>> -> memref<128xi32, #tpu.memory_space<hbm>>
    %dma_start3A_1995 = arith.constant 0 : i32
    %dma_start3A_1996 = tpu.memref_slice %arg6[%add3A_1987, %dma_start3A_1995] : memref<512x128xi32, #tpu.memory_space<hbm>> -> memref<1x128xi32, #tpu.memory_space<hbm>>
    %dma_start3A_1997 = tpu.memref_squeeze %dma_start3A_1996 : memref<1x128xi32, #tpu.memory_space<hbm>> -> memref<128xi32, #tpu.memory_space<hbm>>
    %dma_start3A_1998 = arith.constant 0 : i32
    %dma_start3A_1999 = tpu.memref_slice %arg10[%dma_start3A_1988, %dma_start3A_1998] : memref<16x128xi32, #tpu.memory_space<vmem>> -> memref<1x128xi32, #tpu.memory_space<vmem>>
    %dma_start3A_2000 = tpu.memref_squeeze %dma_start3A_1999 : memref<1x128xi32, #tpu.memory_space<vmem>> -> memref<128xi32, #tpu.memory_space<vmem>>
    tpu.enqueue_dma source(%dma_start3A_2000 : memref<128xi32, #tpu.memory_space<vmem>>) target(%dma_start3A_1997 : memref<128xi32, #tpu.memory_space<hbm>>) target_semaphore(%arg11 : memref<!tpu.dma_semaphore, #tpu.memory_space<semaphore_mem>>)
    %dma_wait3A_2001 = arith.constant 6 : i32
    %dma_wait3A_2002 = arith.constant 6 : i32
    %dma_wait3A_2003 = arith.constant 0 : i32
    %dma_wait3A_2004 = tpu.memref_slice %arg10[%dma_wait3A_2002, %dma_wait3A_2003] : memref<16x128xi32, #tpu.memory_space<vmem>> -> memref<1x128xi32, #tpu.memory_space<vmem>>
    %dma_wait3A_2005 = tpu.memref_squeeze %dma_wait3A_2004 : memref<1x128xi32, #tpu.memory_space<vmem>> -> memref<128xi32, #tpu.memory_space<vmem>>
    %dma_wait3A_2006 = arith.constant 0 : i32
    %dma_wait3A_2007 = tpu.memref_slice %arg8[%dma_wait3A_2001, %dma_wait3A_2006] : memref<16x128xi32, #tpu.memory_space<vmem>> -> memref<1x128xi32, #tpu.memory_space<vmem>>
    %dma_wait3A_2008 = tpu.memref_squeeze %dma_wait3A_2007 : memref<1x128xi32, #tpu.memory_space<vmem>> -> memref<128xi32, #tpu.memory_space<vmem>>
    %dma_wait3A_2009 = arith.constant 0 : i32
    %dma_wait3A_2010 = tpu.memref_slice %arg5[%dma_wait3A_2009] : memref<1048576xi32, #tpu.memory_space<hbm>> -> memref<1048576xi32, #tpu.memory_space<hbm>>
    tpu.wait_indirect_dma semaphore(%arg11 : memref<!tpu.dma_semaphore, #tpu.memory_space<semaphore_mem>>) src(%dma_wait3A_2010 : memref<1048576xi32, #tpu.memory_space<hbm>>) dst(%dma_wait3A_2005 : memref<128xi32, #tpu.memory_space<vmem>>)
    %get3A_2011 = arith.constant 6 : i32
    %get3A_2012 = arith.index_cast %get3A_2011 : i32 to index
    %get3A_2013 = arith.constant 0 : index
    %get3A_2014 = tpu.vector_load %arg9[%get3A_2012, %get3A_2013] {strides = array<i32>} : memref<16x128xi32, #tpu.memory_space<vmem>>, vector<1x16xi32>,
    %get3A_2015 = vector.shape_cast %get3A_2014 : vector<1x16xi32> to vector<16xi32>
    %gt3A_2016 = arith.constant 0 : i32
    %gt3A_2017 = vector.broadcast %gt3A_2016 : i32 to vector<16xi32>
    %gt3A_2018 = arith.cmpi sgt, %get3A_2015, %gt3A_2017 : vector<16xi32>
    %get3A_2019 = arith.constant 6 : i32
    %get3A_2020 = arith.index_cast %get3A_2019 : i32 to index
    %get3A_2021 = arith.constant 0 : index
    %get3A_2022 = tpu.vector_load %arg10[%get3A_2020, %get3A_2021] {strides = array<i32>} : memref<16x128xi32, #tpu.memory_space<vmem>>, vector<1x16xi32>,
    %get3A_2023 = vector.shape_cast %get3A_2022 : vector<1x16xi32> to vector<16xi32>
    %jit3A_2024 = arith.constant 0 : i32
    %broadcast_in_dim3A_2025 = vector.broadcast %jit3A_2024 : i32 to vector<16xi32>
    %select_n3A_2026 = arith.select %gt3A_2018, %get3A_2023, %broadcast_in_dim3A_2025 : vector<16xi1>, vector<16xi32>
    %swap3A_2027 = arith.constant 6 : i32
    %swap3A_2028 = arith.index_cast %swap3A_2027 : i32 to index
    %swap3A_2029 = arith.constant 0 : index
    %swap3A_2030 = tpu.vector_load %arg10[%swap3A_2028, %swap3A_2029] {strides = array<i32>} : memref<16x128xi32, #tpu.memory_space<vmem>>, vector<1x16xi32>,
    %swap3A_2031 = vector.shape_cast %swap3A_2030 : vector<1x16xi32> to vector<16xi32>
    %swap3A_2032 = vector.shape_cast %select_n3A_2026 : vector<16xi32> to vector<1x16xi32>
    tpu.vector_store %arg10[%swap3A_2028, %swap3A_2029], %swap3A_2032 {strides = array<i32>} : memref<16x128xi32, #tpu.memory_space<vmem>>, vector<1x16xi32>,
    %get3A_2033 = arith.constant 6 : i32
    %get3A_2034 = arith.index_cast %get3A_2033 : i32 to index
    %get3A_2035 = arith.constant 16 : index
    %get3A_2036 = tpu.vector_load %arg9[%get3A_2034, %get3A_2035] {strides = array<i32>} : memref<16x128xi32, #tpu.memory_space<vmem>>, vector<1x16xi32>,
    %get3A_2037 = vector.shape_cast %get3A_2036 : vector<1x16xi32> to vector<16xi32>
    %gt3A_2038 = arith.constant 0 : i32
    %gt3A_2039 = vector.broadcast %gt3A_2038 : i32 to vector<16xi32>
    %gt3A_2040 = arith.cmpi sgt, %get3A_2037, %gt3A_2039 : vector<16xi32>
    %get3A_2041 = arith.constant 6 : i32
    %get3A_2042 = arith.index_cast %get3A_2041 : i32 to index
    %get3A_2043 = arith.constant 16 : index
    %get3A_2044 = tpu.vector_load %arg10[%get3A_2042, %get3A_2043] {strides = array<i32>} : memref<16x128xi32, #tpu.memory_space<vmem>>, vector<1x16xi32>,
    %get3A_2045 = vector.shape_cast %get3A_2044 : vector<1x16xi32> to vector<16xi32>
    %jit3A_2046 = arith.constant 0 : i32
    %broadcast_in_dim3A_2047 = vector.broadcast %jit3A_2046 : i32 to vector<16xi32>
    %select_n3A_2048 = arith.select %gt3A_2040, %get3A_2045, %broadcast_in_dim3A_2047 : vector<16xi1>, vector<16xi32>
    %swap3A_2049 = arith.constant 6 : i32
    %swap3A_2050 = arith.index_cast %swap3A_2049 : i32 to index
    %swap3A_2051 = arith.constant 16 : index
    %swap3A_2052 = tpu.vector_load %arg10[%swap3A_2050, %swap3A_2051] {strides = array<i32>} : memref<16x128xi32, #tpu.memory_space<vmem>>, vector<1x16xi32>,
    %swap3A_2053 = vector.shape_cast %swap3A_2052 : vector<1x16xi32> to vector<16xi32>
    %swap3A_2054 = vector.shape_cast %select_n3A_2048 : vector<16xi32> to vector<1x16xi32>
    tpu.vector_store %arg10[%swap3A_2050, %swap3A_2051], %swap3A_2054 {strides = array<i32>} : memref<16x128xi32, #tpu.memory_space<vmem>>, vector<1x16xi32>,
    %get3A_2055 = arith.constant 6 : i32
    %get3A_2056 = arith.index_cast %get3A_2055 : i32 to index
    %get3A_2057 = arith.constant 32 : index
    %get3A_2058 = tpu.vector_load %arg9[%get3A_2056, %get3A_2057] {strides = array<i32>} : memref<16x128xi32, #tpu.memory_space<vmem>>, vector<1x16xi32>,
    %get3A_2059 = vector.shape_cast %get3A_2058 : vector<1x16xi32> to vector<16xi32>
    %gt3A_2060 = arith.constant 0 : i32
    %gt3A_2061 = vector.broadcast %gt3A_2060 : i32 to vector<16xi32>
    %gt3A_2062 = arith.cmpi sgt, %get3A_2059, %gt3A_2061 : vector<16xi32>
    %get3A_2063 = arith.constant 6 : i32
    %get3A_2064 = arith.index_cast %get3A_2063 : i32 to index
    %get3A_2065 = arith.constant 32 : index
    %get3A_2066 = tpu.vector_load %arg10[%get3A_2064, %get3A_2065] {strides = array<i32>} : memref<16x128xi32, #tpu.memory_space<vmem>>, vector<1x16xi32>,
    %get3A_2067 = vector.shape_cast %get3A_2066 : vector<1x16xi32> to vector<16xi32>
    %jit3A_2068 = arith.constant 0 : i32
    %broadcast_in_dim3A_2069 = vector.broadcast %jit3A_2068 : i32 to vector<16xi32>
    %select_n3A_2070 = arith.select %gt3A_2062, %get3A_2067, %broadcast_in_dim3A_2069 : vector<16xi1>, vector<16xi32>
    %swap3A_2071 = arith.constant 6 : i32
    %swap3A_2072 = arith.index_cast %swap3A_2071 : i32 to index
    %swap3A_2073 = arith.constant 32 : index
    %swap3A_2074 = tpu.vector_load %arg10[%swap3A_2072, %swap3A_2073] {strides = array<i32>} : memref<16x128xi32, #tpu.memory_space<vmem>>, vector<1x16xi32>,
    %swap3A_2075 = vector.shape_cast %swap3A_2074 : vector<1x16xi32> to vector<16xi32>
    %swap3A_2076 = vector.shape_cast %select_n3A_2070 : vector<16xi32> to vector<1x16xi32>
    tpu.vector_store %arg10[%swap3A_2072, %swap3A_2073], %swap3A_2076 {strides = array<i32>} : memref<16x128xi32, #tpu.memory_space<vmem>>, vector<1x16xi32>,
    %get3A_2077 = arith.constant 6 : i32
    %get3A_2078 = arith.index_cast %get3A_2077 : i32 to index
    %get3A_2079 = arith.constant 48 : index
    %get3A_2080 = tpu.vector_load %arg9[%get3A_2078, %get3A_2079] {strides = array<i32>} : memref<16x128xi32, #tpu.memory_space<vmem>>, vector<1x16xi32>,
    %get3A_2081 = vector.shape_cast %get3A_2080 : vector<1x16xi32> to vector<16xi32>
    %gt3A_2082 = arith.constant 0 : i32
    %gt3A_2083 = vector.broadcast %gt3A_2082 : i32 to vector<16xi32>
    %gt3A_2084 = arith.cmpi sgt, %get3A_2081, %gt3A_2083 : vector<16xi32>
    %get3A_2085 = arith.constant 6 : i32
    %get3A_2086 = arith.index_cast %get3A_2085 : i32 to index
    %get3A_2087 = arith.constant 48 : index
    %get3A_2088 = tpu.vector_load %arg10[%get3A_2086, %get3A_2087] {strides = array<i32>} : memref<16x128xi32, #tpu.memory_space<vmem>>, vector<1x16xi32>,
    %get3A_2089 = vector.shape_cast %get3A_2088 : vector<1x16xi32> to vector<16xi32>
    %jit3A_2090 = arith.constant 0 : i32
    %broadcast_in_dim3A_2091 = vector.broadcast %jit3A_2090 : i32 to vector<16xi32>
    %select_n3A_2092 = arith.select %gt3A_2084, %get3A_2089, %broadcast_in_dim3A_2091 : vector<16xi1>, vector<16xi32>
    %swap3A_2093 = arith.constant 6 : i32
    %swap3A_2094 = arith.index_cast %swap3A_2093 : i32 to index
    %swap3A_2095 = arith.constant 48 : index
    %swap3A_2096 = tpu.vector_load %arg10[%swap3A_2094, %swap3A_2095] {strides = array<i32>} : memref<16x128xi32, #tpu.memory_space<vmem>>, vector<1x16xi32>,
    %swap3A_2097 = vector.shape_cast %swap3A_2096 : vector<1x16xi32> to vector<16xi32>
    %swap3A_2098 = vector.shape_cast %select_n3A_2092 : vector<16xi32> to vector<1x16xi32>
    tpu.vector_store %arg10[%swap3A_2094, %swap3A_2095], %swap3A_2098 {strides = array<i32>} : memref<16x128xi32, #tpu.memory_space<vmem>>, vector<1x16xi32>,
    %get3A_2099 = arith.constant 6 : i32
    %get3A_2100 = arith.index_cast %get3A_2099 : i32 to index
    %get3A_2101 = arith.constant 64 : index
    %get3A_2102 = tpu.vector_load %arg9[%get3A_2100, %get3A_2101] {strides = array<i32>} : memref<16x128xi32, #tpu.memory_space<vmem>>, vector<1x16xi32>,
    %get3A_2103 = vector.shape_cast %get3A_2102 : vector<1x16xi32> to vector<16xi32>
    %gt3A_2104 = arith.constant 0 : i32
    %gt3A_2105 = vector.broadcast %gt3A_2104 : i32 to vector<16xi32>
    %gt3A_2106 = arith.cmpi sgt, %get3A_2103, %gt3A_2105 : vector<16xi32>
    %get3A_2107 = arith.constant 6 : i32
    %get3A_2108 = arith.index_cast %get3A_2107 : i32 to index
    %get3A_2109 = arith.constant 64 : index
    %get3A_2110 = tpu.vector_load %arg10[%get3A_2108, %get3A_2109] {strides = array<i32>} : memref<16x128xi32, #tpu.memory_space<vmem>>, vector<1x16xi32>,
    %get3A_2111 = vector.shape_cast %get3A_2110 : vector<1x16xi32> to vector<16xi32>
    %jit3A_2112 = arith.constant 0 : i32
    %broadcast_in_dim3A_2113 = vector.broadcast %jit3A_2112 : i32 to vector<16xi32>
    %select_n3A_2114 = arith.select %gt3A_2106, %get3A_2111, %broadcast_in_dim3A_2113 : vector<16xi1>, vector<16xi32>
    %swap3A_2115 = arith.constant 6 : i32
    %swap3A_2116 = arith.index_cast %swap3A_2115 : i32 to index
    %swap3A_2117 = arith.constant 64 : index
    %swap3A_2118 = tpu.vector_load %arg10[%swap3A_2116, %swap3A_2117] {strides = array<i32>} : memref<16x128xi32, #tpu.memory_space<vmem>>, vector<1x16xi32>,
    %swap3A_2119 = vector.shape_cast %swap3A_2118 : vector<1x16xi32> to vector<16xi32>
    %swap3A_2120 = vector.shape_cast %select_n3A_2114 : vector<16xi32> to vector<1x16xi32>
    tpu.vector_store %arg10[%swap3A_2116, %swap3A_2117], %swap3A_2120 {strides = array<i32>} : memref<16x128xi32, #tpu.memory_space<vmem>>, vector<1x16xi32>,
    %get3A_2121 = arith.constant 6 : i32
    %get3A_2122 = arith.index_cast %get3A_2121 : i32 to index
    %get3A_2123 = arith.constant 80 : index
    %get3A_2124 = tpu.vector_load %arg9[%get3A_2122, %get3A_2123] {strides = array<i32>} : memref<16x128xi32, #tpu.memory_space<vmem>>, vector<1x16xi32>,
    %get3A_2125 = vector.shape_cast %get3A_2124 : vector<1x16xi32> to vector<16xi32>
    %gt3A_2126 = arith.constant 0 : i32
    %gt3A_2127 = vector.broadcast %gt3A_2126 : i32 to vector<16xi32>
    %gt3A_2128 = arith.cmpi sgt, %get3A_2125, %gt3A_2127 : vector<16xi32>
    %get3A_2129 = arith.constant 6 : i32
    %get3A_2130 = arith.index_cast %get3A_2129 : i32 to index
    %get3A_2131 = arith.constant 80 : index
    %get3A_2132 = tpu.vector_load %arg10[%get3A_2130, %get3A_2131] {strides = array<i32>} : memref<16x128xi32, #tpu.memory_space<vmem>>, vector<1x16xi32>,
    %get3A_2133 = vector.shape_cast %get3A_2132 : vector<1x16xi32> to vector<16xi32>
    %jit3A_2134 = arith.constant 0 : i32
    %broadcast_in_dim3A_2135 = vector.broadcast %jit3A_2134 : i32 to vector<16xi32>
    %select_n3A_2136 = arith.select %gt3A_2128, %get3A_2133, %broadcast_in_dim3A_2135 : vector<16xi1>, vector<16xi32>
    %swap3A_2137 = arith.constant 6 : i32
    %swap3A_2138 = arith.index_cast %swap3A_2137 : i32 to index
    %swap3A_2139 = arith.constant 80 : index
    %swap3A_2140 = tpu.vector_load %arg10[%swap3A_2138, %swap3A_2139] {strides = array<i32>} : memref<16x128xi32, #tpu.memory_space<vmem>>, vector<1x16xi32>,
    %swap3A_2141 = vector.shape_cast %swap3A_2140 : vector<1x16xi32> to vector<16xi32>
    %swap3A_2142 = vector.shape_cast %select_n3A_2136 : vector<16xi32> to vector<1x16xi32>
    tpu.vector_store %arg10[%swap3A_2138, %swap3A_2139], %swap3A_2142 {strides = array<i32>} : memref<16x128xi32, #tpu.memory_space<vmem>>, vector<1x16xi32>,
    %get3A_2143 = arith.constant 6 : i32
    %get3A_2144 = arith.index_cast %get3A_2143 : i32 to index
    %get3A_2145 = arith.constant 96 : index
    %get3A_2146 = tpu.vector_load %arg9[%get3A_2144, %get3A_2145] {strides = array<i32>} : memref<16x128xi32, #tpu.memory_space<vmem>>, vector<1x16xi32>,
    %get3A_2147 = vector.shape_cast %get3A_2146 : vector<1x16xi32> to vector<16xi32>
    %gt3A_2148 = arith.constant 0 : i32
    %gt3A_2149 = vector.broadcast %gt3A_2148 : i32 to vector<16xi32>
    %gt3A_2150 = arith.cmpi sgt, %get3A_2147, %gt3A_2149 : vector<16xi32>
    %get3A_2151 = arith.constant 6 : i32
    %get3A_2152 = arith.index_cast %get3A_2151 : i32 to index
    %get3A_2153 = arith.constant 96 : index
    %get3A_2154 = tpu.vector_load %arg10[%get3A_2152, %get3A_2153] {strides = array<i32>} : memref<16x128xi32, #tpu.memory_space<vmem>>, vector<1x16xi32>,
    %get3A_2155 = vector.shape_cast %get3A_2154 : vector<1x16xi32> to vector<16xi32>
    %jit3A_2156 = arith.constant 0 : i32
    %broadcast_in_dim3A_2157 = vector.broadcast %jit3A_2156 : i32 to vector<16xi32>
    %select_n3A_2158 = arith.select %gt3A_2150, %get3A_2155, %broadcast_in_dim3A_2157 : vector<16xi1>, vector<16xi32>
    %swap3A_2159 = arith.constant 6 : i32
    %swap3A_2160 = arith.index_cast %swap3A_2159 : i32 to index
    %swap3A_2161 = arith.constant 96 : index
    %swap3A_2162 = tpu.vector_load %arg10[%swap3A_2160, %swap3A_2161] {strides = array<i32>} : memref<16x128xi32, #tpu.memory_space<vmem>>, vector<1x16xi32>,
    %swap3A_2163 = vector.shape_cast %swap3A_2162 : vector<1x16xi32> to vector<16xi32>
    %swap3A_2164 = vector.shape_cast %select_n3A_2158 : vector<16xi32> to vector<1x16xi32>
    tpu.vector_store %arg10[%swap3A_2160, %swap3A_2161], %swap3A_2164 {strides = array<i32>} : memref<16x128xi32, #tpu.memory_space<vmem>>, vector<1x16xi32>,
    %get3A_2165 = arith.constant 6 : i32
    %get3A_2166 = arith.index_cast %get3A_2165 : i32 to index
    %get3A_2167 = arith.constant 112 : index
    %get3A_2168 = tpu.vector_load %arg9[%get3A_2166, %get3A_2167] {strides = array<i32>} : memref<16x128xi32, #tpu.memory_space<vmem>>, vector<1x16xi32>,
    %get3A_2169 = vector.shape_cast %get3A_2168 : vector<1x16xi32> to vector<16xi32>
    %gt3A_2170 = arith.constant 0 : i32
    %gt3A_2171 = vector.broadcast %gt3A_2170 : i32 to vector<16xi32>
    %gt3A_2172 = arith.cmpi sgt, %get3A_2169, %gt3A_2171 : vector<16xi32>
    %get3A_2173 = arith.constant 6 : i32
    %get3A_2174 = arith.index_cast %get3A_2173 : i32 to index
    %get3A_2175 = arith.constant 112 : index
    %get3A_2176 = tpu.vector_load %arg10[%get3A_2174, %get3A_2175] {strides = array<i32>} : memref<16x128xi32, #tpu.memory_space<vmem>>, vector<1x16xi32>,
    %get3A_2177 = vector.shape_cast %get3A_2176 : vector<1x16xi32> to vector<16xi32>
    %jit3A_2178 = arith.constant 0 : i32
    %broadcast_in_dim3A_2179 = vector.broadcast %jit3A_2178 : i32 to vector<16xi32>
    %select_n3A_2180 = arith.select %gt3A_2172, %get3A_2177, %broadcast_in_dim3A_2179 : vector<16xi1>, vector<16xi32>
    %swap3A_2181 = arith.constant 6 : i32
    %swap3A_2182 = arith.index_cast %swap3A_2181 : i32 to index
    %swap3A_2183 = arith.constant 112 : index
    %swap3A_2184 = tpu.vector_load %arg10[%swap3A_2182, %swap3A_2183] {strides = array<i32>} : memref<16x128xi32, #tpu.memory_space<vmem>>, vector<1x16xi32>,
    %swap3A_2185 = vector.shape_cast %swap3A_2184 : vector<1x16xi32> to vector<16xi32>
    %swap3A_2186 = vector.shape_cast %select_n3A_2180 : vector<16xi32> to vector<1x16xi32>
    tpu.vector_store %arg10[%swap3A_2182, %swap3A_2183], %swap3A_2186 {strides = array<i32>} : memref<16x128xi32, #tpu.memory_space<vmem>>, vector<1x16xi32>,
    %add3A_2187 = arith.constant 6 : i32
    %add3A_2188 = arith.addi %mul3A_2, %add3A_2187 : i32
    %dma_start3A_2189 = arith.constant 6 : i32
    %dma_start3A_2190 = arith.constant 0 : i32
    %dma_start3A_2191 = tpu.memref_slice %arg10[%dma_start3A_2189, %dma_start3A_2190] : memref<16x128xi32, #tpu.memory_space<vmem>> -> memref<1x128xi32, #tpu.memory_space<vmem>>
    %dma_start3A_2192 = tpu.memref_squeeze %dma_start3A_2191 : memref<1x128xi32, #tpu.memory_space<vmem>> -> memref<128xi32, #tpu.memory_space<vmem>>
    %dma_start3A_2193 = arith.constant 0 : i32
    %dma_start3A_2194 = tpu.memref_slice %arg6[%add3A_2188, %dma_start3A_2193] : memref<512x128xi32, #tpu.memory_space<hbm>> -> memref<1x128xi32, #tpu.memory_space<hbm>>
    %dma_start3A_2195 = tpu.memref_squeeze %dma_start3A_2194 : memref<1x128xi32, #tpu.memory_space<hbm>> -> memref<128xi32, #tpu.memory_space<hbm>>
    %dma_start3A_2196 = arith.constant 0 : i32
    %dma_start3A_2197 = tpu.memref_slice %arg6[%add3A_2188, %dma_start3A_2196] : memref<512x128xi32, #tpu.memory_space<hbm>> -> memref<1x128xi32, #tpu.memory_space<hbm>>
    %dma_start3A_2198 = tpu.memref_squeeze %dma_start3A_2197 : memref<1x128xi32, #tpu.memory_space<hbm>> -> memref<128xi32, #tpu.memory_space<hbm>>
    %dma_start3A_2199 = arith.constant 0 : i32
    %dma_start3A_2200 = tpu.memref_slice %arg10[%dma_start3A_2189, %dma_start3A_2199] : memref<16x128xi32, #tpu.memory_space<vmem>> -> memref<1x128xi32, #tpu.memory_space<vmem>>
    %dma_start3A_2201 = tpu.memref_squeeze %dma_start3A_2200 : memref<1x128xi32, #tpu.memory_space<vmem>> -> memref<128xi32, #tpu.memory_space<vmem>>
    tpu.enqueue_dma source(%dma_start3A_2201 : memref<128xi32, #tpu.memory_space<vmem>>) target(%dma_start3A_2198 : memref<128xi32, #tpu.memory_space<hbm>>) target_semaphore(%arg11 : memref<!tpu.dma_semaphore, #tpu.memory_space<semaphore_mem>>)
    %dma_wait3A_2202 = arith.constant 7 : i32
    %dma_wait3A_2203 = arith.constant 7 : i32
    %dma_wait3A_2204 = arith.constant 0 : i32
    %dma_wait3A_2205 = tpu.memref_slice %arg10[%dma_wait3A_2203, %dma_wait3A_2204] : memref<16x128xi32, #tpu.memory_space<vmem>> -> memref<1x128xi32, #tpu.memory_space<vmem>>
    %dma_wait3A_2206 = tpu.memref_squeeze %dma_wait3A_2205 : memref<1x128xi32, #tpu.memory_space<vmem>> -> memref<128xi32, #tpu.memory_space<vmem>>
    %dma_wait3A_2207 = arith.constant 0 : i32
    %dma_wait3A_2208 = tpu.memref_slice %arg8[%dma_wait3A_2202, %dma_wait3A_2207] : memref<16x128xi32, #tpu.memory_space<vmem>> -> memref<1x128xi32, #tpu.memory_space<vmem>>
    %dma_wait3A_2209 = tpu.memref_squeeze %dma_wait3A_2208 : memref<1x128xi32, #tpu.memory_space<vmem>> -> memref<128xi32, #tpu.memory_space<vmem>>
    %dma_wait3A_2210 = arith.constant 0 : i32
    %dma_wait3A_2211 = tpu.memref_slice %arg5[%dma_wait3A_2210] : memref<1048576xi32, #tpu.memory_space<hbm>> -> memref<1048576xi32, #tpu.memory_space<hbm>>
    tpu.wait_indirect_dma semaphore(%arg11 : memref<!tpu.dma_semaphore, #tpu.memory_space<semaphore_mem>>) src(%dma_wait3A_2211 : memref<1048576xi32, #tpu.memory_space<hbm>>) dst(%dma_wait3A_2206 : memref<128xi32, #tpu.memory_space<vmem>>)
    %get3A_2212 = arith.constant 7 : i32
    %get3A_2213 = arith.index_cast %get3A_2212 : i32 to index
    %get3A_2214 = arith.constant 0 : index
    %get3A_2215 = tpu.vector_load %arg9[%get3A_2213, %get3A_2214] {strides = array<i32>} : memref<16x128xi32, #tpu.memory_space<vmem>>, vector<1x16xi32>,
    %get3A_2216 = vector.shape_cast %get3A_2215 : vector<1x16xi32> to vector<16xi32>
    %gt3A_2217 = arith.constant 0 : i32
    %gt3A_2218 = vector.broadcast %gt3A_2217 : i32 to vector<16xi32>
    %gt3A_2219 = arith.cmpi sgt, %get3A_2216, %gt3A_2218 : vector<16xi32>
    %get3A_2220 = arith.constant 7 : i32
    %get3A_2221 = arith.index_cast %get3A_2220 : i32 to index
    %get3A_2222 = arith.constant 0 : index
    %get3A_2223 = tpu.vector_load %arg10[%get3A_2221, %get3A_2222] {strides = array<i32>} : memref<16x128xi32, #tpu.memory_space<vmem>>, vector<1x16xi32>,
    %get3A_2224 = vector.shape_cast %get3A_2223 : vector<1x16xi32> to vector<16xi32>
    %jit3A_2225 = arith.constant 0 : i32
    %broadcast_in_dim3A_2226 = vector.broadcast %jit3A_2225 : i32 to vector<16xi32>
    %select_n3A_2227 = arith.select %gt3A_2219, %get3A_2224, %broadcast_in_dim3A_2226 : vector<16xi1>, vector<16xi32>
    %swap3A_2228 = arith.constant 7 : i32
    %swap3A_2229 = arith.index_cast %swap3A_2228 : i32 to index
    %swap3A_2230 = arith.constant 0 : index
    %swap3A_2231 = tpu.vector_load %arg10[%swap3A_2229, %swap3A_2230] {strides = array<i32>} : memref<16x128xi32, #tpu.memory_space<vmem>>, vector<1x16xi32>,
    %swap3A_2232 = vector.shape_cast %swap3A_2231 : vector<1x16xi32> to vector<16xi32>
    %swap3A_2233 = vector.shape_cast %select_n3A_2227 : vector<16xi32> to vector<1x16xi32>
    tpu.vector_store %arg10[%swap3A_2229, %swap3A_2230], %swap3A_2233 {strides = array<i32>} : memref<16x128xi32, #tpu.memory_space<vmem>>, vector<1x16xi32>,
    %get3A_2234 = arith.constant 7 : i32
    %get3A_2235 = arith.index_cast %get3A_2234 : i32 to index
    %get3A_2236 = arith.constant 16 : index
    %get3A_2237 = tpu.vector_load %arg9[%get3A_2235, %get3A_2236] {strides = array<i32>} : memref<16x128xi32, #tpu.memory_space<vmem>>, vector<1x16xi32>,
    %get3A_2238 = vector.shape_cast %get3A_2237 : vector<1x16xi32> to vector<16xi32>
    %gt3A_2239 = arith.constant 0 : i32
    %gt3A_2240 = vector.broadcast %gt3A_2239 : i32 to vector<16xi32>
    %gt3A_2241 = arith.cmpi sgt, %get3A_2238, %gt3A_2240 : vector<16xi32>
    %get3A_2242 = arith.constant 7 : i32
    %get3A_2243 = arith.index_cast %get3A_2242 : i32 to index
    %get3A_2244 = arith.constant 16 : index
    %get3A_2245 = tpu.vector_load %arg10[%get3A_2243, %get3A_2244] {strides = array<i32>} : memref<16x128xi32, #tpu.memory_space<vmem>>, vector<1x16xi32>,
    %get3A_2246 = vector.shape_cast %get3A_2245 : vector<1x16xi32> to vector<16xi32>
    %jit3A_2247 = arith.constant 0 : i32
    %broadcast_in_dim3A_2248 = vector.broadcast %jit3A_2247 : i32 to vector<16xi32>
    %select_n3A_2249 = arith.select %gt3A_2241, %get3A_2246, %broadcast_in_dim3A_2248 : vector<16xi1>, vector<16xi32>
    %swap3A_2250 = arith.constant 7 : i32
    %swap3A_2251 = arith.index_cast %swap3A_2250 : i32 to index
    %swap3A_2252 = arith.constant 16 : index
    %swap3A_2253 = tpu.vector_load %arg10[%swap3A_2251, %swap3A_2252] {strides = array<i32>} : memref<16x128xi32, #tpu.memory_space<vmem>>, vector<1x16xi32>,
    %swap3A_2254 = vector.shape_cast %swap3A_2253 : vector<1x16xi32> to vector<16xi32>
    %swap3A_2255 = vector.shape_cast %select_n3A_2249 : vector<16xi32> to vector<1x16xi32>
    tpu.vector_store %arg10[%swap3A_2251, %swap3A_2252], %swap3A_2255 {strides = array<i32>} : memref<16x128xi32, #tpu.memory_space<vmem>>, vector<1x16xi32>,
    %get3A_2256 = arith.constant 7 : i32
    %get3A_2257 = arith.index_cast %get3A_2256 : i32 to index
    %get3A_2258 = arith.constant 32 : index
    %get3A_2259 = tpu.vector_load %arg9[%get3A_2257, %get3A_2258] {strides = array<i32>} : memref<16x128xi32, #tpu.memory_space<vmem>>, vector<1x16xi32>,
    %get3A_2260 = vector.shape_cast %get3A_2259 : vector<1x16xi32> to vector<16xi32>
    %gt3A_2261 = arith.constant 0 : i32
    %gt3A_2262 = vector.broadcast %gt3A_2261 : i32 to vector<16xi32>
    %gt3A_2263 = arith.cmpi sgt, %get3A_2260, %gt3A_2262 : vector<16xi32>
    %get3A_2264 = arith.constant 7 : i32
    %get3A_2265 = arith.index_cast %get3A_2264 : i32 to index
    %get3A_2266 = arith.constant 32 : index
    %get3A_2267 = tpu.vector_load %arg10[%get3A_2265, %get3A_2266] {strides = array<i32>} : memref<16x128xi32, #tpu.memory_space<vmem>>, vector<1x16xi32>,
    %get3A_2268 = vector.shape_cast %get3A_2267 : vector<1x16xi32> to vector<16xi32>
    %jit3A_2269 = arith.constant 0 : i32
    %broadcast_in_dim3A_2270 = vector.broadcast %jit3A_2269 : i32 to vector<16xi32>
    %select_n3A_2271 = arith.select %gt3A_2263, %get3A_2268, %broadcast_in_dim3A_2270 : vector<16xi1>, vector<16xi32>
    %swap3A_2272 = arith.constant 7 : i32
    %swap3A_2273 = arith.index_cast %swap3A_2272 : i32 to index
    %swap3A_2274 = arith.constant 32 : index
    %swap3A_2275 = tpu.vector_load %arg10[%swap3A_2273, %swap3A_2274] {strides = array<i32>} : memref<16x128xi32, #tpu.memory_space<vmem>>, vector<1x16xi32>,
    %swap3A_2276 = vector.shape_cast %swap3A_2275 : vector<1x16xi32> to vector<16xi32>
    %swap3A_2277 = vector.shape_cast %select_n3A_2271 : vector<16xi32> to vector<1x16xi32>
    tpu.vector_store %arg10[%swap3A_2273, %swap3A_2274], %swap3A_2277 {strides = array<i32>} : memref<16x128xi32, #tpu.memory_space<vmem>>, vector<1x16xi32>,
    %get3A_2278 = arith.constant 7 : i32
    %get3A_2279 = arith.index_cast %get3A_2278 : i32 to index
    %get3A_2280 = arith.constant 48 : index
    %get3A_2281 = tpu.vector_load %arg9[%get3A_2279, %get3A_2280] {strides = array<i32>} : memref<16x128xi32, #tpu.memory_space<vmem>>, vector<1x16xi32>,
    %get3A_2282 = vector.shape_cast %get3A_2281 : vector<1x16xi32> to vector<16xi32>
    %gt3A_2283 = arith.constant 0 : i32
    %gt3A_2284 = vector.broadcast %gt3A_2283 : i32 to vector<16xi32>
    %gt3A_2285 = arith.cmpi sgt, %get3A_2282, %gt3A_2284 : vector<16xi32>
    %get3A_2286 = arith.constant 7 : i32
    %get3A_2287 = arith.index_cast %get3A_2286 : i32 to index
    %get3A_2288 = arith.constant 48 : index
    %get3A_2289 = tpu.vector_load %arg10[%get3A_2287, %get3A_2288] {strides = array<i32>} : memref<16x128xi32, #tpu.memory_space<vmem>>, vector<1x16xi32>,
    %get3A_2290 = vector.shape_cast %get3A_2289 : vector<1x16xi32> to vector<16xi32>
    %jit3A_2291 = arith.constant 0 : i32
    %broadcast_in_dim3A_2292 = vector.broadcast %jit3A_2291 : i32 to vector<16xi32>
    %select_n3A_2293 = arith.select %gt3A_2285, %get3A_2290, %broadcast_in_dim3A_2292 : vector<16xi1>, vector<16xi32>
    %swap3A_2294 = arith.constant 7 : i32
    %swap3A_2295 = arith.index_cast %swap3A_2294 : i32 to index
    %swap3A_2296 = arith.constant 48 : index
    %swap3A_2297 = tpu.vector_load %arg10[%swap3A_2295, %swap3A_2296] {strides = array<i32>} : memref<16x128xi32, #tpu.memory_space<vmem>>, vector<1x16xi32>,
    %swap3A_2298 = vector.shape_cast %swap3A_2297 : vector<1x16xi32> to vector<16xi32>
    %swap3A_2299 = vector.shape_cast %select_n3A_2293 : vector<16xi32> to vector<1x16xi32>
    tpu.vector_store %arg10[%swap3A_2295, %swap3A_2296], %swap3A_2299 {strides = array<i32>} : memref<16x128xi32, #tpu.memory_space<vmem>>, vector<1x16xi32>,
    %get3A_2300 = arith.constant 7 : i32
    %get3A_2301 = arith.index_cast %get3A_2300 : i32 to index
    %get3A_2302 = arith.constant 64 : index
    %get3A_2303 = tpu.vector_load %arg9[%get3A_2301, %get3A_2302] {strides = array<i32>} : memref<16x128xi32, #tpu.memory_space<vmem>>, vector<1x16xi32>,
    %get3A_2304 = vector.shape_cast %get3A_2303 : vector<1x16xi32> to vector<16xi32>
    %gt3A_2305 = arith.constant 0 : i32
    %gt3A_2306 = vector.broadcast %gt3A_2305 : i32 to vector<16xi32>
    %gt3A_2307 = arith.cmpi sgt, %get3A_2304, %gt3A_2306 : vector<16xi32>
    %get3A_2308 = arith.constant 7 : i32
    %get3A_2309 = arith.index_cast %get3A_2308 : i32 to index
    %get3A_2310 = arith.constant 64 : index
    %get3A_2311 = tpu.vector_load %arg10[%get3A_2309, %get3A_2310] {strides = array<i32>} : memref<16x128xi32, #tpu.memory_space<vmem>>, vector<1x16xi32>,
    %get3A_2312 = vector.shape_cast %get3A_2311 : vector<1x16xi32> to vector<16xi32>
    %jit3A_2313 = arith.constant 0 : i32
    %broadcast_in_dim3A_2314 = vector.broadcast %jit3A_2313 : i32 to vector<16xi32>
    %select_n3A_2315 = arith.select %gt3A_2307, %get3A_2312, %broadcast_in_dim3A_2314 : vector<16xi1>, vector<16xi32>
    %swap3A_2316 = arith.constant 7 : i32
    %swap3A_2317 = arith.index_cast %swap3A_2316 : i32 to index
    %swap3A_2318 = arith.constant 64 : index
    %swap3A_2319 = tpu.vector_load %arg10[%swap3A_2317, %swap3A_2318] {strides = array<i32>} : memref<16x128xi32, #tpu.memory_space<vmem>>, vector<1x16xi32>,
    %swap3A_2320 = vector.shape_cast %swap3A_2319 : vector<1x16xi32> to vector<16xi32>
    %swap3A_2321 = vector.shape_cast %select_n3A_2315 : vector<16xi32> to vector<1x16xi32>
    tpu.vector_store %arg10[%swap3A_2317, %swap3A_2318], %swap3A_2321 {strides = array<i32>} : memref<16x128xi32, #tpu.memory_space<vmem>>, vector<1x16xi32>,
    %get3A_2322 = arith.constant 7 : i32
    %get3A_2323 = arith.index_cast %get3A_2322 : i32 to index
    %get3A_2324 = arith.constant 80 : index
    %get3A_2325 = tpu.vector_load %arg9[%get3A_2323, %get3A_2324] {strides = array<i32>} : memref<16x128xi32, #tpu.memory_space<vmem>>, vector<1x16xi32>,
    %get3A_2326 = vector.shape_cast %get3A_2325 : vector<1x16xi32> to vector<16xi32>
    %gt3A_2327 = arith.constant 0 : i32
    %gt3A_2328 = vector.broadcast %gt3A_2327 : i32 to vector<16xi32>
    %gt3A_2329 = arith.cmpi sgt, %get3A_2326, %gt3A_2328 : vector<16xi32>
    %get3A_2330 = arith.constant 7 : i32
    %get3A_2331 = arith.index_cast %get3A_2330 : i32 to index
    %get3A_2332 = arith.constant 80 : index
    %get3A_2333 = tpu.vector_load %arg10[%get3A_2331, %get3A_2332] {strides = array<i32>} : memref<16x128xi32, #tpu.memory_space<vmem>>, vector<1x16xi32>,
    %get3A_2334 = vector.shape_cast %get3A_2333 : vector<1x16xi32> to vector<16xi32>
    %jit3A_2335 = arith.constant 0 : i32
    %broadcast_in_dim3A_2336 = vector.broadcast %jit3A_2335 : i32 to vector<16xi32>
    %select_n3A_2337 = arith.select %gt3A_2329, %get3A_2334, %broadcast_in_dim3A_2336 : vector<16xi1>, vector<16xi32>
    %swap3A_2338 = arith.constant 7 : i32
    %swap3A_2339 = arith.index_cast %swap3A_2338 : i32 to index
    %swap3A_2340 = arith.constant 80 : index
    %swap3A_2341 = tpu.vector_load %arg10[%swap3A_2339, %swap3A_2340] {strides = array<i32>} : memref<16x128xi32, #tpu.memory_space<vmem>>, vector<1x16xi32>,
    %swap3A_2342 = vector.shape_cast %swap3A_2341 : vector<1x16xi32> to vector<16xi32>
    %swap3A_2343 = vector.shape_cast %select_n3A_2337 : vector<16xi32> to vector<1x16xi32>
    tpu.vector_store %arg10[%swap3A_2339, %swap3A_2340], %swap3A_2343 {strides = array<i32>} : memref<16x128xi32, #tpu.memory_space<vmem>>, vector<1x16xi32>,
    %get3A_2344 = arith.constant 7 : i32
    %get3A_2345 = arith.index_cast %get3A_2344 : i32 to index
    %get3A_2346 = arith.constant 96 : index
    %get3A_2347 = tpu.vector_load %arg9[%get3A_2345, %get3A_2346] {strides = array<i32>} : memref<16x128xi32, #tpu.memory_space<vmem>>, vector<1x16xi32>,
    %get3A_2348 = vector.shape_cast %get3A_2347 : vector<1x16xi32> to vector<16xi32>
    %gt3A_2349 = arith.constant 0 : i32
    %gt3A_2350 = vector.broadcast %gt3A_2349 : i32 to vector<16xi32>
    %gt3A_2351 = arith.cmpi sgt, %get3A_2348, %gt3A_2350 : vector<16xi32>
    %get3A_2352 = arith.constant 7 : i32
    %get3A_2353 = arith.index_cast %get3A_2352 : i32 to index
    %get3A_2354 = arith.constant 96 : index
    %get3A_2355 = tpu.vector_load %arg10[%get3A_2353, %get3A_2354] {strides = array<i32>} : memref<16x128xi32, #tpu.memory_space<vmem>>, vector<1x16xi32>,
    %get3A_2356 = vector.shape_cast %get3A_2355 : vector<1x16xi32> to vector<16xi32>
    %jit3A_2357 = arith.constant 0 : i32
    %broadcast_in_dim3A_2358 = vector.broadcast %jit3A_2357 : i32 to vector<16xi32>
    %select_n3A_2359 = arith.select %gt3A_2351, %get3A_2356, %broadcast_in_dim3A_2358 : vector<16xi1>, vector<16xi32>
    %swap3A_2360 = arith.constant 7 : i32
    %swap3A_2361 = arith.index_cast %swap3A_2360 : i32 to index
    %swap3A_2362 = arith.constant 96 : index
    %swap3A_2363 = tpu.vector_load %arg10[%swap3A_2361, %swap3A_2362] {strides = array<i32>} : memref<16x128xi32, #tpu.memory_space<vmem>>, vector<1x16xi32>,
    %swap3A_2364 = vector.shape_cast %swap3A_2363 : vector<1x16xi32> to vector<16xi32>
    %swap3A_2365 = vector.shape_cast %select_n3A_2359 : vector<16xi32> to vector<1x16xi32>
    tpu.vector_store %arg10[%swap3A_2361, %swap3A_2362], %swap3A_2365 {strides = array<i32>} : memref<16x128xi32, #tpu.memory_space<vmem>>, vector<1x16xi32>,
    %get3A_2366 = arith.constant 7 : i32
    %get3A_2367 = arith.index_cast %get3A_2366 : i32 to index
    %get3A_2368 = arith.constant 112 : index
    %get3A_2369 = tpu.vector_load %arg9[%get3A_2367, %get3A_2368] {strides = array<i32>} : memref<16x128xi32, #tpu.memory_space<vmem>>, vector<1x16xi32>,
    %get3A_2370 = vector.shape_cast %get3A_2369 : vector<1x16xi32> to vector<16xi32>
    %gt3A_2371 = arith.constant 0 : i32
    %gt3A_2372 = vector.broadcast %gt3A_2371 : i32 to vector<16xi32>
    %gt3A_2373 = arith.cmpi sgt, %get3A_2370, %gt3A_2372 : vector<16xi32>
    %get3A_2374 = arith.constant 7 : i32
    %get3A_2375 = arith.index_cast %get3A_2374 : i32 to index
    %get3A_2376 = arith.constant 112 : index
    %get3A_2377 = tpu.vector_load %arg10[%get3A_2375, %get3A_2376] {strides = array<i32>} : memref<16x128xi32, #tpu.memory_space<vmem>>, vector<1x16xi32>,
    %get3A_2378 = vector.shape_cast %get3A_2377 : vector<1x16xi32> to vector<16xi32>
    %jit3A_2379 = arith.constant 0 : i32
    %broadcast_in_dim3A_2380 = vector.broadcast %jit3A_2379 : i32 to vector<16xi32>
    %select_n3A_2381 = arith.select %gt3A_2373, %get3A_2378, %broadcast_in_dim3A_2380 : vector<16xi1>, vector<16xi32>
    %swap3A_2382 = arith.constant 7 : i32
    %swap3A_2383 = arith.index_cast %swap3A_2382 : i32 to index
    %swap3A_2384 = arith.constant 112 : index
    %swap3A_2385 = tpu.vector_load %arg10[%swap3A_2383, %swap3A_2384] {strides = array<i32>} : memref<16x128xi32, #tpu.memory_space<vmem>>, vector<1x16xi32>,
    %swap3A_2386 = vector.shape_cast %swap3A_2385 : vector<1x16xi32> to vector<16xi32>
    %swap3A_2387 = vector.shape_cast %select_n3A_2381 : vector<16xi32> to vector<1x16xi32>
    tpu.vector_store %arg10[%swap3A_2383, %swap3A_2384], %swap3A_2387 {strides = array<i32>} : memref<16x128xi32, #tpu.memory_space<vmem>>, vector<1x16xi32>,
    %add3A_2388 = arith.constant 7 : i32
    %add3A_2389 = arith.addi %mul3A_2, %add3A_2388 : i32
    %dma_start3A_2390 = arith.constant 7 : i32
    %dma_start3A_2391 = arith.constant 0 : i32
    %dma_start3A_2392 = tpu.memref_slice %arg10[%dma_start3A_2390, %dma_start3A_2391] : memref<16x128xi32, #tpu.memory_space<vmem>> -> memref<1x128xi32, #tpu.memory_space<vmem>>
    %dma_start3A_2393 = tpu.memref_squeeze %dma_start3A_2392 : memref<1x128xi32, #tpu.memory_space<vmem>> -> memref<128xi32, #tpu.memory_space<vmem>>
    %dma_start3A_2394 = arith.constant 0 : i32
    %dma_start3A_2395 = tpu.memref_slice %arg6[%add3A_2389, %dma_start3A_2394] : memref<512x128xi32, #tpu.memory_space<hbm>> -> memref<1x128xi32, #tpu.memory_space<hbm>>
    %dma_start3A_2396 = tpu.memref_squeeze %dma_start3A_2395 : memref<1x128xi32, #tpu.memory_space<hbm>> -> memref<128xi32, #tpu.memory_space<hbm>>
    %dma_start3A_2397 = arith.constant 0 : i32
    %dma_start3A_2398 = tpu.memref_slice %arg6[%add3A_2389, %dma_start3A_2397] : memref<512x128xi32, #tpu.memory_space<hbm>> -> memref<1x128xi32, #tpu.memory_space<hbm>>
    %dma_start3A_2399 = tpu.memref_squeeze %dma_start3A_2398 : memref<1x128xi32, #tpu.memory_space<hbm>> -> memref<128xi32, #tpu.memory_space<hbm>>
    %dma_start3A_2400 = arith.constant 0 : i32
    %dma_start3A_2401 = tpu.memref_slice %arg10[%dma_start3A_2390, %dma_start3A_2400] : memref<16x128xi32, #tpu.memory_space<vmem>> -> memref<1x128xi32, #tpu.memory_space<vmem>>
    %dma_start3A_2402 = tpu.memref_squeeze %dma_start3A_2401 : memref<1x128xi32, #tpu.memory_space<vmem>> -> memref<128xi32, #tpu.memory_space<vmem>>
    tpu.enqueue_dma source(%dma_start3A_2402 : memref<128xi32, #tpu.memory_space<vmem>>) target(%dma_start3A_2399 : memref<128xi32, #tpu.memory_space<hbm>>) target_semaphore(%arg11 : memref<!tpu.dma_semaphore, #tpu.memory_space<semaphore_mem>>)
    %dma_wait3A_2403 = arith.constant 8 : i32
    %dma_wait3A_2404 = arith.constant 8 : i32
    %dma_wait3A_2405 = arith.constant 0 : i32
    %dma_wait3A_2406 = tpu.memref_slice %arg10[%dma_wait3A_2404, %dma_wait3A_2405] : memref<16x128xi32, #tpu.memory_space<vmem>> -> memref<1x128xi32, #tpu.memory_space<vmem>>
    %dma_wait3A_2407 = tpu.memref_squeeze %dma_wait3A_2406 : memref<1x128xi32, #tpu.memory_space<vmem>> -> memref<128xi32, #tpu.memory_space<vmem>>
    %dma_wait3A_2408 = arith.constant 0 : i32
    %dma_wait3A_2409 = tpu.memref_slice %arg8[%dma_wait3A_2403, %dma_wait3A_2408] : memref<16x128xi32, #tpu.memory_space<vmem>> -> memref<1x128xi32, #tpu.memory_space<vmem>>
    %dma_wait3A_2410 = tpu.memref_squeeze %dma_wait3A_2409 : memref<1x128xi32, #tpu.memory_space<vmem>> -> memref<128xi32, #tpu.memory_space<vmem>>
    %dma_wait3A_2411 = arith.constant 0 : i32
    %dma_wait3A_2412 = tpu.memref_slice %arg5[%dma_wait3A_2411] : memref<1048576xi32, #tpu.memory_space<hbm>> -> memref<1048576xi32, #tpu.memory_space<hbm>>
    tpu.wait_indirect_dma semaphore(%arg11 : memref<!tpu.dma_semaphore, #tpu.memory_space<semaphore_mem>>) src(%dma_wait3A_2412 : memref<1048576xi32, #tpu.memory_space<hbm>>) dst(%dma_wait3A_2407 : memref<128xi32, #tpu.memory_space<vmem>>)
    %get3A_2413 = arith.constant 8 : i32
    %get3A_2414 = arith.index_cast %get3A_2413 : i32 to index
    %get3A_2415 = arith.constant 0 : index
    %get3A_2416 = tpu.vector_load %arg9[%get3A_2414, %get3A_2415] {strides = array<i32>} : memref<16x128xi32, #tpu.memory_space<vmem>>, vector<1x16xi32>,
    %get3A_2417 = vector.shape_cast %get3A_2416 : vector<1x16xi32> to vector<16xi32>
    %gt3A_2418 = arith.constant 0 : i32
    %gt3A_2419 = vector.broadcast %gt3A_2418 : i32 to vector<16xi32>
    %gt3A_2420 = arith.cmpi sgt, %get3A_2417, %gt3A_2419 : vector<16xi32>
    %get3A_2421 = arith.constant 8 : i32
    %get3A_2422 = arith.index_cast %get3A_2421 : i32 to index
    %get3A_2423 = arith.constant 0 : index
    %get3A_2424 = tpu.vector_load %arg10[%get3A_2422, %get3A_2423] {strides = array<i32>} : memref<16x128xi32, #tpu.memory_space<vmem>>, vector<1x16xi32>,
    %get3A_2425 = vector.shape_cast %get3A_2424 : vector<1x16xi32> to vector<16xi32>
    %jit3A_2426 = arith.constant 0 : i32
    %broadcast_in_dim3A_2427 = vector.broadcast %jit3A_2426 : i32 to vector<16xi32>
    %select_n3A_2428 = arith.select %gt3A_2420, %get3A_2425, %broadcast_in_dim3A_2427 : vector<16xi1>, vector<16xi32>
    %swap3A_2429 = arith.constant 8 : i32
    %swap3A_2430 = arith.index_cast %swap3A_2429 : i32 to index
    %swap3A_2431 = arith.constant 0 : index
    %swap3A_2432 = tpu.vector_load %arg10[%swap3A_2430, %swap3A_2431] {strides = array<i32>} : memref<16x128xi32, #tpu.memory_space<vmem>>, vector<1x16xi32>,
    %swap3A_2433 = vector.shape_cast %swap3A_2432 : vector<1x16xi32> to vector<16xi32>
    %swap3A_2434 = vector.shape_cast %select_n3A_2428 : vector<16xi32> to vector<1x16xi32>
    tpu.vector_store %arg10[%swap3A_2430, %swap3A_2431], %swap3A_2434 {strides = array<i32>} : memref<16x128xi32, #tpu.memory_space<vmem>>, vector<1x16xi32>,
    %get3A_2435 = arith.constant 8 : i32
    %get3A_2436 = arith.index_cast %get3A_2435 : i32 to index
    %get3A_2437 = arith.constant 16 : index
    %get3A_2438 = tpu.vector_load %arg9[%get3A_2436, %get3A_2437] {strides = array<i32>} : memref<16x128xi32, #tpu.memory_space<vmem>>, vector<1x16xi32>,
    %get3A_2439 = vector.shape_cast %get3A_2438 : vector<1x16xi32> to vector<16xi32>
    %gt3A_2440 = arith.constant 0 : i32
    %gt3A_2441 = vector.broadcast %gt3A_2440 : i32 to vector<16xi32>
    %gt3A_2442 = arith.cmpi sgt, %get3A_2439, %gt3A_2441 : vector<16xi32>
    %get3A_2443 = arith.constant 8 : i32
    %get3A_2444 = arith.index_cast %get3A_2443 : i32 to index
    %get3A_2445 = arith.constant 16 : index
    %get3A_2446 = tpu.vector_load %arg10[%get3A_2444, %get3A_2445] {strides = array<i32>} : memref<16x128xi32, #tpu.memory_space<vmem>>, vector<1x16xi32>,
    %get3A_2447 = vector.shape_cast %get3A_2446 : vector<1x16xi32> to vector<16xi32>
    %jit3A_2448 = arith.constant 0 : i32
    %broadcast_in_dim3A_2449 = vector.broadcast %jit3A_2448 : i32 to vector<16xi32>
    %select_n3A_2450 = arith.select %gt3A_2442, %get3A_2447, %broadcast_in_dim3A_2449 : vector<16xi1>, vector<16xi32>
    %swap3A_2451 = arith.constant 8 : i32
    %swap3A_2452 = arith.index_cast %swap3A_2451 : i32 to index
    %swap3A_2453 = arith.constant 16 : index
    %swap3A_2454 = tpu.vector_load %arg10[%swap3A_2452, %swap3A_2453] {strides = array<i32>} : memref<16x128xi32, #tpu.memory_space<vmem>>, vector<1x16xi32>,
    %swap3A_2455 = vector.shape_cast %swap3A_2454 : vector<1x16xi32> to vector<16xi32>
    %swap3A_2456 = vector.shape_cast %select_n3A_2450 : vector<16xi32> to vector<1x16xi32>
    tpu.vector_store %arg10[%swap3A_2452, %swap3A_2453], %swap3A_2456 {strides = array<i32>} : memref<16x128xi32, #tpu.memory_space<vmem>>, vector<1x16xi32>,
    %get3A_2457 = arith.constant 8 : i32
    %get3A_2458 = arith.index_cast %get3A_2457 : i32 to index
    %get3A_2459 = arith.constant 32 : index
    %get3A_2460 = tpu.vector_load %arg9[%get3A_2458, %get3A_2459] {strides = array<i32>} : memref<16x128xi32, #tpu.memory_space<vmem>>, vector<1x16xi32>,
    %get3A_2461 = vector.shape_cast %get3A_2460 : vector<1x16xi32> to vector<16xi32>
    %gt3A_2462 = arith.constant 0 : i32
    %gt3A_2463 = vector.broadcast %gt3A_2462 : i32 to vector<16xi32>
    %gt3A_2464 = arith.cmpi sgt, %get3A_2461, %gt3A_2463 : vector<16xi32>
    %get3A_2465 = arith.constant 8 : i32
    %get3A_2466 = arith.index_cast %get3A_2465 : i32 to index
    %get3A_2467 = arith.constant 32 : index
    %get3A_2468 = tpu.vector_load %arg10[%get3A_2466, %get3A_2467] {strides = array<i32>} : memref<16x128xi32, #tpu.memory_space<vmem>>, vector<1x16xi32>,
    %get3A_2469 = vector.shape_cast %get3A_2468 : vector<1x16xi32> to vector<16xi32>
    %jit3A_2470 = arith.constant 0 : i32
    %broadcast_in_dim3A_2471 = vector.broadcast %jit3A_2470 : i32 to vector<16xi32>
    %select_n3A_2472 = arith.select %gt3A_2464, %get3A_2469, %broadcast_in_dim3A_2471 : vector<16xi1>, vector<16xi32>
    %swap3A_2473 = arith.constant 8 : i32
    %swap3A_2474 = arith.index_cast %swap3A_2473 : i32 to index
    %swap3A_2475 = arith.constant 32 : index
    %swap3A_2476 = tpu.vector_load %arg10[%swap3A_2474, %swap3A_2475] {strides = array<i32>} : memref<16x128xi32, #tpu.memory_space<vmem>>, vector<1x16xi32>,
    %swap3A_2477 = vector.shape_cast %swap3A_2476 : vector<1x16xi32> to vector<16xi32>
    %swap3A_2478 = vector.shape_cast %select_n3A_2472 : vector<16xi32> to vector<1x16xi32>
    tpu.vector_store %arg10[%swap3A_2474, %swap3A_2475], %swap3A_2478 {strides = array<i32>} : memref<16x128xi32, #tpu.memory_space<vmem>>, vector<1x16xi32>,
    %get3A_2479 = arith.constant 8 : i32
    %get3A_2480 = arith.index_cast %get3A_2479 : i32 to index
    %get3A_2481 = arith.constant 48 : index
    %get3A_2482 = tpu.vector_load %arg9[%get3A_2480, %get3A_2481] {strides = array<i32>} : memref<16x128xi32, #tpu.memory_space<vmem>>, vector<1x16xi32>,
    %get3A_2483 = vector.shape_cast %get3A_2482 : vector<1x16xi32> to vector<16xi32>
    %gt3A_2484 = arith.constant 0 : i32
    %gt3A_2485 = vector.broadcast %gt3A_2484 : i32 to vector<16xi32>
    %gt3A_2486 = arith.cmpi sgt, %get3A_2483, %gt3A_2485 : vector<16xi32>
    %get3A_2487 = arith.constant 8 : i32
    %get3A_2488 = arith.index_cast %get3A_2487 : i32 to index
    %get3A_2489 = arith.constant 48 : index
    %get3A_2490 = tpu.vector_load %arg10[%get3A_2488, %get3A_2489] {strides = array<i32>} : memref<16x128xi32, #tpu.memory_space<vmem>>, vector<1x16xi32>,
    %get3A_2491 = vector.shape_cast %get3A_2490 : vector<1x16xi32> to vector<16xi32>
    %jit3A_2492 = arith.constant 0 : i32
    %broadcast_in_dim3A_2493 = vector.broadcast %jit3A_2492 : i32 to vector<16xi32>
    %select_n3A_2494 = arith.select %gt3A_2486, %get3A_2491, %broadcast_in_dim3A_2493 : vector<16xi1>, vector<16xi32>
    %swap3A_2495 = arith.constant 8 : i32
    %swap3A_2496 = arith.index_cast %swap3A_2495 : i32 to index
    %swap3A_2497 = arith.constant 48 : index
    %swap3A_2498 = tpu.vector_load %arg10[%swap3A_2496, %swap3A_2497] {strides = array<i32>} : memref<16x128xi32, #tpu.memory_space<vmem>>, vector<1x16xi32>,
    %swap3A_2499 = vector.shape_cast %swap3A_2498 : vector<1x16xi32> to vector<16xi32>
    %swap3A_2500 = vector.shape_cast %select_n3A_2494 : vector<16xi32> to vector<1x16xi32>
    tpu.vector_store %arg10[%swap3A_2496, %swap3A_2497], %swap3A_2500 {strides = array<i32>} : memref<16x128xi32, #tpu.memory_space<vmem>>, vector<1x16xi32>,
    %get3A_2501 = arith.constant 8 : i32
    %get3A_2502 = arith.index_cast %get3A_2501 : i32 to index
    %get3A_2503 = arith.constant 64 : index
    %get3A_2504 = tpu.vector_load %arg9[%get3A_2502, %get3A_2503] {strides = array<i32>} : memref<16x128xi32, #tpu.memory_space<vmem>>, vector<1x16xi32>,
    %get3A_2505 = vector.shape_cast %get3A_2504 : vector<1x16xi32> to vector<16xi32>
    %gt3A_2506 = arith.constant 0 : i32
    %gt3A_2507 = vector.broadcast %gt3A_2506 : i32 to vector<16xi32>
    %gt3A_2508 = arith.cmpi sgt, %get3A_2505, %gt3A_2507 : vector<16xi32>
    %get3A_2509 = arith.constant 8 : i32
    %get3A_2510 = arith.index_cast %get3A_2509 : i32 to index
    %get3A_2511 = arith.constant 64 : index
    %get3A_2512 = tpu.vector_load %arg10[%get3A_2510, %get3A_2511] {strides = array<i32>} : memref<16x128xi32, #tpu.memory_space<vmem>>, vector<1x16xi32>,
    %get3A_2513 = vector.shape_cast %get3A_2512 : vector<1x16xi32> to vector<16xi32>
    %jit3A_2514 = arith.constant 0 : i32
    %broadcast_in_dim3A_2515 = vector.broadcast %jit3A_2514 : i32 to vector<16xi32>
    %select_n3A_2516 = arith.select %gt3A_2508, %get3A_2513, %broadcast_in_dim3A_2515 : vector<16xi1>, vector<16xi32>
    %swap3A_2517 = arith.constant 8 : i32
    %swap3A_2518 = arith.index_cast %swap3A_2517 : i32 to index
    %swap3A_2519 = arith.constant 64 : index
    %swap3A_2520 = tpu.vector_load %arg10[%swap3A_2518, %swap3A_2519] {strides = array<i32>} : memref<16x128xi32, #tpu.memory_space<vmem>>, vector<1x16xi32>,
    %swap3A_2521 = vector.shape_cast %swap3A_2520 : vector<1x16xi32> to vector<16xi32>
    %swap3A_2522 = vector.shape_cast %select_n3A_2516 : vector<16xi32> to vector<1x16xi32>
    tpu.vector_store %arg10[%swap3A_2518, %swap3A_2519], %swap3A_2522 {strides = array<i32>} : memref<16x128xi32, #tpu.memory_space<vmem>>, vector<1x16xi32>,
    %get3A_2523 = arith.constant 8 : i32
    %get3A_2524 = arith.index_cast %get3A_2523 : i32 to index
    %get3A_2525 = arith.constant 80 : index
    %get3A_2526 = tpu.vector_load %arg9[%get3A_2524, %get3A_2525] {strides = array<i32>} : memref<16x128xi32, #tpu.memory_space<vmem>>, vector<1x16xi32>,
    %get3A_2527 = vector.shape_cast %get3A_2526 : vector<1x16xi32> to vector<16xi32>
    %gt3A_2528 = arith.constant 0 : i32
    %gt3A_2529 = vector.broadcast %gt3A_2528 : i32 to vector<16xi32>
    %gt3A_2530 = arith.cmpi sgt, %get3A_2527, %gt3A_2529 : vector<16xi32>
    %get3A_2531 = arith.constant 8 : i32
    %get3A_2532 = arith.index_cast %get3A_2531 : i32 to index
    %get3A_2533 = arith.constant 80 : index
    %get3A_2534 = tpu.vector_load %arg10[%get3A_2532, %get3A_2533] {strides = array<i32>} : memref<16x128xi32, #tpu.memory_space<vmem>>, vector<1x16xi32>,
    %get3A_2535 = vector.shape_cast %get3A_2534 : vector<1x16xi32> to vector<16xi32>
    %jit3A_2536 = arith.constant 0 : i32
    %broadcast_in_dim3A_2537 = vector.broadcast %jit3A_2536 : i32 to vector<16xi32>
    %select_n3A_2538 = arith.select %gt3A_2530, %get3A_2535, %broadcast_in_dim3A_2537 : vector<16xi1>, vector<16xi32>
    %swap3A_2539 = arith.constant 8 : i32
    %swap3A_2540 = arith.index_cast %swap3A_2539 : i32 to index
    %swap3A_2541 = arith.constant 80 : index
    %swap3A_2542 = tpu.vector_load %arg10[%swap3A_2540, %swap3A_2541] {strides = array<i32>} : memref<16x128xi32, #tpu.memory_space<vmem>>, vector<1x16xi32>,
    %swap3A_2543 = vector.shape_cast %swap3A_2542 : vector<1x16xi32> to vector<16xi32>
    %swap3A_2544 = vector.shape_cast %select_n3A_2538 : vector<16xi32> to vector<1x16xi32>
    tpu.vector_store %arg10[%swap3A_2540, %swap3A_2541], %swap3A_2544 {strides = array<i32>} : memref<16x128xi32, #tpu.memory_space<vmem>>, vector<1x16xi32>,
    %get3A_2545 = arith.constant 8 : i32
    %get3A_2546 = arith.index_cast %get3A_2545 : i32 to index
    %get3A_2547 = arith.constant 96 : index
    %get3A_2548 = tpu.vector_load %arg9[%get3A_2546, %get3A_2547] {strides = array<i32>} : memref<16x128xi32, #tpu.memory_space<vmem>>, vector<1x16xi32>,
    %get3A_2549 = vector.shape_cast %get3A_2548 : vector<1x16xi32> to vector<16xi32>
    %gt3A_2550 = arith.constant 0 : i32
    %gt3A_2551 = vector.broadcast %gt3A_2550 : i32 to vector<16xi32>
    %gt3A_2552 = arith.cmpi sgt, %get3A_2549, %gt3A_2551 : vector<16xi32>
    %get3A_2553 = arith.constant 8 : i32
    %get3A_2554 = arith.index_cast %get3A_2553 : i32 to index
    %get3A_2555 = arith.constant 96 : index
    %get3A_2556 = tpu.vector_load %arg10[%get3A_2554, %get3A_2555] {strides = array<i32>} : memref<16x128xi32, #tpu.memory_space<vmem>>, vector<1x16xi32>,
    %get3A_2557 = vector.shape_cast %get3A_2556 : vector<1x16xi32> to vector<16xi32>
    %jit3A_2558 = arith.constant 0 : i32
    %broadcast_in_dim3A_2559 = vector.broadcast %jit3A_2558 : i32 to vector<16xi32>
    %select_n3A_2560 = arith.select %gt3A_2552, %get3A_2557, %broadcast_in_dim3A_2559 : vector<16xi1>, vector<16xi32>
    %swap3A_2561 = arith.constant 8 : i32
    %swap3A_2562 = arith.index_cast %swap3A_2561 : i32 to index
    %swap3A_2563 = arith.constant 96 : index
    %swap3A_2564 = tpu.vector_load %arg10[%swap3A_2562, %swap3A_2563] {strides = array<i32>} : memref<16x128xi32, #tpu.memory_space<vmem>>, vector<1x16xi32>,
    %swap3A_2565 = vector.shape_cast %swap3A_2564 : vector<1x16xi32> to vector<16xi32>
    %swap3A_2566 = vector.shape_cast %select_n3A_2560 : vector<16xi32> to vector<1x16xi32>
    tpu.vector_store %arg10[%swap3A_2562, %swap3A_2563], %swap3A_2566 {strides = array<i32>} : memref<16x128xi32, #tpu.memory_space<vmem>>, vector<1x16xi32>,
    %get3A_2567 = arith.constant 8 : i32
    %get3A_2568 = arith.index_cast %get3A_2567 : i32 to index
    %get3A_2569 = arith.constant 112 : index
    %get3A_2570 = tpu.vector_load %arg9[%get3A_2568, %get3A_2569] {strides = array<i32>} : memref<16x128xi32, #tpu.memory_space<vmem>>, vector<1x16xi32>,
    %get3A_2571 = vector.shape_cast %get3A_2570 : vector<1x16xi32> to vector<16xi32>
    %gt3A_2572 = arith.constant 0 : i32
    %gt3A_2573 = vector.broadcast %gt3A_2572 : i32 to vector<16xi32>
    %gt3A_2574 = arith.cmpi sgt, %get3A_2571, %gt3A_2573 : vector<16xi32>
    %get3A_2575 = arith.constant 8 : i32
    %get3A_2576 = arith.index_cast %get3A_2575 : i32 to index
    %get3A_2577 = arith.constant 112 : index
    %get3A_2578 = tpu.vector_load %arg10[%get3A_2576, %get3A_2577] {strides = array<i32>} : memref<16x128xi32, #tpu.memory_space<vmem>>, vector<1x16xi32>,
    %get3A_2579 = vector.shape_cast %get3A_2578 : vector<1x16xi32> to vector<16xi32>
    %jit3A_2580 = arith.constant 0 : i32
    %broadcast_in_dim3A_2581 = vector.broadcast %jit3A_2580 : i32 to vector<16xi32>
    %select_n3A_2582 = arith.select %gt3A_2574, %get3A_2579, %broadcast_in_dim3A_2581 : vector<16xi1>, vector<16xi32>
    %swap3A_2583 = arith.constant 8 : i32
    %swap3A_2584 = arith.index_cast %swap3A_2583 : i32 to index
    %swap3A_2585 = arith.constant 112 : index
    %swap3A_2586 = tpu.vector_load %arg10[%swap3A_2584, %swap3A_2585] {strides = array<i32>} : memref<16x128xi32, #tpu.memory_space<vmem>>, vector<1x16xi32>,
    %swap3A_2587 = vector.shape_cast %swap3A_2586 : vector<1x16xi32> to vector<16xi32>
    %swap3A_2588 = vector.shape_cast %select_n3A_2582 : vector<16xi32> to vector<1x16xi32>
    tpu.vector_store %arg10[%swap3A_2584, %swap3A_2585], %swap3A_2588 {strides = array<i32>} : memref<16x128xi32, #tpu.memory_space<vmem>>, vector<1x16xi32>,
    %add3A_2589 = arith.constant 8 : i32
    %add3A_2590 = arith.addi %mul3A_2, %add3A_2589 : i32
    %dma_start3A_2591 = arith.constant 8 : i32
    %dma_start3A_2592 = arith.constant 0 : i32
    %dma_start3A_2593 = tpu.memref_slice %arg10[%dma_start3A_2591, %dma_start3A_2592] : memref<16x128xi32, #tpu.memory_space<vmem>> -> memref<1x128xi32, #tpu.memory_space<vmem>>
    %dma_start3A_2594 = tpu.memref_squeeze %dma_start3A_2593 : memref<1x128xi32, #tpu.memory_space<vmem>> -> memref<128xi32, #tpu.memory_space<vmem>>
    %dma_start3A_2595 = arith.constant 0 : i32
    %dma_start3A_2596 = tpu.memref_slice %arg6[%add3A_2590, %dma_start3A_2595] : memref<512x128xi32, #tpu.memory_space<hbm>> -> memref<1x128xi32, #tpu.memory_space<hbm>>
    %dma_start3A_2597 = tpu.memref_squeeze %dma_start3A_2596 : memref<1x128xi32, #tpu.memory_space<hbm>> -> memref<128xi32, #tpu.memory_space<hbm>>
    %dma_start3A_2598 = arith.constant 0 : i32
    %dma_start3A_2599 = tpu.memref_slice %arg6[%add3A_2590, %dma_start3A_2598] : memref<512x128xi32, #tpu.memory_space<hbm>> -> memref<1x128xi32, #tpu.memory_space<hbm>>
    %dma_start3A_2600 = tpu.memref_squeeze %dma_start3A_2599 : memref<1x128xi32, #tpu.memory_space<hbm>> -> memref<128xi32, #tpu.memory_space<hbm>>
    %dma_start3A_2601 = arith.constant 0 : i32
    %dma_start3A_2602 = tpu.memref_slice %arg10[%dma_start3A_2591, %dma_start3A_2601] : memref<16x128xi32, #tpu.memory_space<vmem>> -> memref<1x128xi32, #tpu.memory_space<vmem>>
    %dma_start3A_2603 = tpu.memref_squeeze %dma_start3A_2602 : memref<1x128xi32, #tpu.memory_space<vmem>> -> memref<128xi32, #tpu.memory_space<vmem>>
    tpu.enqueue_dma source(%dma_start3A_2603 : memref<128xi32, #tpu.memory_space<vmem>>) target(%dma_start3A_2600 : memref<128xi32, #tpu.memory_space<hbm>>) target_semaphore(%arg11 : memref<!tpu.dma_semaphore, #tpu.memory_space<semaphore_mem>>)
    %dma_wait3A_2604 = arith.constant 9 : i32
    %dma_wait3A_2605 = arith.constant 9 : i32
    %dma_wait3A_2606 = arith.constant 0 : i32
    %dma_wait3A_2607 = tpu.memref_slice %arg10[%dma_wait3A_2605, %dma_wait3A_2606] : memref<16x128xi32, #tpu.memory_space<vmem>> -> memref<1x128xi32, #tpu.memory_space<vmem>>
    %dma_wait3A_2608 = tpu.memref_squeeze %dma_wait3A_2607 : memref<1x128xi32, #tpu.memory_space<vmem>> -> memref<128xi32, #tpu.memory_space<vmem>>
    %dma_wait3A_2609 = arith.constant 0 : i32
    %dma_wait3A_2610 = tpu.memref_slice %arg8[%dma_wait3A_2604, %dma_wait3A_2609] : memref<16x128xi32, #tpu.memory_space<vmem>> -> memref<1x128xi32, #tpu.memory_space<vmem>>
    %dma_wait3A_2611 = tpu.memref_squeeze %dma_wait3A_2610 : memref<1x128xi32, #tpu.memory_space<vmem>> -> memref<128xi32, #tpu.memory_space<vmem>>
    %dma_wait3A_2612 = arith.constant 0 : i32
    %dma_wait3A_2613 = tpu.memref_slice %arg5[%dma_wait3A_2612] : memref<1048576xi32, #tpu.memory_space<hbm>> -> memref<1048576xi32, #tpu.memory_space<hbm>>
    tpu.wait_indirect_dma semaphore(%arg11 : memref<!tpu.dma_semaphore, #tpu.memory_space<semaphore_mem>>) src(%dma_wait3A_2613 : memref<1048576xi32, #tpu.memory_space<hbm>>) dst(%dma_wait3A_2608 : memref<128xi32, #tpu.memory_space<vmem>>)
    %get3A_2614 = arith.constant 9 : i32
    %get3A_2615 = arith.index_cast %get3A_2614 : i32 to index
    %get3A_2616 = arith.constant 0 : index
    %get3A_2617 = tpu.vector_load %arg9[%get3A_2615, %get3A_2616] {strides = array<i32>} : memref<16x128xi32, #tpu.memory_space<vmem>>, vector<1x16xi32>,
    %get3A_2618 = vector.shape_cast %get3A_2617 : vector<1x16xi32> to vector<16xi32>
    %gt3A_2619 = arith.constant 0 : i32
    %gt3A_2620 = vector.broadcast %gt3A_2619 : i32 to vector<16xi32>
    %gt3A_2621 = arith.cmpi sgt, %get3A_2618, %gt3A_2620 : vector<16xi32>
    %get3A_2622 = arith.constant 9 : i32
    %get3A_2623 = arith.index_cast %get3A_2622 : i32 to index
    %get3A_2624 = arith.constant 0 : index
    %get3A_2625 = tpu.vector_load %arg10[%get3A_2623, %get3A_2624] {strides = array<i32>} : memref<16x128xi32, #tpu.memory_space<vmem>>, vector<1x16xi32>,
    %get3A_2626 = vector.shape_cast %get3A_2625 : vector<1x16xi32> to vector<16xi32>
    %jit3A_2627 = arith.constant 0 : i32
    %broadcast_in_dim3A_2628 = vector.broadcast %jit3A_2627 : i32 to vector<16xi32>
    %select_n3A_2629 = arith.select %gt3A_2621, %get3A_2626, %broadcast_in_dim3A_2628 : vector<16xi1>, vector<16xi32>
    %swap3A_2630 = arith.constant 9 : i32
    %swap3A_2631 = arith.index_cast %swap3A_2630 : i32 to index
    %swap3A_2632 = arith.constant 0 : index
    %swap3A_2633 = tpu.vector_load %arg10[%swap3A_2631, %swap3A_2632] {strides = array<i32>} : memref<16x128xi32, #tpu.memory_space<vmem>>, vector<1x16xi32>,
    %swap3A_2634 = vector.shape_cast %swap3A_2633 : vector<1x16xi32> to vector<16xi32>
    %swap3A_2635 = vector.shape_cast %select_n3A_2629 : vector<16xi32> to vector<1x16xi32>
    tpu.vector_store %arg10[%swap3A_2631, %swap3A_2632], %swap3A_2635 {strides = array<i32>} : memref<16x128xi32, #tpu.memory_space<vmem>>, vector<1x16xi32>,
    %get3A_2636 = arith.constant 9 : i32
    %get3A_2637 = arith.index_cast %get3A_2636 : i32 to index
    %get3A_2638 = arith.constant 16 : index
    %get3A_2639 = tpu.vector_load %arg9[%get3A_2637, %get3A_2638] {strides = array<i32>} : memref<16x128xi32, #tpu.memory_space<vmem>>, vector<1x16xi32>,
    %get3A_2640 = vector.shape_cast %get3A_2639 : vector<1x16xi32> to vector<16xi32>
    %gt3A_2641 = arith.constant 0 : i32
    %gt3A_2642 = vector.broadcast %gt3A_2641 : i32 to vector<16xi32>
    %gt3A_2643 = arith.cmpi sgt, %get3A_2640, %gt3A_2642 : vector<16xi32>
    %get3A_2644 = arith.constant 9 : i32
    %get3A_2645 = arith.index_cast %get3A_2644 : i32 to index
    %get3A_2646 = arith.constant 16 : index
    %get3A_2647 = tpu.vector_load %arg10[%get3A_2645, %get3A_2646] {strides = array<i32>} : memref<16x128xi32, #tpu.memory_space<vmem>>, vector<1x16xi32>,
    %get3A_2648 = vector.shape_cast %get3A_2647 : vector<1x16xi32> to vector<16xi32>
    %jit3A_2649 = arith.constant 0 : i32
    %broadcast_in_dim3A_2650 = vector.broadcast %jit3A_2649 : i32 to vector<16xi32>
    %select_n3A_2651 = arith.select %gt3A_2643, %get3A_2648, %broadcast_in_dim3A_2650 : vector<16xi1>, vector<16xi32>
    %swap3A_2652 = arith.constant 9 : i32
    %swap3A_2653 = arith.index_cast %swap3A_2652 : i32 to index
    %swap3A_2654 = arith.constant 16 : index
    %swap3A_2655 = tpu.vector_load %arg10[%swap3A_2653, %swap3A_2654] {strides = array<i32>} : memref<16x128xi32, #tpu.memory_space<vmem>>, vector<1x16xi32>,
    %swap3A_2656 = vector.shape_cast %swap3A_2655 : vector<1x16xi32> to vector<16xi32>
    %swap3A_2657 = vector.shape_cast %select_n3A_2651 : vector<16xi32> to vector<1x16xi32>
    tpu.vector_store %arg10[%swap3A_2653, %swap3A_2654], %swap3A_2657 {strides = array<i32>} : memref<16x128xi32, #tpu.memory_space<vmem>>, vector<1x16xi32>,
    %get3A_2658 = arith.constant 9 : i32
    %get3A_2659 = arith.index_cast %get3A_2658 : i32 to index
    %get3A_2660 = arith.constant 32 : index
    %get3A_2661 = tpu.vector_load %arg9[%get3A_2659, %get3A_2660] {strides = array<i32>} : memref<16x128xi32, #tpu.memory_space<vmem>>, vector<1x16xi32>,
    %get3A_2662 = vector.shape_cast %get3A_2661 : vector<1x16xi32> to vector<16xi32>
    %gt3A_2663 = arith.constant 0 : i32
    %gt3A_2664 = vector.broadcast %gt3A_2663 : i32 to vector<16xi32>
    %gt3A_2665 = arith.cmpi sgt, %get3A_2662, %gt3A_2664 : vector<16xi32>
    %get3A_2666 = arith.constant 9 : i32
    %get3A_2667 = arith.index_cast %get3A_2666 : i32 to index
    %get3A_2668 = arith.constant 32 : index
    %get3A_2669 = tpu.vector_load %arg10[%get3A_2667, %get3A_2668] {strides = array<i32>} : memref<16x128xi32, #tpu.memory_space<vmem>>, vector<1x16xi32>,
    %get3A_2670 = vector.shape_cast %get3A_2669 : vector<1x16xi32> to vector<16xi32>
    %jit3A_2671 = arith.constant 0 : i32
    %broadcast_in_dim3A_2672 = vector.broadcast %jit3A_2671 : i32 to vector<16xi32>
    %select_n3A_2673 = arith.select %gt3A_2665, %get3A_2670, %broadcast_in_dim3A_2672 : vector<16xi1>, vector<16xi32>
    %swap3A_2674 = arith.constant 9 : i32
    %swap3A_2675 = arith.index_cast %swap3A_2674 : i32 to index
    %swap3A_2676 = arith.constant 32 : index
    %swap3A_2677 = tpu.vector_load %arg10[%swap3A_2675, %swap3A_2676] {strides = array<i32>} : memref<16x128xi32, #tpu.memory_space<vmem>>, vector<1x16xi32>,
    %swap3A_2678 = vector.shape_cast %swap3A_2677 : vector<1x16xi32> to vector<16xi32>
    %swap3A_2679 = vector.shape_cast %select_n3A_2673 : vector<16xi32> to vector<1x16xi32>
    tpu.vector_store %arg10[%swap3A_2675, %swap3A_2676], %swap3A_2679 {strides = array<i32>} : memref<16x128xi32, #tpu.memory_space<vmem>>, vector<1x16xi32>,
    %get3A_2680 = arith.constant 9 : i32
    %get3A_2681 = arith.index_cast %get3A_2680 : i32 to index
    %get3A_2682 = arith.constant 48 : index
    %get3A_2683 = tpu.vector_load %arg9[%get3A_2681, %get3A_2682] {strides = array<i32>} : memref<16x128xi32, #tpu.memory_space<vmem>>, vector<1x16xi32>,
    %get3A_2684 = vector.shape_cast %get3A_2683 : vector<1x16xi32> to vector<16xi32>
    %gt3A_2685 = arith.constant 0 : i32
    %gt3A_2686 = vector.broadcast %gt3A_2685 : i32 to vector<16xi32>
    %gt3A_2687 = arith.cmpi sgt, %get3A_2684, %gt3A_2686 : vector<16xi32>
    %get3A_2688 = arith.constant 9 : i32
    %get3A_2689 = arith.index_cast %get3A_2688 : i32 to index
    %get3A_2690 = arith.constant 48 : index
    %get3A_2691 = tpu.vector_load %arg10[%get3A_2689, %get3A_2690] {strides = array<i32>} : memref<16x128xi32, #tpu.memory_space<vmem>>, vector<1x16xi32>,
    %get3A_2692 = vector.shape_cast %get3A_2691 : vector<1x16xi32> to vector<16xi32>
    %jit3A_2693 = arith.constant 0 : i32
    %broadcast_in_dim3A_2694 = vector.broadcast %jit3A_2693 : i32 to vector<16xi32>
    %select_n3A_2695 = arith.select %gt3A_2687, %get3A_2692, %broadcast_in_dim3A_2694 : vector<16xi1>, vector<16xi32>
    %swap3A_2696 = arith.constant 9 : i32
    %swap3A_2697 = arith.index_cast %swap3A_2696 : i32 to index
    %swap3A_2698 = arith.constant 48 : index
    %swap3A_2699 = tpu.vector_load %arg10[%swap3A_2697, %swap3A_2698] {strides = array<i32>} : memref<16x128xi32, #tpu.memory_space<vmem>>, vector<1x16xi32>,
    %swap3A_2700 = vector.shape_cast %swap3A_2699 : vector<1x16xi32> to vector<16xi32>
    %swap3A_2701 = vector.shape_cast %select_n3A_2695 : vector<16xi32> to vector<1x16xi32>
    tpu.vector_store %arg10[%swap3A_2697, %swap3A_2698], %swap3A_2701 {strides = array<i32>} : memref<16x128xi32, #tpu.memory_space<vmem>>, vector<1x16xi32>,
    %get3A_2702 = arith.constant 9 : i32
    %get3A_2703 = arith.index_cast %get3A_2702 : i32 to index
    %get3A_2704 = arith.constant 64 : index
    %get3A_2705 = tpu.vector_load %arg9[%get3A_2703, %get3A_2704] {strides = array<i32>} : memref<16x128xi32, #tpu.memory_space<vmem>>, vector<1x16xi32>,
    %get3A_2706 = vector.shape_cast %get3A_2705 : vector<1x16xi32> to vector<16xi32>
    %gt3A_2707 = arith.constant 0 : i32
    %gt3A_2708 = vector.broadcast %gt3A_2707 : i32 to vector<16xi32>
    %gt3A_2709 = arith.cmpi sgt, %get3A_2706, %gt3A_2708 : vector<16xi32>
    %get3A_2710 = arith.constant 9 : i32
    %get3A_2711 = arith.index_cast %get3A_2710 : i32 to index
    %get3A_2712 = arith.constant 64 : index
    %get3A_2713 = tpu.vector_load %arg10[%get3A_2711, %get3A_2712] {strides = array<i32>} : memref<16x128xi32, #tpu.memory_space<vmem>>, vector<1x16xi32>,
    %get3A_2714 = vector.shape_cast %get3A_2713 : vector<1x16xi32> to vector<16xi32>
    %jit3A_2715 = arith.constant 0 : i32
    %broadcast_in_dim3A_2716 = vector.broadcast %jit3A_2715 : i32 to vector<16xi32>
    %select_n3A_2717 = arith.select %gt3A_2709, %get3A_2714, %broadcast_in_dim3A_2716 : vector<16xi1>, vector<16xi32>
    %swap3A_2718 = arith.constant 9 : i32
    %swap3A_2719 = arith.index_cast %swap3A_2718 : i32 to index
    %swap3A_2720 = arith.constant 64 : index
    %swap3A_2721 = tpu.vector_load %arg10[%swap3A_2719, %swap3A_2720] {strides = array<i32>} : memref<16x128xi32, #tpu.memory_space<vmem>>, vector<1x16xi32>,
    %swap3A_2722 = vector.shape_cast %swap3A_2721 : vector<1x16xi32> to vector<16xi32>
    %swap3A_2723 = vector.shape_cast %select_n3A_2717 : vector<16xi32> to vector<1x16xi32>
    tpu.vector_store %arg10[%swap3A_2719, %swap3A_2720], %swap3A_2723 {strides = array<i32>} : memref<16x128xi32, #tpu.memory_space<vmem>>, vector<1x16xi32>,
    %get3A_2724 = arith.constant 9 : i32
    %get3A_2725 = arith.index_cast %get3A_2724 : i32 to index
    %get3A_2726 = arith.constant 80 : index
    %get3A_2727 = tpu.vector_load %arg9[%get3A_2725, %get3A_2726] {strides = array<i32>} : memref<16x128xi32, #tpu.memory_space<vmem>>, vector<1x16xi32>,
    %get3A_2728 = vector.shape_cast %get3A_2727 : vector<1x16xi32> to vector<16xi32>
    %gt3A_2729 = arith.constant 0 : i32
    %gt3A_2730 = vector.broadcast %gt3A_2729 : i32 to vector<16xi32>
    %gt3A_2731 = arith.cmpi sgt, %get3A_2728, %gt3A_2730 : vector<16xi32>
    %get3A_2732 = arith.constant 9 : i32
    %get3A_2733 = arith.index_cast %get3A_2732 : i32 to index
    %get3A_2734 = arith.constant 80 : index
    %get3A_2735 = tpu.vector_load %arg10[%get3A_2733, %get3A_2734] {strides = array<i32>} : memref<16x128xi32, #tpu.memory_space<vmem>>, vector<1x16xi32>,
    %get3A_2736 = vector.shape_cast %get3A_2735 : vector<1x16xi32> to vector<16xi32>
    %jit3A_2737 = arith.constant 0 : i32
    %broadcast_in_dim3A_2738 = vector.broadcast %jit3A_2737 : i32 to vector<16xi32>
    %select_n3A_2739 = arith.select %gt3A_2731, %get3A_2736, %broadcast_in_dim3A_2738 : vector<16xi1>, vector<16xi32>
    %swap3A_2740 = arith.constant 9 : i32
    %swap3A_2741 = arith.index_cast %swap3A_2740 : i32 to index
    %swap3A_2742 = arith.constant 80 : index
    %swap3A_2743 = tpu.vector_load %arg10[%swap3A_2741, %swap3A_2742] {strides = array<i32>} : memref<16x128xi32, #tpu.memory_space<vmem>>, vector<1x16xi32>,
    %swap3A_2744 = vector.shape_cast %swap3A_2743 : vector<1x16xi32> to vector<16xi32>
    %swap3A_2745 = vector.shape_cast %select_n3A_2739 : vector<16xi32> to vector<1x16xi32>
    tpu.vector_store %arg10[%swap3A_2741, %swap3A_2742], %swap3A_2745 {strides = array<i32>} : memref<16x128xi32, #tpu.memory_space<vmem>>, vector<1x16xi32>,
    %get3A_2746 = arith.constant 9 : i32
    %get3A_2747 = arith.index_cast %get3A_2746 : i32 to index
    %get3A_2748 = arith.constant 96 : index
    %get3A_2749 = tpu.vector_load %arg9[%get3A_2747, %get3A_2748] {strides = array<i32>} : memref<16x128xi32, #tpu.memory_space<vmem>>, vector<1x16xi32>,
    %get3A_2750 = vector.shape_cast %get3A_2749 : vector<1x16xi32> to vector<16xi32>
    %gt3A_2751 = arith.constant 0 : i32
    %gt3A_2752 = vector.broadcast %gt3A_2751 : i32 to vector<16xi32>
    %gt3A_2753 = arith.cmpi sgt, %get3A_2750, %gt3A_2752 : vector<16xi32>
    %get3A_2754 = arith.constant 9 : i32
    %get3A_2755 = arith.index_cast %get3A_2754 : i32 to index
    %get3A_2756 = arith.constant 96 : index
    %get3A_2757 = tpu.vector_load %arg10[%get3A_2755, %get3A_2756] {strides = array<i32>} : memref<16x128xi32, #tpu.memory_space<vmem>>, vector<1x16xi32>,
    %get3A_2758 = vector.shape_cast %get3A_2757 : vector<1x16xi32> to vector<16xi32>
    %jit3A_2759 = arith.constant 0 : i32
    %broadcast_in_dim3A_2760 = vector.broadcast %jit3A_2759 : i32 to vector<16xi32>
    %select_n3A_2761 = arith.select %gt3A_2753, %get3A_2758, %broadcast_in_dim3A_2760 : vector<16xi1>, vector<16xi32>
    %swap3A_2762 = arith.constant 9 : i32
    %swap3A_2763 = arith.index_cast %swap3A_2762 : i32 to index
    %swap3A_2764 = arith.constant 96 : index
    %swap3A_2765 = tpu.vector_load %arg10[%swap3A_2763, %swap3A_2764] {strides = array<i32>} : memref<16x128xi32, #tpu.memory_space<vmem>>, vector<1x16xi32>,
    %swap3A_2766 = vector.shape_cast %swap3A_2765 : vector<1x16xi32> to vector<16xi32>
    %swap3A_2767 = vector.shape_cast %select_n3A_2761 : vector<16xi32> to vector<1x16xi32>
    tpu.vector_store %arg10[%swap3A_2763, %swap3A_2764], %swap3A_2767 {strides = array<i32>} : memref<16x128xi32, #tpu.memory_space<vmem>>, vector<1x16xi32>,
    %get3A_2768 = arith.constant 9 : i32
    %get3A_2769 = arith.index_cast %get3A_2768 : i32 to index
    %get3A_2770 = arith.constant 112 : index
    %get3A_2771 = tpu.vector_load %arg9[%get3A_2769, %get3A_2770] {strides = array<i32>} : memref<16x128xi32, #tpu.memory_space<vmem>>, vector<1x16xi32>,
    %get3A_2772 = vector.shape_cast %get3A_2771 : vector<1x16xi32> to vector<16xi32>
    %gt3A_2773 = arith.constant 0 : i32
    %gt3A_2774 = vector.broadcast %gt3A_2773 : i32 to vector<16xi32>
    %gt3A_2775 = arith.cmpi sgt, %get3A_2772, %gt3A_2774 : vector<16xi32>
    %get3A_2776 = arith.constant 9 : i32
    %get3A_2777 = arith.index_cast %get3A_2776 : i32 to index
    %get3A_2778 = arith.constant 112 : index
    %get3A_2779 = tpu.vector_load %arg10[%get3A_2777, %get3A_2778] {strides = array<i32>} : memref<16x128xi32, #tpu.memory_space<vmem>>, vector<1x16xi32>,
    %get3A_2780 = vector.shape_cast %get3A_2779 : vector<1x16xi32> to vector<16xi32>
    %jit3A_2781 = arith.constant 0 : i32
    %broadcast_in_dim3A_2782 = vector.broadcast %jit3A_2781 : i32 to vector<16xi32>
    %select_n3A_2783 = arith.select %gt3A_2775, %get3A_2780, %broadcast_in_dim3A_2782 : vector<16xi1>, vector<16xi32>
    %swap3A_2784 = arith.constant 9 : i32
    %swap3A_2785 = arith.index_cast %swap3A_2784 : i32 to index
    %swap3A_2786 = arith.constant 112 : index
    %swap3A_2787 = tpu.vector_load %arg10[%swap3A_2785, %swap3A_2786] {strides = array<i32>} : memref<16x128xi32, #tpu.memory_space<vmem>>, vector<1x16xi32>,
    %swap3A_2788 = vector.shape_cast %swap3A_2787 : vector<1x16xi32> to vector<16xi32>
    %swap3A_2789 = vector.shape_cast %select_n3A_2783 : vector<16xi32> to vector<1x16xi32>
    tpu.vector_store %arg10[%swap3A_2785, %swap3A_2786], %swap3A_2789 {strides = array<i32>} : memref<16x128xi32, #tpu.memory_space<vmem>>, vector<1x16xi32>,
    %add3A_2790 = arith.constant 9 : i32
    %add3A_2791 = arith.addi %mul3A_2, %add3A_2790 : i32
    %dma_start3A_2792 = arith.constant 9 : i32
    %dma_start3A_2793 = arith.constant 0 : i32
    %dma_start3A_2794 = tpu.memref_slice %arg10[%dma_start3A_2792, %dma_start3A_2793] : memref<16x128xi32, #tpu.memory_space<vmem>> -> memref<1x128xi32, #tpu.memory_space<vmem>>
    %dma_start3A_2795 = tpu.memref_squeeze %dma_start3A_2794 : memref<1x128xi32, #tpu.memory_space<vmem>> -> memref<128xi32, #tpu.memory_space<vmem>>
    %dma_start3A_2796 = arith.constant 0 : i32
    %dma_start3A_2797 = tpu.memref_slice %arg6[%add3A_2791, %dma_start3A_2796] : memref<512x128xi32, #tpu.memory_space<hbm>> -> memref<1x128xi32, #tpu.memory_space<hbm>>
    %dma_start3A_2798 = tpu.memref_squeeze %dma_start3A_2797 : memref<1x128xi32, #tpu.memory_space<hbm>> -> memref<128xi32, #tpu.memory_space<hbm>>
    %dma_start3A_2799 = arith.constant 0 : i32
    %dma_start3A_2800 = tpu.memref_slice %arg6[%add3A_2791, %dma_start3A_2799] : memref<512x128xi32, #tpu.memory_space<hbm>> -> memref<1x128xi32, #tpu.memory_space<hbm>>
    %dma_start3A_2801 = tpu.memref_squeeze %dma_start3A_2800 : memref<1x128xi32, #tpu.memory_space<hbm>> -> memref<128xi32, #tpu.memory_space<hbm>>
    %dma_start3A_2802 = arith.constant 0 : i32
    %dma_start3A_2803 = tpu.memref_slice %arg10[%dma_start3A_2792, %dma_start3A_2802] : memref<16x128xi32, #tpu.memory_space<vmem>> -> memref<1x128xi32, #tpu.memory_space<vmem>>
    %dma_start3A_2804 = tpu.memref_squeeze %dma_start3A_2803 : memref<1x128xi32, #tpu.memory_space<vmem>> -> memref<128xi32, #tpu.memory_space<vmem>>
    tpu.enqueue_dma source(%dma_start3A_2804 : memref<128xi32, #tpu.memory_space<vmem>>) target(%dma_start3A_2801 : memref<128xi32, #tpu.memory_space<hbm>>) target_semaphore(%arg11 : memref<!tpu.dma_semaphore, #tpu.memory_space<semaphore_mem>>)
    %dma_wait3A_2805 = arith.constant 10 : i32
    %dma_wait3A_2806 = arith.constant 10 : i32
    %dma_wait3A_2807 = arith.constant 0 : i32
    %dma_wait3A_2808 = tpu.memref_slice %arg10[%dma_wait3A_2806, %dma_wait3A_2807] : memref<16x128xi32, #tpu.memory_space<vmem>> -> memref<1x128xi32, #tpu.memory_space<vmem>>
    %dma_wait3A_2809 = tpu.memref_squeeze %dma_wait3A_2808 : memref<1x128xi32, #tpu.memory_space<vmem>> -> memref<128xi32, #tpu.memory_space<vmem>>
    %dma_wait3A_2810 = arith.constant 0 : i32
    %dma_wait3A_2811 = tpu.memref_slice %arg8[%dma_wait3A_2805, %dma_wait3A_2810] : memref<16x128xi32, #tpu.memory_space<vmem>> -> memref<1x128xi32, #tpu.memory_space<vmem>>
    %dma_wait3A_2812 = tpu.memref_squeeze %dma_wait3A_2811 : memref<1x128xi32, #tpu.memory_space<vmem>> -> memref<128xi32, #tpu.memory_space<vmem>>
    %dma_wait3A_2813 = arith.constant 0 : i32
    %dma_wait3A_2814 = tpu.memref_slice %arg5[%dma_wait3A_2813] : memref<1048576xi32, #tpu.memory_space<hbm>> -> memref<1048576xi32, #tpu.memory_space<hbm>>
    tpu.wait_indirect_dma semaphore(%arg11 : memref<!tpu.dma_semaphore, #tpu.memory_space<semaphore_mem>>) src(%dma_wait3A_2814 : memref<1048576xi32, #tpu.memory_space<hbm>>) dst(%dma_wait3A_2809 : memref<128xi32, #tpu.memory_space<vmem>>)
    %get3A_2815 = arith.constant 10 : i32
    %get3A_2816 = arith.index_cast %get3A_2815 : i32 to index
    %get3A_2817 = arith.constant 0 : index
    %get3A_2818 = tpu.vector_load %arg9[%get3A_2816, %get3A_2817] {strides = array<i32>} : memref<16x128xi32, #tpu.memory_space<vmem>>, vector<1x16xi32>,
    %get3A_2819 = vector.shape_cast %get3A_2818 : vector<1x16xi32> to vector<16xi32>
    %gt3A_2820 = arith.constant 0 : i32
    %gt3A_2821 = vector.broadcast %gt3A_2820 : i32 to vector<16xi32>
    %gt3A_2822 = arith.cmpi sgt, %get3A_2819, %gt3A_2821 : vector<16xi32>
    %get3A_2823 = arith.constant 10 : i32
    %get3A_2824 = arith.index_cast %get3A_2823 : i32 to index
    %get3A_2825 = arith.constant 0 : index
    %get3A_2826 = tpu.vector_load %arg10[%get3A_2824, %get3A_2825] {strides = array<i32>} : memref<16x128xi32, #tpu.memory_space<vmem>>, vector<1x16xi32>,
    %get3A_2827 = vector.shape_cast %get3A_2826 : vector<1x16xi32> to vector<16xi32>
    %jit3A_2828 = arith.constant 0 : i32
    %broadcast_in_dim3A_2829 = vector.broadcast %jit3A_2828 : i32 to vector<16xi32>
    %select_n3A_2830 = arith.select %gt3A_2822, %get3A_2827, %broadcast_in_dim3A_2829 : vector<16xi1>, vector<16xi32>
    %swap3A_2831 = arith.constant 10 : i32
    %swap3A_2832 = arith.index_cast %swap3A_2831 : i32 to index
    %swap3A_2833 = arith.constant 0 : index
    %swap3A_2834 = tpu.vector_load %arg10[%swap3A_2832, %swap3A_2833] {strides = array<i32>} : memref<16x128xi32, #tpu.memory_space<vmem>>, vector<1x16xi32>,
    %swap3A_2835 = vector.shape_cast %swap3A_2834 : vector<1x16xi32> to vector<16xi32>
    %swap3A_2836 = vector.shape_cast %select_n3A_2830 : vector<16xi32> to vector<1x16xi32>
    tpu.vector_store %arg10[%swap3A_2832, %swap3A_2833], %swap3A_2836 {strides = array<i32>} : memref<16x128xi32, #tpu.memory_space<vmem>>, vector<1x16xi32>,
    %get3A_2837 = arith.constant 10 : i32
    %get3A_2838 = arith.index_cast %get3A_2837 : i32 to index
    %get3A_2839 = arith.constant 16 : index
    %get3A_2840 = tpu.vector_load %arg9[%get3A_2838, %get3A_2839] {strides = array<i32>} : memref<16x128xi32, #tpu.memory_space<vmem>>, vector<1x16xi32>,
    %get3A_2841 = vector.shape_cast %get3A_2840 : vector<1x16xi32> to vector<16xi32>
    %gt3A_2842 = arith.constant 0 : i32
    %gt3A_2843 = vector.broadcast %gt3A_2842 : i32 to vector<16xi32>
    %gt3A_2844 = arith.cmpi sgt, %get3A_2841, %gt3A_2843 : vector<16xi32>
    %get3A_2845 = arith.constant 10 : i32
    %get3A_2846 = arith.index_cast %get3A_2845 : i32 to index
    %get3A_2847 = arith.constant 16 : index
    %get3A_2848 = tpu.vector_load %arg10[%get3A_2846, %get3A_2847] {strides = array<i32>} : memref<16x128xi32, #tpu.memory_space<vmem>>, vector<1x16xi32>,
    %get3A_2849 = vector.shape_cast %get3A_2848 : vector<1x16xi32> to vector<16xi32>
    %jit3A_2850 = arith.constant 0 : i32
    %broadcast_in_dim3A_2851 = vector.broadcast %jit3A_2850 : i32 to vector<16xi32>
    %select_n3A_2852 = arith.select %gt3A_2844, %get3A_2849, %broadcast_in_dim3A_2851 : vector<16xi1>, vector<16xi32>
    %swap3A_2853 = arith.constant 10 : i32
    %swap3A_2854 = arith.index_cast %swap3A_2853 : i32 to index
    %swap3A_2855 = arith.constant 16 : index
    %swap3A_2856 = tpu.vector_load %arg10[%swap3A_2854, %swap3A_2855] {strides = array<i32>} : memref<16x128xi32, #tpu.memory_space<vmem>>, vector<1x16xi32>,
    %swap3A_2857 = vector.shape_cast %swap3A_2856 : vector<1x16xi32> to vector<16xi32>
    %swap3A_2858 = vector.shape_cast %select_n3A_2852 : vector<16xi32> to vector<1x16xi32>
    tpu.vector_store %arg10[%swap3A_2854, %swap3A_2855], %swap3A_2858 {strides = array<i32>} : memref<16x128xi32, #tpu.memory_space<vmem>>, vector<1x16xi32>,
    %get3A_2859 = arith.constant 10 : i32
    %get3A_2860 = arith.index_cast %get3A_2859 : i32 to index
    %get3A_2861 = arith.constant 32 : index
    %get3A_2862 = tpu.vector_load %arg9[%get3A_2860, %get3A_2861] {strides = array<i32>} : memref<16x128xi32, #tpu.memory_space<vmem>>, vector<1x16xi32>,
    %get3A_2863 = vector.shape_cast %get3A_2862 : vector<1x16xi32> to vector<16xi32>
    %gt3A_2864 = arith.constant 0 : i32
    %gt3A_2865 = vector.broadcast %gt3A_2864 : i32 to vector<16xi32>
    %gt3A_2866 = arith.cmpi sgt, %get3A_2863, %gt3A_2865 : vector<16xi32>
    %get3A_2867 = arith.constant 10 : i32
    %get3A_2868 = arith.index_cast %get3A_2867 : i32 to index
    %get3A_2869 = arith.constant 32 : index
    %get3A_2870 = tpu.vector_load %arg10[%get3A_2868, %get3A_2869] {strides = array<i32>} : memref<16x128xi32, #tpu.memory_space<vmem>>, vector<1x16xi32>,
    %get3A_2871 = vector.shape_cast %get3A_2870 : vector<1x16xi32> to vector<16xi32>
    %jit3A_2872 = arith.constant 0 : i32
    %broadcast_in_dim3A_2873 = vector.broadcast %jit3A_2872 : i32 to vector<16xi32>
    %select_n3A_2874 = arith.select %gt3A_2866, %get3A_2871, %broadcast_in_dim3A_2873 : vector<16xi1>, vector<16xi32>
    %swap3A_2875 = arith.constant 10 : i32
    %swap3A_2876 = arith.index_cast %swap3A_2875 : i32 to index
    %swap3A_2877 = arith.constant 32 : index
    %swap3A_2878 = tpu.vector_load %arg10[%swap3A_2876, %swap3A_2877] {strides = array<i32>} : memref<16x128xi32, #tpu.memory_space<vmem>>, vector<1x16xi32>,
    %swap3A_2879 = vector.shape_cast %swap3A_2878 : vector<1x16xi32> to vector<16xi32>
    %swap3A_2880 = vector.shape_cast %select_n3A_2874 : vector<16xi32> to vector<1x16xi32>
    tpu.vector_store %arg10[%swap3A_2876, %swap3A_2877], %swap3A_2880 {strides = array<i32>} : memref<16x128xi32, #tpu.memory_space<vmem>>, vector<1x16xi32>,
    %get3A_2881 = arith.constant 10 : i32
    %get3A_2882 = arith.index_cast %get3A_2881 : i32 to index
    %get3A_2883 = arith.constant 48 : index
    %get3A_2884 = tpu.vector_load %arg9[%get3A_2882, %get3A_2883] {strides = array<i32>} : memref<16x128xi32, #tpu.memory_space<vmem>>, vector<1x16xi32>,
    %get3A_2885 = vector.shape_cast %get3A_2884 : vector<1x16xi32> to vector<16xi32>
    %gt3A_2886 = arith.constant 0 : i32
    %gt3A_2887 = vector.broadcast %gt3A_2886 : i32 to vector<16xi32>
    %gt3A_2888 = arith.cmpi sgt, %get3A_2885, %gt3A_2887 : vector<16xi32>
    %get3A_2889 = arith.constant 10 : i32
    %get3A_2890 = arith.index_cast %get3A_2889 : i32 to index
    %get3A_2891 = arith.constant 48 : index
    %get3A_2892 = tpu.vector_load %arg10[%get3A_2890, %get3A_2891] {strides = array<i32>} : memref<16x128xi32, #tpu.memory_space<vmem>>, vector<1x16xi32>,
    %get3A_2893 = vector.shape_cast %get3A_2892 : vector<1x16xi32> to vector<16xi32>
    %jit3A_2894 = arith.constant 0 : i32
    %broadcast_in_dim3A_2895 = vector.broadcast %jit3A_2894 : i32 to vector<16xi32>
    %select_n3A_2896 = arith.select %gt3A_2888, %get3A_2893, %broadcast_in_dim3A_2895 : vector<16xi1>, vector<16xi32>
    %swap3A_2897 = arith.constant 10 : i32
    %swap3A_2898 = arith.index_cast %swap3A_2897 : i32 to index
    %swap3A_2899 = arith.constant 48 : index
    %swap3A_2900 = tpu.vector_load %arg10[%swap3A_2898, %swap3A_2899] {strides = array<i32>} : memref<16x128xi32, #tpu.memory_space<vmem>>, vector<1x16xi32>,
    %swap3A_2901 = vector.shape_cast %swap3A_2900 : vector<1x16xi32> to vector<16xi32>
    %swap3A_2902 = vector.shape_cast %select_n3A_2896 : vector<16xi32> to vector<1x16xi32>
    tpu.vector_store %arg10[%swap3A_2898, %swap3A_2899], %swap3A_2902 {strides = array<i32>} : memref<16x128xi32, #tpu.memory_space<vmem>>, vector<1x16xi32>,
    %get3A_2903 = arith.constant 10 : i32
    %get3A_2904 = arith.index_cast %get3A_2903 : i32 to index
    %get3A_2905 = arith.constant 64 : index
    %get3A_2906 = tpu.vector_load %arg9[%get3A_2904, %get3A_2905] {strides = array<i32>} : memref<16x128xi32, #tpu.memory_space<vmem>>, vector<1x16xi32>,
    %get3A_2907 = vector.shape_cast %get3A_2906 : vector<1x16xi32> to vector<16xi32>
    %gt3A_2908 = arith.constant 0 : i32
    %gt3A_2909 = vector.broadcast %gt3A_2908 : i32 to vector<16xi32>
    %gt3A_2910 = arith.cmpi sgt, %get3A_2907, %gt3A_2909 : vector<16xi32>
    %get3A_2911 = arith.constant 10 : i32
    %get3A_2912 = arith.index_cast %get3A_2911 : i32 to index
    %get3A_2913 = arith.constant 64 : index
    %get3A_2914 = tpu.vector_load %arg10[%get3A_2912, %get3A_2913] {strides = array<i32>} : memref<16x128xi32, #tpu.memory_space<vmem>>, vector<1x16xi32>,
    %get3A_2915 = vector.shape_cast %get3A_2914 : vector<1x16xi32> to vector<16xi32>
    %jit3A_2916 = arith.constant 0 : i32
    %broadcast_in_dim3A_2917 = vector.broadcast %jit3A_2916 : i32 to vector<16xi32>
    %select_n3A_2918 = arith.select %gt3A_2910, %get3A_2915, %broadcast_in_dim3A_2917 : vector<16xi1>, vector<16xi32>
    %swap3A_2919 = arith.constant 10 : i32
    %swap3A_2920 = arith.index_cast %swap3A_2919 : i32 to index
    %swap3A_2921 = arith.constant 64 : index
    %swap3A_2922 = tpu.vector_load %arg10[%swap3A_2920, %swap3A_2921] {strides = array<i32>} : memref<16x128xi32, #tpu.memory_space<vmem>>, vector<1x16xi32>,
    %swap3A_2923 = vector.shape_cast %swap3A_2922 : vector<1x16xi32> to vector<16xi32>
    %swap3A_2924 = vector.shape_cast %select_n3A_2918 : vector<16xi32> to vector<1x16xi32>
    tpu.vector_store %arg10[%swap3A_2920, %swap3A_2921], %swap3A_2924 {strides = array<i32>} : memref<16x128xi32, #tpu.memory_space<vmem>>, vector<1x16xi32>,
    %get3A_2925 = arith.constant 10 : i32
    %get3A_2926 = arith.index_cast %get3A_2925 : i32 to index
    %get3A_2927 = arith.constant 80 : index
    %get3A_2928 = tpu.vector_load %arg9[%get3A_2926, %get3A_2927] {strides = array<i32>} : memref<16x128xi32, #tpu.memory_space<vmem>>, vector<1x16xi32>,
    %get3A_2929 = vector.shape_cast %get3A_2928 : vector<1x16xi32> to vector<16xi32>
    %gt3A_2930 = arith.constant 0 : i32
    %gt3A_2931 = vector.broadcast %gt3A_2930 : i32 to vector<16xi32>
    %gt3A_2932 = arith.cmpi sgt, %get3A_2929, %gt3A_2931 : vector<16xi32>
    %get3A_2933 = arith.constant 10 : i32
    %get3A_2934 = arith.index_cast %get3A_2933 : i32 to index
    %get3A_2935 = arith.constant 80 : index
    %get3A_2936 = tpu.vector_load %arg10[%get3A_2934, %get3A_2935] {strides = array<i32>} : memref<16x128xi32, #tpu.memory_space<vmem>>, vector<1x16xi32>,
    %get3A_2937 = vector.shape_cast %get3A_2936 : vector<1x16xi32> to vector<16xi32>
    %jit3A_2938 = arith.constant 0 : i32
    %broadcast_in_dim3A_2939 = vector.broadcast %jit3A_2938 : i32 to vector<16xi32>
    %select_n3A_2940 = arith.select %gt3A_2932, %get3A_2937, %broadcast_in_dim3A_2939 : vector<16xi1>, vector<16xi32>
    %swap3A_2941 = arith.constant 10 : i32
    %swap3A_2942 = arith.index_cast %swap3A_2941 : i32 to index
    %swap3A_2943 = arith.constant 80 : index
    %swap3A_2944 = tpu.vector_load %arg10[%swap3A_2942, %swap3A_2943] {strides = array<i32>} : memref<16x128xi32, #tpu.memory_space<vmem>>, vector<1x16xi32>,
    %swap3A_2945 = vector.shape_cast %swap3A_2944 : vector<1x16xi32> to vector<16xi32>
    %swap3A_2946 = vector.shape_cast %select_n3A_2940 : vector<16xi32> to vector<1x16xi32>
    tpu.vector_store %arg10[%swap3A_2942, %swap3A_2943], %swap3A_2946 {strides = array<i32>} : memref<16x128xi32, #tpu.memory_space<vmem>>, vector<1x16xi32>,
    %get3A_2947 = arith.constant 10 : i32
    %get3A_2948 = arith.index_cast %get3A_2947 : i32 to index
    %get3A_2949 = arith.constant 96 : index
    %get3A_2950 = tpu.vector_load %arg9[%get3A_2948, %get3A_2949] {strides = array<i32>} : memref<16x128xi32, #tpu.memory_space<vmem>>, vector<1x16xi32>,
    %get3A_2951 = vector.shape_cast %get3A_2950 : vector<1x16xi32> to vector<16xi32>
    %gt3A_2952 = arith.constant 0 : i32
    %gt3A_2953 = vector.broadcast %gt3A_2952 : i32 to vector<16xi32>
    %gt3A_2954 = arith.cmpi sgt, %get3A_2951, %gt3A_2953 : vector<16xi32>
    %get3A_2955 = arith.constant 10 : i32
    %get3A_2956 = arith.index_cast %get3A_2955 : i32 to index
    %get3A_2957 = arith.constant 96 : index
    %get3A_2958 = tpu.vector_load %arg10[%get3A_2956, %get3A_2957] {strides = array<i32>} : memref<16x128xi32, #tpu.memory_space<vmem>>, vector<1x16xi32>,
    %get3A_2959 = vector.shape_cast %get3A_2958 : vector<1x16xi32> to vector<16xi32>
    %jit3A_2960 = arith.constant 0 : i32
    %broadcast_in_dim3A_2961 = vector.broadcast %jit3A_2960 : i32 to vector<16xi32>
    %select_n3A_2962 = arith.select %gt3A_2954, %get3A_2959, %broadcast_in_dim3A_2961 : vector<16xi1>, vector<16xi32>
    %swap3A_2963 = arith.constant 10 : i32
    %swap3A_2964 = arith.index_cast %swap3A_2963 : i32 to index
    %swap3A_2965 = arith.constant 96 : index
    %swap3A_2966 = tpu.vector_load %arg10[%swap3A_2964, %swap3A_2965] {strides = array<i32>} : memref<16x128xi32, #tpu.memory_space<vmem>>, vector<1x16xi32>,
    %swap3A_2967 = vector.shape_cast %swap3A_2966 : vector<1x16xi32> to vector<16xi32>
    %swap3A_2968 = vector.shape_cast %select_n3A_2962 : vector<16xi32> to vector<1x16xi32>
    tpu.vector_store %arg10[%swap3A_2964, %swap3A_2965], %swap3A_2968 {strides = array<i32>} : memref<16x128xi32, #tpu.memory_space<vmem>>, vector<1x16xi32>,
    %get3A_2969 = arith.constant 10 : i32
    %get3A_2970 = arith.index_cast %get3A_2969 : i32 to index
    %get3A_2971 = arith.constant 112 : index
    %get3A_2972 = tpu.vector_load %arg9[%get3A_2970, %get3A_2971] {strides = array<i32>} : memref<16x128xi32, #tpu.memory_space<vmem>>, vector<1x16xi32>,
    %get3A_2973 = vector.shape_cast %get3A_2972 : vector<1x16xi32> to vector<16xi32>
    %gt3A_2974 = arith.constant 0 : i32
    %gt3A_2975 = vector.broadcast %gt3A_2974 : i32 to vector<16xi32>
    %gt3A_2976 = arith.cmpi sgt, %get3A_2973, %gt3A_2975 : vector<16xi32>
    %get3A_2977 = arith.constant 10 : i32
    %get3A_2978 = arith.index_cast %get3A_2977 : i32 to index
    %get3A_2979 = arith.constant 112 : index
    %get3A_2980 = tpu.vector_load %arg10[%get3A_2978, %get3A_2979] {strides = array<i32>} : memref<16x128xi32, #tpu.memory_space<vmem>>, vector<1x16xi32>,
    %get3A_2981 = vector.shape_cast %get3A_2980 : vector<1x16xi32> to vector<16xi32>
    %jit3A_2982 = arith.constant 0 : i32
    %broadcast_in_dim3A_2983 = vector.broadcast %jit3A_2982 : i32 to vector<16xi32>
    %select_n3A_2984 = arith.select %gt3A_2976, %get3A_2981, %broadcast_in_dim3A_2983 : vector<16xi1>, vector<16xi32>
    %swap3A_2985 = arith.constant 10 : i32
    %swap3A_2986 = arith.index_cast %swap3A_2985 : i32 to index
    %swap3A_2987 = arith.constant 112 : index
    %swap3A_2988 = tpu.vector_load %arg10[%swap3A_2986, %swap3A_2987] {strides = array<i32>} : memref<16x128xi32, #tpu.memory_space<vmem>>, vector<1x16xi32>,
    %swap3A_2989 = vector.shape_cast %swap3A_2988 : vector<1x16xi32> to vector<16xi32>
    %swap3A_2990 = vector.shape_cast %select_n3A_2984 : vector<16xi32> to vector<1x16xi32>
    tpu.vector_store %arg10[%swap3A_2986, %swap3A_2987], %swap3A_2990 {strides = array<i32>} : memref<16x128xi32, #tpu.memory_space<vmem>>, vector<1x16xi32>,
    %add3A_2991 = arith.constant 10 : i32
    %add3A_2992 = arith.addi %mul3A_2, %add3A_2991 : i32
    %dma_start3A_2993 = arith.constant 10 : i32
    %dma_start3A_2994 = arith.constant 0 : i32
    %dma_start3A_2995 = tpu.memref_slice %arg10[%dma_start3A_2993, %dma_start3A_2994] : memref<16x128xi32, #tpu.memory_space<vmem>> -> memref<1x128xi32, #tpu.memory_space<vmem>>
    %dma_start3A_2996 = tpu.memref_squeeze %dma_start3A_2995 : memref<1x128xi32, #tpu.memory_space<vmem>> -> memref<128xi32, #tpu.memory_space<vmem>>
    %dma_start3A_2997 = arith.constant 0 : i32
    %dma_start3A_2998 = tpu.memref_slice %arg6[%add3A_2992, %dma_start3A_2997] : memref<512x128xi32, #tpu.memory_space<hbm>> -> memref<1x128xi32, #tpu.memory_space<hbm>>
    %dma_start3A_2999 = tpu.memref_squeeze %dma_start3A_2998 : memref<1x128xi32, #tpu.memory_space<hbm>> -> memref<128xi32, #tpu.memory_space<hbm>>
    %dma_start3A_3000 = arith.constant 0 : i32
    %dma_start3A_3001 = tpu.memref_slice %arg6[%add3A_2992, %dma_start3A_3000] : memref<512x128xi32, #tpu.memory_space<hbm>> -> memref<1x128xi32, #tpu.memory_space<hbm>>
    %dma_start3A_3002 = tpu.memref_squeeze %dma_start3A_3001 : memref<1x128xi32, #tpu.memory_space<hbm>> -> memref<128xi32, #tpu.memory_space<hbm>>
    %dma_start3A_3003 = arith.constant 0 : i32
    %dma_start3A_3004 = tpu.memref_slice %arg10[%dma_start3A_2993, %dma_start3A_3003] : memref<16x128xi32, #tpu.memory_space<vmem>> -> memref<1x128xi32, #tpu.memory_space<vmem>>
    %dma_start3A_3005 = tpu.memref_squeeze %dma_start3A_3004 : memref<1x128xi32, #tpu.memory_space<vmem>> -> memref<128xi32, #tpu.memory_space<vmem>>
    tpu.enqueue_dma source(%dma_start3A_3005 : memref<128xi32, #tpu.memory_space<vmem>>) target(%dma_start3A_3002 : memref<128xi32, #tpu.memory_space<hbm>>) target_semaphore(%arg11 : memref<!tpu.dma_semaphore, #tpu.memory_space<semaphore_mem>>)
    %dma_wait3A_3006 = arith.constant 11 : i32
    %dma_wait3A_3007 = arith.constant 11 : i32
    %dma_wait3A_3008 = arith.constant 0 : i32
    %dma_wait3A_3009 = tpu.memref_slice %arg10[%dma_wait3A_3007, %dma_wait3A_3008] : memref<16x128xi32, #tpu.memory_space<vmem>> -> memref<1x128xi32, #tpu.memory_space<vmem>>
    %dma_wait3A_3010 = tpu.memref_squeeze %dma_wait3A_3009 : memref<1x128xi32, #tpu.memory_space<vmem>> -> memref<128xi32, #tpu.memory_space<vmem>>
    %dma_wait3A_3011 = arith.constant 0 : i32
    %dma_wait3A_3012 = tpu.memref_slice %arg8[%dma_wait3A_3006, %dma_wait3A_3011] : memref<16x128xi32, #tpu.memory_space<vmem>> -> memref<1x128xi32, #tpu.memory_space<vmem>>
    %dma_wait3A_3013 = tpu.memref_squeeze %dma_wait3A_3012 : memref<1x128xi32, #tpu.memory_space<vmem>> -> memref<128xi32, #tpu.memory_space<vmem>>
    %dma_wait3A_3014 = arith.constant 0 : i32
    %dma_wait3A_3015 = tpu.memref_slice %arg5[%dma_wait3A_3014] : memref<1048576xi32, #tpu.memory_space<hbm>> -> memref<1048576xi32, #tpu.memory_space<hbm>>
    tpu.wait_indirect_dma semaphore(%arg11 : memref<!tpu.dma_semaphore, #tpu.memory_space<semaphore_mem>>) src(%dma_wait3A_3015 : memref<1048576xi32, #tpu.memory_space<hbm>>) dst(%dma_wait3A_3010 : memref<128xi32, #tpu.memory_space<vmem>>)
    %get3A_3016 = arith.constant 11 : i32
    %get3A_3017 = arith.index_cast %get3A_3016 : i32 to index
    %get3A_3018 = arith.constant 0 : index
    %get3A_3019 = tpu.vector_load %arg9[%get3A_3017, %get3A_3018] {strides = array<i32>} : memref<16x128xi32, #tpu.memory_space<vmem>>, vector<1x16xi32>,
    %get3A_3020 = vector.shape_cast %get3A_3019 : vector<1x16xi32> to vector<16xi32>
    %gt3A_3021 = arith.constant 0 : i32
    %gt3A_3022 = vector.broadcast %gt3A_3021 : i32 to vector<16xi32>
    %gt3A_3023 = arith.cmpi sgt, %get3A_3020, %gt3A_3022 : vector<16xi32>
    %get3A_3024 = arith.constant 11 : i32
    %get3A_3025 = arith.index_cast %get3A_3024 : i32 to index
    %get3A_3026 = arith.constant 0 : index
    %get3A_3027 = tpu.vector_load %arg10[%get3A_3025, %get3A_3026] {strides = array<i32>} : memref<16x128xi32, #tpu.memory_space<vmem>>, vector<1x16xi32>,
    %get3A_3028 = vector.shape_cast %get3A_3027 : vector<1x16xi32> to vector<16xi32>
    %jit3A_3029 = arith.constant 0 : i32
    %broadcast_in_dim3A_3030 = vector.broadcast %jit3A_3029 : i32 to vector<16xi32>
    %select_n3A_3031 = arith.select %gt3A_3023, %get3A_3028, %broadcast_in_dim3A_3030 : vector<16xi1>, vector<16xi32>
    %swap3A_3032 = arith.constant 11 : i32
    %swap3A_3033 = arith.index_cast %swap3A_3032 : i32 to index
    %swap3A_3034 = arith.constant 0 : index
    %swap3A_3035 = tpu.vector_load %arg10[%swap3A_3033, %swap3A_3034] {strides = array<i32>} : memref<16x128xi32, #tpu.memory_space<vmem>>, vector<1x16xi32>,
    %swap3A_3036 = vector.shape_cast %swap3A_3035 : vector<1x16xi32> to vector<16xi32>
    %swap3A_3037 = vector.shape_cast %select_n3A_3031 : vector<16xi32> to vector<1x16xi32>
    tpu.vector_store %arg10[%swap3A_3033, %swap3A_3034], %swap3A_3037 {strides = array<i32>} : memref<16x128xi32, #tpu.memory_space<vmem>>, vector<1x16xi32>,
    %get3A_3038 = arith.constant 11 : i32
    %get3A_3039 = arith.index_cast %get3A_3038 : i32 to index
    %get3A_3040 = arith.constant 16 : index
    %get3A_3041 = tpu.vector_load %arg9[%get3A_3039, %get3A_3040] {strides = array<i32>} : memref<16x128xi32, #tpu.memory_space<vmem>>, vector<1x16xi32>,
    %get3A_3042 = vector.shape_cast %get3A_3041 : vector<1x16xi32> to vector<16xi32>
    %gt3A_3043 = arith.constant 0 : i32
    %gt3A_3044 = vector.broadcast %gt3A_3043 : i32 to vector<16xi32>
    %gt3A_3045 = arith.cmpi sgt, %get3A_3042, %gt3A_3044 : vector<16xi32>
    %get3A_3046 = arith.constant 11 : i32
    %get3A_3047 = arith.index_cast %get3A_3046 : i32 to index
    %get3A_3048 = arith.constant 16 : index
    %get3A_3049 = tpu.vector_load %arg10[%get3A_3047, %get3A_3048] {strides = array<i32>} : memref<16x128xi32, #tpu.memory_space<vmem>>, vector<1x16xi32>,
    %get3A_3050 = vector.shape_cast %get3A_3049 : vector<1x16xi32> to vector<16xi32>
    %jit3A_3051 = arith.constant 0 : i32
    %broadcast_in_dim3A_3052 = vector.broadcast %jit3A_3051 : i32 to vector<16xi32>
    %select_n3A_3053 = arith.select %gt3A_3045, %get3A_3050, %broadcast_in_dim3A_3052 : vector<16xi1>, vector<16xi32>
    %swap3A_3054 = arith.constant 11 : i32
    %swap3A_3055 = arith.index_cast %swap3A_3054 : i32 to index
    %swap3A_3056 = arith.constant 16 : index
    %swap3A_3057 = tpu.vector_load %arg10[%swap3A_3055, %swap3A_3056] {strides = array<i32>} : memref<16x128xi32, #tpu.memory_space<vmem>>, vector<1x16xi32>,
    %swap3A_3058 = vector.shape_cast %swap3A_3057 : vector<1x16xi32> to vector<16xi32>
    %swap3A_3059 = vector.shape_cast %select_n3A_3053 : vector<16xi32> to vector<1x16xi32>
    tpu.vector_store %arg10[%swap3A_3055, %swap3A_3056], %swap3A_3059 {strides = array<i32>} : memref<16x128xi32, #tpu.memory_space<vmem>>, vector<1x16xi32>,
    %get3A_3060 = arith.constant 11 : i32
    %get3A_3061 = arith.index_cast %get3A_3060 : i32 to index
    %get3A_3062 = arith.constant 32 : index
    %get3A_3063 = tpu.vector_load %arg9[%get3A_3061, %get3A_3062] {strides = array<i32>} : memref<16x128xi32, #tpu.memory_space<vmem>>, vector<1x16xi32>,
    %get3A_3064 = vector.shape_cast %get3A_3063 : vector<1x16xi32> to vector<16xi32>
    %gt3A_3065 = arith.constant 0 : i32
    %gt3A_3066 = vector.broadcast %gt3A_3065 : i32 to vector<16xi32>
    %gt3A_3067 = arith.cmpi sgt, %get3A_3064, %gt3A_3066 : vector<16xi32>
    %get3A_3068 = arith.constant 11 : i32
    %get3A_3069 = arith.index_cast %get3A_3068 : i32 to index
    %get3A_3070 = arith.constant 32 : index
    %get3A_3071 = tpu.vector_load %arg10[%get3A_3069, %get3A_3070] {strides = array<i32>} : memref<16x128xi32, #tpu.memory_space<vmem>>, vector<1x16xi32>,
    %get3A_3072 = vector.shape_cast %get3A_3071 : vector<1x16xi32> to vector<16xi32>
    %jit3A_3073 = arith.constant 0 : i32
    %broadcast_in_dim3A_3074 = vector.broadcast %jit3A_3073 : i32 to vector<16xi32>
    %select_n3A_3075 = arith.select %gt3A_3067, %get3A_3072, %broadcast_in_dim3A_3074 : vector<16xi1>, vector<16xi32>
    %swap3A_3076 = arith.constant 11 : i32
    %swap3A_3077 = arith.index_cast %swap3A_3076 : i32 to index
    %swap3A_3078 = arith.constant 32 : index
    %swap3A_3079 = tpu.vector_load %arg10[%swap3A_3077, %swap3A_3078] {strides = array<i32>} : memref<16x128xi32, #tpu.memory_space<vmem>>, vector<1x16xi32>,
    %swap3A_3080 = vector.shape_cast %swap3A_3079 : vector<1x16xi32> to vector<16xi32>
    %swap3A_3081 = vector.shape_cast %select_n3A_3075 : vector<16xi32> to vector<1x16xi32>
    tpu.vector_store %arg10[%swap3A_3077, %swap3A_3078], %swap3A_3081 {strides = array<i32>} : memref<16x128xi32, #tpu.memory_space<vmem>>, vector<1x16xi32>,
    %get3A_3082 = arith.constant 11 : i32
    %get3A_3083 = arith.index_cast %get3A_3082 : i32 to index
    %get3A_3084 = arith.constant 48 : index
    %get3A_3085 = tpu.vector_load %arg9[%get3A_3083, %get3A_3084] {strides = array<i32>} : memref<16x128xi32, #tpu.memory_space<vmem>>, vector<1x16xi32>,
    %get3A_3086 = vector.shape_cast %get3A_3085 : vector<1x16xi32> to vector<16xi32>
    %gt3A_3087 = arith.constant 0 : i32
    %gt3A_3088 = vector.broadcast %gt3A_3087 : i32 to vector<16xi32>
    %gt3A_3089 = arith.cmpi sgt, %get3A_3086, %gt3A_3088 : vector<16xi32>
    %get3A_3090 = arith.constant 11 : i32
    %get3A_3091 = arith.index_cast %get3A_3090 : i32 to index
    %get3A_3092 = arith.constant 48 : index
    %get3A_3093 = tpu.vector_load %arg10[%get3A_3091, %get3A_3092] {strides = array<i32>} : memref<16x128xi32, #tpu.memory_space<vmem>>, vector<1x16xi32>,
    %get3A_3094 = vector.shape_cast %get3A_3093 : vector<1x16xi32> to vector<16xi32>
    %jit3A_3095 = arith.constant 0 : i32
    %broadcast_in_dim3A_3096 = vector.broadcast %jit3A_3095 : i32 to vector<16xi32>
    %select_n3A_3097 = arith.select %gt3A_3089, %get3A_3094, %broadcast_in_dim3A_3096 : vector<16xi1>, vector<16xi32>
    %swap3A_3098 = arith.constant 11 : i32
    %swap3A_3099 = arith.index_cast %swap3A_3098 : i32 to index
    %swap3A_3100 = arith.constant 48 : index
    %swap3A_3101 = tpu.vector_load %arg10[%swap3A_3099, %swap3A_3100] {strides = array<i32>} : memref<16x128xi32, #tpu.memory_space<vmem>>, vector<1x16xi32>,
    %swap3A_3102 = vector.shape_cast %swap3A_3101 : vector<1x16xi32> to vector<16xi32>
    %swap3A_3103 = vector.shape_cast %select_n3A_3097 : vector<16xi32> to vector<1x16xi32>
    tpu.vector_store %arg10[%swap3A_3099, %swap3A_3100], %swap3A_3103 {strides = array<i32>} : memref<16x128xi32, #tpu.memory_space<vmem>>, vector<1x16xi32>,
    %get3A_3104 = arith.constant 11 : i32
    %get3A_3105 = arith.index_cast %get3A_3104 : i32 to index
    %get3A_3106 = arith.constant 64 : index
    %get3A_3107 = tpu.vector_load %arg9[%get3A_3105, %get3A_3106] {strides = array<i32>} : memref<16x128xi32, #tpu.memory_space<vmem>>, vector<1x16xi32>,
    %get3A_3108 = vector.shape_cast %get3A_3107 : vector<1x16xi32> to vector<16xi32>
    %gt3A_3109 = arith.constant 0 : i32
    %gt3A_3110 = vector.broadcast %gt3A_3109 : i32 to vector<16xi32>
    %gt3A_3111 = arith.cmpi sgt, %get3A_3108, %gt3A_3110 : vector<16xi32>
    %get3A_3112 = arith.constant 11 : i32
    %get3A_3113 = arith.index_cast %get3A_3112 : i32 to index
    %get3A_3114 = arith.constant 64 : index
    %get3A_3115 = tpu.vector_load %arg10[%get3A_3113, %get3A_3114] {strides = array<i32>} : memref<16x128xi32, #tpu.memory_space<vmem>>, vector<1x16xi32>,
    %get3A_3116 = vector.shape_cast %get3A_3115 : vector<1x16xi32> to vector<16xi32>
    %jit3A_3117 = arith.constant 0 : i32
    %broadcast_in_dim3A_3118 = vector.broadcast %jit3A_3117 : i32 to vector<16xi32>
    %select_n3A_3119 = arith.select %gt3A_3111, %get3A_3116, %broadcast_in_dim3A_3118 : vector<16xi1>, vector<16xi32>
    %swap3A_3120 = arith.constant 11 : i32
    %swap3A_3121 = arith.index_cast %swap3A_3120 : i32 to index
    %swap3A_3122 = arith.constant 64 : index
    %swap3A_3123 = tpu.vector_load %arg10[%swap3A_3121, %swap3A_3122] {strides = array<i32>} : memref<16x128xi32, #tpu.memory_space<vmem>>, vector<1x16xi32>,
    %swap3A_3124 = vector.shape_cast %swap3A_3123 : vector<1x16xi32> to vector<16xi32>
    %swap3A_3125 = vector.shape_cast %select_n3A_3119 : vector<16xi32> to vector<1x16xi32>
    tpu.vector_store %arg10[%swap3A_3121, %swap3A_3122], %swap3A_3125 {strides = array<i32>} : memref<16x128xi32, #tpu.memory_space<vmem>>, vector<1x16xi32>,
    %get3A_3126 = arith.constant 11 : i32
    %get3A_3127 = arith.index_cast %get3A_3126 : i32 to index
    %get3A_3128 = arith.constant 80 : index
    %get3A_3129 = tpu.vector_load %arg9[%get3A_3127, %get3A_3128] {strides = array<i32>} : memref<16x128xi32, #tpu.memory_space<vmem>>, vector<1x16xi32>,
    %get3A_3130 = vector.shape_cast %get3A_3129 : vector<1x16xi32> to vector<16xi32>
    %gt3A_3131 = arith.constant 0 : i32
    %gt3A_3132 = vector.broadcast %gt3A_3131 : i32 to vector<16xi32>
    %gt3A_3133 = arith.cmpi sgt, %get3A_3130, %gt3A_3132 : vector<16xi32>
    %get3A_3134 = arith.constant 11 : i32
    %get3A_3135 = arith.index_cast %get3A_3134 : i32 to index
    %get3A_3136 = arith.constant 80 : index
    %get3A_3137 = tpu.vector_load %arg10[%get3A_3135, %get3A_3136] {strides = array<i32>} : memref<16x128xi32, #tpu.memory_space<vmem>>, vector<1x16xi32>,
    %get3A_3138 = vector.shape_cast %get3A_3137 : vector<1x16xi32> to vector<16xi32>
    %jit3A_3139 = arith.constant 0 : i32
    %broadcast_in_dim3A_3140 = vector.broadcast %jit3A_3139 : i32 to vector<16xi32>
    %select_n3A_3141 = arith.select %gt3A_3133, %get3A_3138, %broadcast_in_dim3A_3140 : vector<16xi1>, vector<16xi32>
    %swap3A_3142 = arith.constant 11 : i32
    %swap3A_3143 = arith.index_cast %swap3A_3142 : i32 to index
    %swap3A_3144 = arith.constant 80 : index
    %swap3A_3145 = tpu.vector_load %arg10[%swap3A_3143, %swap3A_3144] {strides = array<i32>} : memref<16x128xi32, #tpu.memory_space<vmem>>, vector<1x16xi32>,
    %swap3A_3146 = vector.shape_cast %swap3A_3145 : vector<1x16xi32> to vector<16xi32>
    %swap3A_3147 = vector.shape_cast %select_n3A_3141 : vector<16xi32> to vector<1x16xi32>
    tpu.vector_store %arg10[%swap3A_3143, %swap3A_3144], %swap3A_3147 {strides = array<i32>} : memref<16x128xi32, #tpu.memory_space<vmem>>, vector<1x16xi32>,
    %get3A_3148 = arith.constant 11 : i32
    %get3A_3149 = arith.index_cast %get3A_3148 : i32 to index
    %get3A_3150 = arith.constant 96 : index
    %get3A_3151 = tpu.vector_load %arg9[%get3A_3149, %get3A_3150] {strides = array<i32>} : memref<16x128xi32, #tpu.memory_space<vmem>>, vector<1x16xi32>,
    %get3A_3152 = vector.shape_cast %get3A_3151 : vector<1x16xi32> to vector<16xi32>
    %gt3A_3153 = arith.constant 0 : i32
    %gt3A_3154 = vector.broadcast %gt3A_3153 : i32 to vector<16xi32>
    %gt3A_3155 = arith.cmpi sgt, %get3A_3152, %gt3A_3154 : vector<16xi32>
    %get3A_3156 = arith.constant 11 : i32
    %get3A_3157 = arith.index_cast %get3A_3156 : i32 to index
    %get3A_3158 = arith.constant 96 : index
    %get3A_3159 = tpu.vector_load %arg10[%get3A_3157, %get3A_3158] {strides = array<i32>} : memref<16x128xi32, #tpu.memory_space<vmem>>, vector<1x16xi32>,
    %get3A_3160 = vector.shape_cast %get3A_3159 : vector<1x16xi32> to vector<16xi32>
    %jit3A_3161 = arith.constant 0 : i32
    %broadcast_in_dim3A_3162 = vector.broadcast %jit3A_3161 : i32 to vector<16xi32>
    %select_n3A_3163 = arith.select %gt3A_3155, %get3A_3160, %broadcast_in_dim3A_3162 : vector<16xi1>, vector<16xi32>
    %swap3A_3164 = arith.constant 11 : i32
    %swap3A_3165 = arith.index_cast %swap3A_3164 : i32 to index
    %swap3A_3166 = arith.constant 96 : index
    %swap3A_3167 = tpu.vector_load %arg10[%swap3A_3165, %swap3A_3166] {strides = array<i32>} : memref<16x128xi32, #tpu.memory_space<vmem>>, vector<1x16xi32>,
    %swap3A_3168 = vector.shape_cast %swap3A_3167 : vector<1x16xi32> to vector<16xi32>
    %swap3A_3169 = vector.shape_cast %select_n3A_3163 : vector<16xi32> to vector<1x16xi32>
    tpu.vector_store %arg10[%swap3A_3165, %swap3A_3166], %swap3A_3169 {strides = array<i32>} : memref<16x128xi32, #tpu.memory_space<vmem>>, vector<1x16xi32>,
    %get3A_3170 = arith.constant 11 : i32
    %get3A_3171 = arith.index_cast %get3A_3170 : i32 to index
    %get3A_3172 = arith.constant 112 : index
    %get3A_3173 = tpu.vector_load %arg9[%get3A_3171, %get3A_3172] {strides = array<i32>} : memref<16x128xi32, #tpu.memory_space<vmem>>, vector<1x16xi32>,
    %get3A_3174 = vector.shape_cast %get3A_3173 : vector<1x16xi32> to vector<16xi32>
    %gt3A_3175 = arith.constant 0 : i32
    %gt3A_3176 = vector.broadcast %gt3A_3175 : i32 to vector<16xi32>
    %gt3A_3177 = arith.cmpi sgt, %get3A_3174, %gt3A_3176 : vector<16xi32>
    %get3A_3178 = arith.constant 11 : i32
    %get3A_3179 = arith.index_cast %get3A_3178 : i32 to index
    %get3A_3180 = arith.constant 112 : index
    %get3A_3181 = tpu.vector_load %arg10[%get3A_3179, %get3A_3180] {strides = array<i32>} : memref<16x128xi32, #tpu.memory_space<vmem>>, vector<1x16xi32>,
    %get3A_3182 = vector.shape_cast %get3A_3181 : vector<1x16xi32> to vector<16xi32>
    %jit3A_3183 = arith.constant 0 : i32
    %broadcast_in_dim3A_3184 = vector.broadcast %jit3A_3183 : i32 to vector<16xi32>
    %select_n3A_3185 = arith.select %gt3A_3177, %get3A_3182, %broadcast_in_dim3A_3184 : vector<16xi1>, vector<16xi32>
    %swap3A_3186 = arith.constant 11 : i32
    %swap3A_3187 = arith.index_cast %swap3A_3186 : i32 to index
    %swap3A_3188 = arith.constant 112 : index
    %swap3A_3189 = tpu.vector_load %arg10[%swap3A_3187, %swap3A_3188] {strides = array<i32>} : memref<16x128xi32, #tpu.memory_space<vmem>>, vector<1x16xi32>,
    %swap3A_3190 = vector.shape_cast %swap3A_3189 : vector<1x16xi32> to vector<16xi32>
    %swap3A_3191 = vector.shape_cast %select_n3A_3185 : vector<16xi32> to vector<1x16xi32>
    tpu.vector_store %arg10[%swap3A_3187, %swap3A_3188], %swap3A_3191 {strides = array<i32>} : memref<16x128xi32, #tpu.memory_space<vmem>>, vector<1x16xi32>,
    %add3A_3192 = arith.constant 11 : i32
    %add3A_3193 = arith.addi %mul3A_2, %add3A_3192 : i32
    %dma_start3A_3194 = arith.constant 11 : i32
    %dma_start3A_3195 = arith.constant 0 : i32
    %dma_start3A_3196 = tpu.memref_slice %arg10[%dma_start3A_3194, %dma_start3A_3195] : memref<16x128xi32, #tpu.memory_space<vmem>> -> memref<1x128xi32, #tpu.memory_space<vmem>>
    %dma_start3A_3197 = tpu.memref_squeeze %dma_start3A_3196 : memref<1x128xi32, #tpu.memory_space<vmem>> -> memref<128xi32, #tpu.memory_space<vmem>>
    %dma_start3A_3198 = arith.constant 0 : i32
    %dma_start3A_3199 = tpu.memref_slice %arg6[%add3A_3193, %dma_start3A_3198] : memref<512x128xi32, #tpu.memory_space<hbm>> -> memref<1x128xi32, #tpu.memory_space<hbm>>
    %dma_start3A_3200 = tpu.memref_squeeze %dma_start3A_3199 : memref<1x128xi32, #tpu.memory_space<hbm>> -> memref<128xi32, #tpu.memory_space<hbm>>
    %dma_start3A_3201 = arith.constant 0 : i32
    %dma_start3A_3202 = tpu.memref_slice %arg6[%add3A_3193, %dma_start3A_3201] : memref<512x128xi32, #tpu.memory_space<hbm>> -> memref<1x128xi32, #tpu.memory_space<hbm>>
    %dma_start3A_3203 = tpu.memref_squeeze %dma_start3A_3202 : memref<1x128xi32, #tpu.memory_space<hbm>> -> memref<128xi32, #tpu.memory_space<hbm>>
    %dma_start3A_3204 = arith.constant 0 : i32
    %dma_start3A_3205 = tpu.memref_slice %arg10[%dma_start3A_3194, %dma_start3A_3204] : memref<16x128xi32, #tpu.memory_space<vmem>> -> memref<1x128xi32, #tpu.memory_space<vmem>>
    %dma_start3A_3206 = tpu.memref_squeeze %dma_start3A_3205 : memref<1x128xi32, #tpu.memory_space<vmem>> -> memref<128xi32, #tpu.memory_space<vmem>>
    tpu.enqueue_dma source(%dma_start3A_3206 : memref<128xi32, #tpu.memory_space<vmem>>) target(%dma_start3A_3203 : memref<128xi32, #tpu.memory_space<hbm>>) target_semaphore(%arg11 : memref<!tpu.dma_semaphore, #tpu.memory_space<semaphore_mem>>)
    %dma_wait3A_3207 = arith.constant 12 : i32
    %dma_wait3A_3208 = arith.constant 12 : i32
    %dma_wait3A_3209 = arith.constant 0 : i32
    %dma_wait3A_3210 = tpu.memref_slice %arg10[%dma_wait3A_3208, %dma_wait3A_3209] : memref<16x128xi32, #tpu.memory_space<vmem>> -> memref<1x128xi32, #tpu.memory_space<vmem>>
    %dma_wait3A_3211 = tpu.memref_squeeze %dma_wait3A_3210 : memref<1x128xi32, #tpu.memory_space<vmem>> -> memref<128xi32, #tpu.memory_space<vmem>>
    %dma_wait3A_3212 = arith.constant 0 : i32
    %dma_wait3A_3213 = tpu.memref_slice %arg8[%dma_wait3A_3207, %dma_wait3A_3212] : memref<16x128xi32, #tpu.memory_space<vmem>> -> memref<1x128xi32, #tpu.memory_space<vmem>>
    %dma_wait3A_3214 = tpu.memref_squeeze %dma_wait3A_3213 : memref<1x128xi32, #tpu.memory_space<vmem>> -> memref<128xi32, #tpu.memory_space<vmem>>
    %dma_wait3A_3215 = arith.constant 0 : i32
    %dma_wait3A_3216 = tpu.memref_slice %arg5[%dma_wait3A_3215] : memref<1048576xi32, #tpu.memory_space<hbm>> -> memref<1048576xi32, #tpu.memory_space<hbm>>
    tpu.wait_indirect_dma semaphore(%arg11 : memref<!tpu.dma_semaphore, #tpu.memory_space<semaphore_mem>>) src(%dma_wait3A_3216 : memref<1048576xi32, #tpu.memory_space<hbm>>) dst(%dma_wait3A_3211 : memref<128xi32, #tpu.memory_space<vmem>>)
    %get3A_3217 = arith.constant 12 : i32
    %get3A_3218 = arith.index_cast %get3A_3217 : i32 to index
    %get3A_3219 = arith.constant 0 : index
    %get3A_3220 = tpu.vector_load %arg9[%get3A_3218, %get3A_3219] {strides = array<i32>} : memref<16x128xi32, #tpu.memory_space<vmem>>, vector<1x16xi32>,
    %get3A_3221 = vector.shape_cast %get3A_3220 : vector<1x16xi32> to vector<16xi32>
    %gt3A_3222 = arith.constant 0 : i32
    %gt3A_3223 = vector.broadcast %gt3A_3222 : i32 to vector<16xi32>
    %gt3A_3224 = arith.cmpi sgt, %get3A_3221, %gt3A_3223 : vector<16xi32>
    %get3A_3225 = arith.constant 12 : i32
    %get3A_3226 = arith.index_cast %get3A_3225 : i32 to index
    %get3A_3227 = arith.constant 0 : index
    %get3A_3228 = tpu.vector_load %arg10[%get3A_3226, %get3A_3227] {strides = array<i32>} : memref<16x128xi32, #tpu.memory_space<vmem>>, vector<1x16xi32>,
    %get3A_3229 = vector.shape_cast %get3A_3228 : vector<1x16xi32> to vector<16xi32>
    %jit3A_3230 = arith.constant 0 : i32
    %broadcast_in_dim3A_3231 = vector.broadcast %jit3A_3230 : i32 to vector<16xi32>
    %select_n3A_3232 = arith.select %gt3A_3224, %get3A_3229, %broadcast_in_dim3A_3231 : vector<16xi1>, vector<16xi32>
    %swap3A_3233 = arith.constant 12 : i32
    %swap3A_3234 = arith.index_cast %swap3A_3233 : i32 to index
    %swap3A_3235 = arith.constant 0 : index
    %swap3A_3236 = tpu.vector_load %arg10[%swap3A_3234, %swap3A_3235] {strides = array<i32>} : memref<16x128xi32, #tpu.memory_space<vmem>>, vector<1x16xi32>,
    %swap3A_3237 = vector.shape_cast %swap3A_3236 : vector<1x16xi32> to vector<16xi32>
    %swap3A_3238 = vector.shape_cast %select_n3A_3232 : vector<16xi32> to vector<1x16xi32>
    tpu.vector_store %arg10[%swap3A_3234, %swap3A_3235], %swap3A_3238 {strides = array<i32>} : memref<16x128xi32, #tpu.memory_space<vmem>>, vector<1x16xi32>,
    %get3A_3239 = arith.constant 12 : i32
    %get3A_3240 = arith.index_cast %get3A_3239 : i32 to index
    %get3A_3241 = arith.constant 16 : index
    %get3A_3242 = tpu.vector_load %arg9[%get3A_3240, %get3A_3241] {strides = array<i32>} : memref<16x128xi32, #tpu.memory_space<vmem>>, vector<1x16xi32>,
    %get3A_3243 = vector.shape_cast %get3A_3242 : vector<1x16xi32> to vector<16xi32>
    %gt3A_3244 = arith.constant 0 : i32
    %gt3A_3245 = vector.broadcast %gt3A_3244 : i32 to vector<16xi32>
    %gt3A_3246 = arith.cmpi sgt, %get3A_3243, %gt3A_3245 : vector<16xi32>
    %get3A_3247 = arith.constant 12 : i32
    %get3A_3248 = arith.index_cast %get3A_3247 : i32 to index
    %get3A_3249 = arith.constant 16 : index
    %get3A_3250 = tpu.vector_load %arg10[%get3A_3248, %get3A_3249] {strides = array<i32>} : memref<16x128xi32, #tpu.memory_space<vmem>>, vector<1x16xi32>,
    %get3A_3251 = vector.shape_cast %get3A_3250 : vector<1x16xi32> to vector<16xi32>
    %jit3A_3252 = arith.constant 0 : i32
    %broadcast_in_dim3A_3253 = vector.broadcast %jit3A_3252 : i32 to vector<16xi32>
    %select_n3A_3254 = arith.select %gt3A_3246, %get3A_3251, %broadcast_in_dim3A_3253 : vector<16xi1>, vector<16xi32>
    %swap3A_3255 = arith.constant 12 : i32
    %swap3A_3256 = arith.index_cast %swap3A_3255 : i32 to index
    %swap3A_3257 = arith.constant 16 : index
    %swap3A_3258 = tpu.vector_load %arg10[%swap3A_3256, %swap3A_3257] {strides = array<i32>} : memref<16x128xi32, #tpu.memory_space<vmem>>, vector<1x16xi32>,
    %swap3A_3259 = vector.shape_cast %swap3A_3258 : vector<1x16xi32> to vector<16xi32>
    %swap3A_3260 = vector.shape_cast %select_n3A_3254 : vector<16xi32> to vector<1x16xi32>
    tpu.vector_store %arg10[%swap3A_3256, %swap3A_3257], %swap3A_3260 {strides = array<i32>} : memref<16x128xi32, #tpu.memory_space<vmem>>, vector<1x16xi32>,
    %get3A_3261 = arith.constant 12 : i32
    %get3A_3262 = arith.index_cast %get3A_3261 : i32 to index
    %get3A_3263 = arith.constant 32 : index
    %get3A_3264 = tpu.vector_load %arg9[%get3A_3262, %get3A_3263] {strides = array<i32>} : memref<16x128xi32, #tpu.memory_space<vmem>>, vector<1x16xi32>,
    %get3A_3265 = vector.shape_cast %get3A_3264 : vector<1x16xi32> to vector<16xi32>
    %gt3A_3266 = arith.constant 0 : i32
    %gt3A_3267 = vector.broadcast %gt3A_3266 : i32 to vector<16xi32>
    %gt3A_3268 = arith.cmpi sgt, %get3A_3265, %gt3A_3267 : vector<16xi32>
    %get3A_3269 = arith.constant 12 : i32
    %get3A_3270 = arith.index_cast %get3A_3269 : i32 to index
    %get3A_3271 = arith.constant 32 : index
    %get3A_3272 = tpu.vector_load %arg10[%get3A_3270, %get3A_3271] {strides = array<i32>} : memref<16x128xi32, #tpu.memory_space<vmem>>, vector<1x16xi32>,
    %get3A_3273 = vector.shape_cast %get3A_3272 : vector<1x16xi32> to vector<16xi32>
    %jit3A_3274 = arith.constant 0 : i32
    %broadcast_in_dim3A_3275 = vector.broadcast %jit3A_3274 : i32 to vector<16xi32>
    %select_n3A_3276 = arith.select %gt3A_3268, %get3A_3273, %broadcast_in_dim3A_3275 : vector<16xi1>, vector<16xi32>
    %swap3A_3277 = arith.constant 12 : i32
    %swap3A_3278 = arith.index_cast %swap3A_3277 : i32 to index
    %swap3A_3279 = arith.constant 32 : index
    %swap3A_3280 = tpu.vector_load %arg10[%swap3A_3278, %swap3A_3279] {strides = array<i32>} : memref<16x128xi32, #tpu.memory_space<vmem>>, vector<1x16xi32>,
    %swap3A_3281 = vector.shape_cast %swap3A_3280 : vector<1x16xi32> to vector<16xi32>
    %swap3A_3282 = vector.shape_cast %select_n3A_3276 : vector<16xi32> to vector<1x16xi32>
    tpu.vector_store %arg10[%swap3A_3278, %swap3A_3279], %swap3A_3282 {strides = array<i32>} : memref<16x128xi32, #tpu.memory_space<vmem>>, vector<1x16xi32>,
    %get3A_3283 = arith.constant 12 : i32
    %get3A_3284 = arith.index_cast %get3A_3283 : i32 to index
    %get3A_3285 = arith.constant 48 : index
    %get3A_3286 = tpu.vector_load %arg9[%get3A_3284, %get3A_3285] {strides = array<i32>} : memref<16x128xi32, #tpu.memory_space<vmem>>, vector<1x16xi32>,
    %get3A_3287 = vector.shape_cast %get3A_3286 : vector<1x16xi32> to vector<16xi32>
    %gt3A_3288 = arith.constant 0 : i32
    %gt3A_3289 = vector.broadcast %gt3A_3288 : i32 to vector<16xi32>
    %gt3A_3290 = arith.cmpi sgt, %get3A_3287, %gt3A_3289 : vector<16xi32>
    %get3A_3291 = arith.constant 12 : i32
    %get3A_3292 = arith.index_cast %get3A_3291 : i32 to index
    %get3A_3293 = arith.constant 48 : index
    %get3A_3294 = tpu.vector_load %arg10[%get3A_3292, %get3A_3293] {strides = array<i32>} : memref<16x128xi32, #tpu.memory_space<vmem>>, vector<1x16xi32>,
    %get3A_3295 = vector.shape_cast %get3A_3294 : vector<1x16xi32> to vector<16xi32>
    %jit3A_3296 = arith.constant 0 : i32
    %broadcast_in_dim3A_3297 = vector.broadcast %jit3A_3296 : i32 to vector<16xi32>
    %select_n3A_3298 = arith.select %gt3A_3290, %get3A_3295, %broadcast_in_dim3A_3297 : vector<16xi1>, vector<16xi32>
    %swap3A_3299 = arith.constant 12 : i32
    %swap3A_3300 = arith.index_cast %swap3A_3299 : i32 to index
    %swap3A_3301 = arith.constant 48 : index
    %swap3A_3302 = tpu.vector_load %arg10[%swap3A_3300, %swap3A_3301] {strides = array<i32>} : memref<16x128xi32, #tpu.memory_space<vmem>>, vector<1x16xi32>,
    %swap3A_3303 = vector.shape_cast %swap3A_3302 : vector<1x16xi32> to vector<16xi32>
    %swap3A_3304 = vector.shape_cast %select_n3A_3298 : vector<16xi32> to vector<1x16xi32>
    tpu.vector_store %arg10[%swap3A_3300, %swap3A_3301], %swap3A_3304 {strides = array<i32>} : memref<16x128xi32, #tpu.memory_space<vmem>>, vector<1x16xi32>,
    %get3A_3305 = arith.constant 12 : i32
    %get3A_3306 = arith.index_cast %get3A_3305 : i32 to index
    %get3A_3307 = arith.constant 64 : index
    %get3A_3308 = tpu.vector_load %arg9[%get3A_3306, %get3A_3307] {strides = array<i32>} : memref<16x128xi32, #tpu.memory_space<vmem>>, vector<1x16xi32>,
    %get3A_3309 = vector.shape_cast %get3A_3308 : vector<1x16xi32> to vector<16xi32>
    %gt3A_3310 = arith.constant 0 : i32
    %gt3A_3311 = vector.broadcast %gt3A_3310 : i32 to vector<16xi32>
    %gt3A_3312 = arith.cmpi sgt, %get3A_3309, %gt3A_3311 : vector<16xi32>
    %get3A_3313 = arith.constant 12 : i32
    %get3A_3314 = arith.index_cast %get3A_3313 : i32 to index
    %get3A_3315 = arith.constant 64 : index
    %get3A_3316 = tpu.vector_load %arg10[%get3A_3314, %get3A_3315] {strides = array<i32>} : memref<16x128xi32, #tpu.memory_space<vmem>>, vector<1x16xi32>,
    %get3A_3317 = vector.shape_cast %get3A_3316 : vector<1x16xi32> to vector<16xi32>
    %jit3A_3318 = arith.constant 0 : i32
    %broadcast_in_dim3A_3319 = vector.broadcast %jit3A_3318 : i32 to vector<16xi32>
    %select_n3A_3320 = arith.select %gt3A_3312, %get3A_3317, %broadcast_in_dim3A_3319 : vector<16xi1>, vector<16xi32>
    %swap3A_3321 = arith.constant 12 : i32
    %swap3A_3322 = arith.index_cast %swap3A_3321 : i32 to index
    %swap3A_3323 = arith.constant 64 : index
    %swap3A_3324 = tpu.vector_load %arg10[%swap3A_3322, %swap3A_3323] {strides = array<i32>} : memref<16x128xi32, #tpu.memory_space<vmem>>, vector<1x16xi32>,
    %swap3A_3325 = vector.shape_cast %swap3A_3324 : vector<1x16xi32> to vector<16xi32>
    %swap3A_3326 = vector.shape_cast %select_n3A_3320 : vector<16xi32> to vector<1x16xi32>
    tpu.vector_store %arg10[%swap3A_3322, %swap3A_3323], %swap3A_3326 {strides = array<i32>} : memref<16x128xi32, #tpu.memory_space<vmem>>, vector<1x16xi32>,
    %get3A_3327 = arith.constant 12 : i32
    %get3A_3328 = arith.index_cast %get3A_3327 : i32 to index
    %get3A_3329 = arith.constant 80 : index
    %get3A_3330 = tpu.vector_load %arg9[%get3A_3328, %get3A_3329] {strides = array<i32>} : memref<16x128xi32, #tpu.memory_space<vmem>>, vector<1x16xi32>,
    %get3A_3331 = vector.shape_cast %get3A_3330 : vector<1x16xi32> to vector<16xi32>
    %gt3A_3332 = arith.constant 0 : i32
    %gt3A_3333 = vector.broadcast %gt3A_3332 : i32 to vector<16xi32>
    %gt3A_3334 = arith.cmpi sgt, %get3A_3331, %gt3A_3333 : vector<16xi32>
    %get3A_3335 = arith.constant 12 : i32
    %get3A_3336 = arith.index_cast %get3A_3335 : i32 to index
    %get3A_3337 = arith.constant 80 : index
    %get3A_3338 = tpu.vector_load %arg10[%get3A_3336, %get3A_3337] {strides = array<i32>} : memref<16x128xi32, #tpu.memory_space<vmem>>, vector<1x16xi32>,
    %get3A_3339 = vector.shape_cast %get3A_3338 : vector<1x16xi32> to vector<16xi32>
    %jit3A_3340 = arith.constant 0 : i32
    %broadcast_in_dim3A_3341 = vector.broadcast %jit3A_3340 : i32 to vector<16xi32>
    %select_n3A_3342 = arith.select %gt3A_3334, %get3A_3339, %broadcast_in_dim3A_3341 : vector<16xi1>, vector<16xi32>
    %swap3A_3343 = arith.constant 12 : i32
    %swap3A_3344 = arith.index_cast %swap3A_3343 : i32 to index
    %swap3A_3345 = arith.constant 80 : index
    %swap3A_3346 = tpu.vector_load %arg10[%swap3A_3344, %swap3A_3345] {strides = array<i32>} : memref<16x128xi32, #tpu.memory_space<vmem>>, vector<1x16xi32>,
    %swap3A_3347 = vector.shape_cast %swap3A_3346 : vector<1x16xi32> to vector<16xi32>
    %swap3A_3348 = vector.shape_cast %select_n3A_3342 : vector<16xi32> to vector<1x16xi32>
    tpu.vector_store %arg10[%swap3A_3344, %swap3A_3345], %swap3A_3348 {strides = array<i32>} : memref<16x128xi32, #tpu.memory_space<vmem>>, vector<1x16xi32>,
    %get3A_3349 = arith.constant 12 : i32
    %get3A_3350 = arith.index_cast %get3A_3349 : i32 to index
    %get3A_3351 = arith.constant 96 : index
    %get3A_3352 = tpu.vector_load %arg9[%get3A_3350, %get3A_3351] {strides = array<i32>} : memref<16x128xi32, #tpu.memory_space<vmem>>, vector<1x16xi32>,
    %get3A_3353 = vector.shape_cast %get3A_3352 : vector<1x16xi32> to vector<16xi32>
    %gt3A_3354 = arith.constant 0 : i32
    %gt3A_3355 = vector.broadcast %gt3A_3354 : i32 to vector<16xi32>
    %gt3A_3356 = arith.cmpi sgt, %get3A_3353, %gt3A_3355 : vector<16xi32>
    %get3A_3357 = arith.constant 12 : i32
    %get3A_3358 = arith.index_cast %get3A_3357 : i32 to index
    %get3A_3359 = arith.constant 96 : index
    %get3A_3360 = tpu.vector_load %arg10[%get3A_3358, %get3A_3359] {strides = array<i32>} : memref<16x128xi32, #tpu.memory_space<vmem>>, vector<1x16xi32>,
    %get3A_3361 = vector.shape_cast %get3A_3360 : vector<1x16xi32> to vector<16xi32>
    %jit3A_3362 = arith.constant 0 : i32
    %broadcast_in_dim3A_3363 = vector.broadcast %jit3A_3362 : i32 to vector<16xi32>
    %select_n3A_3364 = arith.select %gt3A_3356, %get3A_3361, %broadcast_in_dim3A_3363 : vector<16xi1>, vector<16xi32>
    %swap3A_3365 = arith.constant 12 : i32
    %swap3A_3366 = arith.index_cast %swap3A_3365 : i32 to index
    %swap3A_3367 = arith.constant 96 : index
    %swap3A_3368 = tpu.vector_load %arg10[%swap3A_3366, %swap3A_3367] {strides = array<i32>} : memref<16x128xi32, #tpu.memory_space<vmem>>, vector<1x16xi32>,
    %swap3A_3369 = vector.shape_cast %swap3A_3368 : vector<1x16xi32> to vector<16xi32>
    %swap3A_3370 = vector.shape_cast %select_n3A_3364 : vector<16xi32> to vector<1x16xi32>
    tpu.vector_store %arg10[%swap3A_3366, %swap3A_3367], %swap3A_3370 {strides = array<i32>} : memref<16x128xi32, #tpu.memory_space<vmem>>, vector<1x16xi32>,
    %get3A_3371 = arith.constant 12 : i32
    %get3A_3372 = arith.index_cast %get3A_3371 : i32 to index
    %get3A_3373 = arith.constant 112 : index
    %get3A_3374 = tpu.vector_load %arg9[%get3A_3372, %get3A_3373] {strides = array<i32>} : memref<16x128xi32, #tpu.memory_space<vmem>>, vector<1x16xi32>,
    %get3A_3375 = vector.shape_cast %get3A_3374 : vector<1x16xi32> to vector<16xi32>
    %gt3A_3376 = arith.constant 0 : i32
    %gt3A_3377 = vector.broadcast %gt3A_3376 : i32 to vector<16xi32>
    %gt3A_3378 = arith.cmpi sgt, %get3A_3375, %gt3A_3377 : vector<16xi32>
    %get3A_3379 = arith.constant 12 : i32
    %get3A_3380 = arith.index_cast %get3A_3379 : i32 to index
    %get3A_3381 = arith.constant 112 : index
    %get3A_3382 = tpu.vector_load %arg10[%get3A_3380, %get3A_3381] {strides = array<i32>} : memref<16x128xi32, #tpu.memory_space<vmem>>, vector<1x16xi32>,
    %get3A_3383 = vector.shape_cast %get3A_3382 : vector<1x16xi32> to vector<16xi32>
    %jit3A_3384 = arith.constant 0 : i32
    %broadcast_in_dim3A_3385 = vector.broadcast %jit3A_3384 : i32 to vector<16xi32>
    %select_n3A_3386 = arith.select %gt3A_3378, %get3A_3383, %broadcast_in_dim3A_3385 : vector<16xi1>, vector<16xi32>
    %swap3A_3387 = arith.constant 12 : i32
    %swap3A_3388 = arith.index_cast %swap3A_3387 : i32 to index
    %swap3A_3389 = arith.constant 112 : index
    %swap3A_3390 = tpu.vector_load %arg10[%swap3A_3388, %swap3A_3389] {strides = array<i32>} : memref<16x128xi32, #tpu.memory_space<vmem>>, vector<1x16xi32>,
    %swap3A_3391 = vector.shape_cast %swap3A_3390 : vector<1x16xi32> to vector<16xi32>
    %swap3A_3392 = vector.shape_cast %select_n3A_3386 : vector<16xi32> to vector<1x16xi32>
    tpu.vector_store %arg10[%swap3A_3388, %swap3A_3389], %swap3A_3392 {strides = array<i32>} : memref<16x128xi32, #tpu.memory_space<vmem>>, vector<1x16xi32>,
    %add3A_3393 = arith.constant 12 : i32
    %add3A_3394 = arith.addi %mul3A_2, %add3A_3393 : i32
    %dma_start3A_3395 = arith.constant 12 : i32
    %dma_start3A_3396 = arith.constant 0 : i32
    %dma_start3A_3397 = tpu.memref_slice %arg10[%dma_start3A_3395, %dma_start3A_3396] : memref<16x128xi32, #tpu.memory_space<vmem>> -> memref<1x128xi32, #tpu.memory_space<vmem>>
    %dma_start3A_3398 = tpu.memref_squeeze %dma_start3A_3397 : memref<1x128xi32, #tpu.memory_space<vmem>> -> memref<128xi32, #tpu.memory_space<vmem>>
    %dma_start3A_3399 = arith.constant 0 : i32
    %dma_start3A_3400 = tpu.memref_slice %arg6[%add3A_3394, %dma_start3A_3399] : memref<512x128xi32, #tpu.memory_space<hbm>> -> memref<1x128xi32, #tpu.memory_space<hbm>>
    %dma_start3A_3401 = tpu.memref_squeeze %dma_start3A_3400 : memref<1x128xi32, #tpu.memory_space<hbm>> -> memref<128xi32, #tpu.memory_space<hbm>>
    %dma_start3A_3402 = arith.constant 0 : i32
    %dma_start3A_3403 = tpu.memref_slice %arg6[%add3A_3394, %dma_start3A_3402] : memref<512x128xi32, #tpu.memory_space<hbm>> -> memref<1x128xi32, #tpu.memory_space<hbm>>
    %dma_start3A_3404 = tpu.memref_squeeze %dma_start3A_3403 : memref<1x128xi32, #tpu.memory_space<hbm>> -> memref<128xi32, #tpu.memory_space<hbm>>
    %dma_start3A_3405 = arith.constant 0 : i32
    %dma_start3A_3406 = tpu.memref_slice %arg10[%dma_start3A_3395, %dma_start3A_3405] : memref<16x128xi32, #tpu.memory_space<vmem>> -> memref<1x128xi32, #tpu.memory_space<vmem>>
    %dma_start3A_3407 = tpu.memref_squeeze %dma_start3A_3406 : memref<1x128xi32, #tpu.memory_space<vmem>> -> memref<128xi32, #tpu.memory_space<vmem>>
    tpu.enqueue_dma source(%dma_start3A_3407 : memref<128xi32, #tpu.memory_space<vmem>>) target(%dma_start3A_3404 : memref<128xi32, #tpu.memory_space<hbm>>) target_semaphore(%arg11 : memref<!tpu.dma_semaphore, #tpu.memory_space<semaphore_mem>>)
    %dma_wait3A_3408 = arith.constant 13 : i32
    %dma_wait3A_3409 = arith.constant 13 : i32
    %dma_wait3A_3410 = arith.constant 0 : i32
    %dma_wait3A_3411 = tpu.memref_slice %arg10[%dma_wait3A_3409, %dma_wait3A_3410] : memref<16x128xi32, #tpu.memory_space<vmem>> -> memref<1x128xi32, #tpu.memory_space<vmem>>
    %dma_wait3A_3412 = tpu.memref_squeeze %dma_wait3A_3411 : memref<1x128xi32, #tpu.memory_space<vmem>> -> memref<128xi32, #tpu.memory_space<vmem>>
    %dma_wait3A_3413 = arith.constant 0 : i32
    %dma_wait3A_3414 = tpu.memref_slice %arg8[%dma_wait3A_3408, %dma_wait3A_3413] : memref<16x128xi32, #tpu.memory_space<vmem>> -> memref<1x128xi32, #tpu.memory_space<vmem>>
    %dma_wait3A_3415 = tpu.memref_squeeze %dma_wait3A_3414 : memref<1x128xi32, #tpu.memory_space<vmem>> -> memref<128xi32, #tpu.memory_space<vmem>>
    %dma_wait3A_3416 = arith.constant 0 : i32
    %dma_wait3A_3417 = tpu.memref_slice %arg5[%dma_wait3A_3416] : memref<1048576xi32, #tpu.memory_space<hbm>> -> memref<1048576xi32, #tpu.memory_space<hbm>>
    tpu.wait_indirect_dma semaphore(%arg11 : memref<!tpu.dma_semaphore, #tpu.memory_space<semaphore_mem>>) src(%dma_wait3A_3417 : memref<1048576xi32, #tpu.memory_space<hbm>>) dst(%dma_wait3A_3412 : memref<128xi32, #tpu.memory_space<vmem>>)
    %get3A_3418 = arith.constant 13 : i32
    %get3A_3419 = arith.index_cast %get3A_3418 : i32 to index
    %get3A_3420 = arith.constant 0 : index
    %get3A_3421 = tpu.vector_load %arg9[%get3A_3419, %get3A_3420] {strides = array<i32>} : memref<16x128xi32, #tpu.memory_space<vmem>>, vector<1x16xi32>,
    %get3A_3422 = vector.shape_cast %get3A_3421 : vector<1x16xi32> to vector<16xi32>
    %gt3A_3423 = arith.constant 0 : i32
    %gt3A_3424 = vector.broadcast %gt3A_3423 : i32 to vector<16xi32>
    %gt3A_3425 = arith.cmpi sgt, %get3A_3422, %gt3A_3424 : vector<16xi32>
    %get3A_3426 = arith.constant 13 : i32
    %get3A_3427 = arith.index_cast %get3A_3426 : i32 to index
    %get3A_3428 = arith.constant 0 : index
    %get3A_3429 = tpu.vector_load %arg10[%get3A_3427, %get3A_3428] {strides = array<i32>} : memref<16x128xi32, #tpu.memory_space<vmem>>, vector<1x16xi32>,
    %get3A_3430 = vector.shape_cast %get3A_3429 : vector<1x16xi32> to vector<16xi32>
    %jit3A_3431 = arith.constant 0 : i32
    %broadcast_in_dim3A_3432 = vector.broadcast %jit3A_3431 : i32 to vector<16xi32>
    %select_n3A_3433 = arith.select %gt3A_3425, %get3A_3430, %broadcast_in_dim3A_3432 : vector<16xi1>, vector<16xi32>
    %swap3A_3434 = arith.constant 13 : i32
    %swap3A_3435 = arith.index_cast %swap3A_3434 : i32 to index
    %swap3A_3436 = arith.constant 0 : index
    %swap3A_3437 = tpu.vector_load %arg10[%swap3A_3435, %swap3A_3436] {strides = array<i32>} : memref<16x128xi32, #tpu.memory_space<vmem>>, vector<1x16xi32>,
    %swap3A_3438 = vector.shape_cast %swap3A_3437 : vector<1x16xi32> to vector<16xi32>
    %swap3A_3439 = vector.shape_cast %select_n3A_3433 : vector<16xi32> to vector<1x16xi32>
    tpu.vector_store %arg10[%swap3A_3435, %swap3A_3436], %swap3A_3439 {strides = array<i32>} : memref<16x128xi32, #tpu.memory_space<vmem>>, vector<1x16xi32>,
    %get3A_3440 = arith.constant 13 : i32
    %get3A_3441 = arith.index_cast %get3A_3440 : i32 to index
    %get3A_3442 = arith.constant 16 : index
    %get3A_3443 = tpu.vector_load %arg9[%get3A_3441, %get3A_3442] {strides = array<i32>} : memref<16x128xi32, #tpu.memory_space<vmem>>, vector<1x16xi32>,
    %get3A_3444 = vector.shape_cast %get3A_3443 : vector<1x16xi32> to vector<16xi32>
    %gt3A_3445 = arith.constant 0 : i32
    %gt3A_3446 = vector.broadcast %gt3A_3445 : i32 to vector<16xi32>
    %gt3A_3447 = arith.cmpi sgt, %get3A_3444, %gt3A_3446 : vector<16xi32>
    %get3A_3448 = arith.constant 13 : i32
    %get3A_3449 = arith.index_cast %get3A_3448 : i32 to index
    %get3A_3450 = arith.constant 16 : index
    %get3A_3451 = tpu.vector_load %arg10[%get3A_3449, %get3A_3450] {strides = array<i32>} : memref<16x128xi32, #tpu.memory_space<vmem>>, vector<1x16xi32>,
    %get3A_3452 = vector.shape_cast %get3A_3451 : vector<1x16xi32> to vector<16xi32>
    %jit3A_3453 = arith.constant 0 : i32
    %broadcast_in_dim3A_3454 = vector.broadcast %jit3A_3453 : i32 to vector<16xi32>
    %select_n3A_3455 = arith.select %gt3A_3447, %get3A_3452, %broadcast_in_dim3A_3454 : vector<16xi1>, vector<16xi32>
    %swap3A_3456 = arith.constant 13 : i32
    %swap3A_3457 = arith.index_cast %swap3A_3456 : i32 to index
    %swap3A_3458 = arith.constant 16 : index
    %swap3A_3459 = tpu.vector_load %arg10[%swap3A_3457, %swap3A_3458] {strides = array<i32>} : memref<16x128xi32, #tpu.memory_space<vmem>>, vector<1x16xi32>,
    %swap3A_3460 = vector.shape_cast %swap3A_3459 : vector<1x16xi32> to vector<16xi32>
    %swap3A_3461 = vector.shape_cast %select_n3A_3455 : vector<16xi32> to vector<1x16xi32>
    tpu.vector_store %arg10[%swap3A_3457, %swap3A_3458], %swap3A_3461 {strides = array<i32>} : memref<16x128xi32, #tpu.memory_space<vmem>>, vector<1x16xi32>,
    %get3A_3462 = arith.constant 13 : i32
    %get3A_3463 = arith.index_cast %get3A_3462 : i32 to index
    %get3A_3464 = arith.constant 32 : index
    %get3A_3465 = tpu.vector_load %arg9[%get3A_3463, %get3A_3464] {strides = array<i32>} : memref<16x128xi32, #tpu.memory_space<vmem>>, vector<1x16xi32>,
    %get3A_3466 = vector.shape_cast %get3A_3465 : vector<1x16xi32> to vector<16xi32>
    %gt3A_3467 = arith.constant 0 : i32
    %gt3A_3468 = vector.broadcast %gt3A_3467 : i32 to vector<16xi32>
    %gt3A_3469 = arith.cmpi sgt, %get3A_3466, %gt3A_3468 : vector<16xi32>
    %get3A_3470 = arith.constant 13 : i32
    %get3A_3471 = arith.index_cast %get3A_3470 : i32 to index
    %get3A_3472 = arith.constant 32 : index
    %get3A_3473 = tpu.vector_load %arg10[%get3A_3471, %get3A_3472] {strides = array<i32>} : memref<16x128xi32, #tpu.memory_space<vmem>>, vector<1x16xi32>,
    %get3A_3474 = vector.shape_cast %get3A_3473 : vector<1x16xi32> to vector<16xi32>
    %jit3A_3475 = arith.constant 0 : i32
    %broadcast_in_dim3A_3476 = vector.broadcast %jit3A_3475 : i32 to vector<16xi32>
    %select_n3A_3477 = arith.select %gt3A_3469, %get3A_3474, %broadcast_in_dim3A_3476 : vector<16xi1>, vector<16xi32>
    %swap3A_3478 = arith.constant 13 : i32
    %swap3A_3479 = arith.index_cast %swap3A_3478 : i32 to index
    %swap3A_3480 = arith.constant 32 : index
    %swap3A_3481 = tpu.vector_load %arg10[%swap3A_3479, %swap3A_3480] {strides = array<i32>} : memref<16x128xi32, #tpu.memory_space<vmem>>, vector<1x16xi32>,
    %swap3A_3482 = vector.shape_cast %swap3A_3481 : vector<1x16xi32> to vector<16xi32>
    %swap3A_3483 = vector.shape_cast %select_n3A_3477 : vector<16xi32> to vector<1x16xi32>
    tpu.vector_store %arg10[%swap3A_3479, %swap3A_3480], %swap3A_3483 {strides = array<i32>} : memref<16x128xi32, #tpu.memory_space<vmem>>, vector<1x16xi32>,
    %get3A_3484 = arith.constant 13 : i32
    %get3A_3485 = arith.index_cast %get3A_3484 : i32 to index
    %get3A_3486 = arith.constant 48 : index
    %get3A_3487 = tpu.vector_load %arg9[%get3A_3485, %get3A_3486] {strides = array<i32>} : memref<16x128xi32, #tpu.memory_space<vmem>>, vector<1x16xi32>,
    %get3A_3488 = vector.shape_cast %get3A_3487 : vector<1x16xi32> to vector<16xi32>
    %gt3A_3489 = arith.constant 0 : i32
    %gt3A_3490 = vector.broadcast %gt3A_3489 : i32 to vector<16xi32>
    %gt3A_3491 = arith.cmpi sgt, %get3A_3488, %gt3A_3490 : vector<16xi32>
    %get3A_3492 = arith.constant 13 : i32
    %get3A_3493 = arith.index_cast %get3A_3492 : i32 to index
    %get3A_3494 = arith.constant 48 : index
    %get3A_3495 = tpu.vector_load %arg10[%get3A_3493, %get3A_3494] {strides = array<i32>} : memref<16x128xi32, #tpu.memory_space<vmem>>, vector<1x16xi32>,
    %get3A_3496 = vector.shape_cast %get3A_3495 : vector<1x16xi32> to vector<16xi32>
    %jit3A_3497 = arith.constant 0 : i32
    %broadcast_in_dim3A_3498 = vector.broadcast %jit3A_3497 : i32 to vector<16xi32>
    %select_n3A_3499 = arith.select %gt3A_3491, %get3A_3496, %broadcast_in_dim3A_3498 : vector<16xi1>, vector<16xi32>
    %swap3A_3500 = arith.constant 13 : i32
    %swap3A_3501 = arith.index_cast %swap3A_3500 : i32 to index
    %swap3A_3502 = arith.constant 48 : index
    %swap3A_3503 = tpu.vector_load %arg10[%swap3A_3501, %swap3A_3502] {strides = array<i32>} : memref<16x128xi32, #tpu.memory_space<vmem>>, vector<1x16xi32>,
    %swap3A_3504 = vector.shape_cast %swap3A_3503 : vector<1x16xi32> to vector<16xi32>
    %swap3A_3505 = vector.shape_cast %select_n3A_3499 : vector<16xi32> to vector<1x16xi32>
    tpu.vector_store %arg10[%swap3A_3501, %swap3A_3502], %swap3A_3505 {strides = array<i32>} : memref<16x128xi32, #tpu.memory_space<vmem>>, vector<1x16xi32>,
    %get3A_3506 = arith.constant 13 : i32
    %get3A_3507 = arith.index_cast %get3A_3506 : i32 to index
    %get3A_3508 = arith.constant 64 : index
    %get3A_3509 = tpu.vector_load %arg9[%get3A_3507, %get3A_3508] {strides = array<i32>} : memref<16x128xi32, #tpu.memory_space<vmem>>, vector<1x16xi32>,
    %get3A_3510 = vector.shape_cast %get3A_3509 : vector<1x16xi32> to vector<16xi32>
    %gt3A_3511 = arith.constant 0 : i32
    %gt3A_3512 = vector.broadcast %gt3A_3511 : i32 to vector<16xi32>
    %gt3A_3513 = arith.cmpi sgt, %get3A_3510, %gt3A_3512 : vector<16xi32>
    %get3A_3514 = arith.constant 13 : i32
    %get3A_3515 = arith.index_cast %get3A_3514 : i32 to index
    %get3A_3516 = arith.constant 64 : index
    %get3A_3517 = tpu.vector_load %arg10[%get3A_3515, %get3A_3516] {strides = array<i32>} : memref<16x128xi32, #tpu.memory_space<vmem>>, vector<1x16xi32>,
    %get3A_3518 = vector.shape_cast %get3A_3517 : vector<1x16xi32> to vector<16xi32>
    %jit3A_3519 = arith.constant 0 : i32
    %broadcast_in_dim3A_3520 = vector.broadcast %jit3A_3519 : i32 to vector<16xi32>
    %select_n3A_3521 = arith.select %gt3A_3513, %get3A_3518, %broadcast_in_dim3A_3520 : vector<16xi1>, vector<16xi32>
    %swap3A_3522 = arith.constant 13 : i32
    %swap3A_3523 = arith.index_cast %swap3A_3522 : i32 to index
    %swap3A_3524 = arith.constant 64 : index
    %swap3A_3525 = tpu.vector_load %arg10[%swap3A_3523, %swap3A_3524] {strides = array<i32>} : memref<16x128xi32, #tpu.memory_space<vmem>>, vector<1x16xi32>,
    %swap3A_3526 = vector.shape_cast %swap3A_3525 : vector<1x16xi32> to vector<16xi32>
    %swap3A_3527 = vector.shape_cast %select_n3A_3521 : vector<16xi32> to vector<1x16xi32>
    tpu.vector_store %arg10[%swap3A_3523, %swap3A_3524], %swap3A_3527 {strides = array<i32>} : memref<16x128xi32, #tpu.memory_space<vmem>>, vector<1x16xi32>,
    %get3A_3528 = arith.constant 13 : i32
    %get3A_3529 = arith.index_cast %get3A_3528 : i32 to index
    %get3A_3530 = arith.constant 80 : index
    %get3A_3531 = tpu.vector_load %arg9[%get3A_3529, %get3A_3530] {strides = array<i32>} : memref<16x128xi32, #tpu.memory_space<vmem>>, vector<1x16xi32>,
    %get3A_3532 = vector.shape_cast %get3A_3531 : vector<1x16xi32> to vector<16xi32>
    %gt3A_3533 = arith.constant 0 : i32
    %gt3A_3534 = vector.broadcast %gt3A_3533 : i32 to vector<16xi32>
    %gt3A_3535 = arith.cmpi sgt, %get3A_3532, %gt3A_3534 : vector<16xi32>
    %get3A_3536 = arith.constant 13 : i32
    %get3A_3537 = arith.index_cast %get3A_3536 : i32 to index
    %get3A_3538 = arith.constant 80 : index
    %get3A_3539 = tpu.vector_load %arg10[%get3A_3537, %get3A_3538] {strides = array<i32>} : memref<16x128xi32, #tpu.memory_space<vmem>>, vector<1x16xi32>,
    %get3A_3540 = vector.shape_cast %get3A_3539 : vector<1x16xi32> to vector<16xi32>
    %jit3A_3541 = arith.constant 0 : i32
    %broadcast_in_dim3A_3542 = vector.broadcast %jit3A_3541 : i32 to vector<16xi32>
    %select_n3A_3543 = arith.select %gt3A_3535, %get3A_3540, %broadcast_in_dim3A_3542 : vector<16xi1>, vector<16xi32>
    %swap3A_3544 = arith.constant 13 : i32
    %swap3A_3545 = arith.index_cast %swap3A_3544 : i32 to index
    %swap3A_3546 = arith.constant 80 : index
    %swap3A_3547 = tpu.vector_load %arg10[%swap3A_3545, %swap3A_3546] {strides = array<i32>} : memref<16x128xi32, #tpu.memory_space<vmem>>, vector<1x16xi32>,
    %swap3A_3548 = vector.shape_cast %swap3A_3547 : vector<1x16xi32> to vector<16xi32>
    %swap3A_3549 = vector.shape_cast %select_n3A_3543 : vector<16xi32> to vector<1x16xi32>
    tpu.vector_store %arg10[%swap3A_3545, %swap3A_3546], %swap3A_3549 {strides = array<i32>} : memref<16x128xi32, #tpu.memory_space<vmem>>, vector<1x16xi32>,
    %get3A_3550 = arith.constant 13 : i32
    %get3A_3551 = arith.index_cast %get3A_3550 : i32 to index
    %get3A_3552 = arith.constant 96 : index
    %get3A_3553 = tpu.vector_load %arg9[%get3A_3551, %get3A_3552] {strides = array<i32>} : memref<16x128xi32, #tpu.memory_space<vmem>>, vector<1x16xi32>,
    %get3A_3554 = vector.shape_cast %get3A_3553 : vector<1x16xi32> to vector<16xi32>
    %gt3A_3555 = arith.constant 0 : i32
    %gt3A_3556 = vector.broadcast %gt3A_3555 : i32 to vector<16xi32>
    %gt3A_3557 = arith.cmpi sgt, %get3A_3554, %gt3A_3556 : vector<16xi32>
    %get3A_3558 = arith.constant 13 : i32
    %get3A_3559 = arith.index_cast %get3A_3558 : i32 to index
    %get3A_3560 = arith.constant 96 : index
    %get3A_3561 = tpu.vector_load %arg10[%get3A_3559, %get3A_3560] {strides = array<i32>} : memref<16x128xi32, #tpu.memory_space<vmem>>, vector<1x16xi32>,
    %get3A_3562 = vector.shape_cast %get3A_3561 : vector<1x16xi32> to vector<16xi32>
    %jit3A_3563 = arith.constant 0 : i32
    %broadcast_in_dim3A_3564 = vector.broadcast %jit3A_3563 : i32 to vector<16xi32>
    %select_n3A_3565 = arith.select %gt3A_3557, %get3A_3562, %broadcast_in_dim3A_3564 : vector<16xi1>, vector<16xi32>
    %swap3A_3566 = arith.constant 13 : i32
    %swap3A_3567 = arith.index_cast %swap3A_3566 : i32 to index
    %swap3A_3568 = arith.constant 96 : index
    %swap3A_3569 = tpu.vector_load %arg10[%swap3A_3567, %swap3A_3568] {strides = array<i32>} : memref<16x128xi32, #tpu.memory_space<vmem>>, vector<1x16xi32>,
    %swap3A_3570 = vector.shape_cast %swap3A_3569 : vector<1x16xi32> to vector<16xi32>
    %swap3A_3571 = vector.shape_cast %select_n3A_3565 : vector<16xi32> to vector<1x16xi32>
    tpu.vector_store %arg10[%swap3A_3567, %swap3A_3568], %swap3A_3571 {strides = array<i32>} : memref<16x128xi32, #tpu.memory_space<vmem>>, vector<1x16xi32>,
    %get3A_3572 = arith.constant 13 : i32
    %get3A_3573 = arith.index_cast %get3A_3572 : i32 to index
    %get3A_3574 = arith.constant 112 : index
    %get3A_3575 = tpu.vector_load %arg9[%get3A_3573, %get3A_3574] {strides = array<i32>} : memref<16x128xi32, #tpu.memory_space<vmem>>, vector<1x16xi32>,
    %get3A_3576 = vector.shape_cast %get3A_3575 : vector<1x16xi32> to vector<16xi32>
    %gt3A_3577 = arith.constant 0 : i32
    %gt3A_3578 = vector.broadcast %gt3A_3577 : i32 to vector<16xi32>
    %gt3A_3579 = arith.cmpi sgt, %get3A_3576, %gt3A_3578 : vector<16xi32>
    %get3A_3580 = arith.constant 13 : i32
    %get3A_3581 = arith.index_cast %get3A_3580 : i32 to index
    %get3A_3582 = arith.constant 112 : index
    %get3A_3583 = tpu.vector_load %arg10[%get3A_3581, %get3A_3582] {strides = array<i32>} : memref<16x128xi32, #tpu.memory_space<vmem>>, vector<1x16xi32>,
    %get3A_3584 = vector.shape_cast %get3A_3583 : vector<1x16xi32> to vector<16xi32>
    %jit3A_3585 = arith.constant 0 : i32
    %broadcast_in_dim3A_3586 = vector.broadcast %jit3A_3585 : i32 to vector<16xi32>
    %select_n3A_3587 = arith.select %gt3A_3579, %get3A_3584, %broadcast_in_dim3A_3586 : vector<16xi1>, vector<16xi32>
    %swap3A_3588 = arith.constant 13 : i32
    %swap3A_3589 = arith.index_cast %swap3A_3588 : i32 to index
    %swap3A_3590 = arith.constant 112 : index
    %swap3A_3591 = tpu.vector_load %arg10[%swap3A_3589, %swap3A_3590] {strides = array<i32>} : memref<16x128xi32, #tpu.memory_space<vmem>>, vector<1x16xi32>,
    %swap3A_3592 = vector.shape_cast %swap3A_3591 : vector<1x16xi32> to vector<16xi32>
    %swap3A_3593 = vector.shape_cast %select_n3A_3587 : vector<16xi32> to vector<1x16xi32>
    tpu.vector_store %arg10[%swap3A_3589, %swap3A_3590], %swap3A_3593 {strides = array<i32>} : memref<16x128xi32, #tpu.memory_space<vmem>>, vector<1x16xi32>,
    %add3A_3594 = arith.constant 13 : i32
    %add3A_3595 = arith.addi %mul3A_2, %add3A_3594 : i32
    %dma_start3A_3596 = arith.constant 13 : i32
    %dma_start3A_3597 = arith.constant 0 : i32
    %dma_start3A_3598 = tpu.memref_slice %arg10[%dma_start3A_3596, %dma_start3A_3597] : memref<16x128xi32, #tpu.memory_space<vmem>> -> memref<1x128xi32, #tpu.memory_space<vmem>>
    %dma_start3A_3599 = tpu.memref_squeeze %dma_start3A_3598 : memref<1x128xi32, #tpu.memory_space<vmem>> -> memref<128xi32, #tpu.memory_space<vmem>>
    %dma_start3A_3600 = arith.constant 0 : i32
    %dma_start3A_3601 = tpu.memref_slice %arg6[%add3A_3595, %dma_start3A_3600] : memref<512x128xi32, #tpu.memory_space<hbm>> -> memref<1x128xi32, #tpu.memory_space<hbm>>
    %dma_start3A_3602 = tpu.memref_squeeze %dma_start3A_3601 : memref<1x128xi32, #tpu.memory_space<hbm>> -> memref<128xi32, #tpu.memory_space<hbm>>
    %dma_start3A_3603 = arith.constant 0 : i32
    %dma_start3A_3604 = tpu.memref_slice %arg6[%add3A_3595, %dma_start3A_3603] : memref<512x128xi32, #tpu.memory_space<hbm>> -> memref<1x128xi32, #tpu.memory_space<hbm>>
    %dma_start3A_3605 = tpu.memref_squeeze %dma_start3A_3604 : memref<1x128xi32, #tpu.memory_space<hbm>> -> memref<128xi32, #tpu.memory_space<hbm>>
    %dma_start3A_3606 = arith.constant 0 : i32
    %dma_start3A_3607 = tpu.memref_slice %arg10[%dma_start3A_3596, %dma_start3A_3606] : memref<16x128xi32, #tpu.memory_space<vmem>> -> memref<1x128xi32, #tpu.memory_space<vmem>>
    %dma_start3A_3608 = tpu.memref_squeeze %dma_start3A_3607 : memref<1x128xi32, #tpu.memory_space<vmem>> -> memref<128xi32, #tpu.memory_space<vmem>>
    tpu.enqueue_dma source(%dma_start3A_3608 : memref<128xi32, #tpu.memory_space<vmem>>) target(%dma_start3A_3605 : memref<128xi32, #tpu.memory_space<hbm>>) target_semaphore(%arg11 : memref<!tpu.dma_semaphore, #tpu.memory_space<semaphore_mem>>)
    %dma_wait3A_3609 = arith.constant 14 : i32
    %dma_wait3A_3610 = arith.constant 14 : i32
    %dma_wait3A_3611 = arith.constant 0 : i32
    %dma_wait3A_3612 = tpu.memref_slice %arg10[%dma_wait3A_3610, %dma_wait3A_3611] : memref<16x128xi32, #tpu.memory_space<vmem>> -> memref<1x128xi32, #tpu.memory_space<vmem>>
    %dma_wait3A_3613 = tpu.memref_squeeze %dma_wait3A_3612 : memref<1x128xi32, #tpu.memory_space<vmem>> -> memref<128xi32, #tpu.memory_space<vmem>>
    %dma_wait3A_3614 = arith.constant 0 : i32
    %dma_wait3A_3615 = tpu.memref_slice %arg8[%dma_wait3A_3609, %dma_wait3A_3614] : memref<16x128xi32, #tpu.memory_space<vmem>> -> memref<1x128xi32, #tpu.memory_space<vmem>>
    %dma_wait3A_3616 = tpu.memref_squeeze %dma_wait3A_3615 : memref<1x128xi32, #tpu.memory_space<vmem>> -> memref<128xi32, #tpu.memory_space<vmem>>
    %dma_wait3A_3617 = arith.constant 0 : i32
    %dma_wait3A_3618 = tpu.memref_slice %arg5[%dma_wait3A_3617] : memref<1048576xi32, #tpu.memory_space<hbm>> -> memref<1048576xi32, #tpu.memory_space<hbm>>
    tpu.wait_indirect_dma semaphore(%arg11 : memref<!tpu.dma_semaphore, #tpu.memory_space<semaphore_mem>>) src(%dma_wait3A_3618 : memref<1048576xi32, #tpu.memory_space<hbm>>) dst(%dma_wait3A_3613 : memref<128xi32, #tpu.memory_space<vmem>>)
    %get3A_3619 = arith.constant 14 : i32
    %get3A_3620 = arith.index_cast %get3A_3619 : i32 to index
    %get3A_3621 = arith.constant 0 : index
    %get3A_3622 = tpu.vector_load %arg9[%get3A_3620, %get3A_3621] {strides = array<i32>} : memref<16x128xi32, #tpu.memory_space<vmem>>, vector<1x16xi32>,
    %get3A_3623 = vector.shape_cast %get3A_3622 : vector<1x16xi32> to vector<16xi32>
    %gt3A_3624 = arith.constant 0 : i32
    %gt3A_3625 = vector.broadcast %gt3A_3624 : i32 to vector<16xi32>
    %gt3A_3626 = arith.cmpi sgt, %get3A_3623, %gt3A_3625 : vector<16xi32>
    %get3A_3627 = arith.constant 14 : i32
    %get3A_3628 = arith.index_cast %get3A_3627 : i32 to index
    %get3A_3629 = arith.constant 0 : index
    %get3A_3630 = tpu.vector_load %arg10[%get3A_3628, %get3A_3629] {strides = array<i32>} : memref<16x128xi32, #tpu.memory_space<vmem>>, vector<1x16xi32>,
    %get3A_3631 = vector.shape_cast %get3A_3630 : vector<1x16xi32> to vector<16xi32>
    %jit3A_3632 = arith.constant 0 : i32
    %broadcast_in_dim3A_3633 = vector.broadcast %jit3A_3632 : i32 to vector<16xi32>
    %select_n3A_3634 = arith.select %gt3A_3626, %get3A_3631, %broadcast_in_dim3A_3633 : vector<16xi1>, vector<16xi32>
    %swap3A_3635 = arith.constant 14 : i32
    %swap3A_3636 = arith.index_cast %swap3A_3635 : i32 to index
    %swap3A_3637 = arith.constant 0 : index
    %swap3A_3638 = tpu.vector_load %arg10[%swap3A_3636, %swap3A_3637] {strides = array<i32>} : memref<16x128xi32, #tpu.memory_space<vmem>>, vector<1x16xi32>,
    %swap3A_3639 = vector.shape_cast %swap3A_3638 : vector<1x16xi32> to vector<16xi32>
    %swap3A_3640 = vector.shape_cast %select_n3A_3634 : vector<16xi32> to vector<1x16xi32>
    tpu.vector_store %arg10[%swap3A_3636, %swap3A_3637], %swap3A_3640 {strides = array<i32>} : memref<16x128xi32, #tpu.memory_space<vmem>>, vector<1x16xi32>,
    %get3A_3641 = arith.constant 14 : i32
    %get3A_3642 = arith.index_cast %get3A_3641 : i32 to index
    %get3A_3643 = arith.constant 16 : index
    %get3A_3644 = tpu.vector_load %arg9[%get3A_3642, %get3A_3643] {strides = array<i32>} : memref<16x128xi32, #tpu.memory_space<vmem>>, vector<1x16xi32>,
    %get3A_3645 = vector.shape_cast %get3A_3644 : vector<1x16xi32> to vector<16xi32>
    %gt3A_3646 = arith.constant 0 : i32
    %gt3A_3647 = vector.broadcast %gt3A_3646 : i32 to vector<16xi32>
    %gt3A_3648 = arith.cmpi sgt, %get3A_3645, %gt3A_3647 : vector<16xi32>
    %get3A_3649 = arith.constant 14 : i32
    %get3A_3650 = arith.index_cast %get3A_3649 : i32 to index
    %get3A_3651 = arith.constant 16 : index
    %get3A_3652 = tpu.vector_load %arg10[%get3A_3650, %get3A_3651] {strides = array<i32>} : memref<16x128xi32, #tpu.memory_space<vmem>>, vector<1x16xi32>,
    %get3A_3653 = vector.shape_cast %get3A_3652 : vector<1x16xi32> to vector<16xi32>
    %jit3A_3654 = arith.constant 0 : i32
    %broadcast_in_dim3A_3655 = vector.broadcast %jit3A_3654 : i32 to vector<16xi32>
    %select_n3A_3656 = arith.select %gt3A_3648, %get3A_3653, %broadcast_in_dim3A_3655 : vector<16xi1>, vector<16xi32>
    %swap3A_3657 = arith.constant 14 : i32
    %swap3A_3658 = arith.index_cast %swap3A_3657 : i32 to index
    %swap3A_3659 = arith.constant 16 : index
    %swap3A_3660 = tpu.vector_load %arg10[%swap3A_3658, %swap3A_3659] {strides = array<i32>} : memref<16x128xi32, #tpu.memory_space<vmem>>, vector<1x16xi32>,
    %swap3A_3661 = vector.shape_cast %swap3A_3660 : vector<1x16xi32> to vector<16xi32>
    %swap3A_3662 = vector.shape_cast %select_n3A_3656 : vector<16xi32> to vector<1x16xi32>
    tpu.vector_store %arg10[%swap3A_3658, %swap3A_3659], %swap3A_3662 {strides = array<i32>} : memref<16x128xi32, #tpu.memory_space<vmem>>, vector<1x16xi32>,
    %get3A_3663 = arith.constant 14 : i32
    %get3A_3664 = arith.index_cast %get3A_3663 : i32 to index
    %get3A_3665 = arith.constant 32 : index
    %get3A_3666 = tpu.vector_load %arg9[%get3A_3664, %get3A_3665] {strides = array<i32>} : memref<16x128xi32, #tpu.memory_space<vmem>>, vector<1x16xi32>,
    %get3A_3667 = vector.shape_cast %get3A_3666 : vector<1x16xi32> to vector<16xi32>
    %gt3A_3668 = arith.constant 0 : i32
    %gt3A_3669 = vector.broadcast %gt3A_3668 : i32 to vector<16xi32>
    %gt3A_3670 = arith.cmpi sgt, %get3A_3667, %gt3A_3669 : vector<16xi32>
    %get3A_3671 = arith.constant 14 : i32
    %get3A_3672 = arith.index_cast %get3A_3671 : i32 to index
    %get3A_3673 = arith.constant 32 : index
    %get3A_3674 = tpu.vector_load %arg10[%get3A_3672, %get3A_3673] {strides = array<i32>} : memref<16x128xi32, #tpu.memory_space<vmem>>, vector<1x16xi32>,
    %get3A_3675 = vector.shape_cast %get3A_3674 : vector<1x16xi32> to vector<16xi32>
    %jit3A_3676 = arith.constant 0 : i32
    %broadcast_in_dim3A_3677 = vector.broadcast %jit3A_3676 : i32 to vector<16xi32>
    %select_n3A_3678 = arith.select %gt3A_3670, %get3A_3675, %broadcast_in_dim3A_3677 : vector<16xi1>, vector<16xi32>
    %swap3A_3679 = arith.constant 14 : i32
    %swap3A_3680 = arith.index_cast %swap3A_3679 : i32 to index
    %swap3A_3681 = arith.constant 32 : index
    %swap3A_3682 = tpu.vector_load %arg10[%swap3A_3680, %swap3A_3681] {strides = array<i32>} : memref<16x128xi32, #tpu.memory_space<vmem>>, vector<1x16xi32>,
    %swap3A_3683 = vector.shape_cast %swap3A_3682 : vector<1x16xi32> to vector<16xi32>
    %swap3A_3684 = vector.shape_cast %select_n3A_3678 : vector<16xi32> to vector<1x16xi32>
    tpu.vector_store %arg10[%swap3A_3680, %swap3A_3681], %swap3A_3684 {strides = array<i32>} : memref<16x128xi32, #tpu.memory_space<vmem>>, vector<1x16xi32>,
    %get3A_3685 = arith.constant 14 : i32
    %get3A_3686 = arith.index_cast %get3A_3685 : i32 to index
    %get3A_3687 = arith.constant 48 : index
    %get3A_3688 = tpu.vector_load %arg9[%get3A_3686, %get3A_3687] {strides = array<i32>} : memref<16x128xi32, #tpu.memory_space<vmem>>, vector<1x16xi32>,
    %get3A_3689 = vector.shape_cast %get3A_3688 : vector<1x16xi32> to vector<16xi32>
    %gt3A_3690 = arith.constant 0 : i32
    %gt3A_3691 = vector.broadcast %gt3A_3690 : i32 to vector<16xi32>
    %gt3A_3692 = arith.cmpi sgt, %get3A_3689, %gt3A_3691 : vector<16xi32>
    %get3A_3693 = arith.constant 14 : i32
    %get3A_3694 = arith.index_cast %get3A_3693 : i32 to index
    %get3A_3695 = arith.constant 48 : index
    %get3A_3696 = tpu.vector_load %arg10[%get3A_3694, %get3A_3695] {strides = array<i32>} : memref<16x128xi32, #tpu.memory_space<vmem>>, vector<1x16xi32>,
    %get3A_3697 = vector.shape_cast %get3A_3696 : vector<1x16xi32> to vector<16xi32>
    %jit3A_3698 = arith.constant 0 : i32
    %broadcast_in_dim3A_3699 = vector.broadcast %jit3A_3698 : i32 to vector<16xi32>
    %select_n3A_3700 = arith.select %gt3A_3692, %get3A_3697, %broadcast_in_dim3A_3699 : vector<16xi1>, vector<16xi32>
    %swap3A_3701 = arith.constant 14 : i32
    %swap3A_3702 = arith.index_cast %swap3A_3701 : i32 to index
    %swap3A_3703 = arith.constant 48 : index
    %swap3A_3704 = tpu.vector_load %arg10[%swap3A_3702, %swap3A_3703] {strides = array<i32>} : memref<16x128xi32, #tpu.memory_space<vmem>>, vector<1x16xi32>,
    %swap3A_3705 = vector.shape_cast %swap3A_3704 : vector<1x16xi32> to vector<16xi32>
    %swap3A_3706 = vector.shape_cast %select_n3A_3700 : vector<16xi32> to vector<1x16xi32>
    tpu.vector_store %arg10[%swap3A_3702, %swap3A_3703], %swap3A_3706 {strides = array<i32>} : memref<16x128xi32, #tpu.memory_space<vmem>>, vector<1x16xi32>,
    %get3A_3707 = arith.constant 14 : i32
    %get3A_3708 = arith.index_cast %get3A_3707 : i32 to index
    %get3A_3709 = arith.constant 64 : index
    %get3A_3710 = tpu.vector_load %arg9[%get3A_3708, %get3A_3709] {strides = array<i32>} : memref<16x128xi32, #tpu.memory_space<vmem>>, vector<1x16xi32>,
    %get3A_3711 = vector.shape_cast %get3A_3710 : vector<1x16xi32> to vector<16xi32>
    %gt3A_3712 = arith.constant 0 : i32
    %gt3A_3713 = vector.broadcast %gt3A_3712 : i32 to vector<16xi32>
    %gt3A_3714 = arith.cmpi sgt, %get3A_3711, %gt3A_3713 : vector<16xi32>
    %get3A_3715 = arith.constant 14 : i32
    %get3A_3716 = arith.index_cast %get3A_3715 : i32 to index
    %get3A_3717 = arith.constant 64 : index
    %get3A_3718 = tpu.vector_load %arg10[%get3A_3716, %get3A_3717] {strides = array<i32>} : memref<16x128xi32, #tpu.memory_space<vmem>>, vector<1x16xi32>,
    %get3A_3719 = vector.shape_cast %get3A_3718 : vector<1x16xi32> to vector<16xi32>
    %jit3A_3720 = arith.constant 0 : i32
    %broadcast_in_dim3A_3721 = vector.broadcast %jit3A_3720 : i32 to vector<16xi32>
    %select_n3A_3722 = arith.select %gt3A_3714, %get3A_3719, %broadcast_in_dim3A_3721 : vector<16xi1>, vector<16xi32>
    %swap3A_3723 = arith.constant 14 : i32
    %swap3A_3724 = arith.index_cast %swap3A_3723 : i32 to index
    %swap3A_3725 = arith.constant 64 : index
    %swap3A_3726 = tpu.vector_load %arg10[%swap3A_3724, %swap3A_3725] {strides = array<i32>} : memref<16x128xi32, #tpu.memory_space<vmem>>, vector<1x16xi32>,
    %swap3A_3727 = vector.shape_cast %swap3A_3726 : vector<1x16xi32> to vector<16xi32>
    %swap3A_3728 = vector.shape_cast %select_n3A_3722 : vector<16xi32> to vector<1x16xi32>
    tpu.vector_store %arg10[%swap3A_3724, %swap3A_3725], %swap3A_3728 {strides = array<i32>} : memref<16x128xi32, #tpu.memory_space<vmem>>, vector<1x16xi32>,
    %get3A_3729 = arith.constant 14 : i32
    %get3A_3730 = arith.index_cast %get3A_3729 : i32 to index
    %get3A_3731 = arith.constant 80 : index
    %get3A_3732 = tpu.vector_load %arg9[%get3A_3730, %get3A_3731] {strides = array<i32>} : memref<16x128xi32, #tpu.memory_space<vmem>>, vector<1x16xi32>,
    %get3A_3733 = vector.shape_cast %get3A_3732 : vector<1x16xi32> to vector<16xi32>
    %gt3A_3734 = arith.constant 0 : i32
    %gt3A_3735 = vector.broadcast %gt3A_3734 : i32 to vector<16xi32>
    %gt3A_3736 = arith.cmpi sgt, %get3A_3733, %gt3A_3735 : vector<16xi32>
    %get3A_3737 = arith.constant 14 : i32
    %get3A_3738 = arith.index_cast %get3A_3737 : i32 to index
    %get3A_3739 = arith.constant 80 : index
    %get3A_3740 = tpu.vector_load %arg10[%get3A_3738, %get3A_3739] {strides = array<i32>} : memref<16x128xi32, #tpu.memory_space<vmem>>, vector<1x16xi32>,
    %get3A_3741 = vector.shape_cast %get3A_3740 : vector<1x16xi32> to vector<16xi32>
    %jit3A_3742 = arith.constant 0 : i32
    %broadcast_in_dim3A_3743 = vector.broadcast %jit3A_3742 : i32 to vector<16xi32>
    %select_n3A_3744 = arith.select %gt3A_3736, %get3A_3741, %broadcast_in_dim3A_3743 : vector<16xi1>, vector<16xi32>
    %swap3A_3745 = arith.constant 14 : i32
    %swap3A_3746 = arith.index_cast %swap3A_3745 : i32 to index
    %swap3A_3747 = arith.constant 80 : index
    %swap3A_3748 = tpu.vector_load %arg10[%swap3A_3746, %swap3A_3747] {strides = array<i32>} : memref<16x128xi32, #tpu.memory_space<vmem>>, vector<1x16xi32>,
    %swap3A_3749 = vector.shape_cast %swap3A_3748 : vector<1x16xi32> to vector<16xi32>
    %swap3A_3750 = vector.shape_cast %select_n3A_3744 : vector<16xi32> to vector<1x16xi32>
    tpu.vector_store %arg10[%swap3A_3746, %swap3A_3747], %swap3A_3750 {strides = array<i32>} : memref<16x128xi32, #tpu.memory_space<vmem>>, vector<1x16xi32>,
    %get3A_3751 = arith.constant 14 : i32
    %get3A_3752 = arith.index_cast %get3A_3751 : i32 to index
    %get3A_3753 = arith.constant 96 : index
    %get3A_3754 = tpu.vector_load %arg9[%get3A_3752, %get3A_3753] {strides = array<i32>} : memref<16x128xi32, #tpu.memory_space<vmem>>, vector<1x16xi32>,
    %get3A_3755 = vector.shape_cast %get3A_3754 : vector<1x16xi32> to vector<16xi32>
    %gt3A_3756 = arith.constant 0 : i32
    %gt3A_3757 = vector.broadcast %gt3A_3756 : i32 to vector<16xi32>
    %gt3A_3758 = arith.cmpi sgt, %get3A_3755, %gt3A_3757 : vector<16xi32>
    %get3A_3759 = arith.constant 14 : i32
    %get3A_3760 = arith.index_cast %get3A_3759 : i32 to index
    %get3A_3761 = arith.constant 96 : index
    %get3A_3762 = tpu.vector_load %arg10[%get3A_3760, %get3A_3761] {strides = array<i32>} : memref<16x128xi32, #tpu.memory_space<vmem>>, vector<1x16xi32>,
    %get3A_3763 = vector.shape_cast %get3A_3762 : vector<1x16xi32> to vector<16xi32>
    %jit3A_3764 = arith.constant 0 : i32
    %broadcast_in_dim3A_3765 = vector.broadcast %jit3A_3764 : i32 to vector<16xi32>
    %select_n3A_3766 = arith.select %gt3A_3758, %get3A_3763, %broadcast_in_dim3A_3765 : vector<16xi1>, vector<16xi32>
    %swap3A_3767 = arith.constant 14 : i32
    %swap3A_3768 = arith.index_cast %swap3A_3767 : i32 to index
    %swap3A_3769 = arith.constant 96 : index
    %swap3A_3770 = tpu.vector_load %arg10[%swap3A_3768, %swap3A_3769] {strides = array<i32>} : memref<16x128xi32, #tpu.memory_space<vmem>>, vector<1x16xi32>,
    %swap3A_3771 = vector.shape_cast %swap3A_3770 : vector<1x16xi32> to vector<16xi32>
    %swap3A_3772 = vector.shape_cast %select_n3A_3766 : vector<16xi32> to vector<1x16xi32>
    tpu.vector_store %arg10[%swap3A_3768, %swap3A_3769], %swap3A_3772 {strides = array<i32>} : memref<16x128xi32, #tpu.memory_space<vmem>>, vector<1x16xi32>,
    %get3A_3773 = arith.constant 14 : i32
    %get3A_3774 = arith.index_cast %get3A_3773 : i32 to index
    %get3A_3775 = arith.constant 112 : index
    %get3A_3776 = tpu.vector_load %arg9[%get3A_3774, %get3A_3775] {strides = array<i32>} : memref<16x128xi32, #tpu.memory_space<vmem>>, vector<1x16xi32>,
    %get3A_3777 = vector.shape_cast %get3A_3776 : vector<1x16xi32> to vector<16xi32>
    %gt3A_3778 = arith.constant 0 : i32
    %gt3A_3779 = vector.broadcast %gt3A_3778 : i32 to vector<16xi32>
    %gt3A_3780 = arith.cmpi sgt, %get3A_3777, %gt3A_3779 : vector<16xi32>
    %get3A_3781 = arith.constant 14 : i32
    %get3A_3782 = arith.index_cast %get3A_3781 : i32 to index
    %get3A_3783 = arith.constant 112 : index
    %get3A_3784 = tpu.vector_load %arg10[%get3A_3782, %get3A_3783] {strides = array<i32>} : memref<16x128xi32, #tpu.memory_space<vmem>>, vector<1x16xi32>,
    %get3A_3785 = vector.shape_cast %get3A_3784 : vector<1x16xi32> to vector<16xi32>
    %jit3A_3786 = arith.constant 0 : i32
    %broadcast_in_dim3A_3787 = vector.broadcast %jit3A_3786 : i32 to vector<16xi32>
    %select_n3A_3788 = arith.select %gt3A_3780, %get3A_3785, %broadcast_in_dim3A_3787 : vector<16xi1>, vector<16xi32>
    %swap3A_3789 = arith.constant 14 : i32
    %swap3A_3790 = arith.index_cast %swap3A_3789 : i32 to index
    %swap3A_3791 = arith.constant 112 : index
    %swap3A_3792 = tpu.vector_load %arg10[%swap3A_3790, %swap3A_3791] {strides = array<i32>} : memref<16x128xi32, #tpu.memory_space<vmem>>, vector<1x16xi32>,
    %swap3A_3793 = vector.shape_cast %swap3A_3792 : vector<1x16xi32> to vector<16xi32>
    %swap3A_3794 = vector.shape_cast %select_n3A_3788 : vector<16xi32> to vector<1x16xi32>
    tpu.vector_store %arg10[%swap3A_3790, %swap3A_3791], %swap3A_3794 {strides = array<i32>} : memref<16x128xi32, #tpu.memory_space<vmem>>, vector<1x16xi32>,
    %add3A_3795 = arith.constant 14 : i32
    %add3A_3796 = arith.addi %mul3A_2, %add3A_3795 : i32
    %dma_start3A_3797 = arith.constant 14 : i32
    %dma_start3A_3798 = arith.constant 0 : i32
    %dma_start3A_3799 = tpu.memref_slice %arg10[%dma_start3A_3797, %dma_start3A_3798] : memref<16x128xi32, #tpu.memory_space<vmem>> -> memref<1x128xi32, #tpu.memory_space<vmem>>
    %dma_start3A_3800 = tpu.memref_squeeze %dma_start3A_3799 : memref<1x128xi32, #tpu.memory_space<vmem>> -> memref<128xi32, #tpu.memory_space<vmem>>
    %dma_start3A_3801 = arith.constant 0 : i32
    %dma_start3A_3802 = tpu.memref_slice %arg6[%add3A_3796, %dma_start3A_3801] : memref<512x128xi32, #tpu.memory_space<hbm>> -> memref<1x128xi32, #tpu.memory_space<hbm>>
    %dma_start3A_3803 = tpu.memref_squeeze %dma_start3A_3802 : memref<1x128xi32, #tpu.memory_space<hbm>> -> memref<128xi32, #tpu.memory_space<hbm>>
    %dma_start3A_3804 = arith.constant 0 : i32
    %dma_start3A_3805 = tpu.memref_slice %arg6[%add3A_3796, %dma_start3A_3804] : memref<512x128xi32, #tpu.memory_space<hbm>> -> memref<1x128xi32, #tpu.memory_space<hbm>>
    %dma_start3A_3806 = tpu.memref_squeeze %dma_start3A_3805 : memref<1x128xi32, #tpu.memory_space<hbm>> -> memref<128xi32, #tpu.memory_space<hbm>>
    %dma_start3A_3807 = arith.constant 0 : i32
    %dma_start3A_3808 = tpu.memref_slice %arg10[%dma_start3A_3797, %dma_start3A_3807] : memref<16x128xi32, #tpu.memory_space<vmem>> -> memref<1x128xi32, #tpu.memory_space<vmem>>
    %dma_start3A_3809 = tpu.memref_squeeze %dma_start3A_3808 : memref<1x128xi32, #tpu.memory_space<vmem>> -> memref<128xi32, #tpu.memory_space<vmem>>
    tpu.enqueue_dma source(%dma_start3A_3809 : memref<128xi32, #tpu.memory_space<vmem>>) target(%dma_start3A_3806 : memref<128xi32, #tpu.memory_space<hbm>>) target_semaphore(%arg11 : memref<!tpu.dma_semaphore, #tpu.memory_space<semaphore_mem>>)
    %dma_wait3A_3810 = arith.constant 15 : i32
    %dma_wait3A_3811 = arith.constant 15 : i32
    %dma_wait3A_3812 = arith.constant 0 : i32
    %dma_wait3A_3813 = tpu.memref_slice %arg10[%dma_wait3A_3811, %dma_wait3A_3812] : memref<16x128xi32, #tpu.memory_space<vmem>> -> memref<1x128xi32, #tpu.memory_space<vmem>>
    %dma_wait3A_3814 = tpu.memref_squeeze %dma_wait3A_3813 : memref<1x128xi32, #tpu.memory_space<vmem>> -> memref<128xi32, #tpu.memory_space<vmem>>
    %dma_wait3A_3815 = arith.constant 0 : i32
    %dma_wait3A_3816 = tpu.memref_slice %arg8[%dma_wait3A_3810, %dma_wait3A_3815] : memref<16x128xi32, #tpu.memory_space<vmem>> -> memref<1x128xi32, #tpu.memory_space<vmem>>
    %dma_wait3A_3817 = tpu.memref_squeeze %dma_wait3A_3816 : memref<1x128xi32, #tpu.memory_space<vmem>> -> memref<128xi32, #tpu.memory_space<vmem>>
    %dma_wait3A_3818 = arith.constant 0 : i32
    %dma_wait3A_3819 = tpu.memref_slice %arg5[%dma_wait3A_3818] : memref<1048576xi32, #tpu.memory_space<hbm>> -> memref<1048576xi32, #tpu.memory_space<hbm>>
    tpu.wait_indirect_dma semaphore(%arg11 : memref<!tpu.dma_semaphore, #tpu.memory_space<semaphore_mem>>) src(%dma_wait3A_3819 : memref<1048576xi32, #tpu.memory_space<hbm>>) dst(%dma_wait3A_3814 : memref<128xi32, #tpu.memory_space<vmem>>)
    %get3A_3820 = arith.constant 15 : i32
    %get3A_3821 = arith.index_cast %get3A_3820 : i32 to index
    %get3A_3822 = arith.constant 0 : index
    %get3A_3823 = tpu.vector_load %arg9[%get3A_3821, %get3A_3822] {strides = array<i32>} : memref<16x128xi32, #tpu.memory_space<vmem>>, vector<1x16xi32>,
    %get3A_3824 = vector.shape_cast %get3A_3823 : vector<1x16xi32> to vector<16xi32>
    %gt3A_3825 = arith.constant 0 : i32
    %gt3A_3826 = vector.broadcast %gt3A_3825 : i32 to vector<16xi32>
    %gt3A_3827 = arith.cmpi sgt, %get3A_3824, %gt3A_3826 : vector<16xi32>
    %get3A_3828 = arith.constant 15 : i32
    %get3A_3829 = arith.index_cast %get3A_3828 : i32 to index
    %get3A_3830 = arith.constant 0 : index
    %get3A_3831 = tpu.vector_load %arg10[%get3A_3829, %get3A_3830] {strides = array<i32>} : memref<16x128xi32, #tpu.memory_space<vmem>>, vector<1x16xi32>,
    %get3A_3832 = vector.shape_cast %get3A_3831 : vector<1x16xi32> to vector<16xi32>
    %jit3A_3833 = arith.constant 0 : i32
    %broadcast_in_dim3A_3834 = vector.broadcast %jit3A_3833 : i32 to vector<16xi32>
    %select_n3A_3835 = arith.select %gt3A_3827, %get3A_3832, %broadcast_in_dim3A_3834 : vector<16xi1>, vector<16xi32>
    %swap3A_3836 = arith.constant 15 : i32
    %swap3A_3837 = arith.index_cast %swap3A_3836 : i32 to index
    %swap3A_3838 = arith.constant 0 : index
    %swap3A_3839 = tpu.vector_load %arg10[%swap3A_3837, %swap3A_3838] {strides = array<i32>} : memref<16x128xi32, #tpu.memory_space<vmem>>, vector<1x16xi32>,
    %swap3A_3840 = vector.shape_cast %swap3A_3839 : vector<1x16xi32> to vector<16xi32>
    %swap3A_3841 = vector.shape_cast %select_n3A_3835 : vector<16xi32> to vector<1x16xi32>
    tpu.vector_store %arg10[%swap3A_3837, %swap3A_3838], %swap3A_3841 {strides = array<i32>} : memref<16x128xi32, #tpu.memory_space<vmem>>, vector<1x16xi32>,
    %get3A_3842 = arith.constant 15 : i32
    %get3A_3843 = arith.index_cast %get3A_3842 : i32 to index
    %get3A_3844 = arith.constant 16 : index
    %get3A_3845 = tpu.vector_load %arg9[%get3A_3843, %get3A_3844] {strides = array<i32>} : memref<16x128xi32, #tpu.memory_space<vmem>>, vector<1x16xi32>,
    %get3A_3846 = vector.shape_cast %get3A_3845 : vector<1x16xi32> to vector<16xi32>
    %gt3A_3847 = arith.constant 0 : i32
    %gt3A_3848 = vector.broadcast %gt3A_3847 : i32 to vector<16xi32>
    %gt3A_3849 = arith.cmpi sgt, %get3A_3846, %gt3A_3848 : vector<16xi32>
    %get3A_3850 = arith.constant 15 : i32
    %get3A_3851 = arith.index_cast %get3A_3850 : i32 to index
    %get3A_3852 = arith.constant 16 : index
    %get3A_3853 = tpu.vector_load %arg10[%get3A_3851, %get3A_3852] {strides = array<i32>} : memref<16x128xi32, #tpu.memory_space<vmem>>, vector<1x16xi32>,
    %get3A_3854 = vector.shape_cast %get3A_3853 : vector<1x16xi32> to vector<16xi32>
    %jit3A_3855 = arith.constant 0 : i32
    %broadcast_in_dim3A_3856 = vector.broadcast %jit3A_3855 : i32 to vector<16xi32>
    %select_n3A_3857 = arith.select %gt3A_3849, %get3A_3854, %broadcast_in_dim3A_3856 : vector<16xi1>, vector<16xi32>
    %swap3A_3858 = arith.constant 15 : i32
    %swap3A_3859 = arith.index_cast %swap3A_3858 : i32 to index
    %swap3A_3860 = arith.constant 16 : index
    %swap3A_3861 = tpu.vector_load %arg10[%swap3A_3859, %swap3A_3860] {strides = array<i32>} : memref<16x128xi32, #tpu.memory_space<vmem>>, vector<1x16xi32>,
    %swap3A_3862 = vector.shape_cast %swap3A_3861 : vector<1x16xi32> to vector<16xi32>
    %swap3A_3863 = vector.shape_cast %select_n3A_3857 : vector<16xi32> to vector<1x16xi32>
    tpu.vector_store %arg10[%swap3A_3859, %swap3A_3860], %swap3A_3863 {strides = array<i32>} : memref<16x128xi32, #tpu.memory_space<vmem>>, vector<1x16xi32>,
    %get3A_3864 = arith.constant 15 : i32
    %get3A_3865 = arith.index_cast %get3A_3864 : i32 to index
    %get3A_3866 = arith.constant 32 : index
    %get3A_3867 = tpu.vector_load %arg9[%get3A_3865, %get3A_3866] {strides = array<i32>} : memref<16x128xi32, #tpu.memory_space<vmem>>, vector<1x16xi32>,
    %get3A_3868 = vector.shape_cast %get3A_3867 : vector<1x16xi32> to vector<16xi32>
    %gt3A_3869 = arith.constant 0 : i32
    %gt3A_3870 = vector.broadcast %gt3A_3869 : i32 to vector<16xi32>
    %gt3A_3871 = arith.cmpi sgt, %get3A_3868, %gt3A_3870 : vector<16xi32>
    %get3A_3872 = arith.constant 15 : i32
    %get3A_3873 = arith.index_cast %get3A_3872 : i32 to index
    %get3A_3874 = arith.constant 32 : index
    %get3A_3875 = tpu.vector_load %arg10[%get3A_3873, %get3A_3874] {strides = array<i32>} : memref<16x128xi32, #tpu.memory_space<vmem>>, vector<1x16xi32>,
    %get3A_3876 = vector.shape_cast %get3A_3875 : vector<1x16xi32> to vector<16xi32>
    %jit3A_3877 = arith.constant 0 : i32
    %broadcast_in_dim3A_3878 = vector.broadcast %jit3A_3877 : i32 to vector<16xi32>
    %select_n3A_3879 = arith.select %gt3A_3871, %get3A_3876, %broadcast_in_dim3A_3878 : vector<16xi1>, vector<16xi32>
    %swap3A_3880 = arith.constant 15 : i32
    %swap3A_3881 = arith.index_cast %swap3A_3880 : i32 to index
    %swap3A_3882 = arith.constant 32 : index
    %swap3A_3883 = tpu.vector_load %arg10[%swap3A_3881, %swap3A_3882] {strides = array<i32>} : memref<16x128xi32, #tpu.memory_space<vmem>>, vector<1x16xi32>,
    %swap3A_3884 = vector.shape_cast %swap3A_3883 : vector<1x16xi32> to vector<16xi32>
    %swap3A_3885 = vector.shape_cast %select_n3A_3879 : vector<16xi32> to vector<1x16xi32>
    tpu.vector_store %arg10[%swap3A_3881, %swap3A_3882], %swap3A_3885 {strides = array<i32>} : memref<16x128xi32, #tpu.memory_space<vmem>>, vector<1x16xi32>,
    %get3A_3886 = arith.constant 15 : i32
    %get3A_3887 = arith.index_cast %get3A_3886 : i32 to index
    %get3A_3888 = arith.constant 48 : index
    %get3A_3889 = tpu.vector_load %arg9[%get3A_3887, %get3A_3888] {strides = array<i32>} : memref<16x128xi32, #tpu.memory_space<vmem>>, vector<1x16xi32>,
    %get3A_3890 = vector.shape_cast %get3A_3889 : vector<1x16xi32> to vector<16xi32>
    %gt3A_3891 = arith.constant 0 : i32
    %gt3A_3892 = vector.broadcast %gt3A_3891 : i32 to vector<16xi32>
    %gt3A_3893 = arith.cmpi sgt, %get3A_3890, %gt3A_3892 : vector<16xi32>
    %get3A_3894 = arith.constant 15 : i32
    %get3A_3895 = arith.index_cast %get3A_3894 : i32 to index
    %get3A_3896 = arith.constant 48 : index
    %get3A_3897 = tpu.vector_load %arg10[%get3A_3895, %get3A_3896] {strides = array<i32>} : memref<16x128xi32, #tpu.memory_space<vmem>>, vector<1x16xi32>,
    %get3A_3898 = vector.shape_cast %get3A_3897 : vector<1x16xi32> to vector<16xi32>
    %jit3A_3899 = arith.constant 0 : i32
    %broadcast_in_dim3A_3900 = vector.broadcast %jit3A_3899 : i32 to vector<16xi32>
    %select_n3A_3901 = arith.select %gt3A_3893, %get3A_3898, %broadcast_in_dim3A_3900 : vector<16xi1>, vector<16xi32>
    %swap3A_3902 = arith.constant 15 : i32
    %swap3A_3903 = arith.index_cast %swap3A_3902 : i32 to index
    %swap3A_3904 = arith.constant 48 : index
    %swap3A_3905 = tpu.vector_load %arg10[%swap3A_3903, %swap3A_3904] {strides = array<i32>} : memref<16x128xi32, #tpu.memory_space<vmem>>, vector<1x16xi32>,
    %swap3A_3906 = vector.shape_cast %swap3A_3905 : vector<1x16xi32> to vector<16xi32>
    %swap3A_3907 = vector.shape_cast %select_n3A_3901 : vector<16xi32> to vector<1x16xi32>
    tpu.vector_store %arg10[%swap3A_3903, %swap3A_3904], %swap3A_3907 {strides = array<i32>} : memref<16x128xi32, #tpu.memory_space<vmem>>, vector<1x16xi32>,
    %get3A_3908 = arith.constant 15 : i32
    %get3A_3909 = arith.index_cast %get3A_3908 : i32 to index
    %get3A_3910 = arith.constant 64 : index
    %get3A_3911 = tpu.vector_load %arg9[%get3A_3909, %get3A_3910] {strides = array<i32>} : memref<16x128xi32, #tpu.memory_space<vmem>>, vector<1x16xi32>,
    %get3A_3912 = vector.shape_cast %get3A_3911 : vector<1x16xi32> to vector<16xi32>
    %gt3A_3913 = arith.constant 0 : i32
    %gt3A_3914 = vector.broadcast %gt3A_3913 : i32 to vector<16xi32>
    %gt3A_3915 = arith.cmpi sgt, %get3A_3912, %gt3A_3914 : vector<16xi32>
    %get3A_3916 = arith.constant 15 : i32
    %get3A_3917 = arith.index_cast %get3A_3916 : i32 to index
    %get3A_3918 = arith.constant 64 : index
    %get3A_3919 = tpu.vector_load %arg10[%get3A_3917, %get3A_3918] {strides = array<i32>} : memref<16x128xi32, #tpu.memory_space<vmem>>, vector<1x16xi32>,
    %get3A_3920 = vector.shape_cast %get3A_3919 : vector<1x16xi32> to vector<16xi32>
    %jit3A_3921 = arith.constant 0 : i32
    %broadcast_in_dim3A_3922 = vector.broadcast %jit3A_3921 : i32 to vector<16xi32>
    %select_n3A_3923 = arith.select %gt3A_3915, %get3A_3920, %broadcast_in_dim3A_3922 : vector<16xi1>, vector<16xi32>
    %swap3A_3924 = arith.constant 15 : i32
    %swap3A_3925 = arith.index_cast %swap3A_3924 : i32 to index
    %swap3A_3926 = arith.constant 64 : index
    %swap3A_3927 = tpu.vector_load %arg10[%swap3A_3925, %swap3A_3926] {strides = array<i32>} : memref<16x128xi32, #tpu.memory_space<vmem>>, vector<1x16xi32>,
    %swap3A_3928 = vector.shape_cast %swap3A_3927 : vector<1x16xi32> to vector<16xi32>
    %swap3A_3929 = vector.shape_cast %select_n3A_3923 : vector<16xi32> to vector<1x16xi32>
    tpu.vector_store %arg10[%swap3A_3925, %swap3A_3926], %swap3A_3929 {strides = array<i32>} : memref<16x128xi32, #tpu.memory_space<vmem>>, vector<1x16xi32>,
    %get3A_3930 = arith.constant 15 : i32
    %get3A_3931 = arith.index_cast %get3A_3930 : i32 to index
    %get3A_3932 = arith.constant 80 : index
    %get3A_3933 = tpu.vector_load %arg9[%get3A_3931, %get3A_3932] {strides = array<i32>} : memref<16x128xi32, #tpu.memory_space<vmem>>, vector<1x16xi32>,
    %get3A_3934 = vector.shape_cast %get3A_3933 : vector<1x16xi32> to vector<16xi32>
    %gt3A_3935 = arith.constant 0 : i32
    %gt3A_3936 = vector.broadcast %gt3A_3935 : i32 to vector<16xi32>
    %gt3A_3937 = arith.cmpi sgt, %get3A_3934, %gt3A_3936 : vector<16xi32>
    %get3A_3938 = arith.constant 15 : i32
    %get3A_3939 = arith.index_cast %get3A_3938 : i32 to index
    %get3A_3940 = arith.constant 80 : index
    %get3A_3941 = tpu.vector_load %arg10[%get3A_3939, %get3A_3940] {strides = array<i32>} : memref<16x128xi32, #tpu.memory_space<vmem>>, vector<1x16xi32>,
    %get3A_3942 = vector.shape_cast %get3A_3941 : vector<1x16xi32> to vector<16xi32>
    %jit3A_3943 = arith.constant 0 : i32
    %broadcast_in_dim3A_3944 = vector.broadcast %jit3A_3943 : i32 to vector<16xi32>
    %select_n3A_3945 = arith.select %gt3A_3937, %get3A_3942, %broadcast_in_dim3A_3944 : vector<16xi1>, vector<16xi32>
    %swap3A_3946 = arith.constant 15 : i32
    %swap3A_3947 = arith.index_cast %swap3A_3946 : i32 to index
    %swap3A_3948 = arith.constant 80 : index
    %swap3A_3949 = tpu.vector_load %arg10[%swap3A_3947, %swap3A_3948] {strides = array<i32>} : memref<16x128xi32, #tpu.memory_space<vmem>>, vector<1x16xi32>,
    %swap3A_3950 = vector.shape_cast %swap3A_3949 : vector<1x16xi32> to vector<16xi32>
    %swap3A_3951 = vector.shape_cast %select_n3A_3945 : vector<16xi32> to vector<1x16xi32>
    tpu.vector_store %arg10[%swap3A_3947, %swap3A_3948], %swap3A_3951 {strides = array<i32>} : memref<16x128xi32, #tpu.memory_space<vmem>>, vector<1x16xi32>,
    %get3A_3952 = arith.constant 15 : i32
    %get3A_3953 = arith.index_cast %get3A_3952 : i32 to index
    %get3A_3954 = arith.constant 96 : index
    %get3A_3955 = tpu.vector_load %arg9[%get3A_3953, %get3A_3954] {strides = array<i32>} : memref<16x128xi32, #tpu.memory_space<vmem>>, vector<1x16xi32>,
    %get3A_3956 = vector.shape_cast %get3A_3955 : vector<1x16xi32> to vector<16xi32>
    %gt3A_3957 = arith.constant 0 : i32
    %gt3A_3958 = vector.broadcast %gt3A_3957 : i32 to vector<16xi32>
    %gt3A_3959 = arith.cmpi sgt, %get3A_3956, %gt3A_3958 : vector<16xi32>
    %get3A_3960 = arith.constant 15 : i32
    %get3A_3961 = arith.index_cast %get3A_3960 : i32 to index
    %get3A_3962 = arith.constant 96 : index
    %get3A_3963 = tpu.vector_load %arg10[%get3A_3961, %get3A_3962] {strides = array<i32>} : memref<16x128xi32, #tpu.memory_space<vmem>>, vector<1x16xi32>,
    %get3A_3964 = vector.shape_cast %get3A_3963 : vector<1x16xi32> to vector<16xi32>
    %jit3A_3965 = arith.constant 0 : i32
    %broadcast_in_dim3A_3966 = vector.broadcast %jit3A_3965 : i32 to vector<16xi32>
    %select_n3A_3967 = arith.select %gt3A_3959, %get3A_3964, %broadcast_in_dim3A_3966 : vector<16xi1>, vector<16xi32>
    %swap3A_3968 = arith.constant 15 : i32
    %swap3A_3969 = arith.index_cast %swap3A_3968 : i32 to index
    %swap3A_3970 = arith.constant 96 : index
    %swap3A_3971 = tpu.vector_load %arg10[%swap3A_3969, %swap3A_3970] {strides = array<i32>} : memref<16x128xi32, #tpu.memory_space<vmem>>, vector<1x16xi32>,
    %swap3A_3972 = vector.shape_cast %swap3A_3971 : vector<1x16xi32> to vector<16xi32>
    %swap3A_3973 = vector.shape_cast %select_n3A_3967 : vector<16xi32> to vector<1x16xi32>
    tpu.vector_store %arg10[%swap3A_3969, %swap3A_3970], %swap3A_3973 {strides = array<i32>} : memref<16x128xi32, #tpu.memory_space<vmem>>, vector<1x16xi32>,
    %get3A_3974 = arith.constant 15 : i32
    %get3A_3975 = arith.index_cast %get3A_3974 : i32 to index
    %get3A_3976 = arith.constant 112 : index
    %get3A_3977 = tpu.vector_load %arg9[%get3A_3975, %get3A_3976] {strides = array<i32>} : memref<16x128xi32, #tpu.memory_space<vmem>>, vector<1x16xi32>,
    %get3A_3978 = vector.shape_cast %get3A_3977 : vector<1x16xi32> to vector<16xi32>
    %gt3A_3979 = arith.constant 0 : i32
    %gt3A_3980 = vector.broadcast %gt3A_3979 : i32 to vector<16xi32>
    %gt3A_3981 = arith.cmpi sgt, %get3A_3978, %gt3A_3980 : vector<16xi32>
    %get3A_3982 = arith.constant 15 : i32
    %get3A_3983 = arith.index_cast %get3A_3982 : i32 to index
    %get3A_3984 = arith.constant 112 : index
    %get3A_3985 = tpu.vector_load %arg10[%get3A_3983, %get3A_3984] {strides = array<i32>} : memref<16x128xi32, #tpu.memory_space<vmem>>, vector<1x16xi32>,
    %get3A_3986 = vector.shape_cast %get3A_3985 : vector<1x16xi32> to vector<16xi32>
    %jit3A_3987 = arith.constant 0 : i32
    %broadcast_in_dim3A_3988 = vector.broadcast %jit3A_3987 : i32 to vector<16xi32>
    %select_n3A_3989 = arith.select %gt3A_3981, %get3A_3986, %broadcast_in_dim3A_3988 : vector<16xi1>, vector<16xi32>
    %swap3A_3990 = arith.constant 15 : i32
    %swap3A_3991 = arith.index_cast %swap3A_3990 : i32 to index
    %swap3A_3992 = arith.constant 112 : index
    %swap3A_3993 = tpu.vector_load %arg10[%swap3A_3991, %swap3A_3992] {strides = array<i32>} : memref<16x128xi32, #tpu.memory_space<vmem>>, vector<1x16xi32>,
    %swap3A_3994 = vector.shape_cast %swap3A_3993 : vector<1x16xi32> to vector<16xi32>
    %swap3A_3995 = vector.shape_cast %select_n3A_3989 : vector<16xi32> to vector<1x16xi32>
    tpu.vector_store %arg10[%swap3A_3991, %swap3A_3992], %swap3A_3995 {strides = array<i32>} : memref<16x128xi32, #tpu.memory_space<vmem>>, vector<1x16xi32>,
    %add3A_3996 = arith.constant 15 : i32
    %add3A_3997 = arith.addi %mul3A_2, %add3A_3996 : i32
    %dma_start3A_3998 = arith.constant 15 : i32
    %dma_start3A_3999 = arith.constant 0 : i32
    %dma_start3A_4000 = tpu.memref_slice %arg10[%dma_start3A_3998, %dma_start3A_3999] : memref<16x128xi32, #tpu.memory_space<vmem>> -> memref<1x128xi32, #tpu.memory_space<vmem>>
    %dma_start3A_4001 = tpu.memref_squeeze %dma_start3A_4000 : memref<1x128xi32, #tpu.memory_space<vmem>> -> memref<128xi32, #tpu.memory_space<vmem>>
    %dma_start3A_4002 = arith.constant 0 : i32
    %dma_start3A_4003 = tpu.memref_slice %arg6[%add3A_3997, %dma_start3A_4002] : memref<512x128xi32, #tpu.memory_space<hbm>> -> memref<1x128xi32, #tpu.memory_space<hbm>>
    %dma_start3A_4004 = tpu.memref_squeeze %dma_start3A_4003 : memref<1x128xi32, #tpu.memory_space<hbm>> -> memref<128xi32, #tpu.memory_space<hbm>>
    %dma_start3A_4005 = arith.constant 0 : i32
    %dma_start3A_4006 = tpu.memref_slice %arg6[%add3A_3997, %dma_start3A_4005] : memref<512x128xi32, #tpu.memory_space<hbm>> -> memref<1x128xi32, #tpu.memory_space<hbm>>
    %dma_start3A_4007 = tpu.memref_squeeze %dma_start3A_4006 : memref<1x128xi32, #tpu.memory_space<hbm>> -> memref<128xi32, #tpu.memory_space<hbm>>
    %dma_start3A_4008 = arith.constant 0 : i32
    %dma_start3A_4009 = tpu.memref_slice %arg10[%dma_start3A_3998, %dma_start3A_4008] : memref<16x128xi32, #tpu.memory_space<vmem>> -> memref<1x128xi32, #tpu.memory_space<vmem>>
    %dma_start3A_4010 = tpu.memref_squeeze %dma_start3A_4009 : memref<1x128xi32, #tpu.memory_space<vmem>> -> memref<128xi32, #tpu.memory_space<vmem>>
    tpu.enqueue_dma source(%dma_start3A_4010 : memref<128xi32, #tpu.memory_space<vmem>>) target(%dma_start3A_4007 : memref<128xi32, #tpu.memory_space<hbm>>) target_semaphore(%arg11 : memref<!tpu.dma_semaphore, #tpu.memory_space<semaphore_mem>>)
    %dma_wait3A_4011 = arith.constant 0 : i32
    %dma_wait3A_4012 = arith.constant 0 : i32
    %dma_wait3A_4013 = tpu.memref_slice %arg10[%dma_wait3A_4011, %dma_wait3A_4012] : memref<16x128xi32, #tpu.memory_space<vmem>> -> memref<1x128xi32, #tpu.memory_space<vmem>>
    %dma_wait3A_4014 = tpu.memref_squeeze %dma_wait3A_4013 : memref<1x128xi32, #tpu.memory_space<vmem>> -> memref<128xi32, #tpu.memory_space<vmem>>
    %dma_wait3A_4015 = arith.constant 0 : i32
    %dma_wait3A_4016 = tpu.memref_slice %arg6[%add3A_982, %dma_wait3A_4015] : memref<512x128xi32, #tpu.memory_space<hbm>> -> memref<1x128xi32, #tpu.memory_space<hbm>>
    %dma_wait3A_4017 = tpu.memref_squeeze %dma_wait3A_4016 : memref<1x128xi32, #tpu.memory_space<hbm>> -> memref<128xi32, #tpu.memory_space<hbm>>
    %dma_wait3A_4018 = arith.constant 0 : i32
    %dma_wait3A_4019 = tpu.memref_slice %arg6[%add3A_982, %dma_wait3A_4018] : memref<512x128xi32, #tpu.memory_space<hbm>> -> memref<1x128xi32, #tpu.memory_space<hbm>>
    %dma_wait3A_4020 = tpu.memref_squeeze %dma_wait3A_4019 : memref<1x128xi32, #tpu.memory_space<hbm>> -> memref<128xi32, #tpu.memory_space<hbm>>
    %dma_wait3A_4021 = arith.constant 0 : i32
    %dma_wait3A_4022 = tpu.memref_slice %arg10[%dma_wait3A_4011, %dma_wait3A_4021] : memref<16x128xi32, #tpu.memory_space<vmem>> -> memref<1x128xi32, #tpu.memory_space<vmem>>
    %dma_wait3A_4023 = tpu.memref_squeeze %dma_wait3A_4022 : memref<1x128xi32, #tpu.memory_space<vmem>> -> memref<128xi32, #tpu.memory_space<vmem>>
    tpu.wait_dma2 semaphore(%arg11 : memref<!tpu.dma_semaphore, #tpu.memory_space<semaphore_mem>>) src(%dma_wait3A_4023 : memref<128xi32, #tpu.memory_space<vmem>>) dst(%dma_wait3A_4020 : memref<128xi32, #tpu.memory_space<hbm>>)
    %dma_wait3A_4024 = arith.constant 1 : i32
    %dma_wait3A_4025 = arith.constant 0 : i32
    %dma_wait3A_4026 = tpu.memref_slice %arg10[%dma_wait3A_4024, %dma_wait3A_4025] : memref<16x128xi32, #tpu.memory_space<vmem>> -> memref<1x128xi32, #tpu.memory_space<vmem>>
    %dma_wait3A_4027 = tpu.memref_squeeze %dma_wait3A_4026 : memref<1x128xi32, #tpu.memory_space<vmem>> -> memref<128xi32, #tpu.memory_space<vmem>>
    %dma_wait3A_4028 = arith.constant 0 : i32
    %dma_wait3A_4029 = tpu.memref_slice %arg6[%add3A_1183, %dma_wait3A_4028] : memref<512x128xi32, #tpu.memory_space<hbm>> -> memref<1x128xi32, #tpu.memory_space<hbm>>
    %dma_wait3A_4030 = tpu.memref_squeeze %dma_wait3A_4029 : memref<1x128xi32, #tpu.memory_space<hbm>> -> memref<128xi32, #tpu.memory_space<hbm>>
    %dma_wait3A_4031 = arith.constant 0 : i32
    %dma_wait3A_4032 = tpu.memref_slice %arg6[%add3A_1183, %dma_wait3A_4031] : memref<512x128xi32, #tpu.memory_space<hbm>> -> memref<1x128xi32, #tpu.memory_space<hbm>>
    %dma_wait3A_4033 = tpu.memref_squeeze %dma_wait3A_4032 : memref<1x128xi32, #tpu.memory_space<hbm>> -> memref<128xi32, #tpu.memory_space<hbm>>
    %dma_wait3A_4034 = arith.constant 0 : i32
    %dma_wait3A_4035 = tpu.memref_slice %arg10[%dma_wait3A_4024, %dma_wait3A_4034] : memref<16x128xi32, #tpu.memory_space<vmem>> -> memref<1x128xi32, #tpu.memory_space<vmem>>
    %dma_wait3A_4036 = tpu.memref_squeeze %dma_wait3A_4035 : memref<1x128xi32, #tpu.memory_space<vmem>> -> memref<128xi32, #tpu.memory_space<vmem>>
    tpu.wait_dma2 semaphore(%arg11 : memref<!tpu.dma_semaphore, #tpu.memory_space<semaphore_mem>>) src(%dma_wait3A_4036 : memref<128xi32, #tpu.memory_space<vmem>>) dst(%dma_wait3A_4033 : memref<128xi32, #tpu.memory_space<hbm>>)
    %dma_wait3A_4037 = arith.constant 2 : i32
    %dma_wait3A_4038 = arith.constant 0 : i32
    %dma_wait3A_4039 = tpu.memref_slice %arg10[%dma_wait3A_4037, %dma_wait3A_4038] : memref<16x128xi32, #tpu.memory_space<vmem>> -> memref<1x128xi32, #tpu.memory_space<vmem>>
    %dma_wait3A_4040 = tpu.memref_squeeze %dma_wait3A_4039 : memref<1x128xi32, #tpu.memory_space<vmem>> -> memref<128xi32, #tpu.memory_space<vmem>>
    %dma_wait3A_4041 = arith.constant 0 : i32
    %dma_wait3A_4042 = tpu.memref_slice %arg6[%add3A_1384, %dma_wait3A_4041] : memref<512x128xi32, #tpu.memory_space<hbm>> -> memref<1x128xi32, #tpu.memory_space<hbm>>
    %dma_wait3A_4043 = tpu.memref_squeeze %dma_wait3A_4042 : memref<1x128xi32, #tpu.memory_space<hbm>> -> memref<128xi32, #tpu.memory_space<hbm>>
    %dma_wait3A_4044 = arith.constant 0 : i32
    %dma_wait3A_4045 = tpu.memref_slice %arg6[%add3A_1384, %dma_wait3A_4044] : memref<512x128xi32, #tpu.memory_space<hbm>> -> memref<1x128xi32, #tpu.memory_space<hbm>>
    %dma_wait3A_4046 = tpu.memref_squeeze %dma_wait3A_4045 : memref<1x128xi32, #tpu.memory_space<hbm>> -> memref<128xi32, #tpu.memory_space<hbm>>
    %dma_wait3A_4047 = arith.constant 0 : i32
    %dma_wait3A_4048 = tpu.memref_slice %arg10[%dma_wait3A_4037, %dma_wait3A_4047] : memref<16x128xi32, #tpu.memory_space<vmem>> -> memref<1x128xi32, #tpu.memory_space<vmem>>
    %dma_wait3A_4049 = tpu.memref_squeeze %dma_wait3A_4048 : memref<1x128xi32, #tpu.memory_space<vmem>> -> memref<128xi32, #tpu.memory_space<vmem>>
    tpu.wait_dma2 semaphore(%arg11 : memref<!tpu.dma_semaphore, #tpu.memory_space<semaphore_mem>>) src(%dma_wait3A_4049 : memref<128xi32, #tpu.memory_space<vmem>>) dst(%dma_wait3A_4046 : memref<128xi32, #tpu.memory_space<hbm>>)
    %dma_wait3A_4050 = arith.constant 3 : i32
    %dma_wait3A_4051 = arith.constant 0 : i32
    %dma_wait3A_4052 = tpu.memref_slice %arg10[%dma_wait3A_4050, %dma_wait3A_4051] : memref<16x128xi32, #tpu.memory_space<vmem>> -> memref<1x128xi32, #tpu.memory_space<vmem>>
    %dma_wait3A_4053 = tpu.memref_squeeze %dma_wait3A_4052 : memref<1x128xi32, #tpu.memory_space<vmem>> -> memref<128xi32, #tpu.memory_space<vmem>>
    %dma_wait3A_4054 = arith.constant 0 : i32
    %dma_wait3A_4055 = tpu.memref_slice %arg6[%add3A_1585, %dma_wait3A_4054] : memref<512x128xi32, #tpu.memory_space<hbm>> -> memref<1x128xi32, #tpu.memory_space<hbm>>
    %dma_wait3A_4056 = tpu.memref_squeeze %dma_wait3A_4055 : memref<1x128xi32, #tpu.memory_space<hbm>> -> memref<128xi32, #tpu.memory_space<hbm>>
    %dma_wait3A_4057 = arith.constant 0 : i32
    %dma_wait3A_4058 = tpu.memref_slice %arg6[%add3A_1585, %dma_wait3A_4057] : memref<512x128xi32, #tpu.memory_space<hbm>> -> memref<1x128xi32, #tpu.memory_space<hbm>>
    %dma_wait3A_4059 = tpu.memref_squeeze %dma_wait3A_4058 : memref<1x128xi32, #tpu.memory_space<hbm>> -> memref<128xi32, #tpu.memory_space<hbm>>
    %dma_wait3A_4060 = arith.constant 0 : i32
    %dma_wait3A_4061 = tpu.memref_slice %arg10[%dma_wait3A_4050, %dma_wait3A_4060] : memref<16x128xi32, #tpu.memory_space<vmem>> -> memref<1x128xi32, #tpu.memory_space<vmem>>
    %dma_wait3A_4062 = tpu.memref_squeeze %dma_wait3A_4061 : memref<1x128xi32, #tpu.memory_space<vmem>> -> memref<128xi32, #tpu.memory_space<vmem>>
    tpu.wait_dma2 semaphore(%arg11 : memref<!tpu.dma_semaphore, #tpu.memory_space<semaphore_mem>>) src(%dma_wait3A_4062 : memref<128xi32, #tpu.memory_space<vmem>>) dst(%dma_wait3A_4059 : memref<128xi32, #tpu.memory_space<hbm>>)
    %dma_wait3A_4063 = arith.constant 4 : i32
    %dma_wait3A_4064 = arith.constant 0 : i32
    %dma_wait3A_4065 = tpu.memref_slice %arg10[%dma_wait3A_4063, %dma_wait3A_4064] : memref<16x128xi32, #tpu.memory_space<vmem>> -> memref<1x128xi32, #tpu.memory_space<vmem>>
    %dma_wait3A_4066 = tpu.memref_squeeze %dma_wait3A_4065 : memref<1x128xi32, #tpu.memory_space<vmem>> -> memref<128xi32, #tpu.memory_space<vmem>>
    %dma_wait3A_4067 = arith.constant 0 : i32
    %dma_wait3A_4068 = tpu.memref_slice %arg6[%add3A_1786, %dma_wait3A_4067] : memref<512x128xi32, #tpu.memory_space<hbm>> -> memref<1x128xi32, #tpu.memory_space<hbm>>
    %dma_wait3A_4069 = tpu.memref_squeeze %dma_wait3A_4068 : memref<1x128xi32, #tpu.memory_space<hbm>> -> memref<128xi32, #tpu.memory_space<hbm>>
    %dma_wait3A_4070 = arith.constant 0 : i32
    %dma_wait3A_4071 = tpu.memref_slice %arg6[%add3A_1786, %dma_wait3A_4070] : memref<512x128xi32, #tpu.memory_space<hbm>> -> memref<1x128xi32, #tpu.memory_space<hbm>>
    %dma_wait3A_4072 = tpu.memref_squeeze %dma_wait3A_4071 : memref<1x128xi32, #tpu.memory_space<hbm>> -> memref<128xi32, #tpu.memory_space<hbm>>
    %dma_wait3A_4073 = arith.constant 0 : i32
    %dma_wait3A_4074 = tpu.memref_slice %arg10[%dma_wait3A_4063, %dma_wait3A_4073] : memref<16x128xi32, #tpu.memory_space<vmem>> -> memref<1x128xi32, #tpu.memory_space<vmem>>
    %dma_wait3A_4075 = tpu.memref_squeeze %dma_wait3A_4074 : memref<1x128xi32, #tpu.memory_space<vmem>> -> memref<128xi32, #tpu.memory_space<vmem>>
    tpu.wait_dma2 semaphore(%arg11 : memref<!tpu.dma_semaphore, #tpu.memory_space<semaphore_mem>>) src(%dma_wait3A_4075 : memref<128xi32, #tpu.memory_space<vmem>>) dst(%dma_wait3A_4072 : memref<128xi32, #tpu.memory_space<hbm>>)
    %dma_wait3A_4076 = arith.constant 5 : i32
    %dma_wait3A_4077 = arith.constant 0 : i32
    %dma_wait3A_4078 = tpu.memref_slice %arg10[%dma_wait3A_4076, %dma_wait3A_4077] : memref<16x128xi32, #tpu.memory_space<vmem>> -> memref<1x128xi32, #tpu.memory_space<vmem>>
    %dma_wait3A_4079 = tpu.memref_squeeze %dma_wait3A_4078 : memref<1x128xi32, #tpu.memory_space<vmem>> -> memref<128xi32, #tpu.memory_space<vmem>>
    %dma_wait3A_4080 = arith.constant 0 : i32
    %dma_wait3A_4081 = tpu.memref_slice %arg6[%add3A_1987, %dma_wait3A_4080] : memref<512x128xi32, #tpu.memory_space<hbm>> -> memref<1x128xi32, #tpu.memory_space<hbm>>
    %dma_wait3A_4082 = tpu.memref_squeeze %dma_wait3A_4081 : memref<1x128xi32, #tpu.memory_space<hbm>> -> memref<128xi32, #tpu.memory_space<hbm>>
    %dma_wait3A_4083 = arith.constant 0 : i32
    %dma_wait3A_4084 = tpu.memref_slice %arg6[%add3A_1987, %dma_wait3A_4083] : memref<512x128xi32, #tpu.memory_space<hbm>> -> memref<1x128xi32, #tpu.memory_space<hbm>>
    %dma_wait3A_4085 = tpu.memref_squeeze %dma_wait3A_4084 : memref<1x128xi32, #tpu.memory_space<hbm>> -> memref<128xi32, #tpu.memory_space<hbm>>
    %dma_wait3A_4086 = arith.constant 0 : i32
    %dma_wait3A_4087 = tpu.memref_slice %arg10[%dma_wait3A_4076, %dma_wait3A_4086] : memref<16x128xi32, #tpu.memory_space<vmem>> -> memref<1x128xi32, #tpu.memory_space<vmem>>
    %dma_wait3A_4088 = tpu.memref_squeeze %dma_wait3A_4087 : memref<1x128xi32, #tpu.memory_space<vmem>> -> memref<128xi32, #tpu.memory_space<vmem>>
    tpu.wait_dma2 semaphore(%arg11 : memref<!tpu.dma_semaphore, #tpu.memory_space<semaphore_mem>>) src(%dma_wait3A_4088 : memref<128xi32, #tpu.memory_space<vmem>>) dst(%dma_wait3A_4085 : memref<128xi32, #tpu.memory_space<hbm>>)
    %dma_wait3A_4089 = arith.constant 6 : i32
    %dma_wait3A_4090 = arith.constant 0 : i32
    %dma_wait3A_4091 = tpu.memref_slice %arg10[%dma_wait3A_4089, %dma_wait3A_4090] : memref<16x128xi32, #tpu.memory_space<vmem>> -> memref<1x128xi32, #tpu.memory_space<vmem>>
    %dma_wait3A_4092 = tpu.memref_squeeze %dma_wait3A_4091 : memref<1x128xi32, #tpu.memory_space<vmem>> -> memref<128xi32, #tpu.memory_space<vmem>>
    %dma_wait3A_4093 = arith.constant 0 : i32
    %dma_wait3A_4094 = tpu.memref_slice %arg6[%add3A_2188, %dma_wait3A_4093] : memref<512x128xi32, #tpu.memory_space<hbm>> -> memref<1x128xi32, #tpu.memory_space<hbm>>
    %dma_wait3A_4095 = tpu.memref_squeeze %dma_wait3A_4094 : memref<1x128xi32, #tpu.memory_space<hbm>> -> memref<128xi32, #tpu.memory_space<hbm>>
    %dma_wait3A_4096 = arith.constant 0 : i32
    %dma_wait3A_4097 = tpu.memref_slice %arg6[%add3A_2188, %dma_wait3A_4096] : memref<512x128xi32, #tpu.memory_space<hbm>> -> memref<1x128xi32, #tpu.memory_space<hbm>>
    %dma_wait3A_4098 = tpu.memref_squeeze %dma_wait3A_4097 : memref<1x128xi32, #tpu.memory_space<hbm>> -> memref<128xi32, #tpu.memory_space<hbm>>
    %dma_wait3A_4099 = arith.constant 0 : i32
    %dma_wait3A_4100 = tpu.memref_slice %arg10[%dma_wait3A_4089, %dma_wait3A_4099] : memref<16x128xi32, #tpu.memory_space<vmem>> -> memref<1x128xi32, #tpu.memory_space<vmem>>
    %dma_wait3A_4101 = tpu.memref_squeeze %dma_wait3A_4100 : memref<1x128xi32, #tpu.memory_space<vmem>> -> memref<128xi32, #tpu.memory_space<vmem>>
    tpu.wait_dma2 semaphore(%arg11 : memref<!tpu.dma_semaphore, #tpu.memory_space<semaphore_mem>>) src(%dma_wait3A_4101 : memref<128xi32, #tpu.memory_space<vmem>>) dst(%dma_wait3A_4098 : memref<128xi32, #tpu.memory_space<hbm>>)
    %dma_wait3A_4102 = arith.constant 7 : i32
    %dma_wait3A_4103 = arith.constant 0 : i32
    %dma_wait3A_4104 = tpu.memref_slice %arg10[%dma_wait3A_4102, %dma_wait3A_4103] : memref<16x128xi32, #tpu.memory_space<vmem>> -> memref<1x128xi32, #tpu.memory_space<vmem>>
    %dma_wait3A_4105 = tpu.memref_squeeze %dma_wait3A_4104 : memref<1x128xi32, #tpu.memory_space<vmem>> -> memref<128xi32, #tpu.memory_space<vmem>>
    %dma_wait3A_4106 = arith.constant 0 : i32
    %dma_wait3A_4107 = tpu.memref_slice %arg6[%add3A_2389, %dma_wait3A_4106] : memref<512x128xi32, #tpu.memory_space<hbm>> -> memref<1x128xi32, #tpu.memory_space<hbm>>
    %dma_wait3A_4108 = tpu.memref_squeeze %dma_wait3A_4107 : memref<1x128xi32, #tpu.memory_space<hbm>> -> memref<128xi32, #tpu.memory_space<hbm>>
    %dma_wait3A_4109 = arith.constant 0 : i32
    %dma_wait3A_4110 = tpu.memref_slice %arg6[%add3A_2389, %dma_wait3A_4109] : memref<512x128xi32, #tpu.memory_space<hbm>> -> memref<1x128xi32, #tpu.memory_space<hbm>>
    %dma_wait3A_4111 = tpu.memref_squeeze %dma_wait3A_4110 : memref<1x128xi32, #tpu.memory_space<hbm>> -> memref<128xi32, #tpu.memory_space<hbm>>
    %dma_wait3A_4112 = arith.constant 0 : i32
    %dma_wait3A_4113 = tpu.memref_slice %arg10[%dma_wait3A_4102, %dma_wait3A_4112] : memref<16x128xi32, #tpu.memory_space<vmem>> -> memref<1x128xi32, #tpu.memory_space<vmem>>
    %dma_wait3A_4114 = tpu.memref_squeeze %dma_wait3A_4113 : memref<1x128xi32, #tpu.memory_space<vmem>> -> memref<128xi32, #tpu.memory_space<vmem>>
    tpu.wait_dma2 semaphore(%arg11 : memref<!tpu.dma_semaphore, #tpu.memory_space<semaphore_mem>>) src(%dma_wait3A_4114 : memref<128xi32, #tpu.memory_space<vmem>>) dst(%dma_wait3A_4111 : memref<128xi32, #tpu.memory_space<hbm>>)
    %dma_wait3A_4115 = arith.constant 8 : i32
    %dma_wait3A_4116 = arith.constant 0 : i32
    %dma_wait3A_4117 = tpu.memref_slice %arg10[%dma_wait3A_4115, %dma_wait3A_4116] : memref<16x128xi32, #tpu.memory_space<vmem>> -> memref<1x128xi32, #tpu.memory_space<vmem>>
    %dma_wait3A_4118 = tpu.memref_squeeze %dma_wait3A_4117 : memref<1x128xi32, #tpu.memory_space<vmem>> -> memref<128xi32, #tpu.memory_space<vmem>>
    %dma_wait3A_4119 = arith.constant 0 : i32
    %dma_wait3A_4120 = tpu.memref_slice %arg6[%add3A_2590, %dma_wait3A_4119] : memref<512x128xi32, #tpu.memory_space<hbm>> -> memref<1x128xi32, #tpu.memory_space<hbm>>
    %dma_wait3A_4121 = tpu.memref_squeeze %dma_wait3A_4120 : memref<1x128xi32, #tpu.memory_space<hbm>> -> memref<128xi32, #tpu.memory_space<hbm>>
    %dma_wait3A_4122 = arith.constant 0 : i32
    %dma_wait3A_4123 = tpu.memref_slice %arg6[%add3A_2590, %dma_wait3A_4122] : memref<512x128xi32, #tpu.memory_space<hbm>> -> memref<1x128xi32, #tpu.memory_space<hbm>>
    %dma_wait3A_4124 = tpu.memref_squeeze %dma_wait3A_4123 : memref<1x128xi32, #tpu.memory_space<hbm>> -> memref<128xi32, #tpu.memory_space<hbm>>
    %dma_wait3A_4125 = arith.constant 0 : i32
    %dma_wait3A_4126 = tpu.memref_slice %arg10[%dma_wait3A_4115, %dma_wait3A_4125] : memref<16x128xi32, #tpu.memory_space<vmem>> -> memref<1x128xi32, #tpu.memory_space<vmem>>
    %dma_wait3A_4127 = tpu.memref_squeeze %dma_wait3A_4126 : memref<1x128xi32, #tpu.memory_space<vmem>> -> memref<128xi32, #tpu.memory_space<vmem>>
    tpu.wait_dma2 semaphore(%arg11 : memref<!tpu.dma_semaphore, #tpu.memory_space<semaphore_mem>>) src(%dma_wait3A_4127 : memref<128xi32, #tpu.memory_space<vmem>>) dst(%dma_wait3A_4124 : memref<128xi32, #tpu.memory_space<hbm>>)
    %dma_wait3A_4128 = arith.constant 9 : i32
    %dma_wait3A_4129 = arith.constant 0 : i32
    %dma_wait3A_4130 = tpu.memref_slice %arg10[%dma_wait3A_4128, %dma_wait3A_4129] : memref<16x128xi32, #tpu.memory_space<vmem>> -> memref<1x128xi32, #tpu.memory_space<vmem>>
    %dma_wait3A_4131 = tpu.memref_squeeze %dma_wait3A_4130 : memref<1x128xi32, #tpu.memory_space<vmem>> -> memref<128xi32, #tpu.memory_space<vmem>>
    %dma_wait3A_4132 = arith.constant 0 : i32
    %dma_wait3A_4133 = tpu.memref_slice %arg6[%add3A_2791, %dma_wait3A_4132] : memref<512x128xi32, #tpu.memory_space<hbm>> -> memref<1x128xi32, #tpu.memory_space<hbm>>
    %dma_wait3A_4134 = tpu.memref_squeeze %dma_wait3A_4133 : memref<1x128xi32, #tpu.memory_space<hbm>> -> memref<128xi32, #tpu.memory_space<hbm>>
    %dma_wait3A_4135 = arith.constant 0 : i32
    %dma_wait3A_4136 = tpu.memref_slice %arg6[%add3A_2791, %dma_wait3A_4135] : memref<512x128xi32, #tpu.memory_space<hbm>> -> memref<1x128xi32, #tpu.memory_space<hbm>>
    %dma_wait3A_4137 = tpu.memref_squeeze %dma_wait3A_4136 : memref<1x128xi32, #tpu.memory_space<hbm>> -> memref<128xi32, #tpu.memory_space<hbm>>
    %dma_wait3A_4138 = arith.constant 0 : i32
    %dma_wait3A_4139 = tpu.memref_slice %arg10[%dma_wait3A_4128, %dma_wait3A_4138] : memref<16x128xi32, #tpu.memory_space<vmem>> -> memref<1x128xi32, #tpu.memory_space<vmem>>
    %dma_wait3A_4140 = tpu.memref_squeeze %dma_wait3A_4139 : memref<1x128xi32, #tpu.memory_space<vmem>> -> memref<128xi32, #tpu.memory_space<vmem>>
    tpu.wait_dma2 semaphore(%arg11 : memref<!tpu.dma_semaphore, #tpu.memory_space<semaphore_mem>>) src(%dma_wait3A_4140 : memref<128xi32, #tpu.memory_space<vmem>>) dst(%dma_wait3A_4137 : memref<128xi32, #tpu.memory_space<hbm>>)
    %dma_wait3A_4141 = arith.constant 10 : i32
    %dma_wait3A_4142 = arith.constant 0 : i32
    %dma_wait3A_4143 = tpu.memref_slice %arg10[%dma_wait3A_4141, %dma_wait3A_4142] : memref<16x128xi32, #tpu.memory_space<vmem>> -> memref<1x128xi32, #tpu.memory_space<vmem>>
    %dma_wait3A_4144 = tpu.memref_squeeze %dma_wait3A_4143 : memref<1x128xi32, #tpu.memory_space<vmem>> -> memref<128xi32, #tpu.memory_space<vmem>>
    %dma_wait3A_4145 = arith.constant 0 : i32
    %dma_wait3A_4146 = tpu.memref_slice %arg6[%add3A_2992, %dma_wait3A_4145] : memref<512x128xi32, #tpu.memory_space<hbm>> -> memref<1x128xi32, #tpu.memory_space<hbm>>
    %dma_wait3A_4147 = tpu.memref_squeeze %dma_wait3A_4146 : memref<1x128xi32, #tpu.memory_space<hbm>> -> memref<128xi32, #tpu.memory_space<hbm>>
    %dma_wait3A_4148 = arith.constant 0 : i32
    %dma_wait3A_4149 = tpu.memref_slice %arg6[%add3A_2992, %dma_wait3A_4148] : memref<512x128xi32, #tpu.memory_space<hbm>> -> memref<1x128xi32, #tpu.memory_space<hbm>>
    %dma_wait3A_4150 = tpu.memref_squeeze %dma_wait3A_4149 : memref<1x128xi32, #tpu.memory_space<hbm>> -> memref<128xi32, #tpu.memory_space<hbm>>
    %dma_wait3A_4151 = arith.constant 0 : i32
    %dma_wait3A_4152 = tpu.memref_slice %arg10[%dma_wait3A_4141, %dma_wait3A_4151] : memref<16x128xi32, #tpu.memory_space<vmem>> -> memref<1x128xi32, #tpu.memory_space<vmem>>
    %dma_wait3A_4153 = tpu.memref_squeeze %dma_wait3A_4152 : memref<1x128xi32, #tpu.memory_space<vmem>> -> memref<128xi32, #tpu.memory_space<vmem>>
    tpu.wait_dma2 semaphore(%arg11 : memref<!tpu.dma_semaphore, #tpu.memory_space<semaphore_mem>>) src(%dma_wait3A_4153 : memref<128xi32, #tpu.memory_space<vmem>>) dst(%dma_wait3A_4150 : memref<128xi32, #tpu.memory_space<hbm>>)
    %dma_wait3A_4154 = arith.constant 11 : i32
    %dma_wait3A_4155 = arith.constant 0 : i32
    %dma_wait3A_4156 = tpu.memref_slice %arg10[%dma_wait3A_4154, %dma_wait3A_4155] : memref<16x128xi32, #tpu.memory_space<vmem>> -> memref<1x128xi32, #tpu.memory_space<vmem>>
    %dma_wait3A_4157 = tpu.memref_squeeze %dma_wait3A_4156 : memref<1x128xi32, #tpu.memory_space<vmem>> -> memref<128xi32, #tpu.memory_space<vmem>>
    %dma_wait3A_4158 = arith.constant 0 : i32
    %dma_wait3A_4159 = tpu.memref_slice %arg6[%add3A_3193, %dma_wait3A_4158] : memref<512x128xi32, #tpu.memory_space<hbm>> -> memref<1x128xi32, #tpu.memory_space<hbm>>
    %dma_wait3A_4160 = tpu.memref_squeeze %dma_wait3A_4159 : memref<1x128xi32, #tpu.memory_space<hbm>> -> memref<128xi32, #tpu.memory_space<hbm>>
    %dma_wait3A_4161 = arith.constant 0 : i32
    %dma_wait3A_4162 = tpu.memref_slice %arg6[%add3A_3193, %dma_wait3A_4161] : memref<512x128xi32, #tpu.memory_space<hbm>> -> memref<1x128xi32, #tpu.memory_space<hbm>>
    %dma_wait3A_4163 = tpu.memref_squeeze %dma_wait3A_4162 : memref<1x128xi32, #tpu.memory_space<hbm>> -> memref<128xi32, #tpu.memory_space<hbm>>
    %dma_wait3A_4164 = arith.constant 0 : i32
    %dma_wait3A_4165 = tpu.memref_slice %arg10[%dma_wait3A_4154, %dma_wait3A_4164] : memref<16x128xi32, #tpu.memory_space<vmem>> -> memref<1x128xi32, #tpu.memory_space<vmem>>
    %dma_wait3A_4166 = tpu.memref_squeeze %dma_wait3A_4165 : memref<1x128xi32, #tpu.memory_space<vmem>> -> memref<128xi32, #tpu.memory_space<vmem>>
    tpu.wait_dma2 semaphore(%arg11 : memref<!tpu.dma_semaphore, #tpu.memory_space<semaphore_mem>>) src(%dma_wait3A_4166 : memref<128xi32, #tpu.memory_space<vmem>>) dst(%dma_wait3A_4163 : memref<128xi32, #tpu.memory_space<hbm>>)
    %dma_wait3A_4167 = arith.constant 12 : i32
    %dma_wait3A_4168 = arith.constant 0 : i32
    %dma_wait3A_4169 = tpu.memref_slice %arg10[%dma_wait3A_4167, %dma_wait3A_4168] : memref<16x128xi32, #tpu.memory_space<vmem>> -> memref<1x128xi32, #tpu.memory_space<vmem>>
    %dma_wait3A_4170 = tpu.memref_squeeze %dma_wait3A_4169 : memref<1x128xi32, #tpu.memory_space<vmem>> -> memref<128xi32, #tpu.memory_space<vmem>>
    %dma_wait3A_4171 = arith.constant 0 : i32
    %dma_wait3A_4172 = tpu.memref_slice %arg6[%add3A_3394, %dma_wait3A_4171] : memref<512x128xi32, #tpu.memory_space<hbm>> -> memref<1x128xi32, #tpu.memory_space<hbm>>
    %dma_wait3A_4173 = tpu.memref_squeeze %dma_wait3A_4172 : memref<1x128xi32, #tpu.memory_space<hbm>> -> memref<128xi32, #tpu.memory_space<hbm>>
    %dma_wait3A_4174 = arith.constant 0 : i32
    %dma_wait3A_4175 = tpu.memref_slice %arg6[%add3A_3394, %dma_wait3A_4174] : memref<512x128xi32, #tpu.memory_space<hbm>> -> memref<1x128xi32, #tpu.memory_space<hbm>>
    %dma_wait3A_4176 = tpu.memref_squeeze %dma_wait3A_4175 : memref<1x128xi32, #tpu.memory_space<hbm>> -> memref<128xi32, #tpu.memory_space<hbm>>
    %dma_wait3A_4177 = arith.constant 0 : i32
    %dma_wait3A_4178 = tpu.memref_slice %arg10[%dma_wait3A_4167, %dma_wait3A_4177] : memref<16x128xi32, #tpu.memory_space<vmem>> -> memref<1x128xi32, #tpu.memory_space<vmem>>
    %dma_wait3A_4179 = tpu.memref_squeeze %dma_wait3A_4178 : memref<1x128xi32, #tpu.memory_space<vmem>> -> memref<128xi32, #tpu.memory_space<vmem>>
    tpu.wait_dma2 semaphore(%arg11 : memref<!tpu.dma_semaphore, #tpu.memory_space<semaphore_mem>>) src(%dma_wait3A_4179 : memref<128xi32, #tpu.memory_space<vmem>>) dst(%dma_wait3A_4176 : memref<128xi32, #tpu.memory_space<hbm>>)
    %dma_wait3A_4180 = arith.constant 13 : i32
    %dma_wait3A_4181 = arith.constant 0 : i32
    %dma_wait3A_4182 = tpu.memref_slice %arg10[%dma_wait3A_4180, %dma_wait3A_4181] : memref<16x128xi32, #tpu.memory_space<vmem>> -> memref<1x128xi32, #tpu.memory_space<vmem>>
    %dma_wait3A_4183 = tpu.memref_squeeze %dma_wait3A_4182 : memref<1x128xi32, #tpu.memory_space<vmem>> -> memref<128xi32, #tpu.memory_space<vmem>>
    %dma_wait3A_4184 = arith.constant 0 : i32
    %dma_wait3A_4185 = tpu.memref_slice %arg6[%add3A_3595, %dma_wait3A_4184] : memref<512x128xi32, #tpu.memory_space<hbm>> -> memref<1x128xi32, #tpu.memory_space<hbm>>
    %dma_wait3A_4186 = tpu.memref_squeeze %dma_wait3A_4185 : memref<1x128xi32, #tpu.memory_space<hbm>> -> memref<128xi32, #tpu.memory_space<hbm>>
    %dma_wait3A_4187 = arith.constant 0 : i32
    %dma_wait3A_4188 = tpu.memref_slice %arg6[%add3A_3595, %dma_wait3A_4187] : memref<512x128xi32, #tpu.memory_space<hbm>> -> memref<1x128xi32, #tpu.memory_space<hbm>>
    %dma_wait3A_4189 = tpu.memref_squeeze %dma_wait3A_4188 : memref<1x128xi32, #tpu.memory_space<hbm>> -> memref<128xi32, #tpu.memory_space<hbm>>
    %dma_wait3A_4190 = arith.constant 0 : i32
    %dma_wait3A_4191 = tpu.memref_slice %arg10[%dma_wait3A_4180, %dma_wait3A_4190] : memref<16x128xi32, #tpu.memory_space<vmem>> -> memref<1x128xi32, #tpu.memory_space<vmem>>
    %dma_wait3A_4192 = tpu.memref_squeeze %dma_wait3A_4191 : memref<1x128xi32, #tpu.memory_space<vmem>> -> memref<128xi32, #tpu.memory_space<vmem>>
    tpu.wait_dma2 semaphore(%arg11 : memref<!tpu.dma_semaphore, #tpu.memory_space<semaphore_mem>>) src(%dma_wait3A_4192 : memref<128xi32, #tpu.memory_space<vmem>>) dst(%dma_wait3A_4189 : memref<128xi32, #tpu.memory_space<hbm>>)
    %dma_wait3A_4193 = arith.constant 14 : i32
    %dma_wait3A_4194 = arith.constant 0 : i32
    %dma_wait3A_4195 = tpu.memref_slice %arg10[%dma_wait3A_4193, %dma_wait3A_4194] : memref<16x128xi32, #tpu.memory_space<vmem>> -> memref<1x128xi32, #tpu.memory_space<vmem>>
    %dma_wait3A_4196 = tpu.memref_squeeze %dma_wait3A_4195 : memref<1x128xi32, #tpu.memory_space<vmem>> -> memref<128xi32, #tpu.memory_space<vmem>>
    %dma_wait3A_4197 = arith.constant 0 : i32
    %dma_wait3A_4198 = tpu.memref_slice %arg6[%add3A_3796, %dma_wait3A_4197] : memref<512x128xi32, #tpu.memory_space<hbm>> -> memref<1x128xi32, #tpu.memory_space<hbm>>
    %dma_wait3A_4199 = tpu.memref_squeeze %dma_wait3A_4198 : memref<1x128xi32, #tpu.memory_space<hbm>> -> memref<128xi32, #tpu.memory_space<hbm>>
    %dma_wait3A_4200 = arith.constant 0 : i32
    %dma_wait3A_4201 = tpu.memref_slice %arg6[%add3A_3796, %dma_wait3A_4200] : memref<512x128xi32, #tpu.memory_space<hbm>> -> memref<1x128xi32, #tpu.memory_space<hbm>>
    %dma_wait3A_4202 = tpu.memref_squeeze %dma_wait3A_4201 : memref<1x128xi32, #tpu.memory_space<hbm>> -> memref<128xi32, #tpu.memory_space<hbm>>
    %dma_wait3A_4203 = arith.constant 0 : i32
    %dma_wait3A_4204 = tpu.memref_slice %arg10[%dma_wait3A_4193, %dma_wait3A_4203] : memref<16x128xi32, #tpu.memory_space<vmem>> -> memref<1x128xi32, #tpu.memory_space<vmem>>
    %dma_wait3A_4205 = tpu.memref_squeeze %dma_wait3A_4204 : memref<1x128xi32, #tpu.memory_space<vmem>> -> memref<128xi32, #tpu.memory_space<vmem>>
    tpu.wait_dma2 semaphore(%arg11 : memref<!tpu.dma_semaphore, #tpu.memory_space<semaphore_mem>>) src(%dma_wait3A_4205 : memref<128xi32, #tpu.memory_space<vmem>>) dst(%dma_wait3A_4202 : memref<128xi32, #tpu.memory_space<hbm>>)
    %dma_wait3A_4206 = arith.constant 15 : i32
    %dma_wait3A_4207 = arith.constant 0 : i32
    %dma_wait3A_4208 = tpu.memref_slice %arg10[%dma_wait3A_4206, %dma_wait3A_4207] : memref<16x128xi32, #tpu.memory_space<vmem>> -> memref<1x128xi32, #tpu.memory_space<vmem>>
    %dma_wait3A_4209 = tpu.memref_squeeze %dma_wait3A_4208 : memref<1x128xi32, #tpu.memory_space<vmem>> -> memref<128xi32, #tpu.memory_space<vmem>>
    %dma_wait3A_4210 = arith.constant 0 : i32
    %dma_wait3A_4211 = tpu.memref_slice %arg6[%add3A_3997, %dma_wait3A_4210] : memref<512x128xi32, #tpu.memory_space<hbm>> -> memref<1x128xi32, #tpu.memory_space<hbm>>
    %dma_wait3A_4212 = tpu.memref_squeeze %dma_wait3A_4211 : memref<1x128xi32, #tpu.memory_space<hbm>> -> memref<128xi32, #tpu.memory_space<hbm>>
    %dma_wait3A_4213 = arith.constant 0 : i32
    %dma_wait3A_4214 = tpu.memref_slice %arg6[%add3A_3997, %dma_wait3A_4213] : memref<512x128xi32, #tpu.memory_space<hbm>> -> memref<1x128xi32, #tpu.memory_space<hbm>>
    %dma_wait3A_4215 = tpu.memref_squeeze %dma_wait3A_4214 : memref<1x128xi32, #tpu.memory_space<hbm>> -> memref<128xi32, #tpu.memory_space<hbm>>
    %dma_wait3A_4216 = arith.constant 0 : i32
    %dma_wait3A_4217 = tpu.memref_slice %arg10[%dma_wait3A_4206, %dma_wait3A_4216] : memref<16x128xi32, #tpu.memory_space<vmem>> -> memref<1x128xi32, #tpu.memory_space<vmem>>
    %dma_wait3A_4218 = tpu.memref_squeeze %dma_wait3A_4217 : memref<1x128xi32, #tpu.memory_space<vmem>> -> memref<128xi32, #tpu.memory_space<vmem>>
    tpu.wait_dma2 semaphore(%arg11 : memref<!tpu.dma_semaphore, #tpu.memory_space<semaphore_mem>>) src(%dma_wait3A_4218 : memref<128xi32, #tpu.memory_space<vmem>>) dst(%dma_wait3A_4215 : memref<128xi32, #tpu.memory_space<hbm>>)
    return
  }
}

module attributes {stable_mosaic.version = 14 : i64} {
  func.func @_main_body(%arg0: i32, %arg1: memref<1024x512xf32, #tpu.memory_space<vmem>>, %arg2: memref<1024x512xf32, #tpu.memory_space<vmem>>, %arg3: memref<512x512xf32, #tpu.memory_space<vmem>>, %arg4: memref<512x512xf32, #tpu.memory_space<vmem>>, %arg5: memref<512x4096xf32, #tpu.memory_space<vmem>>, %arg6: memref<1024x4096xf32, #tpu.memory_space<vmem>>, %arg7: memref<512x1024xf32, #tpu.memory_space<vmem>>, %arg8: memref<512x1024xf32, #tpu.memory_space<vmem>>, %arg9: memref<512x512xf32, #tpu.memory_space<vmem>>, %arg10: memref<512x16xi32, #tpu.memory_space<vmem>>, %arg11: memref<1024x512xf32, #tpu.memory_space<vmem>>, %arg12: memref<1024x512xf32, #tpu.memory_space<vmem>>) attributes {dimension_semantics = [#tpu.dimension_semantics<arbitrary>], iteration_bounds = array<i64: 8>, scalar_prefetch = 0 : i64, scratch_operands = 2 : i64, tpu.core_type = #tpu.core_type<tc>, window_params = [{pipeline_mode = #tpu.pipeline_mode<synchronous>, transform_indices = @transform_0, window_bounds = array<i64: 1024, 512>}, {pipeline_mode = #tpu.pipeline_mode<synchronous>, transform_indices = @transform_1, window_bounds = array<i64: 1024, 512>}, {pipeline_mode = #tpu.pipeline_mode<synchronous>, transform_indices = @transform_2, window_bounds = array<i64: 512, 512>}, {pipeline_mode = #tpu.pipeline_mode<synchronous>, transform_indices = @transform_3, window_bounds = array<i64: 512, 512>}, {transform_indices = @transform_4, window_bounds = array<i64: 512, 4096>}, {pipeline_mode = #tpu.pipeline_mode<synchronous>, transform_indices = @transform_5, window_bounds = array<i64: 1024, 4096>}, {transform_indices = @transform_6, window_bounds = array<i64: 512, 1024>}, {transform_indices = @transform_7, window_bounds = array<i64: 512, 1024>}, {transform_indices = @transform_8, window_bounds = array<i64: 512, 512>}, {transform_indices = @transform_9, window_bounds = array<i64: 512, 16>}]} {
    %eq3A = arith.constant 0 : i32
    %eq3A_0 = arith.cmpi eq, %arg0, %eq3A : i32
    %convert_element_type3A = arith.extui %eq3A_0 : i1 to i32
    %cond3A = arith.constant 0 : i32
    %cond3A_1 = arith.cmpi ne, %convert_element_type3A, %cond3A : i32
    scf.if %cond3A_1 {
      %get3A_156 = arith.constant 0 : index
      %get3A_157 = arith.constant 0 : index
      %get3A_158 = vector.load %arg1[%get3A_156, %get3A_157] : memref<1024x512xf32, #tpu.memory_space<vmem>>, vector<1024x512xf32>
      %get3A_159 = arith.constant 0 : index
      %get3A_160 = arith.constant 0 : index
      %get3A_161 = vector.load %arg3[%get3A_159, %get3A_160] : memref<512x512xf32, #tpu.memory_space<vmem>>, vector<512x512xf32>
      %dot_general3A_162 = arith.constant dense<0.000000e+00> : vector<1024x512xf32>
      %dot_general3A_163 = tpu.matmul %get3A_158, %get3A_161, %dot_general3A_162 {dimension_numbers = #tpu.dot_dimension_numbers<[1], [1], [0], [0], [0, 0, 1, 0], [], []>, transpose_lhs_hint = false} : vector<1024x512xf32>, vector<512x512xf32>, vector<1024x512xf32> -> vector<1024x512xf32>
      %mul3A_164 = arith.mulf %dot_general3A_163, %dot_general3A_163 : vector<1024x512xf32>
      %reduce_sum3A_165 = arith.constant dense<0.000000e+00> : vector<1024xf32>
      %reduce_sum3A_166 = vector.multi_reduction <add>, %mul3A_164, %reduce_sum3A_165 [1] : vector<1024x512xf32> to vector<1024xf32>
      %broadcast_in_dim3A_167 = vector.shape_cast %reduce_sum3A_166 : vector<1024xf32> to vector<1024x1xf32>
      %sqrt3A_168 = math.sqrt %broadcast_in_dim3A_167 : vector<1024x1xf32>
      %max3A_169 = arith.constant 9.99999996E-13 : f32
      %max3A_170 = vector.broadcast %max3A_169 : f32 to vector<1024x1xf32>
      %max3A_171 = arith.maximumf %sqrt3A_168, %max3A_170 : vector<1024x1xf32>
      %div3A_172 = vector.broadcast %max3A_171 : vector<1024x1xf32> to vector<1024x512xf32>
      %div3A_173 = arith.divf %dot_general3A_163, %div3A_172 : vector<1024x512xf32>
      %swap3A_174 = arith.constant 0 : index
      %swap3A_175 = arith.constant 0 : index
      %swap3A_176 = vector.load %arg11[%swap3A_174, %swap3A_175] : memref<1024x512xf32, #tpu.memory_space<vmem>>, vector<1024x512xf32>
      tpu.vector_store %arg11[%swap3A_174, %swap3A_175], %div3A_173 {strides = array<i32>} : memref<1024x512xf32, #tpu.memory_space<vmem>>, vector<1024x512xf32>,
      %get3A_177 = arith.constant 0 : index
      %get3A_178 = arith.constant 0 : index
      %get3A_179 = vector.load %arg2[%get3A_177, %get3A_178] : memref<1024x512xf32, #tpu.memory_space<vmem>>, vector<1024x512xf32>
      %get3A_180 = arith.constant 0 : index
      %get3A_181 = arith.constant 0 : index
      %get3A_182 = vector.load %arg4[%get3A_180, %get3A_181] : memref<512x512xf32, #tpu.memory_space<vmem>>, vector<512x512xf32>
      %dot_general3A_183 = arith.constant dense<0.000000e+00> : vector<1024x512xf32>
      %dot_general3A_184 = tpu.matmul %get3A_179, %get3A_182, %dot_general3A_183 {dimension_numbers = #tpu.dot_dimension_numbers<[1], [1], [0], [0], [0, 0, 1, 0], [], []>, transpose_lhs_hint = false} : vector<1024x512xf32>, vector<512x512xf32>, vector<1024x512xf32> -> vector<1024x512xf32>
      %mul3A_185 = arith.mulf %dot_general3A_184, %dot_general3A_184 : vector<1024x512xf32>
      %reduce_sum3A_186 = arith.constant dense<0.000000e+00> : vector<1024xf32>
      %reduce_sum3A_187 = vector.multi_reduction <add>, %mul3A_185, %reduce_sum3A_186 [1] : vector<1024x512xf32> to vector<1024xf32>
      %broadcast_in_dim3A_188 = vector.shape_cast %reduce_sum3A_187 : vector<1024xf32> to vector<1024x1xf32>
      %sqrt3A_189 = math.sqrt %broadcast_in_dim3A_188 : vector<1024x1xf32>
      %max3A_190 = arith.constant 9.99999996E-13 : f32
      %max3A_191 = vector.broadcast %max3A_190 : f32 to vector<1024x1xf32>
      %max3A_192 = arith.maximumf %sqrt3A_189, %max3A_191 : vector<1024x1xf32>
      %div3A_193 = vector.broadcast %max3A_192 : vector<1024x1xf32> to vector<1024x512xf32>
      %div3A_194 = arith.divf %dot_general3A_184, %div3A_193 : vector<1024x512xf32>
      %swap3A_195 = arith.constant 0 : index
      %swap3A_196 = arith.constant 0 : index
      %swap3A_197 = vector.load %arg12[%swap3A_195, %swap3A_196] : memref<1024x512xf32, #tpu.memory_space<vmem>>, vector<1024x512xf32>
      tpu.vector_store %arg12[%swap3A_195, %swap3A_196], %div3A_194 {strides = array<i32>} : memref<1024x512xf32, #tpu.memory_space<vmem>>, vector<1024x512xf32>,
    } else {
    }
    %get3A = arith.constant 0 : index
    %get3A_2 = arith.constant 0 : index
    %get3A_3 = vector.load %arg5[%get3A, %get3A_2] : memref<512x4096xf32, #tpu.memory_space<vmem>>, vector<512x4096xf32>
    %get3A_4 = arith.constant 0 : index
    %get3A_5 = arith.constant 0 : index
    %get3A_6 = vector.load %arg6[%get3A_4, %get3A_5] : memref<1024x4096xf32, #tpu.memory_space<vmem>>, vector<1024x4096xf32>
    %dot_general3A = arith.constant dense<0.000000e+00> : vector<512x1024xf32>
    %dot_general3A_7 = tpu.matmul %get3A_3, %get3A_6, %dot_general3A {dimension_numbers = #tpu.dot_dimension_numbers<[1], [1], [0], [0], [0, 0, 1, 0], [], []>, transpose_lhs_hint = false} : vector<512x4096xf32>, vector<1024x4096xf32>, vector<512x1024xf32> -> vector<512x1024xf32>
    %slice3A = vector.extract_strided_slice %dot_general3A_7 {offsets = [0, 0], sizes = [512, 512], strides = [1, 1]} : vector<512x1024xf32> to vector<512x512xf32>
    %mul3A = arith.mulf %slice3A, %slice3A : vector<512x512xf32>
    %reduce_sum3A = arith.constant dense<0.000000e+00> : vector<512xf32>
    %reduce_sum3A_8 = vector.multi_reduction <add>, %mul3A, %reduce_sum3A [1] : vector<512x512xf32> to vector<512xf32>
    %broadcast_in_dim3A = vector.shape_cast %reduce_sum3A_8 : vector<512xf32> to vector<512x1xf32>
    %sqrt3A = math.sqrt %broadcast_in_dim3A : vector<512x1xf32>
    %max3A = arith.constant 9.99999996E-13 : f32
    %max3A_9 = vector.broadcast %max3A : f32 to vector<512x1xf32>
    %max3A_10 = arith.maximumf %sqrt3A, %max3A_9 : vector<512x1xf32>
    %div3A = vector.broadcast %max3A_10 : vector<512x1xf32> to vector<512x512xf32>
    %div3A_11 = arith.divf %slice3A, %div3A : vector<512x512xf32>
    %slice3A_12 = vector.extract_strided_slice %dot_general3A_7 {offsets = [0, 512], sizes = [512, 512], strides = [1, 1]} : vector<512x1024xf32> to vector<512x512xf32>
    %mul3A_13 = arith.mulf %slice3A_12, %slice3A_12 : vector<512x512xf32>
    %reduce_sum3A_14 = arith.constant dense<0.000000e+00> : vector<512xf32>
    %reduce_sum3A_15 = vector.multi_reduction <add>, %mul3A_13, %reduce_sum3A_14 [1] : vector<512x512xf32> to vector<512xf32>
    %broadcast_in_dim3A_16 = vector.shape_cast %reduce_sum3A_15 : vector<512xf32> to vector<512x1xf32>
    %sqrt3A_17 = math.sqrt %broadcast_in_dim3A_16 : vector<512x1xf32>
    %max3A_18 = arith.constant 9.99999996E-13 : f32
    %max3A_19 = vector.broadcast %max3A_18 : f32 to vector<512x1xf32>
    %max3A_20 = arith.maximumf %sqrt3A_17, %max3A_19 : vector<512x1xf32>
    %div3A_21 = vector.broadcast %max3A_20 : vector<512x1xf32> to vector<512x512xf32>
    %div3A_22 = arith.divf %slice3A_12, %div3A_21 : vector<512x512xf32>
    %get3A_23 = arith.constant 0 : index
    %get3A_24 = arith.constant 0 : index
    %get3A_25 = vector.load %arg11[%get3A_23, %get3A_24] : memref<1024x512xf32, #tpu.memory_space<vmem>>, vector<1024x512xf32>
    %dot_general3A_26 = arith.constant dense<0.000000e+00> : vector<512x1024xf32>
    %dot_general3A_27 = tpu.matmul %div3A_11, %get3A_25, %dot_general3A_26 {dimension_numbers = #tpu.dot_dimension_numbers<[1], [1], [0], [0], [0, 0, 1, 0], [], []>, transpose_lhs_hint = false} : vector<512x512xf32>, vector<1024x512xf32>, vector<512x1024xf32> -> vector<512x1024xf32>
    %div3A_28 = arith.constant 7.000000e-02 : f32
    %div3A_29 = vector.broadcast %div3A_28 : f32 to vector<512x1024xf32>
    %div3A_30 = arith.divf %dot_general3A_27, %div3A_29 : vector<512x1024xf32>
    %get3A_31 = arith.constant 0 : index
    %get3A_32 = arith.constant 0 : index
    %get3A_33 = vector.load %arg12[%get3A_31, %get3A_32] : memref<1024x512xf32, #tpu.memory_space<vmem>>, vector<1024x512xf32>
    %dot_general3A_34 = arith.constant dense<0.000000e+00> : vector<512x1024xf32>
    %dot_general3A_35 = tpu.matmul %div3A_22, %get3A_33, %dot_general3A_34 {dimension_numbers = #tpu.dot_dimension_numbers<[1], [1], [0], [0], [0, 0, 1, 0], [], []>, transpose_lhs_hint = false} : vector<512x512xf32>, vector<1024x512xf32>, vector<512x1024xf32> -> vector<512x1024xf32>
    %div3A_36 = arith.constant 7.000000e-02 : f32
    %div3A_37 = vector.broadcast %div3A_36 : f32 to vector<512x1024xf32>
    %div3A_38 = arith.divf %dot_general3A_35, %div3A_37 : vector<512x1024xf32>
    %swap3A = arith.constant 0 : index
    %swap3A_39 = arith.constant 0 : index
    %swap3A_40 = vector.load %arg7[%swap3A, %swap3A_39] : memref<512x1024xf32, #tpu.memory_space<vmem>>, vector<512x1024xf32>
    tpu.vector_store %arg7[%swap3A, %swap3A_39], %div3A_30 {strides = array<i32>} : memref<512x1024xf32, #tpu.memory_space<vmem>>, vector<512x1024xf32>,
    %swap3A_41 = arith.constant 0 : index
    %swap3A_42 = arith.constant 0 : index
    %swap3A_43 = vector.load %arg8[%swap3A_41, %swap3A_42] : memref<512x1024xf32, #tpu.memory_space<vmem>>, vector<512x1024xf32>
    tpu.vector_store %arg8[%swap3A_41, %swap3A_42], %div3A_38 {strides = array<i32>} : memref<512x1024xf32, #tpu.memory_space<vmem>>, vector<512x1024xf32>,
    %swap3A_44 = arith.constant 0 : index
    %swap3A_45 = arith.constant 0 : index
    %swap3A_46 = vector.load %arg9[%swap3A_44, %swap3A_45] : memref<512x512xf32, #tpu.memory_space<vmem>>, vector<512x512xf32>
    tpu.vector_store %arg9[%swap3A_44, %swap3A_45], %div3A_11 {strides = array<i32>} : memref<512x512xf32, #tpu.memory_space<vmem>>, vector<512x512xf32>,
    %iota3A = tpu.iota {dimensions = array<i32: 1>} : vector<512x1024xi32>
    %argmax3A = tpu.reduce_index %div3A_30 {axis = 1 : i32, kind = #tpu.reduction_kind<arg_max>} : vector<512x1024xf32> -> vector<512xi32>
    %broadcast_in_dim3A_47 = vector.shape_cast %argmax3A : vector<512xi32> to vector<512x1xi32>
    %eq3A_48 = vector.broadcast %broadcast_in_dim3A_47 : vector<512x1xi32> to vector<512x1024xi32>
    %eq3A_49 = arith.cmpi eq, %iota3A, %eq3A_48 : vector<512x1024xi32>
    %jit3A = arith.constant 0xFF800000 : f32
    %broadcast_in_dim3A_50 = vector.broadcast %jit3A : f32 to vector<512x1024xf32>
    %select_n3A = arith.select %eq3A_49, %broadcast_in_dim3A_50, %div3A_30 : vector<512x1024xi1>, vector<512x1024xf32>
    %argmax3A_51 = tpu.reduce_index %select_n3A {axis = 1 : i32, kind = #tpu.reduction_kind<arg_max>} : vector<512x1024xf32> -> vector<512xi32>
    %broadcast_in_dim3A_52 = vector.shape_cast %argmax3A_51 : vector<512xi32> to vector<512x1xi32>
    %eq3A_53 = vector.broadcast %broadcast_in_dim3A_52 : vector<512x1xi32> to vector<512x1024xi32>
    %eq3A_54 = arith.cmpi eq, %iota3A, %eq3A_53 : vector<512x1024xi32>
    %jit3A_55 = arith.constant 0xFF800000 : f32
    %broadcast_in_dim3A_56 = vector.broadcast %jit3A_55 : f32 to vector<512x1024xf32>
    %select_n3A_57 = arith.select %eq3A_54, %broadcast_in_dim3A_56, %select_n3A : vector<512x1024xi1>, vector<512x1024xf32>
    %argmax3A_58 = tpu.reduce_index %select_n3A_57 {axis = 1 : i32, kind = #tpu.reduction_kind<arg_max>} : vector<512x1024xf32> -> vector<512xi32>
    %broadcast_in_dim3A_59 = vector.shape_cast %argmax3A_58 : vector<512xi32> to vector<512x1xi32>
    %eq3A_60 = vector.broadcast %broadcast_in_dim3A_59 : vector<512x1xi32> to vector<512x1024xi32>
    %eq3A_61 = arith.cmpi eq, %iota3A, %eq3A_60 : vector<512x1024xi32>
    %jit3A_62 = arith.constant 0xFF800000 : f32
    %broadcast_in_dim3A_63 = vector.broadcast %jit3A_62 : f32 to vector<512x1024xf32>
    %select_n3A_64 = arith.select %eq3A_61, %broadcast_in_dim3A_63, %select_n3A_57 : vector<512x1024xi1>, vector<512x1024xf32>
    %argmax3A_65 = tpu.reduce_index %select_n3A_64 {axis = 1 : i32, kind = #tpu.reduction_kind<arg_max>} : vector<512x1024xf32> -> vector<512xi32>
    %broadcast_in_dim3A_66 = vector.shape_cast %argmax3A_65 : vector<512xi32> to vector<512x1xi32>
    %argmax3A_67 = tpu.reduce_index %div3A_38 {axis = 1 : i32, kind = #tpu.reduction_kind<arg_max>} : vector<512x1024xf32> -> vector<512xi32>
    %broadcast_in_dim3A_68 = vector.shape_cast %argmax3A_67 : vector<512xi32> to vector<512x1xi32>
    %eq3A_69 = vector.broadcast %broadcast_in_dim3A_68 : vector<512x1xi32> to vector<512x1024xi32>
    %eq3A_70 = arith.cmpi eq, %iota3A, %eq3A_69 : vector<512x1024xi32>
    %jit3A_71 = arith.constant 0xFF800000 : f32
    %broadcast_in_dim3A_72 = vector.broadcast %jit3A_71 : f32 to vector<512x1024xf32>
    %select_n3A_73 = arith.select %eq3A_70, %broadcast_in_dim3A_72, %div3A_38 : vector<512x1024xi1>, vector<512x1024xf32>
    %argmax3A_74 = tpu.reduce_index %select_n3A_73 {axis = 1 : i32, kind = #tpu.reduction_kind<arg_max>} : vector<512x1024xf32> -> vector<512xi32>
    %broadcast_in_dim3A_75 = vector.shape_cast %argmax3A_74 : vector<512xi32> to vector<512x1xi32>
    %eq3A_76 = vector.broadcast %broadcast_in_dim3A_75 : vector<512x1xi32> to vector<512x1024xi32>
    %eq3A_77 = arith.cmpi eq, %iota3A, %eq3A_76 : vector<512x1024xi32>
    %jit3A_78 = arith.constant 0xFF800000 : f32
    %broadcast_in_dim3A_79 = vector.broadcast %jit3A_78 : f32 to vector<512x1024xf32>
    %select_n3A_80 = arith.select %eq3A_77, %broadcast_in_dim3A_79, %select_n3A_73 : vector<512x1024xi1>, vector<512x1024xf32>
    %argmax3A_81 = tpu.reduce_index %select_n3A_80 {axis = 1 : i32, kind = #tpu.reduction_kind<arg_max>} : vector<512x1024xf32> -> vector<512xi32>
    %broadcast_in_dim3A_82 = vector.shape_cast %argmax3A_81 : vector<512xi32> to vector<512x1xi32>
    %eq3A_83 = vector.broadcast %broadcast_in_dim3A_82 : vector<512x1xi32> to vector<512x1024xi32>
    %eq3A_84 = arith.cmpi eq, %iota3A, %eq3A_83 : vector<512x1024xi32>
    %jit3A_85 = arith.constant 0xFF800000 : f32
    %broadcast_in_dim3A_86 = vector.broadcast %jit3A_85 : f32 to vector<512x1024xf32>
    %select_n3A_87 = arith.select %eq3A_84, %broadcast_in_dim3A_86, %select_n3A_80 : vector<512x1024xi1>, vector<512x1024xf32>
    %argmax3A_88 = tpu.reduce_index %select_n3A_87 {axis = 1 : i32, kind = #tpu.reduction_kind<arg_max>} : vector<512x1024xf32> -> vector<512xi32>
    %broadcast_in_dim3A_89 = vector.shape_cast %argmax3A_88 : vector<512xi32> to vector<512x1xi32>
    %mul3A_90 = arith.constant 1024 : i32
    %mul3A_91 = vector.broadcast %mul3A_90 : i32 to vector<512x1xi32>
    %mul3A_92 = arith.muli %broadcast_in_dim3A_47, %mul3A_91 : vector<512x1xi32>
    %add3A = arith.addi %mul3A_92, %broadcast_in_dim3A_68 : vector<512x1xi32>
    %mul3A_93 = arith.constant 1024 : i32
    %mul3A_94 = vector.broadcast %mul3A_93 : i32 to vector<512x1xi32>
    %mul3A_95 = arith.muli %broadcast_in_dim3A_47, %mul3A_94 : vector<512x1xi32>
    %add3A_96 = arith.addi %mul3A_95, %broadcast_in_dim3A_75 : vector<512x1xi32>
    %mul3A_97 = arith.constant 1024 : i32
    %mul3A_98 = vector.broadcast %mul3A_97 : i32 to vector<512x1xi32>
    %mul3A_99 = arith.muli %broadcast_in_dim3A_47, %mul3A_98 : vector<512x1xi32>
    %add3A_100 = arith.addi %mul3A_99, %broadcast_in_dim3A_82 : vector<512x1xi32>
    %mul3A_101 = arith.constant 1024 : i32
    %mul3A_102 = vector.broadcast %mul3A_101 : i32 to vector<512x1xi32>
    %mul3A_103 = arith.muli %broadcast_in_dim3A_47, %mul3A_102 : vector<512x1xi32>
    %add3A_104 = arith.addi %mul3A_103, %broadcast_in_dim3A_89 : vector<512x1xi32>
    %mul3A_105 = arith.constant 1024 : i32
    %mul3A_106 = vector.broadcast %mul3A_105 : i32 to vector<512x1xi32>
    %mul3A_107 = arith.muli %broadcast_in_dim3A_52, %mul3A_106 : vector<512x1xi32>
    %add3A_108 = arith.addi %mul3A_107, %broadcast_in_dim3A_68 : vector<512x1xi32>
    %mul3A_109 = arith.constant 1024 : i32
    %mul3A_110 = vector.broadcast %mul3A_109 : i32 to vector<512x1xi32>
    %mul3A_111 = arith.muli %broadcast_in_dim3A_52, %mul3A_110 : vector<512x1xi32>
    %add3A_112 = arith.addi %mul3A_111, %broadcast_in_dim3A_75 : vector<512x1xi32>
    %mul3A_113 = arith.constant 1024 : i32
    %mul3A_114 = vector.broadcast %mul3A_113 : i32 to vector<512x1xi32>
    %mul3A_115 = arith.muli %broadcast_in_dim3A_52, %mul3A_114 : vector<512x1xi32>
    %add3A_116 = arith.addi %mul3A_115, %broadcast_in_dim3A_82 : vector<512x1xi32>
    %mul3A_117 = arith.constant 1024 : i32
    %mul3A_118 = vector.broadcast %mul3A_117 : i32 to vector<512x1xi32>
    %mul3A_119 = arith.muli %broadcast_in_dim3A_52, %mul3A_118 : vector<512x1xi32>
    %add3A_120 = arith.addi %mul3A_119, %broadcast_in_dim3A_89 : vector<512x1xi32>
    %mul3A_121 = arith.constant 1024 : i32
    %mul3A_122 = vector.broadcast %mul3A_121 : i32 to vector<512x1xi32>
    %mul3A_123 = arith.muli %broadcast_in_dim3A_59, %mul3A_122 : vector<512x1xi32>
    %add3A_124 = arith.addi %mul3A_123, %broadcast_in_dim3A_68 : vector<512x1xi32>
    %mul3A_125 = arith.constant 1024 : i32
    %mul3A_126 = vector.broadcast %mul3A_125 : i32 to vector<512x1xi32>
    %mul3A_127 = arith.muli %broadcast_in_dim3A_59, %mul3A_126 : vector<512x1xi32>
    %add3A_128 = arith.addi %mul3A_127, %broadcast_in_dim3A_75 : vector<512x1xi32>
    %mul3A_129 = arith.constant 1024 : i32
    %mul3A_130 = vector.broadcast %mul3A_129 : i32 to vector<512x1xi32>
    %mul3A_131 = arith.muli %broadcast_in_dim3A_59, %mul3A_130 : vector<512x1xi32>
    %add3A_132 = arith.addi %mul3A_131, %broadcast_in_dim3A_82 : vector<512x1xi32>
    %mul3A_133 = arith.constant 1024 : i32
    %mul3A_134 = vector.broadcast %mul3A_133 : i32 to vector<512x1xi32>
    %mul3A_135 = arith.muli %broadcast_in_dim3A_59, %mul3A_134 : vector<512x1xi32>
    %add3A_136 = arith.addi %mul3A_135, %broadcast_in_dim3A_89 : vector<512x1xi32>
    %mul3A_137 = arith.constant 1024 : i32
    %mul3A_138 = vector.broadcast %mul3A_137 : i32 to vector<512x1xi32>
    %mul3A_139 = arith.muli %broadcast_in_dim3A_66, %mul3A_138 : vector<512x1xi32>
    %add3A_140 = arith.addi %mul3A_139, %broadcast_in_dim3A_68 : vector<512x1xi32>
    %mul3A_141 = arith.constant 1024 : i32
    %mul3A_142 = vector.broadcast %mul3A_141 : i32 to vector<512x1xi32>
    %mul3A_143 = arith.muli %broadcast_in_dim3A_66, %mul3A_142 : vector<512x1xi32>
    %add3A_144 = arith.addi %mul3A_143, %broadcast_in_dim3A_75 : vector<512x1xi32>
    %mul3A_145 = arith.constant 1024 : i32
    %mul3A_146 = vector.broadcast %mul3A_145 : i32 to vector<512x1xi32>
    %mul3A_147 = arith.muli %broadcast_in_dim3A_66, %mul3A_146 : vector<512x1xi32>
    %add3A_148 = arith.addi %mul3A_147, %broadcast_in_dim3A_82 : vector<512x1xi32>
    %mul3A_149 = arith.constant 1024 : i32
    %mul3A_150 = vector.broadcast %mul3A_149 : i32 to vector<512x1xi32>
    %mul3A_151 = arith.muli %broadcast_in_dim3A_66, %mul3A_150 : vector<512x1xi32>
    %add3A_152 = arith.addi %mul3A_151, %broadcast_in_dim3A_89 : vector<512x1xi32>
    %concatenate3A = tpu.concatenate %add3A, %add3A_96, %add3A_100, %add3A_104, %add3A_108, %add3A_112, %add3A_116, %add3A_120, %add3A_124, %add3A_128, %add3A_132, %add3A_136, %add3A_140, %add3A_144, %add3A_148, %add3A_152 in 1 : vector<512x1xi32>, vector<512x1xi32>, vector<512x1xi32>, vector<512x1xi32>, vector<512x1xi32>, vector<512x1xi32>, vector<512x1xi32>, vector<512x1xi32>, vector<512x1xi32>, vector<512x1xi32>, vector<512x1xi32>, vector<512x1xi32>, vector<512x1xi32>, vector<512x1xi32>, vector<512x1xi32>, vector<512x1xi32> -> vector<512x16xi32>
    %swap3A_153 = arith.constant 0 : index
    %swap3A_154 = arith.constant 0 : index
    %swap3A_155 = vector.load %arg10[%swap3A_153, %swap3A_154] : memref<512x16xi32, #tpu.memory_space<vmem>>, vector<512x16xi32>
    tpu.vector_store %arg10[%swap3A_153, %swap3A_154], %concatenate3A {strides = array<i32>} : memref<512x16xi32, #tpu.memory_space<vmem>>, vector<512x16xi32>,
    return
  }
  func.func @transform_0(%arg0: i32) -> (i32, i32) {
    %c0_i32 = arith.constant 0 : i32
    %c0_i32_0 = arith.constant 0 : i32
    %c0_i32_1 = arith.constant 0 : i32
    return %c0_i32, %c0_i32_0 : i32, i32
  }
  func.func @transform_1(%arg0: i32) -> (i32, i32) {
    %c0_i32 = arith.constant 0 : i32
    %c0_i32_0 = arith.constant 0 : i32
    %c0_i32_1 = arith.constant 0 : i32
    return %c0_i32, %c0_i32_0 : i32, i32
  }
  func.func @transform_2(%arg0: i32) -> (i32, i32) {
    %c0_i32 = arith.constant 0 : i32
    %c0_i32_0 = arith.constant 0 : i32
    %c0_i32_1 = arith.constant 0 : i32
    return %c0_i32, %c0_i32_0 : i32, i32
  }
  func.func @transform_3(%arg0: i32) -> (i32, i32) {
    %c0_i32 = arith.constant 0 : i32
    %c0_i32_0 = arith.constant 0 : i32
    %c0_i32_1 = arith.constant 0 : i32
    return %c0_i32, %c0_i32_0 : i32, i32
  }
  func.func @transform_4(%arg0: i32) -> (i32, i32) {
    %c0_i32 = arith.constant 0 : i32
    %c0_i32_0 = arith.constant 0 : i32
    return %arg0, %c0_i32 : i32, i32
  }
  func.func @transform_5(%arg0: i32) -> (i32, i32) {
    %c0_i32 = arith.constant 0 : i32
    %c0_i32_0 = arith.constant 0 : i32
    %c0_i32_1 = arith.constant 0 : i32
    return %c0_i32, %c0_i32_0 : i32, i32
  }
  func.func @transform_6(%arg0: i32) -> (i32, i32) {
    %c0_i32 = arith.constant 0 : i32
    %c0_i32_0 = arith.constant 0 : i32
    return %arg0, %c0_i32 : i32, i32
  }
  func.func @transform_7(%arg0: i32) -> (i32, i32) {
    %c0_i32 = arith.constant 0 : i32
    %c0_i32_0 = arith.constant 0 : i32
    return %arg0, %c0_i32 : i32, i32
  }
  func.func @transform_8(%arg0: i32) -> (i32, i32) {
    %c0_i32 = arith.constant 0 : i32
    %c0_i32_0 = arith.constant 0 : i32
    return %arg0, %c0_i32 : i32, i32
  }
  func.func @transform_9(%arg0: i32) -> (i32, i32) {
    %c0_i32 = arith.constant 0 : i32
    %c0_i32_0 = arith.constant 0 : i32
    return %arg0, %c0_i32 : i32, i32
  }
}

</mosaic_0001>

<sc_bundles>
// kernel: kernel.4.cloned.1.call-start
scs
__scs_entry_jumppad:
0x0: {  	(pc) =	sbr.rel $0x88, $3  }
0x1: {  	(tag) =	ssettag $0x0;
	lr =	simm.s32 $0x1  }
0x2: {  	[smem:$0x3F98] =	sst lr;
	_ =	strace $0xD0000000  }
0x3: {  	_ = 	snop  }
0x4: {  	_ = 	snop  }
0x5: {  	_ = 	snop  }
0x6: {  	_ = 	snop  }
0x7: {  	_ = 	snop  }
__scs_overlays_trampoline_lowered:
0x8: {  	[smem:$0x3FA7] =	sst s0  }
0x9: {  	[smem:$0x3FA8] =	sst s1  }
0xa: {  	[smem:$0x3FA9] =	sst s2  }
0xb: {  	[smem:$0x3FAA] =	sst s3  }
0xc: {  	[smem:$0x3FAB] =	sst s4  }
0xd: {  	[smem:$0x3FAC] =	sst s5  }
0xe: {  	[smem:$0x3FAD] =	sst s6  }
0xf: {  	[smem:$0x3FAE] =	sst s7  }
0x10: {  	[smem:$0x3FAF] =	sst s8  }
0x11: {  	[smem:$0x3FB0] =	sst s9;
	s0 =	simm.s32 @!p0 $0x0  }
0x12: {  	s1 =	sld [smem:$0x3F96];
	s0 =	simm.s32 @p0 $0x1  }
0x13: {  	[smem:$0x3FB1] =	sst s0;
	s0 =	simm.s32 @!p1 $0x0  }
0x14: {  	s2 =	sld [smem:$0x3F95];
	s0 =	simm.s32 @p1 $0x1  }
0x15: {  	[smem:$0x3FB2] =	sst s0;
	s0 =	simm.s32 @!p2 $0x0  }
0x16: {  	s3 =	sld [smem:$0x3FDB];
	s0 =	simm.s32 @p2 $0x1  }
0x17: {  	s4 =	simm.s32 $0x1BF5;
	[smem:$0x3FB4] =	sst s0  }
0x18: {  	s0 =	sld [smem:$0x3F97];
	_ =	swait.ge [sflag:s4], $0x0  }
0x19: {  	s7 =	sld [smem:$0x3F98]  }
0x1a: {  	s8 =	sadd.s32 $0xFFFFE003, lr  }
0x1b: {  	s9 =	sadd.s32 $0xFFFFFEF7, lr;
	s5 =	simm.s32 $0xFFFFFFFF;
	p2 =	slt.u32 s8, $0xFFFFF086  }
0x1c: {  	p1 =	slt.u32 s9, $0xF7A;
	s5 =	simm.s32 @!p2 $0x0  }
0x1d: {  	s5 =	simm.s32 @p1 $0x1;
	p0 =	seq.s32 s7, s2  }
0x1e: {  	s7 =	smul.u32 @!p0 $0xF7A, s2;
	p2 =	seq.s32 @!p0 s5, $0x0  }
0x1f: {  	s9 =	smul.u32 $0xF7A, s1;
	s8 =	simm.s32 @!p0 $0x1BF5;
	p2 =	por !p2, p0  }
0x20: {  	[sflag:s8] =	ssyncset.s32 @!p0 $0xFFFFF086;
	s6 =	sadd.s32 @!p0 s3, s7;
	s7 =	simm.s32 @!p0 $0x108  }
0x21: {  	s3 =	sadd.s32 s3, s9;
	s6 =	sadd.s32 @!p0 $0x88, s6;
	s7 =	simm.s32 @p2 $0x1082  }
0x22: {  	[simem:s7], [sflag:s8] =	dma.local @!p0 [hbm:s6], $0xF7A  }
0x23: {  	s9 =	sor.u32 $0xD0000000, s2;
	s6 =	simm.s32 $0x108;
	_ =	swait.ge @!p0 [sflag:s8], $0x0  }
0x24: {  	s3 =	sadd.s32 $0x88, s3;
	s6 =	simm.s32 @!p1 $0x1082;
	[sflag:s4] =	ssyncset.s32 $0xFFFFF086  }
0x25: {  	[simem:s6], [sflag:s4] =	dma.local [hbm:s3], $0xF7A  }
0x26: {  	[smem:$0x3F98] =	sst s1;
	(tag) =	ssettag s2;
	_ =	strace s9  }
0x27: {  	s1 =	sld [smem:$0x3FA8]  }
0x28: {  	s2 =	sld [smem:$0x3FA9]  }
0x29: {  	s4 =	sld [smem:$0x3FAB]  }
0x2a: {  	p0 =	seq.s32 s5, $0x0;
	s5 =	sld [smem:$0x3FAC]  }
0x2b: {  	s6 =	sld [smem:$0x3FAD]  }
0x2c: {  	s7 =	sld [smem:$0x3FAE]  }
0x2d: {  	s3 =	simm.s32 $0x108;
	s8 =	sld [smem:$0x3FAF]  }
0x2e: {  	s3 =	simm.s32 @!p0 $0x1082;
	s9 =	sld [smem:$0x3FB0]  }
0x2f: {  	lr =	sadd.s32 s0, s3;
	s0 =	sld [smem:$0x3FA7]  }
0x30: {  	s3 =	sld [smem:$0x3FAA]  }
0x31: {  	[smem:$0x3FB3] =	sst s10  }
0x32: {  	s10 =	sld [smem:$0x3FB1];
	_ =	sdelay $0x3  }
0x33: {  	p0 =	seq.s32 s10, $0x1;
	s10 =	sld [smem:$0x3FB3];
	_ =	sdelay $0x3  }
0x34: {  	[smem:$0x3FB3] =	sst s10  }
0x35: {  	s10 =	sld [smem:$0x3FB2];
	_ =	sdelay $0x3  }
0x36: {  	p1 =	seq.s32 s10, $0x1;
	s10 =	sld [smem:$0x3FB3];
	_ =	sdelay $0x3  }
0x37: {  	[smem:$0x3FB3] =	sst s10  }
0x38: {  	s10 =	sld [smem:$0x3FB4]  }
0x39: {  	_ = 	snop;
	(pc) =	sbr.ind lr, $3  }
0x3a: {  	_ = 	snop  }
0x3b: {  	_ = 	snop  }
0x3c: {  	p2 =	seq.s32 s10, $0x1;
	s10 =	sld [smem:$0x3FB3]  }
0x3d: {  	_ =	shalt  }
0x3e: {  	_ =	shalt  }
0x3f: {  	_ =	shalt  }
0x40: {  	_ =	shalt  }
0x41: {  	_ =	shalt  }
0x42: {  	_ =	shalt  }
0x43: {  	_ =	shalt  }
0x44: {  	_ =	shalt  }
0x45: {  	_ =	shalt  }
0x46: {  	_ =	shalt  }
0x47: {  	_ =	shalt  }
0x48: {  	_ =	shalt  }
0x49: {  	_ =	shalt  }
0x4a: {  	_ =	shalt  }
0x4b: {  	_ =	shalt  }
0x4c: {  	_ =	shalt  }
0x4d: {  	_ =	shalt  }
0x4e: {  	_ =	shalt  }
0x4f: {  	_ =	shalt  }
0x50: {  	_ =	shalt  }
0x51: {  	_ =	shalt  }
0x52: {  	_ =	shalt  }
0x53: {  	_ =	shalt  }
0x54: {  	_ =	shalt  }
0x55: {  	_ =	shalt  }
0x56: {  	_ =	shalt  }
0x57: {  	_ =	shalt  }
0x58: {  	_ =	shalt  }
0x59: {  	_ =	shalt  }
0x5a: {  	_ =	shalt  }
0x5b: {  	_ =	shalt  }
0x5c: {  	_ =	shalt  }
0x5d: {  	_ =	shalt  }
0x5e: {  	_ =	shalt  }
0x5f: {  	_ =	shalt  }
0x60: {  	_ =	shalt  }
0x61: {  	_ =	shalt  }
0x62: {  	_ =	shalt  }
0x63: {  	_ =	shalt  }
0x64: {  	_ =	shalt  }
0x65: {  	_ =	shalt  }
0x66: {  	_ =	shalt  }
0x67: {  	_ =	shalt  }
0x68: {  	_ =	shalt  }
0x69: {  	_ =	shalt  }
0x6a: {  	_ =	shalt  }
0x6b: {  	_ =	shalt  }
0x6c: {  	_ =	shalt  }
0x6d: {  	_ =	shalt  }
0x6e: {  	_ =	shalt  }
0x6f: {  	_ =	shalt  }
0x70: {  	_ =	shalt  }
0x71: {  	_ =	shalt  }
0x72: {  	_ =	shalt  }
0x73: {  	_ =	shalt  }
0x74: {  	_ =	shalt  }
0x75: {  	_ =	shalt  }
0x76: {  	_ =	shalt  }
0x77: {  	_ =	shalt  }
0x78: {  	_ =	shalt  }
0x79: {  	_ =	shalt  }
0x7a: {  	_ =	shalt  }
0x7b: {  	_ =	shalt  }
0x7c: {  	_ =	shalt  }
0x7d: {  	_ =	shalt  }
0x7e: {  	_ =	shalt  }
0x7f: {  	_ =	shalt  }
0x80: {  	_ =	shalt  }
0x81: {  	_ =	shalt  }
0x82: {  	_ =	shalt  }
0x83: {  	_ =	shalt  }
0x84: {  	_ =	shalt  }
0x85: {  	_ =	shalt  }
0x86: {  	_ =	shalt  }
0x87: {  	_ =	shalt  }
.Lfunc_end0:
.L_simem_size_0:
called_computation_lowered:
.L_overlay_start_0:
0x88: {  	s2 =	sld [smem:$0x3FD9]  }
0x89: {  	s3 =	sld [smem:$0x3FFE];
	_ =	sdelay $0x1  }
0x8a: {  	s1 =	srdreg.scid  }
0x8b: {  	s0 =	sand.u32 $0x1, s1  }
0x8c: {  	s14 =	sshll.u32 s0, $0xA;
	s2 =	sadd.s32 s3, s2  }
0x8d: {  	s2 =	sadd.s32 s2, s14  }
0x8e: {  	[smem:$0x3FBF] =	sst s2  }
0x8f: {  	_ = 	snop  }
0x90: {  	s2 =	sld [smem:$0x3FD0]  }
0x91: {  	s15 =	sld [smem:$0x3FC3]  }
0x92: {  	s4 =	sld [smem:$0x3FC2]  }
0x93: {  	s6 =	simm.s32 $0xA;
	s7 =	simm.s32 $0x10;
	s5 =	sld [smem:$0x3FC1]  }
0x94: {  	[smem:s7], [sflag:s6] =	dma.local [hbm:s2], $0x1  }
0x95: {  	_ =	swait.eq [sflag:s6], $0x1  }
0x96: {  	[sflag:s6] =	ssyncset.done $0x0  }
0x97: {  	[sflag:s6] =	ssyncadd.s32 $0xFFFFFFFF  }
0x98: {  	s16 =	sld [smem:$0x10];
	(tm) =	ssettm $0x1  }
0x99: {  	s17 =	sld [smem:$0x3FFB];
	_ =	sdelay $0x3  }
0x9a: {  	_ =	strace s17  }
0x9b: {  	s6 =	sld [smem:$0x3FFC];
	_ =	sdelay $0x3  }
0x9c: {  	_ =	strace s6  }
0x9d: {  	s6 =	sld [smem:$0x3FFD];
	_ =	sdelay $0x3  }
0x9e: {  	_ =	strace s6  }
0x9f: {  	_ =	strace $0x8FFFFFFF  }
0xa0: {  	s18 =	sld [smem:$0x3FDB];
	_ =	sdelay $0x1  }
0xa1: {  	s19 =	simm.s32 $_scs_section_size  }
0xa2: {  	s8 =	simm.s32 $_size__tile_overlayer_lowered;
	s9 =	simm.s32 $_tile_overlayer_lowered  }
0xa3: {  	s22 =	simm.s32 $0x1BFF;
	s21 =	sshll.u32 s9, $0x1;
	s6 =	sadd.s32 s19, s18  }
0xa4: {  	s10 =	simm.s32 $0x0;
	s20 =	sshll.u32 s8, $0x1;
	s8 =	sadd.s32 s21, s6  }
0xa5: {  	[timem:s10], [sflag:s22] =	dma.local [hbm:s8], s20  }
0xa6: {  	_ =	swait.ge [sflag:s22], s20  }
0xa7: {  	s7 =	ssub.s32 $0x0, s20;
	[sflag:s22] =	ssyncset.done $0x0  }
0xa8: {  	[sflag:s22] =	ssyncadd.s32 s7;
	_ =	sdelay $0x1  }
0xa9: {  	s23 =	simm.s32 $0x1B8B  }
0xaa: {  	_ =	swait.ge [sflag:s23], $0x1  }
0xab: {  	[sflag:s23] =	ssyncset.done $0x0  }
0xac: {  	s25 =	simm.s32 $0x1B8E;
	s24 =	sld [smem:$0x3FFE];
	[sflag:s23] =	ssyncadd.s32 $0xFFFFFFFF  }
0xad: {  	s26 =	simm.s32 $execute0_lowered;
	[smem:$0x3FD2] =	sst s25  }
0xae: {  	s8 =	sshll.u32 s26, $0x1;
	_ =	strace $0x80000046;
	[dreg:$0x1] =	wrdreg $0xFFFFFFFF  }
0xaf: {  	s28 =	simm.s32 $_size_execute0_lowered;
	s6 =	sadd.s32 s6, s8;
	[dreg:$0x0] =	wrdreg $0x0  }
0xb0: {  	s8 =	sshll.u32 s28, $0x1;
	[dreg:$0x2] =	wrdreg s6  }
0xb1: {  	[dreg:$0x3] =	wrdreg s8  }
0xb2: {  	[dreg:$0x4] =	wrdreg $0xC0  }
0xb3: {  	_ =	task [dreg:s10], $0x5FFFF  }
0xb4: {  	[dreg:$0x1] =	wrdreg $0xFFFFFFFF  }
0xb5: {  	[dreg:$0x0] =	wrdreg $0x60  }
0xb6: {  	[dreg:$0x2] =	wrdreg s16  }
0xb7: {  	[dreg:$0x3] =	wrdreg s15  }
0xb8: {  	[dreg:$0x4] =	wrdreg s4  }
0xb9: {  	[dreg:$0x5] =	wrdreg s5  }
0xba: {  	[dreg:$0x6] =	wrdreg s24  }
0xbb: {  	[dreg:$0x7] =	wrdreg $0x9  }
0xbc: {  	_ =	task.clear_ibuf [dreg:s10], $0x8FFFF;
	_ =	strace $0x90000046  }
0xbd: {  	s29 =	simm.s32 $0x9;
	_ =	strace $0x80000048  }
0xbe: {  	_ =	swait.ge [sflag:s29], $0x1  }
0xbf: {  	[sflag:s29] =	ssyncadd.s32 $0xFFFFFFFF  }
0xc0: {  	_ =	strace $0x90000048  }
0xc1: {  	_ =	sfence  }
0xc2: {  	s30 =	sld [smem:$0x0];
	_ =	sdelay $0x2  }
0xc3: {  	s31 =	sshll.u32 s1, $0xD;
	s1 =	sshrl.u32 s1, $0x2  }
0xc4: {  	s3 =	sand.u32 $0x4000, s31;
	s1 =	sadd.s32 s1, s30  }
0xc5: {  	s0 =	sor.u32 s3, s0;
	s1 =	sshll.u32 s1, $0x11  }
0xc6: {  	s0 =	sor.u32 s1, s0  }
0xc7: {  	s0 =	sadd.s32 $0x8F2B, s0  }
0xc8: {  	[sflag:s0] =	ssyncadd.remote.s32 $0x1  }
0xc9: {  	_ =	sfence.sel $0xFFFF  }
0xca: {  	[dreg:$0x0] =	wrdreg $0xFFFFFFFF;
	(pc) =	sbr.abs _section_cstart, $3  }
0xcb: {  	[dreg:$0x1] =	wrdreg $0xFFFFFFFF  }
0xcc: {  	_ =	task.clear_ibuf [dreg:s10], $0x2FFFF;
	_ =	strace $0x9FFFFFFF  }
0xcd: {  	(tm) =	ssettm $0x7FFFFFFF  }
tec
execute0_lowered:
.L_overlay_start_1:
0x0: {  	(tag) =	ssettag $0x1  }
0x1: {  	s0 =	rddreg [dreg:$0x0]  }
0x2: {  	s3 =	rddreg [dreg:$0x4];
	s1 =	simm.s32 $0x0  }
0x3: {  	s5 =	srdreg.scid;
	s11 =	simm.s32 $0x1000;
	[smem:$0x7FF] =	sst s1  }
0x4: {  	s12 =	simm.s32 $0x1080;
	_ =	strace $0x80000047;
	[dreg:$0x17] =	wrdreg s11  }
0x5: {  	s7 =	stileid.u32;
	s13 =	simm.s32 $0x1100;
	[dreg:$0x18] =	wrdreg s12  }
0x6: {  	s14 =	simm.s32 $0x1180;
	s15 =	simm.s32 $0x1200;
	[dreg:$0x19] =	wrdreg s13  }
0x7: {  	s16 =	simm.s32 $0x1280;
	s6 =	sand.u32 $0x1, s5;
	[dreg:$0x1a] =	wrdreg s14  }
0x8: {  	s7 =	sshll.u32 s7, $0x9;
	s8 =	sshll.u32 s6, $0x8;
	[dreg:$0x1b] =	wrdreg s15  }
0x9: {  	s17 =	simm.s32 $0x1300;
	[dreg:$0x1c] =	wrdreg s16;
	s7 =	sor.u32 s8, s7  }
0xa: {  	[dreg:$0x1d] =	wrdreg s17;
	s3 =	sadd.s32 s7, s3;
	s0 =	sadd.s32 s0, s7  }
0xb: {  	[dreg:$0x6] =	wrdreg s0;
	s18 =	sadd.s32 $0x600, s3  }
0xc: {  	s19 =	sadd.s32 $0x610, s3;
	[dreg:$0x7] =	wrdreg s18  }
0xd: {  	s20 =	sadd.s32 $0x620, s3;
	[dreg:$0x8] =	wrdreg s19  }
0xe: {  	s21 =	sadd.s32 $0x630, s3;
	[dreg:$0x9] =	wrdreg s20  }
0xf: {  	s22 =	sadd.s32 $0x640, s3;
	[dreg:$0xa] =	wrdreg s21  }
0x10: {  	s23 =	sadd.s32 $0x650, s3;
	[dreg:$0xb] =	wrdreg s22  }
0x11: {  	s24 =	sadd.s32 $0x660, s3;
	[dreg:$0xc] =	wrdreg s23  }
0x12: {  	s25 =	sadd.s32 $0x670, s3;
	[dreg:$0xd] =	wrdreg s24  }
0x13: {  	s26 =	sadd.s32 $0x680, s3;
	[dreg:$0xe] =	wrdreg s25  }
0x14: {  	s1 =	sadd.s32 $0x690, s3;
	[dreg:$0xf] =	wrdreg s26  }
0x15: {  	s2 =	sadd.s32 $0x6A0, s3;
	[dreg:$0x10] =	wrdreg s1  }
0x16: {  	s4 =	sadd.s32 $0x6B0, s3;
	[dreg:$0x11] =	wrdreg s2  }
0x17: {  	s5 =	sadd.s32 $0x6C0, s3;
	[dreg:$0x12] =	wrdreg s4  }
0x18: {  	s7 =	sadd.s32 $0x6D0, s3;
	[dreg:$0x13] =	wrdreg s5  }
0x19: {  	s9 =	sadd.s32 $0x6E0, s3;
	[dreg:$0x14] =	wrdreg s7  }
0x1a: {  	s10 =	sadd.s32 $0x6F0, s3;
	[dreg:$0x15] =	wrdreg s9  }
0x1b: {  	s28 =	simm.s32 $0x480;
	[dreg:$0x16] =	wrdreg s10;
	s18 =	simm.s32 $0x1380  }
0x1c: {  	s29 =	simm.s32 $0xC80;
	s19 =	simm.s32 $0x1400;
	[dreg:$0x1e] =	wrdreg s18  }
0x1d: {  	s30 =	simm.s32 $0x500;
	s20 =	simm.s32 $0x1480;
	[dreg:$0x1f] =	wrdreg s19  }
0x1e: {  	s31 =	simm.s32 $0xD00;
	s21 =	simm.s32 $0x1500;
	[smem:$0x7F7] =	sst s20  }
0x1f: {  	s6 =	ssub.s32 $0x2, s6;
	s22 =	simm.s32 $0x1580;
	[smem:$0x7F8] =	sst s21  }
0x20: {  	s15 =	simm.s32 $0x1;
	s23 =	simm.s32 $0x1600;
	[smem:$0x7F9] =	sst s22  }
0x21: {  	s8 =	sshrl.u32 s6, $0x1;
	s24 =	simm.s32 $0x1680;
	[smem:$0x7FA] =	sst s23  }
0x22: {  	s6 =	ssub.s32 s6, s8;
	s25 =	simm.s32 $0x1700;
	[smem:$0x7FB] =	sst s24  }
0x23: {  	s3 =	smax.u32 s6, $0x1;
	s26 =	simm.s32 $0x1780;
	[smem:$0x7FC] =	sst s25  }
0x24: {  	s7 =	simm.s32 $0x80;
	[smem:$0x7FD] =	sst s26;
	s20 =	simm.s32 $0xA80  }
0x25: {  	s21 =	simm.s32 $0x300;
	s22 =	simm.s32 $0xB00;
	s23 =	simm.s32 $0x380  }
0x26: {  	s24 =	simm.s32 $0xB80;
	s25 =	simm.s32 $0x400;
	s26 =	simm.s32 $0xC00  }
.LBB2_1:
0x27: {  	[smem:$0x7F6] =	sst s3  }
0x28: {  	s6 =	rddreg [dreg:$0x6];
	s1 =	simm.s32 $0x0;
	s0 =	simm.s32 $0x2  }
0x29: {  	[tilespmem:s1], [sflag:$0x2] =	stream.linear.gather [hbm4b:s6+s1], $0x800, $0x38;
	[tilespmem:$0x2000] =	vst v63  }
0x2a: {  	_ =	swait.ge [sflag:s0], $0x800  }
0x2b: {  	[sflag:s0] =	ssyncset.done $0x0  }
0x2c: {  	[sflag:s0] =	ssyncadd.s32 $0xFFFFF800  }
0x2d: {  	s10 =	simm.s32 $0x800;
	s9 =	rddreg [dreg:$0x1]  }
0x2e: {  	[tilespmem:s10], [sflag:$0x1] =	stream.indirect.gather [hbm4b:s9+s7], $0x1, s1, s7, $0xb8;
	[tilespmem:$0x2000] =	vst v63  }
0x2f: {  	s11 =	simm.s32 $0x880  }
0x30: {  	[tilespmem:s11], [sflag:$0x1] =	stream.indirect.gather [hbm4b:s9+s7], $0x1, s7, s7, $0xb8;
	[tilespmem:$0x2000] =	vst v63  }
0x31: {  	s12 =	simm.s32 $0x100;
	s13 =	simm.s32 $0x900  }
0x32: {  	[tilespmem:s13], [sflag:$0x1] =	stream.indirect.gather [hbm4b:s9+s7], $0x1, s12, s7, $0xb8;
	[tilespmem:$0x2000] =	vst v63  }
0x33: {  	s14 =	simm.s32 $0x180;
	s16 =	simm.s32 $0x980  }
0x34: {  	[tilespmem:s16], [sflag:$0x1] =	stream.indirect.gather [hbm4b:s9+s7], $0x1, s14, s7, $0xb8;
	[tilespmem:$0x2000] =	vst v63  }
0x35: {  	s17 =	simm.s32 $0x200;
	s18 =	simm.s32 $0xA00  }
0x36: {  	[tilespmem:s18], [sflag:$0x1] =	stream.indirect.gather [hbm4b:s9+s7], $0x1, s17, s7, $0xb8;
	[tilespmem:$0x2000] =	vst v63  }
0x37: {  	s19 =	simm.s32 $0x280  }
0x38: {  	[tilespmem:s20], [sflag:$0x1] =	stream.indirect.gather [hbm4b:s9+s7], $0x1, s19, s7, $0xb8;
	[tilespmem:$0x2000] =	vst v63  }
0x39: {  	_ = 	snop  }
0x3a: {  	[tilespmem:s22], [sflag:$0x1] =	stream.indirect.gather [hbm4b:s9+s7], $0x1, s21, s7, $0xb8;
	[tilespmem:$0x2000] =	vst v63  }
0x3b: {  	_ = 	snop  }
0x3c: {  	[tilespmem:s24], [sflag:$0x1] =	stream.indirect.gather [hbm4b:s9+s7], $0x1, s23, s7, $0xb8;
	[tilespmem:$0x2000] =	vst v63  }
0x3d: {  	_ = 	snop  }
0x3e: {  	[tilespmem:s26], [sflag:$0x1] =	stream.indirect.gather [hbm4b:s9+s7], $0x1, s25, s7, $0xb8;
	[tilespmem:$0x2000] =	vst v63  }
0x3f: {  	_ = 	snop  }
0x40: {  	[tilespmem:s29], [sflag:$0x1] =	stream.indirect.gather [hbm4b:s9+s7], $0x1, s28, s7, $0xb8;
	[tilespmem:$0x2000] =	vst v63  }
0x41: {  	_ = 	snop  }
0x42: {  	[tilespmem:s31], [sflag:$0x1] =	stream.indirect.gather [hbm4b:s9+s7], $0x1, s30, s7, $0xb8;
	[tilespmem:$0x2000] =	vst v63  }
0x43: {  	s8 =	simm.s32 $0xD80;
	s0 =	simm.s32 $0x580  }
0x44: {  	[tilespmem:s8], [sflag:$0x1] =	stream.indirect.gather [hbm4b:s9+s7], $0x1, s0, s7, $0xb8;
	[tilespmem:$0x2000] =	vst v63  }
0x45: {  	s2 =	simm.s32 $0xE00;
	s6 =	simm.s32 $0x600  }
0x46: {  	[tilespmem:s2], [sflag:$0x1] =	stream.indirect.gather [hbm4b:s9+s7], $0x1, s6, s7, $0xb8;
	[tilespmem:$0x2000] =	vst v63  }
0x47: {  	s3 =	simm.s32 $0xE80;
	s2 =	simm.s32 $0x680  }
0x48: {  	[tilespmem:s3], [sflag:$0x1] =	stream.indirect.gather [hbm4b:s9+s7], $0x1, s2, s7, $0xb8;
	[tilespmem:$0x2000] =	vst v63  }
0x49: {  	s4 =	simm.s32 $0xF00;
	s8 =	simm.s32 $0x700  }
0x4a: {  	[tilespmem:s4], [sflag:$0x1] =	stream.indirect.gather [hbm4b:s9+s7], $0x1, s8, s7, $0xb8;
	[tilespmem:$0x2000] =	vst v63  }
0x4b: {  	s1 =	simm.s32 $0x780;
	s3 =	rddreg [dreg:$0x17];
	s4 =	simm.s32 $0xF80  }
0x4c: {  	[tilespmem:s4], [sflag:$0x1] =	stream.indirect.gather [hbm4b:s9+s7], $0x1, s1, s7, $0xb8;
	[tilespmem:$0x2000] =	vst v63  }
0x4d: {  	s9 =	rddreg [dreg:$0x18]  }
0x4e: {  	s5 =	simm.s32 $0x0;
	s4 =	rddreg [dreg:$0x2]  }
0x4f: {  	[tilespmem:s3], [sflag:$0x1] =	stream.indirect.gather [hbm4b:s4+s7], $0x1, s5, s7, $0xb8;
	[tilespmem:$0x2000] =	vst v63  }
0x50: {  	s3 =	rddreg [dreg:$0x19]  }
0x51: {  	[tilespmem:s9], [sflag:$0x1] =	stream.indirect.gather [hbm4b:s4+s7], $0x1, s7, s7, $0xb8;
	[tilespmem:$0x2000] =	vst v63  }
0x52: {  	s5 =	rddreg [dreg:$0x1a]  }
0x53: {  	[tilespmem:s3], [sflag:$0x1] =	stream.indirect.gather [hbm4b:s4+s7], $0x1, s12, s7, $0xb8;
	[tilespmem:$0x2000] =	vst v63  }
0x54: {  	s12 =	rddreg [dreg:$0x1b]  }
0x55: {  	[tilespmem:s5], [sflag:$0x1] =	stream.indirect.gather [hbm4b:s4+s7], $0x1, s14, s7, $0xb8;
	[tilespmem:$0x2000] =	vst v63  }
0x56: {  	s14 =	rddreg [dreg:$0x1c]  }
0x57: {  	[tilespmem:s12], [sflag:$0x1] =	stream.indirect.gather [hbm4b:s4+s7], $0x1, s17, s7, $0xb8;
	[tilespmem:$0x2000] =	vst v63  }
0x58: {  	s5 =	rddreg [dreg:$0x1e]  }
0x59: {  	[tilespmem:s14], [sflag:$0x1] =	stream.indirect.gather [hbm4b:s4+s7], $0x1, s19, s7, $0xb8;
	[tilespmem:$0x2000] =	vst v63  }
0x5a: {  	s17 =	rddreg [dreg:$0x1d]  }
0x5b: {  	[tilespmem:s17], [sflag:$0x1] =	stream.indirect.gather [hbm4b:s4+s7], $0x1, s21, s7, $0xb8;
	[tilespmem:$0x2000] =	vst v63  }
0x5c: {  	s12 =	rddreg [dreg:$0x1f]  }
0x5d: {  	[tilespmem:s5], [sflag:$0x1] =	stream.indirect.gather [hbm4b:s4+s7], $0x1, s23, s7, $0xb8;
	[tilespmem:$0x2000] =	vst v63  }
0x5e: {  	s14 =	sld [smem:$0x7F7]  }
0x5f: {  	[tilespmem:s12], [sflag:$0x1] =	stream.indirect.gather [hbm4b:s4+s7], $0x1, s25, s7, $0xb8;
	[tilespmem:$0x2000] =	vst v63  }
0x60: {  	s17 =	sld [smem:$0x7F8]  }
0x61: {  	[tilespmem:s14], [sflag:$0x1] =	stream.indirect.gather [hbm4b:s4+s7], $0x1, s28, s7, $0xb8;
	[tilespmem:$0x2000] =	vst v63  }
0x62: {  	s19 =	sld [smem:$0x7F9]  }
0x63: {  	[tilespmem:s17], [sflag:$0x1] =	stream.indirect.gather [hbm4b:s4+s7], $0x1, s30, s7, $0xb8;
	[tilespmem:$0x2000] =	vst v63  }
0x64: {  	s5 =	sld [smem:$0x7FA]  }
0x65: {  	[tilespmem:s19], [sflag:$0x1] =	stream.indirect.gather [hbm4b:s4+s7], $0x1, s0, s7, $0xb8;
	[tilespmem:$0x2000] =	vst v63  }
0x66: {  	s12 =	sld [smem:$0x7FB]  }
0x67: {  	[tilespmem:s5], [sflag:$0x1] =	stream.indirect.gather [hbm4b:s4+s7], $0x1, s6, s7, $0xb8;
	[tilespmem:$0x2000] =	vst v63  }
0x68: {  	s14 =	sld [smem:$0x7FC]  }
0x69: {  	[tilespmem:s12], [sflag:$0x1] =	stream.indirect.gather [hbm4b:s4+s7], $0x1, s2, s7, $0xb8;
	[tilespmem:$0x2000] =	vst v63  }
0x6a: {  	s17 =	sld [smem:$0x7FD]  }
0x6b: {  	[tilespmem:s14], [sflag:$0x1] =	stream.indirect.gather [hbm4b:s4+s7], $0x1, s8, s7, $0xb8;
	[tilespmem:$0x2000] =	vst v63  }
0x6c: {  	_ = 	snop  }
0x6d: {  	[tilespmem:s17], [sflag:$0x1] =	stream.indirect.gather [hbm4b:s4+s7], $0x1, s1, s7, $0xb8;
	[tilespmem:$0x2000] =	vst v63  }
0x6e: {  	_ =	swait.ge [sflag:s15], $0x80  }
0x6f: {  	[sflag:s15] =	ssyncset.done $0x0  }
0x70: {  	[sflag:s15] =	ssyncadd.s32 $0xFFFFFF80  }
0x71: {  	s1 =	simm.s32 $0x1800;
	s0 =	rddreg [dreg:$0x3]  }
0x72: {  	[tilespmem:s1], [sflag:$0x1] =	stream.indirect.gather [hbm4b:s0+s7], $0x1, s10, s7, $0xb8;
	[tilespmem:$0x2000] =	vst v63  }
0x73: {  	_ =	swait.ge [sflag:s15], $0x80  }
0x74: {  	[sflag:s15] =	ssyncset.done $0x0  }
0x75: {  	s2 =	simm.s32 $0x1880;
	[sflag:s15] =	ssyncadd.s32 $0xFFFFFF80  }
0x76: {  	[tilespmem:s2], [sflag:$0x1] =	stream.indirect.gather [hbm4b:s0+s7], $0x1, s11, s7, $0xb8;
	[tilespmem:$0x2000] =	vst v63  }
0x77: {  	_ =	swait.ge [sflag:s15], $0x80  }
0x78: {  	[sflag:s15] =	ssyncset.done $0x0  }
0x79: {  	s4 =	simm.s32 $0x1900;
	[sflag:s15] =	ssyncadd.s32 $0xFFFFFF80  }
0x7a: {  	[tilespmem:s4], [sflag:$0x1] =	stream.indirect.gather [hbm4b:s0+s7], $0x1, s13, s7, $0xb8;
	[tilespmem:$0x2000] =	vst v63  }
0x7b: {  	_ =	swait.ge [sflag:s15], $0x80  }
0x7c: {  	[sflag:s15] =	ssyncset.done $0x0  }
0x7d: {  	s6 =	simm.s32 $0x1980;
	[sflag:s15] =	ssyncadd.s32 $0xFFFFFF80  }
0x7e: {  	[tilespmem:s6], [sflag:$0x1] =	stream.indirect.gather [hbm4b:s0+s7], $0x1, s16, s7, $0xb8;
	[tilespmem:$0x2000] =	vst v63  }
0x7f: {  	_ =	swait.ge [sflag:s15], $0x80  }
0x80: {  	[sflag:s15] =	ssyncset.done $0x0  }
0x81: {  	s8 =	simm.s32 $0x1A00;
	[sflag:s15] =	ssyncadd.s32 $0xFFFFFF80  }
0x82: {  	[tilespmem:s8], [sflag:$0x1] =	stream.indirect.gather [hbm4b:s0+s7], $0x1, s18, s7, $0xb8;
	[tilespmem:$0x2000] =	vst v63  }
0x83: {  	_ =	swait.ge [sflag:s15], $0x80  }
0x84: {  	[sflag:s15] =	ssyncset.done $0x0  }
0x85: {  	s9 =	simm.s32 $0x1A80;
	[sflag:s15] =	ssyncadd.s32 $0xFFFFFF80  }
0x86: {  	[tilespmem:s9], [sflag:$0x1] =	stream.indirect.gather [hbm4b:s0+s7], $0x1, s20, s7, $0xb8;
	[tilespmem:$0x2000] =	vst v63  }
0x87: {  	_ =	swait.ge [sflag:s15], $0x80  }
0x88: {  	[sflag:s15] =	ssyncset.done $0x0  }
0x89: {  	s10 =	simm.s32 $0x1B00;
	[sflag:s15] =	ssyncadd.s32 $0xFFFFFF80  }
0x8a: {  	[tilespmem:s10], [sflag:$0x1] =	stream.indirect.gather [hbm4b:s0+s7], $0x1, s22, s7, $0xb8;
	[tilespmem:$0x2000] =	vst v63  }
0x8b: {  	_ =	swait.ge [sflag:s15], $0x80  }
0x8c: {  	[sflag:s15] =	ssyncset.done $0x0  }
0x8d: {  	s11 =	simm.s32 $0x1B80;
	[sflag:s15] =	ssyncadd.s32 $0xFFFFFF80  }
0x8e: {  	[tilespmem:s11], [sflag:$0x1] =	stream.indirect.gather [hbm4b:s0+s7], $0x1, s24, s7, $0xb8;
	[tilespmem:$0x2000] =	vst v63  }
0x8f: {  	_ =	swait.ge [sflag:s15], $0x80  }
0x90: {  	[sflag:s15] =	ssyncset.done $0x0  }
0x91: {  	s12 =	simm.s32 $0x1C00;
	[sflag:s15] =	ssyncadd.s32 $0xFFFFFF80  }
0x92: {  	[tilespmem:s12], [sflag:$0x1] =	stream.indirect.gather [hbm4b:s0+s7], $0x1, s26, s7, $0xb8;
	[tilespmem:$0x2000] =	vst v63  }
0x93: {  	_ =	swait.ge [sflag:s15], $0x80  }
0x94: {  	[sflag:s15] =	ssyncset.done $0x0  }
0x95: {  	s13 =	simm.s32 $0x1C80;
	[sflag:s15] =	ssyncadd.s32 $0xFFFFFF80  }
0x96: {  	[tilespmem:s13], [sflag:$0x1] =	stream.indirect.gather [hbm4b:s0+s7], $0x1, s29, s7, $0xb8;
	[tilespmem:$0x2000] =	vst v63  }
0x97: {  	_ =	swait.ge [sflag:s15], $0x80  }
0x98: {  	[sflag:s15] =	ssyncset.done $0x0  }
0x99: {  	s14 =	simm.s32 $0x1D00;
	[sflag:s15] =	ssyncadd.s32 $0xFFFFFF80  }
0x9a: {  	[tilespmem:s14], [sflag:$0x1] =	stream.indirect.gather [hbm4b:s0+s7], $0x1, s31, s7, $0xb8;
	[tilespmem:$0x2000] =	vst v63  }
0x9b: {  	_ =	swait.ge [sflag:s15], $0x80  }
0x9c: {  	[sflag:s15] =	ssyncset.done $0x0  }
0x9d: {  	s16 =	simm.s32 $0x1D80;
	s18 =	simm.s32 $0xD80;
	[sflag:s15] =	ssyncadd.s32 $0xFFFFFF80  }
0x9e: {  	[tilespmem:s16], [sflag:$0x1] =	stream.indirect.gather [hbm4b:s0+s7], $0x1, s18, s7, $0xb8;
	[tilespmem:$0x2000] =	vst v63  }
0x9f: {  	_ =	swait.ge [sflag:s15], $0x80  }
0xa0: {  	[sflag:s15] =	ssyncset.done $0x0  }
0xa1: {  	s19 =	simm.s32 $0xE00;
	s17 =	simm.s32 $0x1E00;
	[sflag:s15] =	ssyncadd.s32 $0xFFFFFF80  }
0xa2: {  	[tilespmem:s17], [sflag:$0x1] =	stream.indirect.gather [hbm4b:s0+s7], $0x1, s19, s7, $0xb8;
	[tilespmem:$0x2000] =	vst v63  }
0xa3: {  	_ =	swait.ge [sflag:s15], $0x80  }
0xa4: {  	[sflag:s15] =	ssyncset.done $0x0  }
0xa5: {  	s5 =	simm.s32 $0xE80;
	s18 =	simm.s32 $0x1E80;
	[sflag:s15] =	ssyncadd.s32 $0xFFFFFF80  }
0xa6: {  	[tilespmem:s18], [sflag:$0x1] =	stream.indirect.gather [hbm4b:s0+s7], $0x1, s5, s7, $0xb8;
	[tilespmem:$0x2000] =	vst v63  }
0xa7: {  	_ =	swait.ge [sflag:s15], $0x80  }
0xa8: {  	[sflag:s15] =	ssyncset.done $0x0  }
0xa9: {  	s19 =	simm.s32 $0xF00;
	s5 =	simm.s32 $0x1F00;
	[sflag:s15] =	ssyncadd.s32 $0xFFFFFF80  }
0xaa: {  	[tilespmem:s5], [sflag:$0x1] =	stream.indirect.gather [hbm4b:s0+s7], $0x1, s19, s7, $0xb8;
	[tilespmem:$0x2000] =	vst v63  }
0xab: {  	_ =	swait.ge [sflag:s15], $0x80  }
0xac: {  	[sflag:s15] =	ssyncset.done $0x0  }
0xad: {  	s3 =	simm.s32 $0xF80;
	s19 =	simm.s32 $0x1F80;
	[sflag:s15] =	ssyncadd.s32 $0xFFFFFF80  }
0xae: {  	[tilespmem:s19], [sflag:$0x1] =	stream.indirect.gather [hbm4b:s0+s7], $0x1, s3, s7, $0xb8;
	[tilespmem:$0x2000] =	vst v63  }
0xaf: {  	_ =	swait.ge [sflag:s15], $0x80  }
0xb0: {  	[sflag:s15] =	ssyncset.done $0x0  }
0xb1: {  	[sflag:s15] =	ssyncadd.s32 $0xFFFFFF80  }
0xb2: {  	_ =	swait.ge [sflag:s15], $0x80  }
0xb3: {  	[sflag:s15] =	ssyncset.done $0x0  }
0xb4: {  	[sflag:s15] =	ssyncadd.s32 $0xFFFFFF80  }
0xb5: {  	_ =	swait.ge [sflag:s15], $0x80  }
0xb6: {  	[sflag:s15] =	ssyncset.done $0x0  }
0xb7: {  	[sflag:s15] =	ssyncadd.s32 $0xFFFFFF80  }
0xb8: {  	_ =	swait.ge [sflag:s15], $0x80  }
0xb9: {  	[sflag:s15] =	ssyncset.done $0x0  }
0xba: {  	[sflag:s15] =	ssyncadd.s32 $0xFFFFFF80  }
0xbb: {  	_ =	swait.ge [sflag:s15], $0x80  }
0xbc: {  	[sflag:s15] =	ssyncset.done $0x0  }
0xbd: {  	[sflag:s15] =	ssyncadd.s32 $0xFFFFFF80  }
0xbe: {  	_ =	swait.ge [sflag:s15], $0x80  }
0xbf: {  	[sflag:s15] =	ssyncset.done $0x0  }
0xc0: {  	[sflag:s15] =	ssyncadd.s32 $0xFFFFFF80  }
0xc1: {  	_ =	swait.ge [sflag:s15], $0x80  }
0xc2: {  	[sflag:s15] =	ssyncset.done $0x0  }
0xc3: {  	[sflag:s15] =	ssyncadd.s32 $0xFFFFFF80  }
0xc4: {  	_ =	swait.ge [sflag:s15], $0x80  }
0xc5: {  	[sflag:s15] =	ssyncset.done $0x0  }
0xc6: {  	[sflag:s15] =	ssyncadd.s32 $0xFFFFFF80  }
0xc7: {  	_ =	swait.ge [sflag:s15], $0x80  }
0xc8: {  	[sflag:s15] =	ssyncset.done $0x0  }
0xc9: {  	[sflag:s15] =	ssyncadd.s32 $0xFFFFFF80  }
0xca: {  	_ =	swait.ge [sflag:s15], $0x80  }
0xcb: {  	[sflag:s15] =	ssyncset.done $0x0  }
0xcc: {  	[sflag:s15] =	ssyncadd.s32 $0xFFFFFF80  }
0xcd: {  	_ =	swait.ge [sflag:s15], $0x80  }
0xce: {  	[sflag:s15] =	ssyncset.done $0x0  }
0xcf: {  	[sflag:s15] =	ssyncadd.s32 $0xFFFFFF80  }
0xd0: {  	_ =	swait.ge [sflag:s15], $0x80  }
0xd1: {  	[sflag:s15] =	ssyncset.done $0x0  }
0xd2: {  	[sflag:s15] =	ssyncadd.s32 $0xFFFFFF80  }
0xd3: {  	_ =	swait.ge [sflag:s15], $0x80  }
0xd4: {  	[sflag:s15] =	ssyncset.done $0x0  }
0xd5: {  	[sflag:s15] =	ssyncadd.s32 $0xFFFFFF80  }
0xd6: {  	_ =	swait.ge [sflag:s15], $0x80  }
0xd7: {  	[sflag:s15] =	ssyncset.done $0x0  }
0xd8: {  	[sflag:s15] =	ssyncadd.s32 $0xFFFFFF80  }
0xd9: {  	_ =	swait.ge [sflag:s15], $0x80  }
0xda: {  	[sflag:s15] =	ssyncset.done $0x0  }
0xdb: {  	[sflag:s15] =	ssyncadd.s32 $0xFFFFFF80  }
0xdc: {  	_ =	swait.ge [sflag:s15], $0x80  }
0xdd: {  	[sflag:s15] =	ssyncset.done $0x0  }
0xde: {  	[sflag:s15] =	ssyncadd.s32 $0xFFFFFF80  }
0xdf: {  	_ =	swait.ge [sflag:s15], $0x80  }
0xe0: {  	[sflag:s15] =	ssyncset.done $0x0  }
0xe1: {  	[sflag:s15] =	ssyncadd.s32 $0xFFFFFF80  }
0xe2: {  	v0 =	vld [tilespmem:$0x1000]  }
0xe3: {  	v1 =	vld [tilespmem:$0x1800]  }
0xe4: {  	v2 =	vld [tilespmem:$0x1010]  }
0xe5: {  	v3 =	vld [tilespmem:$0x1810]  }
0xe6: {  	v4 =	vld [tilespmem:$0x1020]  }
0xe7: {  	v5 =	vld [tilespmem:$0x1820]  }
0xe8: {  	v6 =	vld [tilespmem:$0x1030]  }
0xe9: {  	v7 =	vld [tilespmem:$0x1830]  }
0xea: {  	v8 =	vld [tilespmem:$0x1040]  }
0xeb: {  	v9 =	vld [tilespmem:$0x1840]  }
0xec: {  	v10 =	vld [tilespmem:$0x1050]  }
0xed: {  	v11 =	vld [tilespmem:$0x1850]  }
0xee: {  	v38 =	vld [tilespmem:$0x1060];
	vm0 =	vgt.s32 v0, $0x0  }
0xef: {  	v39 =	vld [tilespmem:$0x1860];
	vm9 =	vgt.s32 v2, $0x0;
	v1 =	vnsel vm0, $0x0, v1  }
0xf0: {  	v41 =	vld [tilespmem:$0x1070];
	vm10 =	vgt.s32 v4, $0x0;
	v40 =	vnsel vm9, $0x0, v3;
	[tilespmem:$0x1800] =	vst v1  }
0xf1: {  	v43 =	vld [tilespmem:$0x1870];
	vm11 =	vgt.s32 v6, $0x0;
	v42 =	vnsel vm10, $0x0, v5;
	[tilespmem:$0x1810] =	vst v40  }
0xf2: {  	vm12 =	vgt.s32 v8, $0x0;
	v44 =	vnsel vm11, $0x0, v7;
	[tilespmem:$0x1820] =	vst v42  }
0xf3: {  	vm13 =	vgt.s32 v10, $0x0;
	v45 =	vnsel vm12, $0x0, v9;
	[tilespmem:$0x1830] =	vst v44  }
0xf4: {  	vm14 =	vgt.s32 v38, $0x0;
	v46 =	vnsel vm13, $0x0, v11;
	[tilespmem:$0x1840] =	vst v45  }
0xf5: {  	vm15 =	vgt.s32 v41, $0x0;
	v0 =	vnsel vm14, $0x0, v39;
	[tilespmem:$0x1850] =	vst v46  }
0xf6: {  	v47 =	vnsel vm15, $0x0, v43;
	[tilespmem:$0x1860] =	vst v0  }
0xf7: {  	s0 =	simm.s32 $0x0;
	s3 =	rddreg [dreg:$0x7];
	[tilespmem:$0x1870] =	vst v47  }
0xf8: {  	[hbm4b:s3+s0] =	stream.linear.scatter [tilespmem:s1], [sflag:$0x1], $0x80, $0x38;
	[tilespmem:$0x2000] =	vst v63  }
0xf9: {  	_ =	swait.ge [sflag:s15], $0x80  }
0xfa: {  	[sflag:s15] =	ssyncset.done $0x0  }
0xfb: {  	[sflag:s15] =	ssyncadd.s32 $0xFFFFFF80  }
0xfc: {  	v48 =	vld [tilespmem:$0x1080]  }
0xfd: {  	v49 =	vld [tilespmem:$0x1880]  }
0xfe: {  	v50 =	vld [tilespmem:$0x1090]  }
0xff: {  	v51 =	vld [tilespmem:$0x1890]  }
0x100: {  	v52 =	vld [tilespmem:$0x10A0]  }
0x101: {  	v53 =	vld [tilespmem:$0x18A0]  }
0x102: {  	v54 =	vld [tilespmem:$0x10B0]  }
0x103: {  	v55 =	vld [tilespmem:$0x18B0]  }
0x104: {  	v56 =	vld [tilespmem:$0x10C0]  }
0x105: {  	v57 =	vld [tilespmem:$0x18C0]  }
0x106: {  	v58 =	vld [tilespmem:$0x10D0]  }
0x107: {  	v59 =	vld [tilespmem:$0x18D0]  }
0x108: {  	v60 =	vld [tilespmem:$0x10E0];
	vm4 =	vgt.s32 v48, $0x0  }
0x109: {  	v61 =	vld [tilespmem:$0x18E0];
	vm5 =	vgt.s32 v50, $0x0;
	v1 =	vnsel vm4, $0x0, v49  }
0x10a: {  	v63 =	vld [tilespmem:$0x10F0];
	vm6 =	vgt.s32 v52, $0x0;
	v62 =	vnsel vm5, $0x0, v51;
	[tilespmem:$0x1880] =	vst v1  }
0x10b: {  	v13 =	vld [tilespmem:$0x18F0];
	vm7 =	vgt.s32 v54, $0x0;
	v12 =	vnsel vm6, $0x0, v53;
	[tilespmem:$0x1890] =	vst v62  }
0x10c: {  	vm8 =	vgt.s32 v56, $0x0;
	v14 =	vnsel vm7, $0x0, v55;
	[tilespmem:$0x18A0] =	vst v12  }
0x10d: {  	vm9 =	vgt.s32 v58, $0x0;
	v15 =	vnsel vm8, $0x0, v57;
	[tilespmem:$0x18B0] =	vst v14  }
0x10e: {  	vm10 =	vgt.s32 v60, $0x0;
	v16 =	vnsel vm9, $0x0, v59;
	[tilespmem:$0x18C0] =	vst v15  }
0x10f: {  	vm11 =	vgt.s32 v63, $0x0;
	v0 =	vnsel vm10, $0x0, v61;
	[tilespmem:$0x18D0] =	vst v16  }
0x110: {  	v17 =	vnsel vm11, $0x0, v13;
	[tilespmem:$0x18E0] =	vst v0  }
0x111: {  	s1 =	rddreg [dreg:$0x8];
	[tilespmem:$0x18F0] =	vst v17  }
0x112: {  	[hbm4b:s1+s0] =	stream.linear.scatter [tilespmem:s2], [sflag:$0x1], $0x80, $0x38;
	[tilespmem:$0x2000] =	vst v63  }
0x113: {  	_ =	swait.ge [sflag:s15], $0x80  }
0x114: {  	[sflag:s15] =	ssyncset.done $0x0  }
0x115: {  	[sflag:s15] =	ssyncadd.s32 $0xFFFFFF80  }
0x116: {  	v18 =	vld [tilespmem:$0x1100]  }
0x117: {  	v19 =	vld [tilespmem:$0x1900]  }
0x118: {  	v20 =	vld [tilespmem:$0x1110]  }
0x119: {  	v21 =	vld [tilespmem:$0x1910]  }
0x11a: {  	v22 =	vld [tilespmem:$0x1120]  }
0x11b: {  	v23 =	vld [tilespmem:$0x1920]  }
0x11c: {  	v24 =	vld [tilespmem:$0x1130]  }
0x11d: {  	v25 =	vld [tilespmem:$0x1930]  }
0x11e: {  	v26 =	vld [tilespmem:$0x1140]  }
0x11f: {  	v27 =	vld [tilespmem:$0x1940]  }
0x120: {  	v28 =	vld [tilespmem:$0x1150]  }
0x121: {  	v29 =	vld [tilespmem:$0x1950]  }
0x122: {  	v30 =	vld [tilespmem:$0x1160];
	vm12 =	vgt.s32 v18, $0x0  }
0x123: {  	v31 =	vld [tilespmem:$0x1960];
	vm13 =	vgt.s32 v20, $0x0;
	v1 =	vnsel vm12, $0x0, v19  }
0x124: {  	v33 =	vld [tilespmem:$0x1170];
	vm14 =	vgt.s32 v22, $0x0;
	v32 =	vnsel vm13, $0x0, v21;
	[tilespmem:$0x1900] =	vst v1  }
0x125: {  	v35 =	vld [tilespmem:$0x1970];
	vm15 =	vgt.s32 v24, $0x0;
	v34 =	vnsel vm14, $0x0, v23;
	[tilespmem:$0x1910] =	vst v32  }
0x126: {  	vm4 =	vgt.s32 v26, $0x0;
	v36 =	vnsel vm15, $0x0, v25;
	[tilespmem:$0x1920] =	vst v34  }
0x127: {  	vm5 =	vgt.s32 v28, $0x0;
	v37 =	vnsel vm4, $0x0, v27;
	[tilespmem:$0x1930] =	vst v36  }
0x128: {  	vm6 =	vgt.s32 v30, $0x0;
	v38 =	vnsel vm5, $0x0, v29;
	[tilespmem:$0x1940] =	vst v37  }
0x129: {  	vm7 =	vgt.s32 v33, $0x0;
	v0 =	vnsel vm6, $0x0, v31;
	[tilespmem:$0x1950] =	vst v38  }
0x12a: {  	v39 =	vnsel vm7, $0x0, v35;
	[tilespmem:$0x1960] =	vst v0  }
0x12b: {  	s0 =	simm.s32 $0x0;
	s1 =	rddreg [dreg:$0x9];
	[tilespmem:$0x1970] =	vst v39  }
0x12c: {  	[hbm4b:s1+s0] =	stream.linear.scatter [tilespmem:s4], [sflag:$0x1], $0x80, $0x38;
	[tilespmem:$0x2000] =	vst v63  }
0x12d: {  	_ =	swait.ge [sflag:s15], $0x80  }
0x12e: {  	[sflag:s15] =	ssyncset.done $0x0  }
0x12f: {  	[sflag:s15] =	ssyncadd.s32 $0xFFFFFF80  }
0x130: {  	v40 =	vld [tilespmem:$0x1180]  }
0x131: {  	v41 =	vld [tilespmem:$0x1980]  }
0x132: {  	v42 =	vld [tilespmem:$0x1190]  }
0x133: {  	v43 =	vld [tilespmem:$0x1990]  }
0x134: {  	v44 =	vld [tilespmem:$0x11A0]  }
0x135: {  	v45 =	vld [tilespmem:$0x19A0]  }
0x136: {  	v46 =	vld [tilespmem:$0x11B0]  }
0x137: {  	v47 =	vld [tilespmem:$0x19B0]  }
0x138: {  	v48 =	vld [tilespmem:$0x11C0]  }
0x139: {  	v49 =	vld [tilespmem:$0x19C0]  }
0x13a: {  	v50 =	vld [tilespmem:$0x11D0]  }
0x13b: {  	v51 =	vld [tilespmem:$0x19D0]  }
0x13c: {  	v52 =	vld [tilespmem:$0x11E0];
	vm8 =	vgt.s32 v40, $0x0  }
0x13d: {  	v53 =	vld [tilespmem:$0x19E0];
	vm9 =	vgt.s32 v42, $0x0;
	v1 =	vnsel vm8, $0x0, v41  }
0x13e: {  	v55 =	vld [tilespmem:$0x11F0];
	vm10 =	vgt.s32 v44, $0x0;
	v54 =	vnsel vm9, $0x0, v43;
	[tilespmem:$0x1980] =	vst v1  }
0x13f: {  	v57 =	vld [tilespmem:$0x19F0];
	vm11 =	vgt.s32 v46, $0x0;
	v56 =	vnsel vm10, $0x0, v45;
	[tilespmem:$0x1990] =	vst v54  }
0x140: {  	vm12 =	vgt.s32 v48, $0x0;
	v58 =	vnsel vm11, $0x0, v47;
	[tilespmem:$0x19A0] =	vst v56  }
0x141: {  	vm13 =	vgt.s32 v50, $0x0;
	v59 =	vnsel vm12, $0x0, v49;
	[tilespmem:$0x19B0] =	vst v58  }
0x142: {  	vm14 =	vgt.s32 v52, $0x0;
	v60 =	vnsel vm13, $0x0, v51;
	[tilespmem:$0x19C0] =	vst v59  }
0x143: {  	vm15 =	vgt.s32 v55, $0x0;
	v0 =	vnsel vm14, $0x0, v53;
	[tilespmem:$0x19D0] =	vst v60  }
0x144: {  	v61 =	vnsel vm15, $0x0, v57;
	[tilespmem:$0x19E0] =	vst v0  }
0x145: {  	s2 =	rddreg [dreg:$0xa];
	[tilespmem:$0x19F0] =	vst v61  }
0x146: {  	[hbm4b:s2+s0] =	stream.linear.scatter [tilespmem:s6], [sflag:$0x1], $0x80, $0x38;
	[tilespmem:$0x2000] =	vst v63  }
0x147: {  	_ =	swait.ge [sflag:s15], $0x80  }
0x148: {  	[sflag:s15] =	ssyncset.done $0x0  }
0x149: {  	[sflag:s15] =	ssyncadd.s32 $0xFFFFFF80  }
0x14a: {  	v62 =	vld [tilespmem:$0x1200]  }
0x14b: {  	v63 =	vld [tilespmem:$0x1A00]  }
0x14c: {  	v12 =	vld [tilespmem:$0x1210]  }
0x14d: {  	v13 =	vld [tilespmem:$0x1A10]  }
0x14e: {  	v14 =	vld [tilespmem:$0x1220]  }
0x14f: {  	v15 =	vld [tilespmem:$0x1A20]  }
0x150: {  	v16 =	vld [tilespmem:$0x1230]  }
0x151: {  	v17 =	vld [tilespmem:$0x1A30]  }
0x152: {  	v18 =	vld [tilespmem:$0x1240]  }
0x153: {  	v19 =	vld [tilespmem:$0x1A40]  }
0x154: {  	v20 =	vld [tilespmem:$0x1250]  }
0x155: {  	v21 =	vld [tilespmem:$0x1A50]  }
0x156: {  	v22 =	vld [tilespmem:$0x1260];
	vm4 =	vgt.s32 v62, $0x0  }
0x157: {  	v23 =	vld [tilespmem:$0x1A60];
	vm5 =	vgt.s32 v12, $0x0;
	v1 =	vnsel vm4, $0x0, v63  }
0x158: {  	v25 =	vld [tilespmem:$0x1270];
	vm6 =	vgt.s32 v14, $0x0;
	v24 =	vnsel vm5, $0x0, v13;
	[tilespmem:$0x1A00] =	vst v1  }
0x159: {  	v27 =	vld [tilespmem:$0x1A70];
	vm7 =	vgt.s32 v16, $0x0;
	v26 =	vnsel vm6, $0x0, v15;
	[tilespmem:$0x1A10] =	vst v24  }
0x15a: {  	vm8 =	vgt.s32 v18, $0x0;
	v28 =	vnsel vm7, $0x0, v17;
	[tilespmem:$0x1A20] =	vst v26  }
0x15b: {  	vm9 =	vgt.s32 v20, $0x0;
	v29 =	vnsel vm8, $0x0, v19;
	[tilespmem:$0x1A30] =	vst v28  }
0x15c: {  	vm10 =	vgt.s32 v22, $0x0;
	v30 =	vnsel vm9, $0x0, v21;
	[tilespmem:$0x1A40] =	vst v29  }
0x15d: {  	vm11 =	vgt.s32 v25, $0x0;
	v0 =	vnsel vm10, $0x0, v23;
	[tilespmem:$0x1A50] =	vst v30  }
0x15e: {  	v31 =	vnsel vm11, $0x0, v27;
	[tilespmem:$0x1A60] =	vst v0  }
0x15f: {  	s4 =	rddreg [dreg:$0xb];
	[tilespmem:$0x1A70] =	vst v31  }
0x160: {  	[hbm4b:s4+s0] =	stream.linear.scatter [tilespmem:s8], [sflag:$0x1], $0x80, $0x38;
	[tilespmem:$0x2000] =	vst v63  }
0x161: {  	_ =	swait.ge [sflag:s15], $0x80  }
0x162: {  	[sflag:s15] =	ssyncset.done $0x0  }
0x163: {  	[sflag:s15] =	ssyncadd.s32 $0xFFFFFF80  }
0x164: {  	v32 =	vld [tilespmem:$0x1280]  }
0x165: {  	v33 =	vld [tilespmem:$0x1A80]  }
0x166: {  	v34 =	vld [tilespmem:$0x1290]  }
0x167: {  	v35 =	vld [tilespmem:$0x1A90]  }
0x168: {  	v36 =	vld [tilespmem:$0x12A0]  }
0x169: {  	v37 =	vld [tilespmem:$0x1AA0]  }
0x16a: {  	v38 =	vld [tilespmem:$0x12B0]  }
0x16b: {  	v39 =	vld [tilespmem:$0x1AB0]  }
0x16c: {  	v40 =	vld [tilespmem:$0x12C0]  }
0x16d: {  	v41 =	vld [tilespmem:$0x1AC0]  }
0x16e: {  	v42 =	vld [tilespmem:$0x12D0]  }
0x16f: {  	v43 =	vld [tilespmem:$0x1AD0]  }
0x170: {  	v44 =	vld [tilespmem:$0x12E0];
	vm12 =	vgt.s32 v32, $0x0  }
0x171: {  	v45 =	vld [tilespmem:$0x1AE0];
	vm13 =	vgt.s32 v34, $0x0;
	v1 =	vnsel vm12, $0x0, v33  }
0x172: {  	v47 =	vld [tilespmem:$0x12F0];
	vm14 =	vgt.s32 v36, $0x0;
	v46 =	vnsel vm13, $0x0, v35;
	[tilespmem:$0x1A80] =	vst v1  }
0x173: {  	v49 =	vld [tilespmem:$0x1AF0];
	vm15 =	vgt.s32 v38, $0x0;
	v48 =	vnsel vm14, $0x0, v37;
	[tilespmem:$0x1A90] =	vst v46  }
0x174: {  	vm4 =	vgt.s32 v40, $0x0;
	v50 =	vnsel vm15, $0x0, v39;
	[tilespmem:$0x1AA0] =	vst v48  }
0x175: {  	vm5 =	vgt.s32 v42, $0x0;
	v51 =	vnsel vm4, $0x0, v41;
	[tilespmem:$0x1AB0] =	vst v50  }
0x176: {  	vm6 =	vgt.s32 v44, $0x0;
	v52 =	vnsel vm5, $0x0, v43;
	[tilespmem:$0x1AC0] =	vst v51  }
0x177: {  	vm7 =	vgt.s32 v47, $0x0;
	v0 =	vnsel vm6, $0x0, v45;
	[tilespmem:$0x1AD0] =	vst v52  }
0x178: {  	v53 =	vnsel vm7, $0x0, v49;
	[tilespmem:$0x1AE0] =	vst v0  }
0x179: {  	s6 =	rddreg [dreg:$0xc];
	[tilespmem:$0x1AF0] =	vst v53  }
0x17a: {  	[hbm4b:s6+s0] =	stream.linear.scatter [tilespmem:s9], [sflag:$0x1], $0x80, $0x38;
	[tilespmem:$0x2000] =	vst v63  }
0x17b: {  	_ =	swait.ge [sflag:s15], $0x80  }
0x17c: {  	[sflag:s15] =	ssyncset.done $0x0  }
0x17d: {  	[sflag:s15] =	ssyncadd.s32 $0xFFFFFF80  }
0x17e: {  	v54 =	vld [tilespmem:$0x1300]  }
0x17f: {  	v55 =	vld [tilespmem:$0x1B00]  }
0x180: {  	v56 =	vld [tilespmem:$0x1310]  }
0x181: {  	v57 =	vld [tilespmem:$0x1B10]  }
0x182: {  	v58 =	vld [tilespmem:$0x1320]  }
0x183: {  	v59 =	vld [tilespmem:$0x1B20]  }
0x184: {  	v60 =	vld [tilespmem:$0x1330]  }
0x185: {  	v61 =	vld [tilespmem:$0x1B30]  }
0x186: {  	v62 =	vld [tilespmem:$0x1340]  }
0x187: {  	v63 =	vld [tilespmem:$0x1B40]  }
0x188: {  	v12 =	vld [tilespmem:$0x1350]  }
0x189: {  	v13 =	vld [tilespmem:$0x1B50]  }
0x18a: {  	v14 =	vld [tilespmem:$0x1360];
	vm8 =	vgt.s32 v54, $0x0  }
0x18b: {  	v15 =	vld [tilespmem:$0x1B60];
	vm9 =	vgt.s32 v56, $0x0;
	v1 =	vnsel vm8, $0x0, v55  }
0x18c: {  	v17 =	vld [tilespmem:$0x1370];
	vm10 =	vgt.s32 v58, $0x0;
	v16 =	vnsel vm9, $0x0, v57;
	[tilespmem:$0x1B00] =	vst v1  }
0x18d: {  	v19 =	vld [tilespmem:$0x1B70];
	vm11 =	vgt.s32 v60, $0x0;
	v18 =	vnsel vm10, $0x0, v59;
	[tilespmem:$0x1B10] =	vst v16  }
0x18e: {  	vm12 =	vgt.s32 v62, $0x0;
	v20 =	vnsel vm11, $0x0, v61;
	[tilespmem:$0x1B20] =	vst v18  }
0x18f: {  	vm13 =	vgt.s32 v12, $0x0;
	v21 =	vnsel vm12, $0x0, v63;
	[tilespmem:$0x1B30] =	vst v20  }
0x190: {  	vm14 =	vgt.s32 v14, $0x0;
	v22 =	vnsel vm13, $0x0, v13;
	[tilespmem:$0x1B40] =	vst v21  }
0x191: {  	vm15 =	vgt.s32 v17, $0x0;
	v0 =	vnsel vm14, $0x0, v15;
	[tilespmem:$0x1B50] =	vst v22  }
0x192: {  	v23 =	vnsel vm15, $0x0, v19;
	[tilespmem:$0x1B60] =	vst v0  }
0x193: {  	s8 =	rddreg [dreg:$0xd];
	[tilespmem:$0x1B70] =	vst v23  }
0x194: {  	[hbm4b:s8+s0] =	stream.linear.scatter [tilespmem:s10], [sflag:$0x1], $0x80, $0x38;
	[tilespmem:$0x2000] =	vst v63  }
0x195: {  	_ =	swait.ge [sflag:s15], $0x80  }
0x196: {  	[sflag:s15] =	ssyncset.done $0x0  }
0x197: {  	[sflag:s15] =	ssyncadd.s32 $0xFFFFFF80  }
0x198: {  	v24 =	vld [tilespmem:$0x1380]  }
0x199: {  	v25 =	vld [tilespmem:$0x1B80]  }
0x19a: {  	v26 =	vld [tilespmem:$0x1390]  }
0x19b: {  	v27 =	vld [tilespmem:$0x1B90]  }
0x19c: {  	v28 =	vld [tilespmem:$0x13A0]  }
0x19d: {  	v29 =	vld [tilespmem:$0x1BA0]  }
0x19e: {  	v30 =	vld [tilespmem:$0x13B0]  }
0x19f: {  	v31 =	vld [tilespmem:$0x1BB0]  }
0x1a0: {  	v32 =	vld [tilespmem:$0x13C0]  }
0x1a1: {  	v33 =	vld [tilespmem:$0x1BC0]  }
0x1a2: {  	v34 =	vld [tilespmem:$0x13D0]  }
0x1a3: {  	v35 =	vld [tilespmem:$0x1BD0]  }
0x1a4: {  	v36 =	vld [tilespmem:$0x13E0];
	vm4 =	vgt.s32 v24, $0x0  }
0x1a5: {  	v37 =	vld [tilespmem:$0x1BE0];
	vm5 =	vgt.s32 v26, $0x0;
	v1 =	vnsel vm4, $0x0, v25  }
0x1a6: {  	v39 =	vld [tilespmem:$0x13F0];
	vm6 =	vgt.s32 v28, $0x0;
	v38 =	vnsel vm5, $0x0, v27;
	[tilespmem:$0x1B80] =	vst v1  }
0x1a7: {  	v41 =	vld [tilespmem:$0x1BF0];
	vm7 =	vgt.s32 v30, $0x0;
	v40 =	vnsel vm6, $0x0, v29;
	[tilespmem:$0x1B90] =	vst v38  }
0x1a8: {  	vm8 =	vgt.s32 v32, $0x0;
	v42 =	vnsel vm7, $0x0, v31;
	[tilespmem:$0x1BA0] =	vst v40  }
0x1a9: {  	vm9 =	vgt.s32 v34, $0x0;
	v43 =	vnsel vm8, $0x0, v33;
	[tilespmem:$0x1BB0] =	vst v42  }
0x1aa: {  	vm10 =	vgt.s32 v36, $0x0;
	v44 =	vnsel vm9, $0x0, v35;
	[tilespmem:$0x1BC0] =	vst v43  }
0x1ab: {  	vm11 =	vgt.s32 v39, $0x0;
	v0 =	vnsel vm10, $0x0, v37;
	[tilespmem:$0x1BD0] =	vst v44  }
0x1ac: {  	v45 =	vnsel vm11, $0x0, v41;
	[tilespmem:$0x1BE0] =	vst v0  }
0x1ad: {  	s9 =	rddreg [dreg:$0xe];
	[tilespmem:$0x1BF0] =	vst v45  }
0x1ae: {  	[hbm4b:s9+s0] =	stream.linear.scatter [tilespmem:s11], [sflag:$0x1], $0x80, $0x38;
	[tilespmem:$0x2000] =	vst v63  }
0x1af: {  	_ =	swait.ge [sflag:s15], $0x80  }
0x1b0: {  	[sflag:s15] =	ssyncset.done $0x0  }
0x1b1: {  	[sflag:s15] =	ssyncadd.s32 $0xFFFFFF80  }
0x1b2: {  	v46 =	vld [tilespmem:$0x1400]  }
0x1b3: {  	v47 =	vld [tilespmem:$0x1C00]  }
0x1b4: {  	v48 =	vld [tilespmem:$0x1410]  }
0x1b5: {  	v49 =	vld [tilespmem:$0x1C10]  }
0x1b6: {  	v50 =	vld [tilespmem:$0x1420]  }
0x1b7: {  	v51 =	vld [tilespmem:$0x1C20]  }
0x1b8: {  	v52 =	vld [tilespmem:$0x1430]  }
0x1b9: {  	v53 =	vld [tilespmem:$0x1C30]  }
0x1ba: {  	v54 =	vld [tilespmem:$0x1440]  }
0x1bb: {  	v55 =	vld [tilespmem:$0x1C40]  }
0x1bc: {  	v56 =	vld [tilespmem:$0x1450]  }
0x1bd: {  	v57 =	vld [tilespmem:$0x1C50]  }
0x1be: {  	v58 =	vld [tilespmem:$0x1460];
	vm12 =	vgt.s32 v46, $0x0  }
0x1bf: {  	v59 =	vld [tilespmem:$0x1C60];
	vm13 =	vgt.s32 v48, $0x0;
	v1 =	vnsel vm12, $0x0, v47  }
0x1c0: {  	v61 =	vld [tilespmem:$0x1470];
	vm14 =	vgt.s32 v50, $0x0;
	v60 =	vnsel vm13, $0x0, v49;
	[tilespmem:$0x1C00] =	vst v1  }
0x1c1: {  	v63 =	vld [tilespmem:$0x1C70];
	vm15 =	vgt.s32 v52, $0x0;
	v62 =	vnsel vm14, $0x0, v51;
	[tilespmem:$0x1C10] =	vst v60  }
0x1c2: {  	vm4 =	vgt.s32 v54, $0x0;
	v7 =	vnsel vm15, $0x0, v53;
	[tilespmem:$0x1C20] =	vst v62  }
0x1c3: {  	vm5 =	vgt.s32 v56, $0x0;
	v9 =	vnsel vm4, $0x0, v55;
	[tilespmem:$0x1C30] =	vst v7  }
0x1c4: {  	vm6 =	vgt.s32 v58, $0x0;
	v12 =	vnsel vm5, $0x0, v57;
	[tilespmem:$0x1C40] =	vst v9  }
0x1c5: {  	vm7 =	vgt.s32 v61, $0x0;
	v0 =	vnsel vm6, $0x0, v59;
	[tilespmem:$0x1C50] =	vst v12  }
0x1c6: {  	v13 =	vnsel vm7, $0x0, v63;
	[tilespmem:$0x1C60] =	vst v0  }
0x1c7: {  	s10 =	rddreg [dreg:$0xf];
	[tilespmem:$0x1C70] =	vst v13  }
0x1c8: {  	[hbm4b:s10+s0] =	stream.linear.scatter [tilespmem:s12], [sflag:$0x1], $0x80, $0x38;
	[tilespmem:$0x2000] =	vst v63  }
0x1c9: {  	_ =	swait.ge [sflag:s15], $0x80  }
0x1ca: {  	[sflag:s15] =	ssyncset.done $0x0  }
0x1cb: {  	[sflag:s15] =	ssyncadd.s32 $0xFFFFFF80  }
0x1cc: {  	v14 =	vld [tilespmem:$0x1480]  }
0x1cd: {  	v15 =	vld [tilespmem:$0x1C80]  }
0x1ce: {  	v16 =	vld [tilespmem:$0x1490]  }
0x1cf: {  	v17 =	vld [tilespmem:$0x1C90]  }
0x1d0: {  	v18 =	vld [tilespmem:$0x14A0]  }
0x1d1: {  	v19 =	vld [tilespmem:$0x1CA0]  }
0x1d2: {  	v20 =	vld [tilespmem:$0x14B0]  }
0x1d3: {  	v21 =	vld [tilespmem:$0x1CB0]  }
0x1d4: {  	v22 =	vld [tilespmem:$0x14C0]  }
0x1d5: {  	v23 =	vld [tilespmem:$0x1CC0]  }
0x1d6: {  	v24 =	vld [tilespmem:$0x14D0]  }
0x1d7: {  	v25 =	vld [tilespmem:$0x1CD0]  }
0x1d8: {  	v26 =	vld [tilespmem:$0x14E0];
	vm8 =	vgt.s32 v14, $0x0  }
0x1d9: {  	v27 =	vld [tilespmem:$0x1CE0];
	vm9 =	vgt.s32 v16, $0x0;
	v1 =	vnsel vm8, $0x0, v15  }
0x1da: {  	v29 =	vld [tilespmem:$0x14F0];
	vm10 =	vgt.s32 v18, $0x0;
	v28 =	vnsel vm9, $0x0, v17;
	[tilespmem:$0x1C80] =	vst v1  }
0x1db: {  	v31 =	vld [tilespmem:$0x1CF0];
	vm11 =	vgt.s32 v20, $0x0;
	v30 =	vnsel vm10, $0x0, v19;
	[tilespmem:$0x1C90] =	vst v28  }
0x1dc: {  	vm12 =	vgt.s32 v22, $0x0;
	v32 =	vnsel vm11, $0x0, v21;
	[tilespmem:$0x1CA0] =	vst v30  }
0x1dd: {  	vm13 =	vgt.s32 v24, $0x0;
	v33 =	vnsel vm12, $0x0, v23;
	[tilespmem:$0x1CB0] =	vst v32  }
0x1de: {  	vm14 =	vgt.s32 v26, $0x0;
	v34 =	vnsel vm13, $0x0, v25;
	[tilespmem:$0x1CC0] =	vst v33  }
0x1df: {  	vm15 =	vgt.s32 v29, $0x0;
	v0 =	vnsel vm14, $0x0, v27;
	[tilespmem:$0x1CD0] =	vst v34  }
0x1e0: {  	v35 =	vnsel vm15, $0x0, v31;
	[tilespmem:$0x1CE0] =	vst v0  }
0x1e1: {  	s11 =	rddreg [dreg:$0x10];
	[tilespmem:$0x1CF0] =	vst v35  }
0x1e2: {  	[hbm4b:s11+s0] =	stream.linear.scatter [tilespmem:s13], [sflag:$0x1], $0x80, $0x38;
	[tilespmem:$0x2000] =	vst v63  }
0x1e3: {  	_ =	swait.ge [sflag:s15], $0x80  }
0x1e4: {  	[sflag:s15] =	ssyncset.done $0x0  }
0x1e5: {  	[sflag:s15] =	ssyncadd.s32 $0xFFFFFF80  }
0x1e6: {  	v36 =	vld [tilespmem:$0x1500]  }
0x1e7: {  	v37 =	vld [tilespmem:$0x1D00]  }
0x1e8: {  	v38 =	vld [tilespmem:$0x1510]  }
0x1e9: {  	v39 =	vld [tilespmem:$0x1D10]  }
0x1ea: {  	v40 =	vld [tilespmem:$0x1520]  }
0x1eb: {  	v41 =	vld [tilespmem:$0x1D20]  }
0x1ec: {  	v42 =	vld [tilespmem:$0x1530]  }
0x1ed: {  	v43 =	vld [tilespmem:$0x1D30]  }
0x1ee: {  	v44 =	vld [tilespmem:$0x1540]  }
0x1ef: {  	v45 =	vld [tilespmem:$0x1D40]  }
0x1f0: {  	v46 =	vld [tilespmem:$0x1550]  }
0x1f1: {  	v47 =	vld [tilespmem:$0x1D50]  }
0x1f2: {  	v48 =	vld [tilespmem:$0x1560];
	vm4 =	vgt.s32 v36, $0x0  }
0x1f3: {  	v49 =	vld [tilespmem:$0x1D60];
	vm5 =	vgt.s32 v38, $0x0;
	v1 =	vnsel vm4, $0x0, v37  }
0x1f4: {  	v51 =	vld [tilespmem:$0x1570];
	vm6 =	vgt.s32 v40, $0x0;
	v50 =	vnsel vm5, $0x0, v39;
	[tilespmem:$0x1D00] =	vst v1  }
0x1f5: {  	v53 =	vld [tilespmem:$0x1D70];
	vm7 =	vgt.s32 v42, $0x0;
	v52 =	vnsel vm6, $0x0, v41;
	[tilespmem:$0x1D10] =	vst v50  }
0x1f6: {  	vm8 =	vgt.s32 v44, $0x0;
	v54 =	vnsel vm7, $0x0, v43;
	[tilespmem:$0x1D20] =	vst v52  }
0x1f7: {  	vm9 =	vgt.s32 v46, $0x0;
	v55 =	vnsel vm8, $0x0, v45;
	[tilespmem:$0x1D30] =	vst v54  }
0x1f8: {  	vm10 =	vgt.s32 v48, $0x0;
	v56 =	vnsel vm9, $0x0, v47;
	[tilespmem:$0x1D40] =	vst v55  }
0x1f9: {  	vm11 =	vgt.s32 v51, $0x0;
	v0 =	vnsel vm10, $0x0, v49;
	[tilespmem:$0x1D50] =	vst v56  }
0x1fa: {  	v57 =	vnsel vm11, $0x0, v53;
	[tilespmem:$0x1D60] =	vst v0  }
0x1fb: {  	s12 =	rddreg [dreg:$0x11];
	[tilespmem:$0x1D70] =	vst v57  }
0x1fc: {  	[hbm4b:s12+s0] =	stream.linear.scatter [tilespmem:s14], [sflag:$0x1], $0x80, $0x38;
	[tilespmem:$0x2000] =	vst v63  }
0x1fd: {  	_ =	swait.ge [sflag:s15], $0x80  }
0x1fe: {  	[sflag:s15] =	ssyncset.done $0x0  }
0x1ff: {  	[sflag:s15] =	ssyncadd.s32 $0xFFFFFF80  }
0x200: {  	v58 =	vld [tilespmem:$0x1580]  }
0x201: {  	v59 =	vld [tilespmem:$0x1D80]  }
0x202: {  	v60 =	vld [tilespmem:$0x1590]  }
0x203: {  	v61 =	vld [tilespmem:$0x1D90]  }
0x204: {  	v62 =	vld [tilespmem:$0x15A0]  }
0x205: {  	v63 =	vld [tilespmem:$0x1DA0]  }
0x206: {  	v12 =	vld [tilespmem:$0x15B0]  }
0x207: {  	v13 =	vld [tilespmem:$0x1DB0]  }
0x208: {  	v14 =	vld [tilespmem:$0x15C0]  }
0x209: {  	v15 =	vld [tilespmem:$0x1DC0]  }
0x20a: {  	v16 =	vld [tilespmem:$0x15D0]  }
0x20b: {  	v17 =	vld [tilespmem:$0x1DD0]  }
0x20c: {  	v18 =	vld [tilespmem:$0x15E0];
	vm12 =	vgt.s32 v58, $0x0  }
0x20d: {  	v19 =	vld [tilespmem:$0x1DE0];
	vm13 =	vgt.s32 v60, $0x0;
	v1 =	vnsel vm12, $0x0, v59  }
0x20e: {  	v21 =	vld [tilespmem:$0x15F0];
	vm14 =	vgt.s32 v62, $0x0;
	v20 =	vnsel vm13, $0x0, v61;
	[tilespmem:$0x1D80] =	vst v1  }
0x20f: {  	v23 =	vld [tilespmem:$0x1DF0];
	vm15 =	vgt.s32 v12, $0x0;
	v22 =	vnsel vm14, $0x0, v63;
	[tilespmem:$0x1D90] =	vst v20  }
0x210: {  	vm4 =	vgt.s32 v14, $0x0;
	v24 =	vnsel vm15, $0x0, v13;
	[tilespmem:$0x1DA0] =	vst v22  }
0x211: {  	vm5 =	vgt.s32 v16, $0x0;
	v25 =	vnsel vm4, $0x0, v15;
	[tilespmem:$0x1DB0] =	vst v24  }
0x212: {  	vm6 =	vgt.s32 v18, $0x0;
	v26 =	vnsel vm5, $0x0, v17;
	[tilespmem:$0x1DC0] =	vst v25  }
0x213: {  	vm7 =	vgt.s32 v21, $0x0;
	v0 =	vnsel vm6, $0x0, v19;
	[tilespmem:$0x1DD0] =	vst v26  }
0x214: {  	v27 =	vnsel vm7, $0x0, v23;
	[tilespmem:$0x1DE0] =	vst v0  }
0x215: {  	s13 =	rddreg [dreg:$0x12];
	[tilespmem:$0x1DF0] =	vst v27  }
0x216: {  	[hbm4b:s13+s0] =	stream.linear.scatter [tilespmem:s16], [sflag:$0x1], $0x80, $0x38;
	[tilespmem:$0x2000] =	vst v63  }
0x217: {  	_ =	swait.ge [sflag:s15], $0x80  }
0x218: {  	[sflag:s15] =	ssyncset.done $0x0  }
0x219: {  	[sflag:s15] =	ssyncadd.s32 $0xFFFFFF80  }
0x21a: {  	v28 =	vld [tilespmem:$0x1600]  }
0x21b: {  	v29 =	vld [tilespmem:$0x1E00]  }
0x21c: {  	v30 =	vld [tilespmem:$0x1610]  }
0x21d: {  	v31 =	vld [tilespmem:$0x1E10]  }
0x21e: {  	v32 =	vld [tilespmem:$0x1620]  }
0x21f: {  	v33 =	vld [tilespmem:$0x1E20]  }
0x220: {  	v34 =	vld [tilespmem:$0x1630]  }
0x221: {  	v35 =	vld [tilespmem:$0x1E30]  }
0x222: {  	v36 =	vld [tilespmem:$0x1640]  }
0x223: {  	v37 =	vld [tilespmem:$0x1E40]  }
0x224: {  	v38 =	vld [tilespmem:$0x1650]  }
0x225: {  	v39 =	vld [tilespmem:$0x1E50]  }
0x226: {  	v40 =	vld [tilespmem:$0x1660];
	vm8 =	vgt.s32 v28, $0x0  }
0x227: {  	v41 =	vld [tilespmem:$0x1E60];
	vm9 =	vgt.s32 v30, $0x0;
	v1 =	vnsel vm8, $0x0, v29  }
0x228: {  	v43 =	vld [tilespmem:$0x1670];
	vm10 =	vgt.s32 v32, $0x0;
	v42 =	vnsel vm9, $0x0, v31;
	[tilespmem:$0x1E00] =	vst v1  }
0x229: {  	v45 =	vld [tilespmem:$0x1E70];
	vm11 =	vgt.s32 v34, $0x0;
	v44 =	vnsel vm10, $0x0, v33;
	[tilespmem:$0x1E10] =	vst v42  }
0x22a: {  	vm12 =	vgt.s32 v36, $0x0;
	v46 =	vnsel vm11, $0x0, v35;
	[tilespmem:$0x1E20] =	vst v44  }
0x22b: {  	vm13 =	vgt.s32 v38, $0x0;
	v47 =	vnsel vm12, $0x0, v37;
	[tilespmem:$0x1E30] =	vst v46  }
0x22c: {  	vm14 =	vgt.s32 v40, $0x0;
	v48 =	vnsel vm13, $0x0, v39;
	[tilespmem:$0x1E40] =	vst v47  }
0x22d: {  	vm15 =	vgt.s32 v43, $0x0;
	v0 =	vnsel vm14, $0x0, v41;
	[tilespmem:$0x1E50] =	vst v48  }
0x22e: {  	v49 =	vnsel vm15, $0x0, v45;
	[tilespmem:$0x1E60] =	vst v0  }
0x22f: {  	s14 =	rddreg [dreg:$0x13];
	[tilespmem:$0x1E70] =	vst v49  }
0x230: {  	[hbm4b:s14+s0] =	stream.linear.scatter [tilespmem:s17], [sflag:$0x1], $0x80, $0x38;
	[tilespmem:$0x2000] =	vst v63  }
0x231: {  	_ =	swait.ge [sflag:s15], $0x80  }
0x232: {  	[sflag:s15] =	ssyncset.done $0x0  }
0x233: {  	[sflag:s15] =	ssyncadd.s32 $0xFFFFFF80  }
0x234: {  	v50 =	vld [tilespmem:$0x1680]  }
0x235: {  	v51 =	vld [tilespmem:$0x1E80]  }
0x236: {  	v52 =	vld [tilespmem:$0x1690]  }
0x237: {  	v53 =	vld [tilespmem:$0x1E90]  }
0x238: {  	v54 =	vld [tilespmem:$0x16A0]  }
0x239: {  	v55 =	vld [tilespmem:$0x1EA0]  }
0x23a: {  	v56 =	vld [tilespmem:$0x16B0]  }
0x23b: {  	v57 =	vld [tilespmem:$0x1EB0]  }
0x23c: {  	v58 =	vld [tilespmem:$0x16C0]  }
0x23d: {  	v59 =	vld [tilespmem:$0x1EC0]  }
0x23e: {  	v60 =	vld [tilespmem:$0x16D0]  }
0x23f: {  	v61 =	vld [tilespmem:$0x1ED0]  }
0x240: {  	v62 =	vld [tilespmem:$0x16E0];
	vm4 =	vgt.s32 v50, $0x0  }
0x241: {  	v63 =	vld [tilespmem:$0x1EE0];
	vm5 =	vgt.s32 v52, $0x0;
	v1 =	vnsel vm4, $0x0, v51  }
0x242: {  	v13 =	vld [tilespmem:$0x16F0];
	vm6 =	vgt.s32 v54, $0x0;
	v12 =	vnsel vm5, $0x0, v53;
	[tilespmem:$0x1E80] =	vst v1  }
0x243: {  	v15 =	vld [tilespmem:$0x1EF0];
	vm7 =	vgt.s32 v56, $0x0;
	v14 =	vnsel vm6, $0x0, v55;
	[tilespmem:$0x1E90] =	vst v12  }
0x244: {  	vm8 =	vgt.s32 v58, $0x0;
	v16 =	vnsel vm7, $0x0, v57;
	[tilespmem:$0x1EA0] =	vst v14  }
0x245: {  	vm9 =	vgt.s32 v60, $0x0;
	v17 =	vnsel vm8, $0x0, v59;
	[tilespmem:$0x1EB0] =	vst v16  }
0x246: {  	vm10 =	vgt.s32 v62, $0x0;
	v18 =	vnsel vm9, $0x0, v61;
	[tilespmem:$0x1EC0] =	vst v17  }
0x247: {  	vm11 =	vgt.s32 v13, $0x0;
	v0 =	vnsel vm10, $0x0, v63;
	[tilespmem:$0x1ED0] =	vst v18  }
0x248: {  	v19 =	vnsel vm11, $0x0, v15;
	[tilespmem:$0x1EE0] =	vst v0  }
0x249: {  	s16 =	rddreg [dreg:$0x14];
	[tilespmem:$0x1EF0] =	vst v19  }
0x24a: {  	[hbm4b:s16+s0] =	stream.linear.scatter [tilespmem:s18], [sflag:$0x1], $0x80, $0x38;
	[tilespmem:$0x2000] =	vst v63  }
0x24b: {  	_ =	swait.ge [sflag:s15], $0x80  }
0x24c: {  	[sflag:s15] =	ssyncset.done $0x0  }
0x24d: {  	[sflag:s15] =	ssyncadd.s32 $0xFFFFFF80  }
0x24e: {  	v20 =	vld [tilespmem:$0x1700]  }
0x24f: {  	v21 =	vld [tilespmem:$0x1F00]  }
0x250: {  	v22 =	vld [tilespmem:$0x1710]  }
0x251: {  	v23 =	vld [tilespmem:$0x1F10]  }
0x252: {  	v24 =	vld [tilespmem:$0x1720]  }
0x253: {  	v25 =	vld [tilespmem:$0x1F20]  }
0x254: {  	v26 =	vld [tilespmem:$0x1730]  }
0x255: {  	v27 =	vld [tilespmem:$0x1F30]  }
0x256: {  	v28 =	vld [tilespmem:$0x1740]  }
0x257: {  	v29 =	vld [tilespmem:$0x1F40]  }
0x258: {  	v30 =	vld [tilespmem:$0x1750]  }
0x259: {  	v31 =	vld [tilespmem:$0x1F50]  }
0x25a: {  	v32 =	vld [tilespmem:$0x1760];
	vm12 =	vgt.s32 v20, $0x0  }
0x25b: {  	v33 =	vld [tilespmem:$0x1F60];
	vm13 =	vgt.s32 v22, $0x0;
	v1 =	vnsel vm12, $0x0, v21  }
0x25c: {  	v35 =	vld [tilespmem:$0x1770];
	vm14 =	vgt.s32 v24, $0x0;
	v34 =	vnsel vm13, $0x0, v23;
	[tilespmem:$0x1F00] =	vst v1  }
0x25d: {  	v37 =	vld [tilespmem:$0x1F70];
	vm15 =	vgt.s32 v26, $0x0;
	v36 =	vnsel vm14, $0x0, v25;
	[tilespmem:$0x1F10] =	vst v34  }
0x25e: {  	vm4 =	vgt.s32 v28, $0x0;
	v38 =	vnsel vm15, $0x0, v27;
	[tilespmem:$0x1F20] =	vst v36  }
0x25f: {  	vm5 =	vgt.s32 v30, $0x0;
	v39 =	vnsel vm4, $0x0, v29;
	[tilespmem:$0x1F30] =	vst v38  }
0x260: {  	vm6 =	vgt.s32 v32, $0x0;
	v40 =	vnsel vm5, $0x0, v31;
	[tilespmem:$0x1F40] =	vst v39  }
0x261: {  	vm7 =	vgt.s32 v35, $0x0;
	v0 =	vnsel vm6, $0x0, v33;
	[tilespmem:$0x1F50] =	vst v40  }
0x262: {  	v41 =	vnsel vm7, $0x0, v37;
	[tilespmem:$0x1F60] =	vst v0  }
0x263: {  	s17 =	rddreg [dreg:$0x15];
	[tilespmem:$0x1F70] =	vst v41  }
0x264: {  	[hbm4b:s17+s0] =	stream.linear.scatter [tilespmem:s5], [sflag:$0x1], $0x80, $0x38;
	[tilespmem:$0x2000] =	vst v63  }
0x265: {  	_ =	swait.ge [sflag:s15], $0x80  }
0x266: {  	[sflag:s15] =	ssyncset.done $0x0  }
0x267: {  	[sflag:s15] =	ssyncadd.s32 $0xFFFFFF80  }
0x268: {  	v42 =	vld [tilespmem:$0x1780]  }
0x269: {  	v43 =	vld [tilespmem:$0x1F80]  }
0x26a: {  	v44 =	vld [tilespmem:$0x1790]  }
0x26b: {  	v45 =	vld [tilespmem:$0x1F90]  }
0x26c: {  	v46 =	vld [tilespmem:$0x17A0]  }
0x26d: {  	v47 =	vld [tilespmem:$0x1FA0]  }
0x26e: {  	v48 =	vld [tilespmem:$0x17B0]  }
0x26f: {  	v49 =	vld [tilespmem:$0x1FB0]  }
0x270: {  	v50 =	vld [tilespmem:$0x17C0]  }
0x271: {  	v51 =	vld [tilespmem:$0x1FC0]  }
0x272: {  	v52 =	vld [tilespmem:$0x17D0]  }
0x273: {  	v53 =	vld [tilespmem:$0x1FD0]  }
0x274: {  	v54 =	vld [tilespmem:$0x17E0];
	vm8 =	vgt.s32 v42, $0x0  }
0x275: {  	v55 =	vld [tilespmem:$0x1FE0];
	vm9 =	vgt.s32 v44, $0x0;
	v1 =	vnsel vm8, $0x0, v43  }
0x276: {  	v57 =	vld [tilespmem:$0x17F0];
	vm10 =	vgt.s32 v46, $0x0;
	v56 =	vnsel vm9, $0x0, v45;
	[tilespmem:$0x1F80] =	vst v1  }
0x277: {  	v59 =	vld [tilespmem:$0x1FF0];
	vm11 =	vgt.s32 v48, $0x0;
	v58 =	vnsel vm10, $0x0, v47;
	[tilespmem:$0x1F90] =	vst v56  }
0x278: {  	vm12 =	vgt.s32 v50, $0x0;
	v60 =	vnsel vm11, $0x0, v49;
	[tilespmem:$0x1FA0] =	vst v58  }
0x279: {  	vm13 =	vgt.s32 v52, $0x0;
	v61 =	vnsel vm12, $0x0, v51;
	[tilespmem:$0x1FB0] =	vst v60  }
0x27a: {  	vm14 =	vgt.s32 v54, $0x0;
	v62 =	vnsel vm13, $0x0, v53;
	[tilespmem:$0x1FC0] =	vst v61  }
0x27b: {  	vm15 =	vgt.s32 v57, $0x0;
	v0 =	vnsel vm14, $0x0, v55;
	[tilespmem:$0x1FD0] =	vst v62  }
0x27c: {  	v63 =	vnsel vm15, $0x0, v59;
	[tilespmem:$0x1FE0] =	vst v0  }
0x27d: {  	s18 =	rddreg [dreg:$0x16];
	[tilespmem:$0x1FF0] =	vst v63  }
0x27e: {  	[hbm4b:s18+s0] =	stream.linear.scatter [tilespmem:s19], [sflag:$0x1], $0x80, $0x38;
	[tilespmem:$0x2000] =	vst v63  }
0x27f: {  	s19 =	sld [smem:$0x7F6];
	_ =	swait.ge [sflag:s15], $0x80  }
0x280: {  	[sflag:s15] =	ssyncset.done $0x0  }
0x281: {  	[sflag:s15] =	ssyncadd.s32 $0xFFFFFF80  }
0x282: {  	_ =	swait.ge [sflag:s15], $0x80  }
0x283: {  	[sflag:s15] =	ssyncset.done $0x0  }
0x284: {  	[sflag:s15] =	ssyncadd.s32 $0xFFFFFF80  }
0x285: {  	_ =	swait.ge [sflag:s15], $0x80  }
0x286: {  	[sflag:s15] =	ssyncset.done $0x0  }
0x287: {  	[sflag:s15] =	ssyncadd.s32 $0xFFFFFF80  }
0x288: {  	_ =	swait.ge [sflag:s15], $0x80  }
0x289: {  	[sflag:s15] =	ssyncset.done $0x0  }
0x28a: {  	[sflag:s15] =	ssyncadd.s32 $0xFFFFFF80  }
0x28b: {  	_ =	swait.ge [sflag:s15], $0x80  }
0x28c: {  	[sflag:s15] =	ssyncset.done $0x0  }
0x28d: {  	[sflag:s15] =	ssyncadd.s32 $0xFFFFFF80  }
0x28e: {  	_ =	swait.ge [sflag:s15], $0x80  }
0x28f: {  	[sflag:s15] =	ssyncset.done $0x0  }
0x290: {  	[sflag:s15] =	ssyncadd.s32 $0xFFFFFF80  }
0x291: {  	_ =	swait.ge [sflag:s15], $0x80  }
0x292: {  	[sflag:s15] =	ssyncset.done $0x0  }
0x293: {  	[sflag:s15] =	ssyncadd.s32 $0xFFFFFF80  }
0x294: {  	_ =	swait.ge [sflag:s15], $0x80  }
0x295: {  	[sflag:s15] =	ssyncset.done $0x0  }
0x296: {  	[sflag:s15] =	ssyncadd.s32 $0xFFFFFF80  }
0x297: {  	_ =	swait.ge [sflag:s15], $0x80  }
0x298: {  	[sflag:s15] =	ssyncset.done $0x0  }
0x299: {  	[sflag:s15] =	ssyncadd.s32 $0xFFFFFF80  }
0x29a: {  	_ =	swait.ge [sflag:s15], $0x80  }
0x29b: {  	[sflag:s15] =	ssyncset.done $0x0  }
0x29c: {  	[sflag:s15] =	ssyncadd.s32 $0xFFFFFF80  }
0x29d: {  	_ =	swait.ge [sflag:s15], $0x80  }
0x29e: {  	[sflag:s15] =	ssyncset.done $0x0  }
0x29f: {  	[sflag:s15] =	ssyncadd.s32 $0xFFFFFF80  }
0x2a0: {  	_ =	swait.ge [sflag:s15], $0x80  }
0x2a1: {  	[sflag:s15] =	ssyncset.done $0x0  }
0x2a2: {  	[sflag:s15] =	ssyncadd.s32 $0xFFFFFF80  }
0x2a3: {  	_ =	swait.ge [sflag:s15], $0x80  }
0x2a4: {  	[sflag:s15] =	ssyncset.done $0x0  }
0x2a5: {  	[sflag:s15] =	ssyncadd.s32 $0xFFFFFF80  }
0x2a6: {  	_ =	swait.ge [sflag:s15], $0x80  }
0x2a7: {  	[sflag:s15] =	ssyncset.done $0x0  }
0x2a8: {  	[sflag:s15] =	ssyncadd.s32 $0xFFFFFF80  }
0x2a9: {  	p0 =	sne.s32 s19, $0x1;
	_ =	swait.ge [sflag:s15], $0x80  }
.Ltmp0:
0x2aa: {  	[sflag:s15] =	ssyncset.done $0x0;
	(pc) =	sbr.rel @p0 .LBB2_1-.Ltmp0, $4  }
0x2ab: {  	[sflag:s15] =	ssyncadd.s32 $0xFFFFFF80  }
0x2ac: {  	_ =	swait.ge [sflag:s15], $0x80  }
0x2ad: {  	[sflag:s15] =	ssyncset.done $0x0  }
0x2ae: {  	s3 =	sadd.s32 $0xFFFFFFFF, s19;
	[sflag:s15] =	ssyncadd.s32 $0xFFFFFF80  }
0x2af: {  	_ =	sfence.sel $0x180000  }
0x2b0: {  	[bflag:$0x0] =	sbarrier.arrive $0xFFFF  }
0x2b1: {  	_ =	strace $0x90000047  }
0x2b2: {  	s0 =	stileid.u32;
	[bflag:$0x2] =	sbarrier.arrive $0xFFFF  }
0x2b3: {  	p0 =	sne.s32 s0, $0x0;
	s0 =	rddreg [dreg:$0x5]  }
0x2b4: {  	s0 =	sadd.s32 @!p0 $0x100000, s0  }
0x2b5: {  	[sflag:s0] =	ssyncadd.tile.s32 @!p0 $0x1;
	_ =	shalt  }
.Lfunc_end2:
_tile_overlayer_lowered:
.L_overlay_start_2:
0x2b6: {  	(tag) =	ssettag $0x2  }
0x2b7: {  	s0 =	rddreg [dreg:$0x0];
	s2 =	stileid.u32  }
0x2b8: {  	s1 =	rddreg [dreg:$0x1];
	p0 =	sne.s32 s2, $0x0  }
0x2b9: {  	s3 =	rddreg [dreg:$0x2];
	[bflag:$0x3] =	sbarrier.arrive $0xFFFF;
	s2 =	simm.s32 @!p0 $0x1C02  }
0x2ba: {  	[timem:s3], [sflag:s2] =	dma.local @!p0 [hbm:s0], s1  }
0x2bb: {  	s0 =	simm.s32 @!p0 $0x2  }
0x2bc: {  	_ =	swait.ge @!p0 [sflag:s0], s1  }
0x2bd: {  	s1 =	ssub.s32 @!p0 $0x0, s1;
	[sflag:s0] =	ssyncset.done @!p0 $0x0  }
0x2be: {  	[sflag:s0] =	ssyncadd.s32 @!p0 s1  }
0x2bf: {  	[bflag:$0x3] =	sbarrier.arrive $0xFFFF  }
0x2c0: {  	_ =	shalt  }

</sc_bundles>
